<compile_context>
chip_gen: v7x
topology: tpu7x:2x2x1
jax: 0.10.2.dev20260603
libtpu: 0.0.44.dev20260713+nightly
codegen_flags: <defaults>
</compile_context>

<pallas_src>
import jax
import jax.numpy as jnp
from jax import lax
from jax.experimental import pallas as pl
from jax.experimental.pallas import tpu as pltpu
from jax.experimental.pallas import tpu_sc as plsc

_B = 16384
_D = 64
_NC = 2
_NS = 16
_NW = _NC * _NS
_BPW = _B // _NW
_WAVE = 16
_NWAVE = _BPW // _WAVE


def _body(users_hbm, items_hbm, ut3_hbm, it3_hbm, out_hbm,
          uidx_v, iidx_v, ublk_a, iblk_a, ublk_b, iblk_b, out_v, tile_v,
          sem_ua, sem_ia, sem_ub, sem_ib):
    cid = lax.axis_index("c")
    sid = lax.axis_index("s")
    wid = sid * _NC + cid
    base = wid * _BPW

    pltpu.sync_copy(users_hbm.at[pl.ds(base, _BPW)], uidx_v)
    pltpu.sync_copy(items_hbm.at[pl.ds(base, _BPW)], iidx_v)

    lanes = lax.iota(jnp.int32, 16)

    def fire(w, ublk, iblk, su, si):
        e0 = w * _WAVE
        ut_vec = lax.shift_right_logical(uidx_v[pl.ds(e0, 16)], 3)
        it_vec = lax.shift_right_logical(iidx_v[pl.ds(e0, 16)], 3)
        for j in range(_WAVE):
            pltpu.async_copy(ut3_hbm.at[ut_vec[j]], ublk.at[j], su)
            pltpu.async_copy(it3_hbm.at[it_vec[j]], iblk.at[j], si)

    def drain(ublk, iblk, su, si):
        pltpu.make_async_copy(ut3_hbm.at[pl.ds(0, _WAVE)], ublk, su).wait()
        pltpu.make_async_copy(it3_hbm.at[pl.ds(0, _WAVE)], iblk, si).wait()

    def compute(w, ublk, iblk):
        e0 = w * _WAVE
        us_vec = jnp.bitwise_and(uidx_v[pl.ds(e0, 16)], 7)
        is_vec = jnp.bitwise_and(iidx_v[pl.ds(e0, 16)], 7)
        for i in range(_WAVE):
            su = us_vec[i]
            si = is_vec[i]
            acc = ublk[i, su, pl.ds(0, 16)] * iblk[i, si, pl.ds(0, 16)]
            for c in range(1, 4):
                acc = acc + ublk[i, su, pl.ds(c * 16, 16)] * \
                    iblk[i, si, pl.ds(c * 16, 16)]
            plsc.store_scatter(tile_v, [lanes * 16 + i], acc)
        rowsum = tile_v[pl.ds(0, 16)]
        for r in range(1, 16):
            rowsum = rowsum + tile_v[pl.ds(r * 16, 16)]
        out_v[pl.ds(e0, 16)] = rowsum

    fire(0, ublk_a, iblk_a, sem_ua, sem_ia)

    def pair_body(k, carry):
        w0 = k * 2
        fire(w0 + 1, ublk_b, iblk_b, sem_ub, sem_ib)
        drain(ublk_a, iblk_a, sem_ua, sem_ia)
        compute(w0, ublk_a, iblk_a)

        @pl.when(k < _NWAVE // 2 - 1)
        def _():
            fire(w0 + 2, ublk_a, iblk_a, sem_ua, sem_ia)

        drain(ublk_b, iblk_b, sem_ub, sem_ib)
        compute(w0 + 1, ublk_b, iblk_b)
        return carry

    lax.fori_loop(0, _NWAVE // 2, pair_body, 0)

    pltpu.sync_copy(out_v, out_hbm.at[pl.ds(base, _BPW)])


@jax.jit
def _run(users, items, user_table, item_table):
    mesh = plsc.VectorSubcoreMesh(core_axis_name="c", subcore_axis_name="s")
    f = pl.kernel(
        _body,
        mesh=mesh,
        out_type=jax.ShapeDtypeStruct((_B,), jnp.float32),
        scratch_types=[
            pltpu.VMEM((_BPW,), jnp.int32),
            pltpu.VMEM((_BPW,), jnp.int32),
            pltpu.VMEM((_WAVE, 8, _D), jnp.float32),
            pltpu.VMEM((_WAVE, 8, _D), jnp.float32),
            pltpu.VMEM((_WAVE, 8, _D), jnp.float32),
            pltpu.VMEM((_WAVE, 8, _D), jnp.float32),
            pltpu.VMEM((_BPW,), jnp.float32),
            pltpu.VMEM((256,), jnp.float32),
            pltpu.SemaphoreType.DMA,
            pltpu.SemaphoreType.DMA,
            pltpu.SemaphoreType.DMA,
            pltpu.SemaphoreType.DMA,
        ],
        compiler_params=pltpu.CompilerParams(
            needs_layout_passes=False, skip_device_barrier=True),
    )
    ut3 = user_table.reshape(125000, 8, _D)
    it3 = item_table.reshape(125000, 8, _D)
    return f(users, items, ut3, it3)


def kernel(users, items, user_table, item_table):
    return _run(users.astype(jnp.int32), items.astype(jnp.int32),
                user_table, item_table)

# --- scband reference (transcript-rebuilt; emitter-appended) ---
"""Pipeline reference for scband-bprmf-9929964389067 (READ-ONLY COPY).

The authoritative reference and input builder live on the scoring server;
editing this copy changes nothing except your own understanding.
"""

import jax, jax.numpy as jnp
import numpy as np

NUM_USERS = 1000000
NUM_ITEMS = 1000000
LATENT_DIM = 64
BATCH = 16384

def setup_inputs(seed: int = 0) -> dict:
    key = jax.random.key(seed)
    k1, k2, k3, k4 = jax.random.split(key, 4)
    # xavier_uniform for [num, dim]: bound = sqrt(6/(num+dim))
    bu = float(np.sqrt(6.0 / (NUM_USERS + LATENT_DIM)))
    bi = float(np.sqrt(6.0 / (NUM_ITEMS + LATENT_DIM)))
    user_table = jax.random.uniform(k1, (NUM_USERS, LATENT_DIM), dtype=jnp.float32, minval=-bu, maxval=bu)
    item_table = jax.random.uniform(k2, (NUM_ITEMS, LATENT_DIM), dtype=jnp.float32, minval=-bi, maxval=bi)
    users = jax.random.randint(k3, (BATCH,), 0, NUM_USERS, dtype=jnp.int64 if jax.config.jax_enable_x64 else jnp.int32)
    items = jax.random.randint(k4, (BATCH,), 0, NUM_ITEMS, dtype=jnp.int64 if jax.config.jax_enable_x64 else jnp.int32)
    return {"users": users, "items": items, "user_table": user_table, "item_table": item_table}

def reference(users, items, user_table, item_table):
    # BPRMF.forward: gather user/item embeddings and compute per-example dot product (no sigmoid)
    users_emb = jnp.take(user_table, users, axis=0)
    items_emb = jnp.take(item_table, items, axis=0)
    rating = jnp.sum(users_emb * items_emb, axis=1)
    return rating

if __name__ == "__main__":
    import jax
    _d = setup_inputs()
    print(jax.jit(kernel)(*tuple(_d.values())))

</pallas_src>

<mosaic_0001>
#map = affine_map<(d0, d1) -> (0)>
#map1 = affine_map<(d0, d1) -> (0, 0, 0)>
module attributes {stable_mosaic.version = 14 : i64} {
  func.func @_body(%arg0: i32, %arg1: i32, %arg2: memref<16384xi32, #tpu.memory_space<hbm>>, %arg3: memref<16384xi32, #tpu.memory_space<hbm>>, %arg4: memref<125000x8x64xf32, #tpu.memory_space<hbm>>, %arg5: memref<125000x8x64xf32, #tpu.memory_space<hbm>>, %arg6: memref<16384xf32, #tpu.memory_space<hbm>>, %arg7: memref<512xi32, #tpu.memory_space<vmem>>, %arg8: memref<512xi32, #tpu.memory_space<vmem>>, %arg9: memref<16x8x64xf32, #tpu.memory_space<vmem>>, %arg10: memref<16x8x64xf32, #tpu.memory_space<vmem>>, %arg11: memref<16x8x64xf32, #tpu.memory_space<vmem>>, %arg12: memref<16x8x64xf32, #tpu.memory_space<vmem>>, %arg13: memref<512xf32, #tpu.memory_space<vmem>>, %arg14: memref<256xf32, #tpu.memory_space<vmem>>, %arg15: memref<!tpu.dma_semaphore, #tpu.memory_space<semaphore_mem>>, %arg16: memref<!tpu.dma_semaphore, #tpu.memory_space<semaphore_mem>>, %arg17: memref<!tpu.dma_semaphore, #tpu.memory_space<semaphore_mem>>, %arg18: memref<!tpu.dma_semaphore, #tpu.memory_space<semaphore_mem>>) attributes {dimension_semantics = [#tpu.dimension_semantics<core_parallel>, #tpu.dimension_semantics<subcore_parallel>], iteration_bounds = array<i64: 2, 16>, scalar_prefetch = 0 : i64, scratch_operands = 12 : i64, tpu.core_type = #tpu.core_type<sc_vector_subcore>, window_params = [{transform_indices = #map}, {transform_indices = #map}, {transform_indices = #map1}, {transform_indices = #map1}, {transform_indices = #map}]} {
    %mul3A = arith.constant 2 : i32
    %mul3A_0 = arith.muli %arg1, %mul3A : i32
    %add3A = arith.addi %mul3A_0, %arg0 : i32
    %mul3A_1 = arith.constant 512 : i32
    %mul3A_2 = arith.muli %add3A, %mul3A_1 : i32
    "tpu.region"() ({
      %run_scoped3A = tpu.sem_alloc : memref<!tpu.dma_semaphore, #tpu.memory_space<semaphore_mem>>
      %dma_start3A_621 = tpu.memref_slice %arg2[%mul3A_2] : memref<16384xi32, #tpu.memory_space<hbm>> -> memref<512xi32, #tpu.memory_space<hbm>>
      %dma_start3A_622 = tpu.memref_slice %arg2[%mul3A_2] : memref<16384xi32, #tpu.memory_space<hbm>> -> memref<512xi32, #tpu.memory_space<hbm>>
      tpu.enqueue_dma source(%dma_start3A_622 : memref<512xi32, #tpu.memory_space<hbm>>) target(%arg7 : memref<512xi32, #tpu.memory_space<vmem>>) target_semaphore(%run_scoped3A : memref<!tpu.dma_semaphore, #tpu.memory_space<semaphore_mem>>)
      %dma_wait3A = tpu.memref_slice %arg2[%mul3A_2] : memref<16384xi32, #tpu.memory_space<hbm>> -> memref<512xi32, #tpu.memory_space<hbm>>
      %dma_wait3A_623 = tpu.memref_slice %arg2[%mul3A_2] : memref<16384xi32, #tpu.memory_space<hbm>> -> memref<512xi32, #tpu.memory_space<hbm>>
      tpu.wait_dma2 semaphore(%run_scoped3A : memref<!tpu.dma_semaphore, #tpu.memory_space<semaphore_mem>>) src(%dma_wait3A_623 : memref<512xi32, #tpu.memory_space<hbm>>) dst(%arg7 : memref<512xi32, #tpu.memory_space<vmem>>)
      tpu.yield
    }) : () -> ()
    "tpu.region"() ({
      %run_scoped3A = tpu.sem_alloc : memref<!tpu.dma_semaphore, #tpu.memory_space<semaphore_mem>>
      %dma_start3A_621 = tpu.memref_slice %arg3[%mul3A_2] : memref<16384xi32, #tpu.memory_space<hbm>> -> memref<512xi32, #tpu.memory_space<hbm>>
      %dma_start3A_622 = tpu.memref_slice %arg3[%mul3A_2] : memref<16384xi32, #tpu.memory_space<hbm>> -> memref<512xi32, #tpu.memory_space<hbm>>
      tpu.enqueue_dma source(%dma_start3A_622 : memref<512xi32, #tpu.memory_space<hbm>>) target(%arg8 : memref<512xi32, #tpu.memory_space<vmem>>) target_semaphore(%run_scoped3A : memref<!tpu.dma_semaphore, #tpu.memory_space<semaphore_mem>>)
      %dma_wait3A = tpu.memref_slice %arg3[%mul3A_2] : memref<16384xi32, #tpu.memory_space<hbm>> -> memref<512xi32, #tpu.memory_space<hbm>>
      %dma_wait3A_623 = tpu.memref_slice %arg3[%mul3A_2] : memref<16384xi32, #tpu.memory_space<hbm>> -> memref<512xi32, #tpu.memory_space<hbm>>
      tpu.wait_dma2 semaphore(%run_scoped3A : memref<!tpu.dma_semaphore, #tpu.memory_space<semaphore_mem>>) src(%dma_wait3A_623 : memref<512xi32, #tpu.memory_space<hbm>>) dst(%arg8 : memref<512xi32, #tpu.memory_space<vmem>>)
      tpu.yield
    }) : () -> ()
    %iota3A = tpu.iota {dimensions = array<i32: 0>} : vector<16xi32>
    %get3A = arith.constant 0 : index
    %get3A_3 = tpu.vector_load %arg7[%get3A] {strides = array<i32>} : memref<512xi32, #tpu.memory_space<vmem>>, vector<16xi32>,
    %shift_right_logical3A = arith.constant 3 : i32
    %shift_right_logical3A_4 = vector.broadcast %shift_right_logical3A : i32 to vector<16xi32>
    %shift_right_logical3A_5 = arith.shrui %get3A_3, %shift_right_logical3A_4 : vector<16xi32>
    %get3A_6 = arith.constant 0 : index
    %get3A_7 = tpu.vector_load %arg8[%get3A_6] {strides = array<i32>} : memref<512xi32, #tpu.memory_space<vmem>>, vector<16xi32>,
    %shift_right_logical3A_8 = arith.constant 3 : i32
    %shift_right_logical3A_9 = vector.broadcast %shift_right_logical3A_8 : i32 to vector<16xi32>
    %shift_right_logical3A_10 = arith.shrui %get3A_7, %shift_right_logical3A_9 : vector<16xi32>
    %slice3A = vector.extract_strided_slice %shift_right_logical3A_5 {offsets = [0], sizes = [1], strides = [1]} : vector<16xi32> to vector<1xi32>
    %squeeze3A = vector.extract %slice3A[0] : i32 from vector<1xi32>
    %dma_start3A = arith.constant 0 : i32
    %dma_start3A_11 = arith.constant 0 : i32
    %dma_start3A_12 = arith.constant 0 : i32
    %dma_start3A_13 = tpu.memref_slice %arg9[%dma_start3A, %dma_start3A_11, %dma_start3A_12] : memref<16x8x64xf32, #tpu.memory_space<vmem>> -> memref<1x8x64xf32, #tpu.memory_space<vmem>>
    %dma_start3A_14 = tpu.memref_squeeze %dma_start3A_13 : memref<1x8x64xf32, #tpu.memory_space<vmem>> -> memref<8x64xf32, #tpu.memory_space<vmem>>
    %dma_start3A_15 = arith.constant 0 : i32
    %dma_start3A_16 = arith.constant 0 : i32
    %dma_start3A_17 = tpu.memref_slice %arg4[%squeeze3A, %dma_start3A_15, %dma_start3A_16] : memref<125000x8x64xf32, #tpu.memory_space<hbm>> -> memref<1x8x64xf32, #tpu.memory_space<hbm>>
    %dma_start3A_18 = tpu.memref_squeeze %dma_start3A_17 : memref<1x8x64xf32, #tpu.memory_space<hbm>> -> memref<8x64xf32, #tpu.memory_space<hbm>>
    %dma_start3A_19 = arith.constant 0 : i32
    %dma_start3A_20 = arith.constant 0 : i32
    %dma_start3A_21 = tpu.memref_slice %arg9[%dma_start3A, %dma_start3A_19, %dma_start3A_20] : memref<16x8x64xf32, #tpu.memory_space<vmem>> -> memref<1x8x64xf32, #tpu.memory_space<vmem>>
    %dma_start3A_22 = tpu.memref_squeeze %dma_start3A_21 : memref<1x8x64xf32, #tpu.memory_space<vmem>> -> memref<8x64xf32, #tpu.memory_space<vmem>>
    %dma_start3A_23 = arith.constant 0 : i32
    %dma_start3A_24 = arith.constant 0 : i32
    %dma_start3A_25 = tpu.memref_slice %arg4[%squeeze3A, %dma_start3A_23, %dma_start3A_24] : memref<125000x8x64xf32, #tpu.memory_space<hbm>> -> memref<1x8x64xf32, #tpu.memory_space<hbm>>
    %dma_start3A_26 = tpu.memref_squeeze %dma_start3A_25 : memref<1x8x64xf32, #tpu.memory_space<hbm>> -> memref<8x64xf32, #tpu.memory_space<hbm>>
    tpu.enqueue_dma source(%dma_start3A_26 : memref<8x64xf32, #tpu.memory_space<hbm>>) target(%dma_start3A_22 : memref<8x64xf32, #tpu.memory_space<vmem>>) target_semaphore(%arg15 : memref<!tpu.dma_semaphore, #tpu.memory_space<semaphore_mem>>)
    %slice3A_27 = vector.extract_strided_slice %shift_right_logical3A_10 {offsets = [0], sizes = [1], strides = [1]} : vector<16xi32> to vector<1xi32>
    %squeeze3A_28 = vector.extract %slice3A_27[0] : i32 from vector<1xi32>
    %dma_start3A_29 = arith.constant 0 : i32
    %dma_start3A_30 = arith.constant 0 : i32
    %dma_start3A_31 = arith.constant 0 : i32
    %dma_start3A_32 = tpu.memref_slice %arg10[%dma_start3A_29, %dma_start3A_30, %dma_start3A_31] : memref<16x8x64xf32, #tpu.memory_space<vmem>> -> memref<1x8x64xf32, #tpu.memory_space<vmem>>
    %dma_start3A_33 = tpu.memref_squeeze %dma_start3A_32 : memref<1x8x64xf32, #tpu.memory_space<vmem>> -> memref<8x64xf32, #tpu.memory_space<vmem>>
    %dma_start3A_34 = arith.constant 0 : i32
    %dma_start3A_35 = arith.constant 0 : i32
    %dma_start3A_36 = tpu.memref_slice %arg5[%squeeze3A_28, %dma_start3A_34, %dma_start3A_35] : memref<125000x8x64xf32, #tpu.memory_space<hbm>> -> memref<1x8x64xf32, #tpu.memory_space<hbm>>
    %dma_start3A_37 = tpu.memref_squeeze %dma_start3A_36 : memref<1x8x64xf32, #tpu.memory_space<hbm>> -> memref<8x64xf32, #tpu.memory_space<hbm>>
    %dma_start3A_38 = arith.constant 0 : i32
    %dma_start3A_39 = arith.constant 0 : i32
    %dma_start3A_40 = tpu.memref_slice %arg10[%dma_start3A_29, %dma_start3A_38, %dma_start3A_39] : memref<16x8x64xf32, #tpu.memory_space<vmem>> -> memref<1x8x64xf32, #tpu.memory_space<vmem>>
    %dma_start3A_41 = tpu.memref_squeeze %dma_start3A_40 : memref<1x8x64xf32, #tpu.memory_space<vmem>> -> memref<8x64xf32, #tpu.memory_space<vmem>>
    %dma_start3A_42 = arith.constant 0 : i32
    %dma_start3A_43 = arith.constant 0 : i32
    %dma_start3A_44 = tpu.memref_slice %arg5[%squeeze3A_28, %dma_start3A_42, %dma_start3A_43] : memref<125000x8x64xf32, #tpu.memory_space<hbm>> -> memref<1x8x64xf32, #tpu.memory_space<hbm>>
    %dma_start3A_45 = tpu.memref_squeeze %dma_start3A_44 : memref<1x8x64xf32, #tpu.memory_space<hbm>> -> memref<8x64xf32, #tpu.memory_space<hbm>>
    tpu.enqueue_dma source(%dma_start3A_45 : memref<8x64xf32, #tpu.memory_space<hbm>>) target(%dma_start3A_41 : memref<8x64xf32, #tpu.memory_space<vmem>>) target_semaphore(%arg16 : memref<!tpu.dma_semaphore, #tpu.memory_space<semaphore_mem>>)
    %slice3A_46 = vector.extract_strided_slice %shift_right_logical3A_5 {offsets = [1], sizes = [1], strides = [1]} : vector<16xi32> to vector<1xi32>
    %squeeze3A_47 = vector.extract %slice3A_46[0] : i32 from vector<1xi32>
    %dma_start3A_48 = arith.constant 1 : i32
    %dma_start3A_49 = arith.constant 0 : i32
    %dma_start3A_50 = arith.constant 0 : i32
    %dma_start3A_51 = tpu.memref_slice %arg9[%dma_start3A_48, %dma_start3A_49, %dma_start3A_50] : memref<16x8x64xf32, #tpu.memory_space<vmem>> -> memref<1x8x64xf32, #tpu.memory_space<vmem>>
    %dma_start3A_52 = tpu.memref_squeeze %dma_start3A_51 : memref<1x8x64xf32, #tpu.memory_space<vmem>> -> memref<8x64xf32, #tpu.memory_space<vmem>>
    %dma_start3A_53 = arith.constant 0 : i32
    %dma_start3A_54 = arith.constant 0 : i32
    %dma_start3A_55 = tpu.memref_slice %arg4[%squeeze3A_47, %dma_start3A_53, %dma_start3A_54] : memref<125000x8x64xf32, #tpu.memory_space<hbm>> -> memref<1x8x64xf32, #tpu.memory_space<hbm>>
    %dma_start3A_56 = tpu.memref_squeeze %dma_start3A_55 : memref<1x8x64xf32, #tpu.memory_space<hbm>> -> memref<8x64xf32, #tpu.memory_space<hbm>>
    %dma_start3A_57 = arith.constant 0 : i32
    %dma_start3A_58 = arith.constant 0 : i32
    %dma_start3A_59 = tpu.memref_slice %arg9[%dma_start3A_48, %dma_start3A_57, %dma_start3A_58] : memref<16x8x64xf32, #tpu.memory_space<vmem>> -> memref<1x8x64xf32, #tpu.memory_space<vmem>>
    %dma_start3A_60 = tpu.memref_squeeze %dma_start3A_59 : memref<1x8x64xf32, #tpu.memory_space<vmem>> -> memref<8x64xf32, #tpu.memory_space<vmem>>
    %dma_start3A_61 = arith.constant 0 : i32
    %dma_start3A_62 = arith.constant 0 : i32
    %dma_start3A_63 = tpu.memref_slice %arg4[%squeeze3A_47, %dma_start3A_61, %dma_start3A_62] : memref<125000x8x64xf32, #tpu.memory_space<hbm>> -> memref<1x8x64xf32, #tpu.memory_space<hbm>>
    %dma_start3A_64 = tpu.memref_squeeze %dma_start3A_63 : memref<1x8x64xf32, #tpu.memory_space<hbm>> -> memref<8x64xf32, #tpu.memory_space<hbm>>
    tpu.enqueue_dma source(%dma_start3A_64 : memref<8x64xf32, #tpu.memory_space<hbm>>) target(%dma_start3A_60 : memref<8x64xf32, #tpu.memory_space<vmem>>) target_semaphore(%arg15 : memref<!tpu.dma_semaphore, #tpu.memory_space<semaphore_mem>>)
    %slice3A_65 = vector.extract_strided_slice %shift_right_logical3A_10 {offsets = [1], sizes = [1], strides = [1]} : vector<16xi32> to vector<1xi32>
    %squeeze3A_66 = vector.extract %slice3A_65[0] : i32 from vector<1xi32>
    %dma_start3A_67 = arith.constant 1 : i32
    %dma_start3A_68 = arith.constant 0 : i32
    %dma_start3A_69 = arith.constant 0 : i32
    %dma_start3A_70 = tpu.memref_slice %arg10[%dma_start3A_67, %dma_start3A_68, %dma_start3A_69] : memref<16x8x64xf32, #tpu.memory_space<vmem>> -> memref<1x8x64xf32, #tpu.memory_space<vmem>>
    %dma_start3A_71 = tpu.memref_squeeze %dma_start3A_70 : memref<1x8x64xf32, #tpu.memory_space<vmem>> -> memref<8x64xf32, #tpu.memory_space<vmem>>
    %dma_start3A_72 = arith.constant 0 : i32
    %dma_start3A_73 = arith.constant 0 : i32
    %dma_start3A_74 = tpu.memref_slice %arg5[%squeeze3A_66, %dma_start3A_72, %dma_start3A_73] : memref<125000x8x64xf32, #tpu.memory_space<hbm>> -> memref<1x8x64xf32, #tpu.memory_space<hbm>>
    %dma_start3A_75 = tpu.memref_squeeze %dma_start3A_74 : memref<1x8x64xf32, #tpu.memory_space<hbm>> -> memref<8x64xf32, #tpu.memory_space<hbm>>
    %dma_start3A_76 = arith.constant 0 : i32
    %dma_start3A_77 = arith.constant 0 : i32
    %dma_start3A_78 = tpu.memref_slice %arg10[%dma_start3A_67, %dma_start3A_76, %dma_start3A_77] : memref<16x8x64xf32, #tpu.memory_space<vmem>> -> memref<1x8x64xf32, #tpu.memory_space<vmem>>
    %dma_start3A_79 = tpu.memref_squeeze %dma_start3A_78 : memref<1x8x64xf32, #tpu.memory_space<vmem>> -> memref<8x64xf32, #tpu.memory_space<vmem>>
    %dma_start3A_80 = arith.constant 0 : i32
    %dma_start3A_81 = arith.constant 0 : i32
    %dma_start3A_82 = tpu.memref_slice %arg5[%squeeze3A_66, %dma_start3A_80, %dma_start3A_81] : memref<125000x8x64xf32, #tpu.memory_space<hbm>> -> memref<1x8x64xf32, #tpu.memory_space<hbm>>
    %dma_start3A_83 = tpu.memref_squeeze %dma_start3A_82 : memref<1x8x64xf32, #tpu.memory_space<hbm>> -> memref<8x64xf32, #tpu.memory_space<hbm>>
    tpu.enqueue_dma source(%dma_start3A_83 : memref<8x64xf32, #tpu.memory_space<hbm>>) target(%dma_start3A_79 : memref<8x64xf32, #tpu.memory_space<vmem>>) target_semaphore(%arg16 : memref<!tpu.dma_semaphore, #tpu.memory_space<semaphore_mem>>)
    %slice3A_84 = vector.extract_strided_slice %shift_right_logical3A_5 {offsets = [2], sizes = [1], strides = [1]} : vector<16xi32> to vector<1xi32>
    %squeeze3A_85 = vector.extract %slice3A_84[0] : i32 from vector<1xi32>
    %dma_start3A_86 = arith.constant 2 : i32
    %dma_start3A_87 = arith.constant 0 : i32
    %dma_start3A_88 = arith.constant 0 : i32
    %dma_start3A_89 = tpu.memref_slice %arg9[%dma_start3A_86, %dma_start3A_87, %dma_start3A_88] : memref<16x8x64xf32, #tpu.memory_space<vmem>> -> memref<1x8x64xf32, #tpu.memory_space<vmem>>
    %dma_start3A_90 = tpu.memref_squeeze %dma_start3A_89 : memref<1x8x64xf32, #tpu.memory_space<vmem>> -> memref<8x64xf32, #tpu.memory_space<vmem>>
    %dma_start3A_91 = arith.constant 0 : i32
    %dma_start3A_92 = arith.constant 0 : i32
    %dma_start3A_93 = tpu.memref_slice %arg4[%squeeze3A_85, %dma_start3A_91, %dma_start3A_92] : memref<125000x8x64xf32, #tpu.memory_space<hbm>> -> memref<1x8x64xf32, #tpu.memory_space<hbm>>
    %dma_start3A_94 = tpu.memref_squeeze %dma_start3A_93 : memref<1x8x64xf32, #tpu.memory_space<hbm>> -> memref<8x64xf32, #tpu.memory_space<hbm>>
    %dma_start3A_95 = arith.constant 0 : i32
    %dma_start3A_96 = arith.constant 0 : i32
    %dma_start3A_97 = tpu.memref_slice %arg9[%dma_start3A_86, %dma_start3A_95, %dma_start3A_96] : memref<16x8x64xf32, #tpu.memory_space<vmem>> -> memref<1x8x64xf32, #tpu.memory_space<vmem>>
    %dma_start3A_98 = tpu.memref_squeeze %dma_start3A_97 : memref<1x8x64xf32, #tpu.memory_space<vmem>> -> memref<8x64xf32, #tpu.memory_space<vmem>>
    %dma_start3A_99 = arith.constant 0 : i32
    %dma_start3A_100 = arith.constant 0 : i32
    %dma_start3A_101 = tpu.memref_slice %arg4[%squeeze3A_85, %dma_start3A_99, %dma_start3A_100] : memref<125000x8x64xf32, #tpu.memory_space<hbm>> -> memref<1x8x64xf32, #tpu.memory_space<hbm>>
    %dma_start3A_102 = tpu.memref_squeeze %dma_start3A_101 : memref<1x8x64xf32, #tpu.memory_space<hbm>> -> memref<8x64xf32, #tpu.memory_space<hbm>>
    tpu.enqueue_dma source(%dma_start3A_102 : memref<8x64xf32, #tpu.memory_space<hbm>>) target(%dma_start3A_98 : memref<8x64xf32, #tpu.memory_space<vmem>>) target_semaphore(%arg15 : memref<!tpu.dma_semaphore, #tpu.memory_space<semaphore_mem>>)
    %slice3A_103 = vector.extract_strided_slice %shift_right_logical3A_10 {offsets = [2], sizes = [1], strides = [1]} : vector<16xi32> to vector<1xi32>
    %squeeze3A_104 = vector.extract %slice3A_103[0] : i32 from vector<1xi32>
    %dma_start3A_105 = arith.constant 2 : i32
    %dma_start3A_106 = arith.constant 0 : i32
    %dma_start3A_107 = arith.constant 0 : i32
    %dma_start3A_108 = tpu.memref_slice %arg10[%dma_start3A_105, %dma_start3A_106, %dma_start3A_107] : memref<16x8x64xf32, #tpu.memory_space<vmem>> -> memref<1x8x64xf32, #tpu.memory_space<vmem>>
    %dma_start3A_109 = tpu.memref_squeeze %dma_start3A_108 : memref<1x8x64xf32, #tpu.memory_space<vmem>> -> memref<8x64xf32, #tpu.memory_space<vmem>>
    %dma_start3A_110 = arith.constant 0 : i32
    %dma_start3A_111 = arith.constant 0 : i32
    %dma_start3A_112 = tpu.memref_slice %arg5[%squeeze3A_104, %dma_start3A_110, %dma_start3A_111] : memref<125000x8x64xf32, #tpu.memory_space<hbm>> -> memref<1x8x64xf32, #tpu.memory_space<hbm>>
    %dma_start3A_113 = tpu.memref_squeeze %dma_start3A_112 : memref<1x8x64xf32, #tpu.memory_space<hbm>> -> memref<8x64xf32, #tpu.memory_space<hbm>>
    %dma_start3A_114 = arith.constant 0 : i32
    %dma_start3A_115 = arith.constant 0 : i32
    %dma_start3A_116 = tpu.memref_slice %arg10[%dma_start3A_105, %dma_start3A_114, %dma_start3A_115] : memref<16x8x64xf32, #tpu.memory_space<vmem>> -> memref<1x8x64xf32, #tpu.memory_space<vmem>>
    %dma_start3A_117 = tpu.memref_squeeze %dma_start3A_116 : memref<1x8x64xf32, #tpu.memory_space<vmem>> -> memref<8x64xf32, #tpu.memory_space<vmem>>
    %dma_start3A_118 = arith.constant 0 : i32
    %dma_start3A_119 = arith.constant 0 : i32
    %dma_start3A_120 = tpu.memref_slice %arg5[%squeeze3A_104, %dma_start3A_118, %dma_start3A_119] : memref<125000x8x64xf32, #tpu.memory_space<hbm>> -> memref<1x8x64xf32, #tpu.memory_space<hbm>>
    %dma_start3A_121 = tpu.memref_squeeze %dma_start3A_120 : memref<1x8x64xf32, #tpu.memory_space<hbm>> -> memref<8x64xf32, #tpu.memory_space<hbm>>
    tpu.enqueue_dma source(%dma_start3A_121 : memref<8x64xf32, #tpu.memory_space<hbm>>) target(%dma_start3A_117 : memref<8x64xf32, #tpu.memory_space<vmem>>) target_semaphore(%arg16 : memref<!tpu.dma_semaphore, #tpu.memory_space<semaphore_mem>>)
    %slice3A_122 = vector.extract_strided_slice %shift_right_logical3A_5 {offsets = [3], sizes = [1], strides = [1]} : vector<16xi32> to vector<1xi32>
    %squeeze3A_123 = vector.extract %slice3A_122[0] : i32 from vector<1xi32>
    %dma_start3A_124 = arith.constant 3 : i32
    %dma_start3A_125 = arith.constant 0 : i32
    %dma_start3A_126 = arith.constant 0 : i32
    %dma_start3A_127 = tpu.memref_slice %arg9[%dma_start3A_124, %dma_start3A_125, %dma_start3A_126] : memref<16x8x64xf32, #tpu.memory_space<vmem>> -> memref<1x8x64xf32, #tpu.memory_space<vmem>>
    %dma_start3A_128 = tpu.memref_squeeze %dma_start3A_127 : memref<1x8x64xf32, #tpu.memory_space<vmem>> -> memref<8x64xf32, #tpu.memory_space<vmem>>
    %dma_start3A_129 = arith.constant 0 : i32
    %dma_start3A_130 = arith.constant 0 : i32
    %dma_start3A_131 = tpu.memref_slice %arg4[%squeeze3A_123, %dma_start3A_129, %dma_start3A_130] : memref<125000x8x64xf32, #tpu.memory_space<hbm>> -> memref<1x8x64xf32, #tpu.memory_space<hbm>>
    %dma_start3A_132 = tpu.memref_squeeze %dma_start3A_131 : memref<1x8x64xf32, #tpu.memory_space<hbm>> -> memref<8x64xf32, #tpu.memory_space<hbm>>
    %dma_start3A_133 = arith.constant 0 : i32
    %dma_start3A_134 = arith.constant 0 : i32
    %dma_start3A_135 = tpu.memref_slice %arg9[%dma_start3A_124, %dma_start3A_133, %dma_start3A_134] : memref<16x8x64xf32, #tpu.memory_space<vmem>> -> memref<1x8x64xf32, #tpu.memory_space<vmem>>
    %dma_start3A_136 = tpu.memref_squeeze %dma_start3A_135 : memref<1x8x64xf32, #tpu.memory_space<vmem>> -> memref<8x64xf32, #tpu.memory_space<vmem>>
    %dma_start3A_137 = arith.constant 0 : i32
    %dma_start3A_138 = arith.constant 0 : i32
    %dma_start3A_139 = tpu.memref_slice %arg4[%squeeze3A_123, %dma_start3A_137, %dma_start3A_138] : memref<125000x8x64xf32, #tpu.memory_space<hbm>> -> memref<1x8x64xf32, #tpu.memory_space<hbm>>
    %dma_start3A_140 = tpu.memref_squeeze %dma_start3A_139 : memref<1x8x64xf32, #tpu.memory_space<hbm>> -> memref<8x64xf32, #tpu.memory_space<hbm>>
    tpu.enqueue_dma source(%dma_start3A_140 : memref<8x64xf32, #tpu.memory_space<hbm>>) target(%dma_start3A_136 : memref<8x64xf32, #tpu.memory_space<vmem>>) target_semaphore(%arg15 : memref<!tpu.dma_semaphore, #tpu.memory_space<semaphore_mem>>)
    %slice3A_141 = vector.extract_strided_slice %shift_right_logical3A_10 {offsets = [3], sizes = [1], strides = [1]} : vector<16xi32> to vector<1xi32>
    %squeeze3A_142 = vector.extract %slice3A_141[0] : i32 from vector<1xi32>
    %dma_start3A_143 = arith.constant 3 : i32
    %dma_start3A_144 = arith.constant 0 : i32
    %dma_start3A_145 = arith.constant 0 : i32
    %dma_start3A_146 = tpu.memref_slice %arg10[%dma_start3A_143, %dma_start3A_144, %dma_start3A_145] : memref<16x8x64xf32, #tpu.memory_space<vmem>> -> memref<1x8x64xf32, #tpu.memory_space<vmem>>
    %dma_start3A_147 = tpu.memref_squeeze %dma_start3A_146 : memref<1x8x64xf32, #tpu.memory_space<vmem>> -> memref<8x64xf32, #tpu.memory_space<vmem>>
    %dma_start3A_148 = arith.constant 0 : i32
    %dma_start3A_149 = arith.constant 0 : i32
    %dma_start3A_150 = tpu.memref_slice %arg5[%squeeze3A_142, %dma_start3A_148, %dma_start3A_149] : memref<125000x8x64xf32, #tpu.memory_space<hbm>> -> memref<1x8x64xf32, #tpu.memory_space<hbm>>
    %dma_start3A_151 = tpu.memref_squeeze %dma_start3A_150 : memref<1x8x64xf32, #tpu.memory_space<hbm>> -> memref<8x64xf32, #tpu.memory_space<hbm>>
    %dma_start3A_152 = arith.constant 0 : i32
    %dma_start3A_153 = arith.constant 0 : i32
    %dma_start3A_154 = tpu.memref_slice %arg10[%dma_start3A_143, %dma_start3A_152, %dma_start3A_153] : memref<16x8x64xf32, #tpu.memory_space<vmem>> -> memref<1x8x64xf32, #tpu.memory_space<vmem>>
    %dma_start3A_155 = tpu.memref_squeeze %dma_start3A_154 : memref<1x8x64xf32, #tpu.memory_space<vmem>> -> memref<8x64xf32, #tpu.memory_space<vmem>>
    %dma_start3A_156 = arith.constant 0 : i32
    %dma_start3A_157 = arith.constant 0 : i32
    %dma_start3A_158 = tpu.memref_slice %arg5[%squeeze3A_142, %dma_start3A_156, %dma_start3A_157] : memref<125000x8x64xf32, #tpu.memory_space<hbm>> -> memref<1x8x64xf32, #tpu.memory_space<hbm>>
    %dma_start3A_159 = tpu.memref_squeeze %dma_start3A_158 : memref<1x8x64xf32, #tpu.memory_space<hbm>> -> memref<8x64xf32, #tpu.memory_space<hbm>>
    tpu.enqueue_dma source(%dma_start3A_159 : memref<8x64xf32, #tpu.memory_space<hbm>>) target(%dma_start3A_155 : memref<8x64xf32, #tpu.memory_space<vmem>>) target_semaphore(%arg16 : memref<!tpu.dma_semaphore, #tpu.memory_space<semaphore_mem>>)
    %slice3A_160 = vector.extract_strided_slice %shift_right_logical3A_5 {offsets = [4], sizes = [1], strides = [1]} : vector<16xi32> to vector<1xi32>
    %squeeze3A_161 = vector.extract %slice3A_160[0] : i32 from vector<1xi32>
    %dma_start3A_162 = arith.constant 4 : i32
    %dma_start3A_163 = arith.constant 0 : i32
    %dma_start3A_164 = arith.constant 0 : i32
    %dma_start3A_165 = tpu.memref_slice %arg9[%dma_start3A_162, %dma_start3A_163, %dma_start3A_164] : memref<16x8x64xf32, #tpu.memory_space<vmem>> -> memref<1x8x64xf32, #tpu.memory_space<vmem>>
    %dma_start3A_166 = tpu.memref_squeeze %dma_start3A_165 : memref<1x8x64xf32, #tpu.memory_space<vmem>> -> memref<8x64xf32, #tpu.memory_space<vmem>>
    %dma_start3A_167 = arith.constant 0 : i32
    %dma_start3A_168 = arith.constant 0 : i32
    %dma_start3A_169 = tpu.memref_slice %arg4[%squeeze3A_161, %dma_start3A_167, %dma_start3A_168] : memref<125000x8x64xf32, #tpu.memory_space<hbm>> -> memref<1x8x64xf32, #tpu.memory_space<hbm>>
    %dma_start3A_170 = tpu.memref_squeeze %dma_start3A_169 : memref<1x8x64xf32, #tpu.memory_space<hbm>> -> memref<8x64xf32, #tpu.memory_space<hbm>>
    %dma_start3A_171 = arith.constant 0 : i32
    %dma_start3A_172 = arith.constant 0 : i32
    %dma_start3A_173 = tpu.memref_slice %arg9[%dma_start3A_162, %dma_start3A_171, %dma_start3A_172] : memref<16x8x64xf32, #tpu.memory_space<vmem>> -> memref<1x8x64xf32, #tpu.memory_space<vmem>>
    %dma_start3A_174 = tpu.memref_squeeze %dma_start3A_173 : memref<1x8x64xf32, #tpu.memory_space<vmem>> -> memref<8x64xf32, #tpu.memory_space<vmem>>
    %dma_start3A_175 = arith.constant 0 : i32
    %dma_start3A_176 = arith.constant 0 : i32
    %dma_start3A_177 = tpu.memref_slice %arg4[%squeeze3A_161, %dma_start3A_175, %dma_start3A_176] : memref<125000x8x64xf32, #tpu.memory_space<hbm>> -> memref<1x8x64xf32, #tpu.memory_space<hbm>>
    %dma_start3A_178 = tpu.memref_squeeze %dma_start3A_177 : memref<1x8x64xf32, #tpu.memory_space<hbm>> -> memref<8x64xf32, #tpu.memory_space<hbm>>
    tpu.enqueue_dma source(%dma_start3A_178 : memref<8x64xf32, #tpu.memory_space<hbm>>) target(%dma_start3A_174 : memref<8x64xf32, #tpu.memory_space<vmem>>) target_semaphore(%arg15 : memref<!tpu.dma_semaphore, #tpu.memory_space<semaphore_mem>>)
    %slice3A_179 = vector.extract_strided_slice %shift_right_logical3A_10 {offsets = [4], sizes = [1], strides = [1]} : vector<16xi32> to vector<1xi32>
    %squeeze3A_180 = vector.extract %slice3A_179[0] : i32 from vector<1xi32>
    %dma_start3A_181 = arith.constant 4 : i32
    %dma_start3A_182 = arith.constant 0 : i32
    %dma_start3A_183 = arith.constant 0 : i32
    %dma_start3A_184 = tpu.memref_slice %arg10[%dma_start3A_181, %dma_start3A_182, %dma_start3A_183] : memref<16x8x64xf32, #tpu.memory_space<vmem>> -> memref<1x8x64xf32, #tpu.memory_space<vmem>>
    %dma_start3A_185 = tpu.memref_squeeze %dma_start3A_184 : memref<1x8x64xf32, #tpu.memory_space<vmem>> -> memref<8x64xf32, #tpu.memory_space<vmem>>
    %dma_start3A_186 = arith.constant 0 : i32
    %dma_start3A_187 = arith.constant 0 : i32
    %dma_start3A_188 = tpu.memref_slice %arg5[%squeeze3A_180, %dma_start3A_186, %dma_start3A_187] : memref<125000x8x64xf32, #tpu.memory_space<hbm>> -> memref<1x8x64xf32, #tpu.memory_space<hbm>>
    %dma_start3A_189 = tpu.memref_squeeze %dma_start3A_188 : memref<1x8x64xf32, #tpu.memory_space<hbm>> -> memref<8x64xf32, #tpu.memory_space<hbm>>
    %dma_start3A_190 = arith.constant 0 : i32
    %dma_start3A_191 = arith.constant 0 : i32
    %dma_start3A_192 = tpu.memref_slice %arg10[%dma_start3A_181, %dma_start3A_190, %dma_start3A_191] : memref<16x8x64xf32, #tpu.memory_space<vmem>> -> memref<1x8x64xf32, #tpu.memory_space<vmem>>
    %dma_start3A_193 = tpu.memref_squeeze %dma_start3A_192 : memref<1x8x64xf32, #tpu.memory_space<vmem>> -> memref<8x64xf32, #tpu.memory_space<vmem>>
    %dma_start3A_194 = arith.constant 0 : i32
    %dma_start3A_195 = arith.constant 0 : i32
    %dma_start3A_196 = tpu.memref_slice %arg5[%squeeze3A_180, %dma_start3A_194, %dma_start3A_195] : memref<125000x8x64xf32, #tpu.memory_space<hbm>> -> memref<1x8x64xf32, #tpu.memory_space<hbm>>
    %dma_start3A_197 = tpu.memref_squeeze %dma_start3A_196 : memref<1x8x64xf32, #tpu.memory_space<hbm>> -> memref<8x64xf32, #tpu.memory_space<hbm>>
    tpu.enqueue_dma source(%dma_start3A_197 : memref<8x64xf32, #tpu.memory_space<hbm>>) target(%dma_start3A_193 : memref<8x64xf32, #tpu.memory_space<vmem>>) target_semaphore(%arg16 : memref<!tpu.dma_semaphore, #tpu.memory_space<semaphore_mem>>)
    %slice3A_198 = vector.extract_strided_slice %shift_right_logical3A_5 {offsets = [5], sizes = [1], strides = [1]} : vector<16xi32> to vector<1xi32>
    %squeeze3A_199 = vector.extract %slice3A_198[0] : i32 from vector<1xi32>
    %dma_start3A_200 = arith.constant 5 : i32
    %dma_start3A_201 = arith.constant 0 : i32
    %dma_start3A_202 = arith.constant 0 : i32
    %dma_start3A_203 = tpu.memref_slice %arg9[%dma_start3A_200, %dma_start3A_201, %dma_start3A_202] : memref<16x8x64xf32, #tpu.memory_space<vmem>> -> memref<1x8x64xf32, #tpu.memory_space<vmem>>
    %dma_start3A_204 = tpu.memref_squeeze %dma_start3A_203 : memref<1x8x64xf32, #tpu.memory_space<vmem>> -> memref<8x64xf32, #tpu.memory_space<vmem>>
    %dma_start3A_205 = arith.constant 0 : i32
    %dma_start3A_206 = arith.constant 0 : i32
    %dma_start3A_207 = tpu.memref_slice %arg4[%squeeze3A_199, %dma_start3A_205, %dma_start3A_206] : memref<125000x8x64xf32, #tpu.memory_space<hbm>> -> memref<1x8x64xf32, #tpu.memory_space<hbm>>
    %dma_start3A_208 = tpu.memref_squeeze %dma_start3A_207 : memref<1x8x64xf32, #tpu.memory_space<hbm>> -> memref<8x64xf32, #tpu.memory_space<hbm>>
    %dma_start3A_209 = arith.constant 0 : i32
    %dma_start3A_210 = arith.constant 0 : i32
    %dma_start3A_211 = tpu.memref_slice %arg9[%dma_start3A_200, %dma_start3A_209, %dma_start3A_210] : memref<16x8x64xf32, #tpu.memory_space<vmem>> -> memref<1x8x64xf32, #tpu.memory_space<vmem>>
    %dma_start3A_212 = tpu.memref_squeeze %dma_start3A_211 : memref<1x8x64xf32, #tpu.memory_space<vmem>> -> memref<8x64xf32, #tpu.memory_space<vmem>>
    %dma_start3A_213 = arith.constant 0 : i32
    %dma_start3A_214 = arith.constant 0 : i32
    %dma_start3A_215 = tpu.memref_slice %arg4[%squeeze3A_199, %dma_start3A_213, %dma_start3A_214] : memref<125000x8x64xf32, #tpu.memory_space<hbm>> -> memref<1x8x64xf32, #tpu.memory_space<hbm>>
    %dma_start3A_216 = tpu.memref_squeeze %dma_start3A_215 : memref<1x8x64xf32, #tpu.memory_space<hbm>> -> memref<8x64xf32, #tpu.memory_space<hbm>>
    tpu.enqueue_dma source(%dma_start3A_216 : memref<8x64xf32, #tpu.memory_space<hbm>>) target(%dma_start3A_212 : memref<8x64xf32, #tpu.memory_space<vmem>>) target_semaphore(%arg15 : memref<!tpu.dma_semaphore, #tpu.memory_space<semaphore_mem>>)
    %slice3A_217 = vector.extract_strided_slice %shift_right_logical3A_10 {offsets = [5], sizes = [1], strides = [1]} : vector<16xi32> to vector<1xi32>
    %squeeze3A_218 = vector.extract %slice3A_217[0] : i32 from vector<1xi32>
    %dma_start3A_219 = arith.constant 5 : i32
    %dma_start3A_220 = arith.constant 0 : i32
    %dma_start3A_221 = arith.constant 0 : i32
    %dma_start3A_222 = tpu.memref_slice %arg10[%dma_start3A_219, %dma_start3A_220, %dma_start3A_221] : memref<16x8x64xf32, #tpu.memory_space<vmem>> -> memref<1x8x64xf32, #tpu.memory_space<vmem>>
    %dma_start3A_223 = tpu.memref_squeeze %dma_start3A_222 : memref<1x8x64xf32, #tpu.memory_space<vmem>> -> memref<8x64xf32, #tpu.memory_space<vmem>>
    %dma_start3A_224 = arith.constant 0 : i32
    %dma_start3A_225 = arith.constant 0 : i32
    %dma_start3A_226 = tpu.memref_slice %arg5[%squeeze3A_218, %dma_start3A_224, %dma_start3A_225] : memref<125000x8x64xf32, #tpu.memory_space<hbm>> -> memref<1x8x64xf32, #tpu.memory_space<hbm>>
    %dma_start3A_227 = tpu.memref_squeeze %dma_start3A_226 : memref<1x8x64xf32, #tpu.memory_space<hbm>> -> memref<8x64xf32, #tpu.memory_space<hbm>>
    %dma_start3A_228 = arith.constant 0 : i32
    %dma_start3A_229 = arith.constant 0 : i32
    %dma_start3A_230 = tpu.memref_slice %arg10[%dma_start3A_219, %dma_start3A_228, %dma_start3A_229] : memref<16x8x64xf32, #tpu.memory_space<vmem>> -> memref<1x8x64xf32, #tpu.memory_space<vmem>>
    %dma_start3A_231 = tpu.memref_squeeze %dma_start3A_230 : memref<1x8x64xf32, #tpu.memory_space<vmem>> -> memref<8x64xf32, #tpu.memory_space<vmem>>
    %dma_start3A_232 = arith.constant 0 : i32
    %dma_start3A_233 = arith.constant 0 : i32
    %dma_start3A_234 = tpu.memref_slice %arg5[%squeeze3A_218, %dma_start3A_232, %dma_start3A_233] : memref<125000x8x64xf32, #tpu.memory_space<hbm>> -> memref<1x8x64xf32, #tpu.memory_space<hbm>>
    %dma_start3A_235 = tpu.memref_squeeze %dma_start3A_234 : memref<1x8x64xf32, #tpu.memory_space<hbm>> -> memref<8x64xf32, #tpu.memory_space<hbm>>
    tpu.enqueue_dma source(%dma_start3A_235 : memref<8x64xf32, #tpu.memory_space<hbm>>) target(%dma_start3A_231 : memref<8x64xf32, #tpu.memory_space<vmem>>) target_semaphore(%arg16 : memref<!tpu.dma_semaphore, #tpu.memory_space<semaphore_mem>>)
    %slice3A_236 = vector.extract_strided_slice %shift_right_logical3A_5 {offsets = [6], sizes = [1], strides = [1]} : vector<16xi32> to vector<1xi32>
    %squeeze3A_237 = vector.extract %slice3A_236[0] : i32 from vector<1xi32>
    %dma_start3A_238 = arith.constant 6 : i32
    %dma_start3A_239 = arith.constant 0 : i32
    %dma_start3A_240 = arith.constant 0 : i32
    %dma_start3A_241 = tpu.memref_slice %arg9[%dma_start3A_238, %dma_start3A_239, %dma_start3A_240] : memref<16x8x64xf32, #tpu.memory_space<vmem>> -> memref<1x8x64xf32, #tpu.memory_space<vmem>>
    %dma_start3A_242 = tpu.memref_squeeze %dma_start3A_241 : memref<1x8x64xf32, #tpu.memory_space<vmem>> -> memref<8x64xf32, #tpu.memory_space<vmem>>
    %dma_start3A_243 = arith.constant 0 : i32
    %dma_start3A_244 = arith.constant 0 : i32
    %dma_start3A_245 = tpu.memref_slice %arg4[%squeeze3A_237, %dma_start3A_243, %dma_start3A_244] : memref<125000x8x64xf32, #tpu.memory_space<hbm>> -> memref<1x8x64xf32, #tpu.memory_space<hbm>>
    %dma_start3A_246 = tpu.memref_squeeze %dma_start3A_245 : memref<1x8x64xf32, #tpu.memory_space<hbm>> -> memref<8x64xf32, #tpu.memory_space<hbm>>
    %dma_start3A_247 = arith.constant 0 : i32
    %dma_start3A_248 = arith.constant 0 : i32
    %dma_start3A_249 = tpu.memref_slice %arg9[%dma_start3A_238, %dma_start3A_247, %dma_start3A_248] : memref<16x8x64xf32, #tpu.memory_space<vmem>> -> memref<1x8x64xf32, #tpu.memory_space<vmem>>
    %dma_start3A_250 = tpu.memref_squeeze %dma_start3A_249 : memref<1x8x64xf32, #tpu.memory_space<vmem>> -> memref<8x64xf32, #tpu.memory_space<vmem>>
    %dma_start3A_251 = arith.constant 0 : i32
    %dma_start3A_252 = arith.constant 0 : i32
    %dma_start3A_253 = tpu.memref_slice %arg4[%squeeze3A_237, %dma_start3A_251, %dma_start3A_252] : memref<125000x8x64xf32, #tpu.memory_space<hbm>> -> memref<1x8x64xf32, #tpu.memory_space<hbm>>
    %dma_start3A_254 = tpu.memref_squeeze %dma_start3A_253 : memref<1x8x64xf32, #tpu.memory_space<hbm>> -> memref<8x64xf32, #tpu.memory_space<hbm>>
    tpu.enqueue_dma source(%dma_start3A_254 : memref<8x64xf32, #tpu.memory_space<hbm>>) target(%dma_start3A_250 : memref<8x64xf32, #tpu.memory_space<vmem>>) target_semaphore(%arg15 : memref<!tpu.dma_semaphore, #tpu.memory_space<semaphore_mem>>)
    %slice3A_255 = vector.extract_strided_slice %shift_right_logical3A_10 {offsets = [6], sizes = [1], strides = [1]} : vector<16xi32> to vector<1xi32>
    %squeeze3A_256 = vector.extract %slice3A_255[0] : i32 from vector<1xi32>
    %dma_start3A_257 = arith.constant 6 : i32
    %dma_start3A_258 = arith.constant 0 : i32
    %dma_start3A_259 = arith.constant 0 : i32
    %dma_start3A_260 = tpu.memref_slice %arg10[%dma_start3A_257, %dma_start3A_258, %dma_start3A_259] : memref<16x8x64xf32, #tpu.memory_space<vmem>> -> memref<1x8x64xf32, #tpu.memory_space<vmem>>
    %dma_start3A_261 = tpu.memref_squeeze %dma_start3A_260 : memref<1x8x64xf32, #tpu.memory_space<vmem>> -> memref<8x64xf32, #tpu.memory_space<vmem>>
    %dma_start3A_262 = arith.constant 0 : i32
    %dma_start3A_263 = arith.constant 0 : i32
    %dma_start3A_264 = tpu.memref_slice %arg5[%squeeze3A_256, %dma_start3A_262, %dma_start3A_263] : memref<125000x8x64xf32, #tpu.memory_space<hbm>> -> memref<1x8x64xf32, #tpu.memory_space<hbm>>
    %dma_start3A_265 = tpu.memref_squeeze %dma_start3A_264 : memref<1x8x64xf32, #tpu.memory_space<hbm>> -> memref<8x64xf32, #tpu.memory_space<hbm>>
    %dma_start3A_266 = arith.constant 0 : i32
    %dma_start3A_267 = arith.constant 0 : i32
    %dma_start3A_268 = tpu.memref_slice %arg10[%dma_start3A_257, %dma_start3A_266, %dma_start3A_267] : memref<16x8x64xf32, #tpu.memory_space<vmem>> -> memref<1x8x64xf32, #tpu.memory_space<vmem>>
    %dma_start3A_269 = tpu.memref_squeeze %dma_start3A_268 : memref<1x8x64xf32, #tpu.memory_space<vmem>> -> memref<8x64xf32, #tpu.memory_space<vmem>>
    %dma_start3A_270 = arith.constant 0 : i32
    %dma_start3A_271 = arith.constant 0 : i32
    %dma_start3A_272 = tpu.memref_slice %arg5[%squeeze3A_256, %dma_start3A_270, %dma_start3A_271] : memref<125000x8x64xf32, #tpu.memory_space<hbm>> -> memref<1x8x64xf32, #tpu.memory_space<hbm>>
    %dma_start3A_273 = tpu.memref_squeeze %dma_start3A_272 : memref<1x8x64xf32, #tpu.memory_space<hbm>> -> memref<8x64xf32, #tpu.memory_space<hbm>>
    tpu.enqueue_dma source(%dma_start3A_273 : memref<8x64xf32, #tpu.memory_space<hbm>>) target(%dma_start3A_269 : memref<8x64xf32, #tpu.memory_space<vmem>>) target_semaphore(%arg16 : memref<!tpu.dma_semaphore, #tpu.memory_space<semaphore_mem>>)
    %slice3A_274 = vector.extract_strided_slice %shift_right_logical3A_5 {offsets = [7], sizes = [1], strides = [1]} : vector<16xi32> to vector<1xi32>
    %squeeze3A_275 = vector.extract %slice3A_274[0] : i32 from vector<1xi32>
    %dma_start3A_276 = arith.constant 7 : i32
    %dma_start3A_277 = arith.constant 0 : i32
    %dma_start3A_278 = arith.constant 0 : i32
    %dma_start3A_279 = tpu.memref_slice %arg9[%dma_start3A_276, %dma_start3A_277, %dma_start3A_278] : memref<16x8x64xf32, #tpu.memory_space<vmem>> -> memref<1x8x64xf32, #tpu.memory_space<vmem>>
    %dma_start3A_280 = tpu.memref_squeeze %dma_start3A_279 : memref<1x8x64xf32, #tpu.memory_space<vmem>> -> memref<8x64xf32, #tpu.memory_space<vmem>>
    %dma_start3A_281 = arith.constant 0 : i32
    %dma_start3A_282 = arith.constant 0 : i32
    %dma_start3A_283 = tpu.memref_slice %arg4[%squeeze3A_275, %dma_start3A_281, %dma_start3A_282] : memref<125000x8x64xf32, #tpu.memory_space<hbm>> -> memref<1x8x64xf32, #tpu.memory_space<hbm>>
    %dma_start3A_284 = tpu.memref_squeeze %dma_start3A_283 : memref<1x8x64xf32, #tpu.memory_space<hbm>> -> memref<8x64xf32, #tpu.memory_space<hbm>>
    %dma_start3A_285 = arith.constant 0 : i32
    %dma_start3A_286 = arith.constant 0 : i32
    %dma_start3A_287 = tpu.memref_slice %arg9[%dma_start3A_276, %dma_start3A_285, %dma_start3A_286] : memref<16x8x64xf32, #tpu.memory_space<vmem>> -> memref<1x8x64xf32, #tpu.memory_space<vmem>>
    %dma_start3A_288 = tpu.memref_squeeze %dma_start3A_287 : memref<1x8x64xf32, #tpu.memory_space<vmem>> -> memref<8x64xf32, #tpu.memory_space<vmem>>
    %dma_start3A_289 = arith.constant 0 : i32
    %dma_start3A_290 = arith.constant 0 : i32
    %dma_start3A_291 = tpu.memref_slice %arg4[%squeeze3A_275, %dma_start3A_289, %dma_start3A_290] : memref<125000x8x64xf32, #tpu.memory_space<hbm>> -> memref<1x8x64xf32, #tpu.memory_space<hbm>>
    %dma_start3A_292 = tpu.memref_squeeze %dma_start3A_291 : memref<1x8x64xf32, #tpu.memory_space<hbm>> -> memref<8x64xf32, #tpu.memory_space<hbm>>
    tpu.enqueue_dma source(%dma_start3A_292 : memref<8x64xf32, #tpu.memory_space<hbm>>) target(%dma_start3A_288 : memref<8x64xf32, #tpu.memory_space<vmem>>) target_semaphore(%arg15 : memref<!tpu.dma_semaphore, #tpu.memory_space<semaphore_mem>>)
    %slice3A_293 = vector.extract_strided_slice %shift_right_logical3A_10 {offsets = [7], sizes = [1], strides = [1]} : vector<16xi32> to vector<1xi32>
    %squeeze3A_294 = vector.extract %slice3A_293[0] : i32 from vector<1xi32>
    %dma_start3A_295 = arith.constant 7 : i32
    %dma_start3A_296 = arith.constant 0 : i32
    %dma_start3A_297 = arith.constant 0 : i32
    %dma_start3A_298 = tpu.memref_slice %arg10[%dma_start3A_295, %dma_start3A_296, %dma_start3A_297] : memref<16x8x64xf32, #tpu.memory_space<vmem>> -> memref<1x8x64xf32, #tpu.memory_space<vmem>>
    %dma_start3A_299 = tpu.memref_squeeze %dma_start3A_298 : memref<1x8x64xf32, #tpu.memory_space<vmem>> -> memref<8x64xf32, #tpu.memory_space<vmem>>
    %dma_start3A_300 = arith.constant 0 : i32
    %dma_start3A_301 = arith.constant 0 : i32
    %dma_start3A_302 = tpu.memref_slice %arg5[%squeeze3A_294, %dma_start3A_300, %dma_start3A_301] : memref<125000x8x64xf32, #tpu.memory_space<hbm>> -> memref<1x8x64xf32, #tpu.memory_space<hbm>>
    %dma_start3A_303 = tpu.memref_squeeze %dma_start3A_302 : memref<1x8x64xf32, #tpu.memory_space<hbm>> -> memref<8x64xf32, #tpu.memory_space<hbm>>
    %dma_start3A_304 = arith.constant 0 : i32
    %dma_start3A_305 = arith.constant 0 : i32
    %dma_start3A_306 = tpu.memref_slice %arg10[%dma_start3A_295, %dma_start3A_304, %dma_start3A_305] : memref<16x8x64xf32, #tpu.memory_space<vmem>> -> memref<1x8x64xf32, #tpu.memory_space<vmem>>
    %dma_start3A_307 = tpu.memref_squeeze %dma_start3A_306 : memref<1x8x64xf32, #tpu.memory_space<vmem>> -> memref<8x64xf32, #tpu.memory_space<vmem>>
    %dma_start3A_308 = arith.constant 0 : i32
    %dma_start3A_309 = arith.constant 0 : i32
    %dma_start3A_310 = tpu.memref_slice %arg5[%squeeze3A_294, %dma_start3A_308, %dma_start3A_309] : memref<125000x8x64xf32, #tpu.memory_space<hbm>> -> memref<1x8x64xf32, #tpu.memory_space<hbm>>
    %dma_start3A_311 = tpu.memref_squeeze %dma_start3A_310 : memref<1x8x64xf32, #tpu.memory_space<hbm>> -> memref<8x64xf32, #tpu.memory_space<hbm>>
    tpu.enqueue_dma source(%dma_start3A_311 : memref<8x64xf32, #tpu.memory_space<hbm>>) target(%dma_start3A_307 : memref<8x64xf32, #tpu.memory_space<vmem>>) target_semaphore(%arg16 : memref<!tpu.dma_semaphore, #tpu.memory_space<semaphore_mem>>)
    %slice3A_312 = vector.extract_strided_slice %shift_right_logical3A_5 {offsets = [8], sizes = [1], strides = [1]} : vector<16xi32> to vector<1xi32>
    %squeeze3A_313 = vector.extract %slice3A_312[0] : i32 from vector<1xi32>
    %dma_start3A_314 = arith.constant 8 : i32
    %dma_start3A_315 = arith.constant 0 : i32
    %dma_start3A_316 = arith.constant 0 : i32
    %dma_start3A_317 = tpu.memref_slice %arg9[%dma_start3A_314, %dma_start3A_315, %dma_start3A_316] : memref<16x8x64xf32, #tpu.memory_space<vmem>> -> memref<1x8x64xf32, #tpu.memory_space<vmem>>
    %dma_start3A_318 = tpu.memref_squeeze %dma_start3A_317 : memref<1x8x64xf32, #tpu.memory_space<vmem>> -> memref<8x64xf32, #tpu.memory_space<vmem>>
    %dma_start3A_319 = arith.constant 0 : i32
    %dma_start3A_320 = arith.constant 0 : i32
    %dma_start3A_321 = tpu.memref_slice %arg4[%squeeze3A_313, %dma_start3A_319, %dma_start3A_320] : memref<125000x8x64xf32, #tpu.memory_space<hbm>> -> memref<1x8x64xf32, #tpu.memory_space<hbm>>
    %dma_start3A_322 = tpu.memref_squeeze %dma_start3A_321 : memref<1x8x64xf32, #tpu.memory_space<hbm>> -> memref<8x64xf32, #tpu.memory_space<hbm>>
    %dma_start3A_323 = arith.constant 0 : i32
    %dma_start3A_324 = arith.constant 0 : i32
    %dma_start3A_325 = tpu.memref_slice %arg9[%dma_start3A_314, %dma_start3A_323, %dma_start3A_324] : memref<16x8x64xf32, #tpu.memory_space<vmem>> -> memref<1x8x64xf32, #tpu.memory_space<vmem>>
    %dma_start3A_326 = tpu.memref_squeeze %dma_start3A_325 : memref<1x8x64xf32, #tpu.memory_space<vmem>> -> memref<8x64xf32, #tpu.memory_space<vmem>>
    %dma_start3A_327 = arith.constant 0 : i32
    %dma_start3A_328 = arith.constant 0 : i32
    %dma_start3A_329 = tpu.memref_slice %arg4[%squeeze3A_313, %dma_start3A_327, %dma_start3A_328] : memref<125000x8x64xf32, #tpu.memory_space<hbm>> -> memref<1x8x64xf32, #tpu.memory_space<hbm>>
    %dma_start3A_330 = tpu.memref_squeeze %dma_start3A_329 : memref<1x8x64xf32, #tpu.memory_space<hbm>> -> memref<8x64xf32, #tpu.memory_space<hbm>>
    tpu.enqueue_dma source(%dma_start3A_330 : memref<8x64xf32, #tpu.memory_space<hbm>>) target(%dma_start3A_326 : memref<8x64xf32, #tpu.memory_space<vmem>>) target_semaphore(%arg15 : memref<!tpu.dma_semaphore, #tpu.memory_space<semaphore_mem>>)
    %slice3A_331 = vector.extract_strided_slice %shift_right_logical3A_10 {offsets = [8], sizes = [1], strides = [1]} : vector<16xi32> to vector<1xi32>
    %squeeze3A_332 = vector.extract %slice3A_331[0] : i32 from vector<1xi32>
    %dma_start3A_333 = arith.constant 8 : i32
    %dma_start3A_334 = arith.constant 0 : i32
    %dma_start3A_335 = arith.constant 0 : i32
    %dma_start3A_336 = tpu.memref_slice %arg10[%dma_start3A_333, %dma_start3A_334, %dma_start3A_335] : memref<16x8x64xf32, #tpu.memory_space<vmem>> -> memref<1x8x64xf32, #tpu.memory_space<vmem>>
    %dma_start3A_337 = tpu.memref_squeeze %dma_start3A_336 : memref<1x8x64xf32, #tpu.memory_space<vmem>> -> memref<8x64xf32, #tpu.memory_space<vmem>>
    %dma_start3A_338 = arith.constant 0 : i32
    %dma_start3A_339 = arith.constant 0 : i32
    %dma_start3A_340 = tpu.memref_slice %arg5[%squeeze3A_332, %dma_start3A_338, %dma_start3A_339] : memref<125000x8x64xf32, #tpu.memory_space<hbm>> -> memref<1x8x64xf32, #tpu.memory_space<hbm>>
    %dma_start3A_341 = tpu.memref_squeeze %dma_start3A_340 : memref<1x8x64xf32, #tpu.memory_space<hbm>> -> memref<8x64xf32, #tpu.memory_space<hbm>>
    %dma_start3A_342 = arith.constant 0 : i32
    %dma_start3A_343 = arith.constant 0 : i32
    %dma_start3A_344 = tpu.memref_slice %arg10[%dma_start3A_333, %dma_start3A_342, %dma_start3A_343] : memref<16x8x64xf32, #tpu.memory_space<vmem>> -> memref<1x8x64xf32, #tpu.memory_space<vmem>>
    %dma_start3A_345 = tpu.memref_squeeze %dma_start3A_344 : memref<1x8x64xf32, #tpu.memory_space<vmem>> -> memref<8x64xf32, #tpu.memory_space<vmem>>
    %dma_start3A_346 = arith.constant 0 : i32
    %dma_start3A_347 = arith.constant 0 : i32
    %dma_start3A_348 = tpu.memref_slice %arg5[%squeeze3A_332, %dma_start3A_346, %dma_start3A_347] : memref<125000x8x64xf32, #tpu.memory_space<hbm>> -> memref<1x8x64xf32, #tpu.memory_space<hbm>>
    %dma_start3A_349 = tpu.memref_squeeze %dma_start3A_348 : memref<1x8x64xf32, #tpu.memory_space<hbm>> -> memref<8x64xf32, #tpu.memory_space<hbm>>
    tpu.enqueue_dma source(%dma_start3A_349 : memref<8x64xf32, #tpu.memory_space<hbm>>) target(%dma_start3A_345 : memref<8x64xf32, #tpu.memory_space<vmem>>) target_semaphore(%arg16 : memref<!tpu.dma_semaphore, #tpu.memory_space<semaphore_mem>>)
    %slice3A_350 = vector.extract_strided_slice %shift_right_logical3A_5 {offsets = [9], sizes = [1], strides = [1]} : vector<16xi32> to vector<1xi32>
    %squeeze3A_351 = vector.extract %slice3A_350[0] : i32 from vector<1xi32>
    %dma_start3A_352 = arith.constant 9 : i32
    %dma_start3A_353 = arith.constant 0 : i32
    %dma_start3A_354 = arith.constant 0 : i32
    %dma_start3A_355 = tpu.memref_slice %arg9[%dma_start3A_352, %dma_start3A_353, %dma_start3A_354] : memref<16x8x64xf32, #tpu.memory_space<vmem>> -> memref<1x8x64xf32, #tpu.memory_space<vmem>>
    %dma_start3A_356 = tpu.memref_squeeze %dma_start3A_355 : memref<1x8x64xf32, #tpu.memory_space<vmem>> -> memref<8x64xf32, #tpu.memory_space<vmem>>
    %dma_start3A_357 = arith.constant 0 : i32
    %dma_start3A_358 = arith.constant 0 : i32
    %dma_start3A_359 = tpu.memref_slice %arg4[%squeeze3A_351, %dma_start3A_357, %dma_start3A_358] : memref<125000x8x64xf32, #tpu.memory_space<hbm>> -> memref<1x8x64xf32, #tpu.memory_space<hbm>>
    %dma_start3A_360 = tpu.memref_squeeze %dma_start3A_359 : memref<1x8x64xf32, #tpu.memory_space<hbm>> -> memref<8x64xf32, #tpu.memory_space<hbm>>
    %dma_start3A_361 = arith.constant 0 : i32
    %dma_start3A_362 = arith.constant 0 : i32
    %dma_start3A_363 = tpu.memref_slice %arg9[%dma_start3A_352, %dma_start3A_361, %dma_start3A_362] : memref<16x8x64xf32, #tpu.memory_space<vmem>> -> memref<1x8x64xf32, #tpu.memory_space<vmem>>
    %dma_start3A_364 = tpu.memref_squeeze %dma_start3A_363 : memref<1x8x64xf32, #tpu.memory_space<vmem>> -> memref<8x64xf32, #tpu.memory_space<vmem>>
    %dma_start3A_365 = arith.constant 0 : i32
    %dma_start3A_366 = arith.constant 0 : i32
    %dma_start3A_367 = tpu.memref_slice %arg4[%squeeze3A_351, %dma_start3A_365, %dma_start3A_366] : memref<125000x8x64xf32, #tpu.memory_space<hbm>> -> memref<1x8x64xf32, #tpu.memory_space<hbm>>
    %dma_start3A_368 = tpu.memref_squeeze %dma_start3A_367 : memref<1x8x64xf32, #tpu.memory_space<hbm>> -> memref<8x64xf32, #tpu.memory_space<hbm>>
    tpu.enqueue_dma source(%dma_start3A_368 : memref<8x64xf32, #tpu.memory_space<hbm>>) target(%dma_start3A_364 : memref<8x64xf32, #tpu.memory_space<vmem>>) target_semaphore(%arg15 : memref<!tpu.dma_semaphore, #tpu.memory_space<semaphore_mem>>)
    %slice3A_369 = vector.extract_strided_slice %shift_right_logical3A_10 {offsets = [9], sizes = [1], strides = [1]} : vector<16xi32> to vector<1xi32>
    %squeeze3A_370 = vector.extract %slice3A_369[0] : i32 from vector<1xi32>
    %dma_start3A_371 = arith.constant 9 : i32
    %dma_start3A_372 = arith.constant 0 : i32
    %dma_start3A_373 = arith.constant 0 : i32
    %dma_start3A_374 = tpu.memref_slice %arg10[%dma_start3A_371, %dma_start3A_372, %dma_start3A_373] : memref<16x8x64xf32, #tpu.memory_space<vmem>> -> memref<1x8x64xf32, #tpu.memory_space<vmem>>
    %dma_start3A_375 = tpu.memref_squeeze %dma_start3A_374 : memref<1x8x64xf32, #tpu.memory_space<vmem>> -> memref<8x64xf32, #tpu.memory_space<vmem>>
    %dma_start3A_376 = arith.constant 0 : i32
    %dma_start3A_377 = arith.constant 0 : i32
    %dma_start3A_378 = tpu.memref_slice %arg5[%squeeze3A_370, %dma_start3A_376, %dma_start3A_377] : memref<125000x8x64xf32, #tpu.memory_space<hbm>> -> memref<1x8x64xf32, #tpu.memory_space<hbm>>
    %dma_start3A_379 = tpu.memref_squeeze %dma_start3A_378 : memref<1x8x64xf32, #tpu.memory_space<hbm>> -> memref<8x64xf32, #tpu.memory_space<hbm>>
    %dma_start3A_380 = arith.constant 0 : i32
    %dma_start3A_381 = arith.constant 0 : i32
    %dma_start3A_382 = tpu.memref_slice %arg10[%dma_start3A_371, %dma_start3A_380, %dma_start3A_381] : memref<16x8x64xf32, #tpu.memory_space<vmem>> -> memref<1x8x64xf32, #tpu.memory_space<vmem>>
    %dma_start3A_383 = tpu.memref_squeeze %dma_start3A_382 : memref<1x8x64xf32, #tpu.memory_space<vmem>> -> memref<8x64xf32, #tpu.memory_space<vmem>>
    %dma_start3A_384 = arith.constant 0 : i32
    %dma_start3A_385 = arith.constant 0 : i32
    %dma_start3A_386 = tpu.memref_slice %arg5[%squeeze3A_370, %dma_start3A_384, %dma_start3A_385] : memref<125000x8x64xf32, #tpu.memory_space<hbm>> -> memref<1x8x64xf32, #tpu.memory_space<hbm>>
    %dma_start3A_387 = tpu.memref_squeeze %dma_start3A_386 : memref<1x8x64xf32, #tpu.memory_space<hbm>> -> memref<8x64xf32, #tpu.memory_space<hbm>>
    tpu.enqueue_dma source(%dma_start3A_387 : memref<8x64xf32, #tpu.memory_space<hbm>>) target(%dma_start3A_383 : memref<8x64xf32, #tpu.memory_space<vmem>>) target_semaphore(%arg16 : memref<!tpu.dma_semaphore, #tpu.memory_space<semaphore_mem>>)
    %slice3A_388 = vector.extract_strided_slice %shift_right_logical3A_5 {offsets = [10], sizes = [1], strides = [1]} : vector<16xi32> to vector<1xi32>
    %squeeze3A_389 = vector.extract %slice3A_388[0] : i32 from vector<1xi32>
    %dma_start3A_390 = arith.constant 10 : i32
    %dma_start3A_391 = arith.constant 0 : i32
    %dma_start3A_392 = arith.constant 0 : i32
    %dma_start3A_393 = tpu.memref_slice %arg9[%dma_start3A_390, %dma_start3A_391, %dma_start3A_392] : memref<16x8x64xf32, #tpu.memory_space<vmem>> -> memref<1x8x64xf32, #tpu.memory_space<vmem>>
    %dma_start3A_394 = tpu.memref_squeeze %dma_start3A_393 : memref<1x8x64xf32, #tpu.memory_space<vmem>> -> memref<8x64xf32, #tpu.memory_space<vmem>>
    %dma_start3A_395 = arith.constant 0 : i32
    %dma_start3A_396 = arith.constant 0 : i32
    %dma_start3A_397 = tpu.memref_slice %arg4[%squeeze3A_389, %dma_start3A_395, %dma_start3A_396] : memref<125000x8x64xf32, #tpu.memory_space<hbm>> -> memref<1x8x64xf32, #tpu.memory_space<hbm>>
    %dma_start3A_398 = tpu.memref_squeeze %dma_start3A_397 : memref<1x8x64xf32, #tpu.memory_space<hbm>> -> memref<8x64xf32, #tpu.memory_space<hbm>>
    %dma_start3A_399 = arith.constant 0 : i32
    %dma_start3A_400 = arith.constant 0 : i32
    %dma_start3A_401 = tpu.memref_slice %arg9[%dma_start3A_390, %dma_start3A_399, %dma_start3A_400] : memref<16x8x64xf32, #tpu.memory_space<vmem>> -> memref<1x8x64xf32, #tpu.memory_space<vmem>>
    %dma_start3A_402 = tpu.memref_squeeze %dma_start3A_401 : memref<1x8x64xf32, #tpu.memory_space<vmem>> -> memref<8x64xf32, #tpu.memory_space<vmem>>
    %dma_start3A_403 = arith.constant 0 : i32
    %dma_start3A_404 = arith.constant 0 : i32
    %dma_start3A_405 = tpu.memref_slice %arg4[%squeeze3A_389, %dma_start3A_403, %dma_start3A_404] : memref<125000x8x64xf32, #tpu.memory_space<hbm>> -> memref<1x8x64xf32, #tpu.memory_space<hbm>>
    %dma_start3A_406 = tpu.memref_squeeze %dma_start3A_405 : memref<1x8x64xf32, #tpu.memory_space<hbm>> -> memref<8x64xf32, #tpu.memory_space<hbm>>
    tpu.enqueue_dma source(%dma_start3A_406 : memref<8x64xf32, #tpu.memory_space<hbm>>) target(%dma_start3A_402 : memref<8x64xf32, #tpu.memory_space<vmem>>) target_semaphore(%arg15 : memref<!tpu.dma_semaphore, #tpu.memory_space<semaphore_mem>>)
    %slice3A_407 = vector.extract_strided_slice %shift_right_logical3A_10 {offsets = [10], sizes = [1], strides = [1]} : vector<16xi32> to vector<1xi32>
    %squeeze3A_408 = vector.extract %slice3A_407[0] : i32 from vector<1xi32>
    %dma_start3A_409 = arith.constant 10 : i32
    %dma_start3A_410 = arith.constant 0 : i32
    %dma_start3A_411 = arith.constant 0 : i32
    %dma_start3A_412 = tpu.memref_slice %arg10[%dma_start3A_409, %dma_start3A_410, %dma_start3A_411] : memref<16x8x64xf32, #tpu.memory_space<vmem>> -> memref<1x8x64xf32, #tpu.memory_space<vmem>>
    %dma_start3A_413 = tpu.memref_squeeze %dma_start3A_412 : memref<1x8x64xf32, #tpu.memory_space<vmem>> -> memref<8x64xf32, #tpu.memory_space<vmem>>
    %dma_start3A_414 = arith.constant 0 : i32
    %dma_start3A_415 = arith.constant 0 : i32
    %dma_start3A_416 = tpu.memref_slice %arg5[%squeeze3A_408, %dma_start3A_414, %dma_start3A_415] : memref<125000x8x64xf32, #tpu.memory_space<hbm>> -> memref<1x8x64xf32, #tpu.memory_space<hbm>>
    %dma_start3A_417 = tpu.memref_squeeze %dma_start3A_416 : memref<1x8x64xf32, #tpu.memory_space<hbm>> -> memref<8x64xf32, #tpu.memory_space<hbm>>
    %dma_start3A_418 = arith.constant 0 : i32
    %dma_start3A_419 = arith.constant 0 : i32
    %dma_start3A_420 = tpu.memref_slice %arg10[%dma_start3A_409, %dma_start3A_418, %dma_start3A_419] : memref<16x8x64xf32, #tpu.memory_space<vmem>> -> memref<1x8x64xf32, #tpu.memory_space<vmem>>
    %dma_start3A_421 = tpu.memref_squeeze %dma_start3A_420 : memref<1x8x64xf32, #tpu.memory_space<vmem>> -> memref<8x64xf32, #tpu.memory_space<vmem>>
    %dma_start3A_422 = arith.constant 0 : i32
    %dma_start3A_423 = arith.constant 0 : i32
    %dma_start3A_424 = tpu.memref_slice %arg5[%squeeze3A_408, %dma_start3A_422, %dma_start3A_423] : memref<125000x8x64xf32, #tpu.memory_space<hbm>> -> memref<1x8x64xf32, #tpu.memory_space<hbm>>
    %dma_start3A_425 = tpu.memref_squeeze %dma_start3A_424 : memref<1x8x64xf32, #tpu.memory_space<hbm>> -> memref<8x64xf32, #tpu.memory_space<hbm>>
    tpu.enqueue_dma source(%dma_start3A_425 : memref<8x64xf32, #tpu.memory_space<hbm>>) target(%dma_start3A_421 : memref<8x64xf32, #tpu.memory_space<vmem>>) target_semaphore(%arg16 : memref<!tpu.dma_semaphore, #tpu.memory_space<semaphore_mem>>)
    %slice3A_426 = vector.extract_strided_slice %shift_right_logical3A_5 {offsets = [11], sizes = [1], strides = [1]} : vector<16xi32> to vector<1xi32>
    %squeeze3A_427 = vector.extract %slice3A_426[0] : i32 from vector<1xi32>
    %dma_start3A_428 = arith.constant 11 : i32
    %dma_start3A_429 = arith.constant 0 : i32
    %dma_start3A_430 = arith.constant 0 : i32
    %dma_start3A_431 = tpu.memref_slice %arg9[%dma_start3A_428, %dma_start3A_429, %dma_start3A_430] : memref<16x8x64xf32, #tpu.memory_space<vmem>> -> memref<1x8x64xf32, #tpu.memory_space<vmem>>
    %dma_start3A_432 = tpu.memref_squeeze %dma_start3A_431 : memref<1x8x64xf32, #tpu.memory_space<vmem>> -> memref<8x64xf32, #tpu.memory_space<vmem>>
    %dma_start3A_433 = arith.constant 0 : i32
    %dma_start3A_434 = arith.constant 0 : i32
    %dma_start3A_435 = tpu.memref_slice %arg4[%squeeze3A_427, %dma_start3A_433, %dma_start3A_434] : memref<125000x8x64xf32, #tpu.memory_space<hbm>> -> memref<1x8x64xf32, #tpu.memory_space<hbm>>
    %dma_start3A_436 = tpu.memref_squeeze %dma_start3A_435 : memref<1x8x64xf32, #tpu.memory_space<hbm>> -> memref<8x64xf32, #tpu.memory_space<hbm>>
    %dma_start3A_437 = arith.constant 0 : i32
    %dma_start3A_438 = arith.constant 0 : i32
    %dma_start3A_439 = tpu.memref_slice %arg9[%dma_start3A_428, %dma_start3A_437, %dma_start3A_438] : memref<16x8x64xf32, #tpu.memory_space<vmem>> -> memref<1x8x64xf32, #tpu.memory_space<vmem>>
    %dma_start3A_440 = tpu.memref_squeeze %dma_start3A_439 : memref<1x8x64xf32, #tpu.memory_space<vmem>> -> memref<8x64xf32, #tpu.memory_space<vmem>>
    %dma_start3A_441 = arith.constant 0 : i32
    %dma_start3A_442 = arith.constant 0 : i32
    %dma_start3A_443 = tpu.memref_slice %arg4[%squeeze3A_427, %dma_start3A_441, %dma_start3A_442] : memref<125000x8x64xf32, #tpu.memory_space<hbm>> -> memref<1x8x64xf32, #tpu.memory_space<hbm>>
    %dma_start3A_444 = tpu.memref_squeeze %dma_start3A_443 : memref<1x8x64xf32, #tpu.memory_space<hbm>> -> memref<8x64xf32, #tpu.memory_space<hbm>>
    tpu.enqueue_dma source(%dma_start3A_444 : memref<8x64xf32, #tpu.memory_space<hbm>>) target(%dma_start3A_440 : memref<8x64xf32, #tpu.memory_space<vmem>>) target_semaphore(%arg15 : memref<!tpu.dma_semaphore, #tpu.memory_space<semaphore_mem>>)
    %slice3A_445 = vector.extract_strided_slice %shift_right_logical3A_10 {offsets = [11], sizes = [1], strides = [1]} : vector<16xi32> to vector<1xi32>
    %squeeze3A_446 = vector.extract %slice3A_445[0] : i32 from vector<1xi32>
    %dma_start3A_447 = arith.constant 11 : i32
    %dma_start3A_448 = arith.constant 0 : i32
    %dma_start3A_449 = arith.constant 0 : i32
    %dma_start3A_450 = tpu.memref_slice %arg10[%dma_start3A_447, %dma_start3A_448, %dma_start3A_449] : memref<16x8x64xf32, #tpu.memory_space<vmem>> -> memref<1x8x64xf32, #tpu.memory_space<vmem>>
    %dma_start3A_451 = tpu.memref_squeeze %dma_start3A_450 : memref<1x8x64xf32, #tpu.memory_space<vmem>> -> memref<8x64xf32, #tpu.memory_space<vmem>>
    %dma_start3A_452 = arith.constant 0 : i32
    %dma_start3A_453 = arith.constant 0 : i32
    %dma_start3A_454 = tpu.memref_slice %arg5[%squeeze3A_446, %dma_start3A_452, %dma_start3A_453] : memref<125000x8x64xf32, #tpu.memory_space<hbm>> -> memref<1x8x64xf32, #tpu.memory_space<hbm>>
    %dma_start3A_455 = tpu.memref_squeeze %dma_start3A_454 : memref<1x8x64xf32, #tpu.memory_space<hbm>> -> memref<8x64xf32, #tpu.memory_space<hbm>>
    %dma_start3A_456 = arith.constant 0 : i32
    %dma_start3A_457 = arith.constant 0 : i32
    %dma_start3A_458 = tpu.memref_slice %arg10[%dma_start3A_447, %dma_start3A_456, %dma_start3A_457] : memref<16x8x64xf32, #tpu.memory_space<vmem>> -> memref<1x8x64xf32, #tpu.memory_space<vmem>>
    %dma_start3A_459 = tpu.memref_squeeze %dma_start3A_458 : memref<1x8x64xf32, #tpu.memory_space<vmem>> -> memref<8x64xf32, #tpu.memory_space<vmem>>
    %dma_start3A_460 = arith.constant 0 : i32
    %dma_start3A_461 = arith.constant 0 : i32
    %dma_start3A_462 = tpu.memref_slice %arg5[%squeeze3A_446, %dma_start3A_460, %dma_start3A_461] : memref<125000x8x64xf32, #tpu.memory_space<hbm>> -> memref<1x8x64xf32, #tpu.memory_space<hbm>>
    %dma_start3A_463 = tpu.memref_squeeze %dma_start3A_462 : memref<1x8x64xf32, #tpu.memory_space<hbm>> -> memref<8x64xf32, #tpu.memory_space<hbm>>
    tpu.enqueue_dma source(%dma_start3A_463 : memref<8x64xf32, #tpu.memory_space<hbm>>) target(%dma_start3A_459 : memref<8x64xf32, #tpu.memory_space<vmem>>) target_semaphore(%arg16 : memref<!tpu.dma_semaphore, #tpu.memory_space<semaphore_mem>>)
    %slice3A_464 = vector.extract_strided_slice %shift_right_logical3A_5 {offsets = [12], sizes = [1], strides = [1]} : vector<16xi32> to vector<1xi32>
    %squeeze3A_465 = vector.extract %slice3A_464[0] : i32 from vector<1xi32>
    %dma_start3A_466 = arith.constant 12 : i32
    %dma_start3A_467 = arith.constant 0 : i32
    %dma_start3A_468 = arith.constant 0 : i32
    %dma_start3A_469 = tpu.memref_slice %arg9[%dma_start3A_466, %dma_start3A_467, %dma_start3A_468] : memref<16x8x64xf32, #tpu.memory_space<vmem>> -> memref<1x8x64xf32, #tpu.memory_space<vmem>>
    %dma_start3A_470 = tpu.memref_squeeze %dma_start3A_469 : memref<1x8x64xf32, #tpu.memory_space<vmem>> -> memref<8x64xf32, #tpu.memory_space<vmem>>
    %dma_start3A_471 = arith.constant 0 : i32
    %dma_start3A_472 = arith.constant 0 : i32
    %dma_start3A_473 = tpu.memref_slice %arg4[%squeeze3A_465, %dma_start3A_471, %dma_start3A_472] : memref<125000x8x64xf32, #tpu.memory_space<hbm>> -> memref<1x8x64xf32, #tpu.memory_space<hbm>>
    %dma_start3A_474 = tpu.memref_squeeze %dma_start3A_473 : memref<1x8x64xf32, #tpu.memory_space<hbm>> -> memref<8x64xf32, #tpu.memory_space<hbm>>
    %dma_start3A_475 = arith.constant 0 : i32
    %dma_start3A_476 = arith.constant 0 : i32
    %dma_start3A_477 = tpu.memref_slice %arg9[%dma_start3A_466, %dma_start3A_475, %dma_start3A_476] : memref<16x8x64xf32, #tpu.memory_space<vmem>> -> memref<1x8x64xf32, #tpu.memory_space<vmem>>
    %dma_start3A_478 = tpu.memref_squeeze %dma_start3A_477 : memref<1x8x64xf32, #tpu.memory_space<vmem>> -> memref<8x64xf32, #tpu.memory_space<vmem>>
    %dma_start3A_479 = arith.constant 0 : i32
    %dma_start3A_480 = arith.constant 0 : i32
    %dma_start3A_481 = tpu.memref_slice %arg4[%squeeze3A_465, %dma_start3A_479, %dma_start3A_480] : memref<125000x8x64xf32, #tpu.memory_space<hbm>> -> memref<1x8x64xf32, #tpu.memory_space<hbm>>
    %dma_start3A_482 = tpu.memref_squeeze %dma_start3A_481 : memref<1x8x64xf32, #tpu.memory_space<hbm>> -> memref<8x64xf32, #tpu.memory_space<hbm>>
    tpu.enqueue_dma source(%dma_start3A_482 : memref<8x64xf32, #tpu.memory_space<hbm>>) target(%dma_start3A_478 : memref<8x64xf32, #tpu.memory_space<vmem>>) target_semaphore(%arg15 : memref<!tpu.dma_semaphore, #tpu.memory_space<semaphore_mem>>)
    %slice3A_483 = vector.extract_strided_slice %shift_right_logical3A_10 {offsets = [12], sizes = [1], strides = [1]} : vector<16xi32> to vector<1xi32>
    %squeeze3A_484 = vector.extract %slice3A_483[0] : i32 from vector<1xi32>
    %dma_start3A_485 = arith.constant 12 : i32
    %dma_start3A_486 = arith.constant 0 : i32
    %dma_start3A_487 = arith.constant 0 : i32
    %dma_start3A_488 = tpu.memref_slice %arg10[%dma_start3A_485, %dma_start3A_486, %dma_start3A_487] : memref<16x8x64xf32, #tpu.memory_space<vmem>> -> memref<1x8x64xf32, #tpu.memory_space<vmem>>
    %dma_start3A_489 = tpu.memref_squeeze %dma_start3A_488 : memref<1x8x64xf32, #tpu.memory_space<vmem>> -> memref<8x64xf32, #tpu.memory_space<vmem>>
    %dma_start3A_490 = arith.constant 0 : i32
    %dma_start3A_491 = arith.constant 0 : i32
    %dma_start3A_492 = tpu.memref_slice %arg5[%squeeze3A_484, %dma_start3A_490, %dma_start3A_491] : memref<125000x8x64xf32, #tpu.memory_space<hbm>> -> memref<1x8x64xf32, #tpu.memory_space<hbm>>
    %dma_start3A_493 = tpu.memref_squeeze %dma_start3A_492 : memref<1x8x64xf32, #tpu.memory_space<hbm>> -> memref<8x64xf32, #tpu.memory_space<hbm>>
    %dma_start3A_494 = arith.constant 0 : i32
    %dma_start3A_495 = arith.constant 0 : i32
    %dma_start3A_496 = tpu.memref_slice %arg10[%dma_start3A_485, %dma_start3A_494, %dma_start3A_495] : memref<16x8x64xf32, #tpu.memory_space<vmem>> -> memref<1x8x64xf32, #tpu.memory_space<vmem>>
    %dma_start3A_497 = tpu.memref_squeeze %dma_start3A_496 : memref<1x8x64xf32, #tpu.memory_space<vmem>> -> memref<8x64xf32, #tpu.memory_space<vmem>>
    %dma_start3A_498 = arith.constant 0 : i32
    %dma_start3A_499 = arith.constant 0 : i32
    %dma_start3A_500 = tpu.memref_slice %arg5[%squeeze3A_484, %dma_start3A_498, %dma_start3A_499] : memref<125000x8x64xf32, #tpu.memory_space<hbm>> -> memref<1x8x64xf32, #tpu.memory_space<hbm>>
    %dma_start3A_501 = tpu.memref_squeeze %dma_start3A_500 : memref<1x8x64xf32, #tpu.memory_space<hbm>> -> memref<8x64xf32, #tpu.memory_space<hbm>>
    tpu.enqueue_dma source(%dma_start3A_501 : memref<8x64xf32, #tpu.memory_space<hbm>>) target(%dma_start3A_497 : memref<8x64xf32, #tpu.memory_space<vmem>>) target_semaphore(%arg16 : memref<!tpu.dma_semaphore, #tpu.memory_space<semaphore_mem>>)
    %slice3A_502 = vector.extract_strided_slice %shift_right_logical3A_5 {offsets = [13], sizes = [1], strides = [1]} : vector<16xi32> to vector<1xi32>
    %squeeze3A_503 = vector.extract %slice3A_502[0] : i32 from vector<1xi32>
    %dma_start3A_504 = arith.constant 13 : i32
    %dma_start3A_505 = arith.constant 0 : i32
    %dma_start3A_506 = arith.constant 0 : i32
    %dma_start3A_507 = tpu.memref_slice %arg9[%dma_start3A_504, %dma_start3A_505, %dma_start3A_506] : memref<16x8x64xf32, #tpu.memory_space<vmem>> -> memref<1x8x64xf32, #tpu.memory_space<vmem>>
    %dma_start3A_508 = tpu.memref_squeeze %dma_start3A_507 : memref<1x8x64xf32, #tpu.memory_space<vmem>> -> memref<8x64xf32, #tpu.memory_space<vmem>>
    %dma_start3A_509 = arith.constant 0 : i32
    %dma_start3A_510 = arith.constant 0 : i32
    %dma_start3A_511 = tpu.memref_slice %arg4[%squeeze3A_503, %dma_start3A_509, %dma_start3A_510] : memref<125000x8x64xf32, #tpu.memory_space<hbm>> -> memref<1x8x64xf32, #tpu.memory_space<hbm>>
    %dma_start3A_512 = tpu.memref_squeeze %dma_start3A_511 : memref<1x8x64xf32, #tpu.memory_space<hbm>> -> memref<8x64xf32, #tpu.memory_space<hbm>>
    %dma_start3A_513 = arith.constant 0 : i32
    %dma_start3A_514 = arith.constant 0 : i32
    %dma_start3A_515 = tpu.memref_slice %arg9[%dma_start3A_504, %dma_start3A_513, %dma_start3A_514] : memref<16x8x64xf32, #tpu.memory_space<vmem>> -> memref<1x8x64xf32, #tpu.memory_space<vmem>>
    %dma_start3A_516 = tpu.memref_squeeze %dma_start3A_515 : memref<1x8x64xf32, #tpu.memory_space<vmem>> -> memref<8x64xf32, #tpu.memory_space<vmem>>
    %dma_start3A_517 = arith.constant 0 : i32
    %dma_start3A_518 = arith.constant 0 : i32
    %dma_start3A_519 = tpu.memref_slice %arg4[%squeeze3A_503, %dma_start3A_517, %dma_start3A_518] : memref<125000x8x64xf32, #tpu.memory_space<hbm>> -> memref<1x8x64xf32, #tpu.memory_space<hbm>>
    %dma_start3A_520 = tpu.memref_squeeze %dma_start3A_519 : memref<1x8x64xf32, #tpu.memory_space<hbm>> -> memref<8x64xf32, #tpu.memory_space<hbm>>
    tpu.enqueue_dma source(%dma_start3A_520 : memref<8x64xf32, #tpu.memory_space<hbm>>) target(%dma_start3A_516 : memref<8x64xf32, #tpu.memory_space<vmem>>) target_semaphore(%arg15 : memref<!tpu.dma_semaphore, #tpu.memory_space<semaphore_mem>>)
    %slice3A_521 = vector.extract_strided_slice %shift_right_logical3A_10 {offsets = [13], sizes = [1], strides = [1]} : vector<16xi32> to vector<1xi32>
    %squeeze3A_522 = vector.extract %slice3A_521[0] : i32 from vector<1xi32>
    %dma_start3A_523 = arith.constant 13 : i32
    %dma_start3A_524 = arith.constant 0 : i32
    %dma_start3A_525 = arith.constant 0 : i32
    %dma_start3A_526 = tpu.memref_slice %arg10[%dma_start3A_523, %dma_start3A_524, %dma_start3A_525] : memref<16x8x64xf32, #tpu.memory_space<vmem>> -> memref<1x8x64xf32, #tpu.memory_space<vmem>>
    %dma_start3A_527 = tpu.memref_squeeze %dma_start3A_526 : memref<1x8x64xf32, #tpu.memory_space<vmem>> -> memref<8x64xf32, #tpu.memory_space<vmem>>
    %dma_start3A_528 = arith.constant 0 : i32
    %dma_start3A_529 = arith.constant 0 : i32
    %dma_start3A_530 = tpu.memref_slice %arg5[%squeeze3A_522, %dma_start3A_528, %dma_start3A_529] : memref<125000x8x64xf32, #tpu.memory_space<hbm>> -> memref<1x8x64xf32, #tpu.memory_space<hbm>>
    %dma_start3A_531 = tpu.memref_squeeze %dma_start3A_530 : memref<1x8x64xf32, #tpu.memory_space<hbm>> -> memref<8x64xf32, #tpu.memory_space<hbm>>
    %dma_start3A_532 = arith.constant 0 : i32
    %dma_start3A_533 = arith.constant 0 : i32
    %dma_start3A_534 = tpu.memref_slice %arg10[%dma_start3A_523, %dma_start3A_532, %dma_start3A_533] : memref<16x8x64xf32, #tpu.memory_space<vmem>> -> memref<1x8x64xf32, #tpu.memory_space<vmem>>
    %dma_start3A_535 = tpu.memref_squeeze %dma_start3A_534 : memref<1x8x64xf32, #tpu.memory_space<vmem>> -> memref<8x64xf32, #tpu.memory_space<vmem>>
    %dma_start3A_536 = arith.constant 0 : i32
    %dma_start3A_537 = arith.constant 0 : i32
    %dma_start3A_538 = tpu.memref_slice %arg5[%squeeze3A_522, %dma_start3A_536, %dma_start3A_537] : memref<125000x8x64xf32, #tpu.memory_space<hbm>> -> memref<1x8x64xf32, #tpu.memory_space<hbm>>
    %dma_start3A_539 = tpu.memref_squeeze %dma_start3A_538 : memref<1x8x64xf32, #tpu.memory_space<hbm>> -> memref<8x64xf32, #tpu.memory_space<hbm>>
    tpu.enqueue_dma source(%dma_start3A_539 : memref<8x64xf32, #tpu.memory_space<hbm>>) target(%dma_start3A_535 : memref<8x64xf32, #tpu.memory_space<vmem>>) target_semaphore(%arg16 : memref<!tpu.dma_semaphore, #tpu.memory_space<semaphore_mem>>)
    %slice3A_540 = vector.extract_strided_slice %shift_right_logical3A_5 {offsets = [14], sizes = [1], strides = [1]} : vector<16xi32> to vector<1xi32>
    %squeeze3A_541 = vector.extract %slice3A_540[0] : i32 from vector<1xi32>
    %dma_start3A_542 = arith.constant 14 : i32
    %dma_start3A_543 = arith.constant 0 : i32
    %dma_start3A_544 = arith.constant 0 : i32
    %dma_start3A_545 = tpu.memref_slice %arg9[%dma_start3A_542, %dma_start3A_543, %dma_start3A_544] : memref<16x8x64xf32, #tpu.memory_space<vmem>> -> memref<1x8x64xf32, #tpu.memory_space<vmem>>
    %dma_start3A_546 = tpu.memref_squeeze %dma_start3A_545 : memref<1x8x64xf32, #tpu.memory_space<vmem>> -> memref<8x64xf32, #tpu.memory_space<vmem>>
    %dma_start3A_547 = arith.constant 0 : i32
    %dma_start3A_548 = arith.constant 0 : i32
    %dma_start3A_549 = tpu.memref_slice %arg4[%squeeze3A_541, %dma_start3A_547, %dma_start3A_548] : memref<125000x8x64xf32, #tpu.memory_space<hbm>> -> memref<1x8x64xf32, #tpu.memory_space<hbm>>
    %dma_start3A_550 = tpu.memref_squeeze %dma_start3A_549 : memref<1x8x64xf32, #tpu.memory_space<hbm>> -> memref<8x64xf32, #tpu.memory_space<hbm>>
    %dma_start3A_551 = arith.constant 0 : i32
    %dma_start3A_552 = arith.constant 0 : i32
    %dma_start3A_553 = tpu.memref_slice %arg9[%dma_start3A_542, %dma_start3A_551, %dma_start3A_552] : memref<16x8x64xf32, #tpu.memory_space<vmem>> -> memref<1x8x64xf32, #tpu.memory_space<vmem>>
    %dma_start3A_554 = tpu.memref_squeeze %dma_start3A_553 : memref<1x8x64xf32, #tpu.memory_space<vmem>> -> memref<8x64xf32, #tpu.memory_space<vmem>>
    %dma_start3A_555 = arith.constant 0 : i32
    %dma_start3A_556 = arith.constant 0 : i32
    %dma_start3A_557 = tpu.memref_slice %arg4[%squeeze3A_541, %dma_start3A_555, %dma_start3A_556] : memref<125000x8x64xf32, #tpu.memory_space<hbm>> -> memref<1x8x64xf32, #tpu.memory_space<hbm>>
    %dma_start3A_558 = tpu.memref_squeeze %dma_start3A_557 : memref<1x8x64xf32, #tpu.memory_space<hbm>> -> memref<8x64xf32, #tpu.memory_space<hbm>>
    tpu.enqueue_dma source(%dma_start3A_558 : memref<8x64xf32, #tpu.memory_space<hbm>>) target(%dma_start3A_554 : memref<8x64xf32, #tpu.memory_space<vmem>>) target_semaphore(%arg15 : memref<!tpu.dma_semaphore, #tpu.memory_space<semaphore_mem>>)
    %slice3A_559 = vector.extract_strided_slice %shift_right_logical3A_10 {offsets = [14], sizes = [1], strides = [1]} : vector<16xi32> to vector<1xi32>
    %squeeze3A_560 = vector.extract %slice3A_559[0] : i32 from vector<1xi32>
    %dma_start3A_561 = arith.constant 14 : i32
    %dma_start3A_562 = arith.constant 0 : i32
    %dma_start3A_563 = arith.constant 0 : i32
    %dma_start3A_564 = tpu.memref_slice %arg10[%dma_start3A_561, %dma_start3A_562, %dma_start3A_563] : memref<16x8x64xf32, #tpu.memory_space<vmem>> -> memref<1x8x64xf32, #tpu.memory_space<vmem>>
    %dma_start3A_565 = tpu.memref_squeeze %dma_start3A_564 : memref<1x8x64xf32, #tpu.memory_space<vmem>> -> memref<8x64xf32, #tpu.memory_space<vmem>>
    %dma_start3A_566 = arith.constant 0 : i32
    %dma_start3A_567 = arith.constant 0 : i32
    %dma_start3A_568 = tpu.memref_slice %arg5[%squeeze3A_560, %dma_start3A_566, %dma_start3A_567] : memref<125000x8x64xf32, #tpu.memory_space<hbm>> -> memref<1x8x64xf32, #tpu.memory_space<hbm>>
    %dma_start3A_569 = tpu.memref_squeeze %dma_start3A_568 : memref<1x8x64xf32, #tpu.memory_space<hbm>> -> memref<8x64xf32, #tpu.memory_space<hbm>>
    %dma_start3A_570 = arith.constant 0 : i32
    %dma_start3A_571 = arith.constant 0 : i32
    %dma_start3A_572 = tpu.memref_slice %arg10[%dma_start3A_561, %dma_start3A_570, %dma_start3A_571] : memref<16x8x64xf32, #tpu.memory_space<vmem>> -> memref<1x8x64xf32, #tpu.memory_space<vmem>>
    %dma_start3A_573 = tpu.memref_squeeze %dma_start3A_572 : memref<1x8x64xf32, #tpu.memory_space<vmem>> -> memref<8x64xf32, #tpu.memory_space<vmem>>
    %dma_start3A_574 = arith.constant 0 : i32
    %dma_start3A_575 = arith.constant 0 : i32
    %dma_start3A_576 = tpu.memref_slice %arg5[%squeeze3A_560, %dma_start3A_574, %dma_start3A_575] : memref<125000x8x64xf32, #tpu.memory_space<hbm>> -> memref<1x8x64xf32, #tpu.memory_space<hbm>>
    %dma_start3A_577 = tpu.memref_squeeze %dma_start3A_576 : memref<1x8x64xf32, #tpu.memory_space<hbm>> -> memref<8x64xf32, #tpu.memory_space<hbm>>
    tpu.enqueue_dma source(%dma_start3A_577 : memref<8x64xf32, #tpu.memory_space<hbm>>) target(%dma_start3A_573 : memref<8x64xf32, #tpu.memory_space<vmem>>) target_semaphore(%arg16 : memref<!tpu.dma_semaphore, #tpu.memory_space<semaphore_mem>>)
    %slice3A_578 = vector.extract_strided_slice %shift_right_logical3A_5 {offsets = [15], sizes = [1], strides = [1]} : vector<16xi32> to vector<1xi32>
    %squeeze3A_579 = vector.extract %slice3A_578[0] : i32 from vector<1xi32>
    %dma_start3A_580 = arith.constant 15 : i32
    %dma_start3A_581 = arith.constant 0 : i32
    %dma_start3A_582 = arith.constant 0 : i32
    %dma_start3A_583 = tpu.memref_slice %arg9[%dma_start3A_580, %dma_start3A_581, %dma_start3A_582] : memref<16x8x64xf32, #tpu.memory_space<vmem>> -> memref<1x8x64xf32, #tpu.memory_space<vmem>>
    %dma_start3A_584 = tpu.memref_squeeze %dma_start3A_583 : memref<1x8x64xf32, #tpu.memory_space<vmem>> -> memref<8x64xf32, #tpu.memory_space<vmem>>
    %dma_start3A_585 = arith.constant 0 : i32
    %dma_start3A_586 = arith.constant 0 : i32
    %dma_start3A_587 = tpu.memref_slice %arg4[%squeeze3A_579, %dma_start3A_585, %dma_start3A_586] : memref<125000x8x64xf32, #tpu.memory_space<hbm>> -> memref<1x8x64xf32, #tpu.memory_space<hbm>>
    %dma_start3A_588 = tpu.memref_squeeze %dma_start3A_587 : memref<1x8x64xf32, #tpu.memory_space<hbm>> -> memref<8x64xf32, #tpu.memory_space<hbm>>
    %dma_start3A_589 = arith.constant 0 : i32
    %dma_start3A_590 = arith.constant 0 : i32
    %dma_start3A_591 = tpu.memref_slice %arg9[%dma_start3A_580, %dma_start3A_589, %dma_start3A_590] : memref<16x8x64xf32, #tpu.memory_space<vmem>> -> memref<1x8x64xf32, #tpu.memory_space<vmem>>
    %dma_start3A_592 = tpu.memref_squeeze %dma_start3A_591 : memref<1x8x64xf32, #tpu.memory_space<vmem>> -> memref<8x64xf32, #tpu.memory_space<vmem>>
    %dma_start3A_593 = arith.constant 0 : i32
    %dma_start3A_594 = arith.constant 0 : i32
    %dma_start3A_595 = tpu.memref_slice %arg4[%squeeze3A_579, %dma_start3A_593, %dma_start3A_594] : memref<125000x8x64xf32, #tpu.memory_space<hbm>> -> memref<1x8x64xf32, #tpu.memory_space<hbm>>
    %dma_start3A_596 = tpu.memref_squeeze %dma_start3A_595 : memref<1x8x64xf32, #tpu.memory_space<hbm>> -> memref<8x64xf32, #tpu.memory_space<hbm>>
    tpu.enqueue_dma source(%dma_start3A_596 : memref<8x64xf32, #tpu.memory_space<hbm>>) target(%dma_start3A_592 : memref<8x64xf32, #tpu.memory_space<vmem>>) target_semaphore(%arg15 : memref<!tpu.dma_semaphore, #tpu.memory_space<semaphore_mem>>)
    %slice3A_597 = vector.extract_strided_slice %shift_right_logical3A_10 {offsets = [15], sizes = [1], strides = [1]} : vector<16xi32> to vector<1xi32>
    %squeeze3A_598 = vector.extract %slice3A_597[0] : i32 from vector<1xi32>
    %dma_start3A_599 = arith.constant 15 : i32
    %dma_start3A_600 = arith.constant 0 : i32
    %dma_start3A_601 = arith.constant 0 : i32
    %dma_start3A_602 = tpu.memref_slice %arg10[%dma_start3A_599, %dma_start3A_600, %dma_start3A_601] : memref<16x8x64xf32, #tpu.memory_space<vmem>> -> memref<1x8x64xf32, #tpu.memory_space<vmem>>
    %dma_start3A_603 = tpu.memref_squeeze %dma_start3A_602 : memref<1x8x64xf32, #tpu.memory_space<vmem>> -> memref<8x64xf32, #tpu.memory_space<vmem>>
    %dma_start3A_604 = arith.constant 0 : i32
    %dma_start3A_605 = arith.constant 0 : i32
    %dma_start3A_606 = tpu.memref_slice %arg5[%squeeze3A_598, %dma_start3A_604, %dma_start3A_605] : memref<125000x8x64xf32, #tpu.memory_space<hbm>> -> memref<1x8x64xf32, #tpu.memory_space<hbm>>
    %dma_start3A_607 = tpu.memref_squeeze %dma_start3A_606 : memref<1x8x64xf32, #tpu.memory_space<hbm>> -> memref<8x64xf32, #tpu.memory_space<hbm>>
    %dma_start3A_608 = arith.constant 0 : i32
    %dma_start3A_609 = arith.constant 0 : i32
    %dma_start3A_610 = tpu.memref_slice %arg10[%dma_start3A_599, %dma_start3A_608, %dma_start3A_609] : memref<16x8x64xf32, #tpu.memory_space<vmem>> -> memref<1x8x64xf32, #tpu.memory_space<vmem>>
    %dma_start3A_611 = tpu.memref_squeeze %dma_start3A_610 : memref<1x8x64xf32, #tpu.memory_space<vmem>> -> memref<8x64xf32, #tpu.memory_space<vmem>>
    %dma_start3A_612 = arith.constant 0 : i32
    %dma_start3A_613 = arith.constant 0 : i32
    %dma_start3A_614 = tpu.memref_slice %arg5[%squeeze3A_598, %dma_start3A_612, %dma_start3A_613] : memref<125000x8x64xf32, #tpu.memory_space<hbm>> -> memref<1x8x64xf32, #tpu.memory_space<hbm>>
    %dma_start3A_615 = tpu.memref_squeeze %dma_start3A_614 : memref<1x8x64xf32, #tpu.memory_space<hbm>> -> memref<8x64xf32, #tpu.memory_space<hbm>>
    tpu.enqueue_dma source(%dma_start3A_615 : memref<8x64xf32, #tpu.memory_space<hbm>>) target(%dma_start3A_611 : memref<8x64xf32, #tpu.memory_space<vmem>>) target_semaphore(%arg16 : memref<!tpu.dma_semaphore, #tpu.memory_space<semaphore_mem>>)
    %scan3A = arith.constant 0 : i32
    %scan3A_616 = arith.constant 0 : i32
    %scan3A_617 = arith.constant 16 : i32
    %scan3A_618 = arith.addi %scan3A_616, %scan3A_617 : i32
    %scan3A_619 = arith.constant 1 : i32
    scf.for %scan3A_621 = %scan3A_616 to %scan3A_618 step %scan3A_619  : i32 {
      %mul3A_622 = arith.constant 2 : i32
      %mul3A_623 = arith.muli %scan3A_621, %mul3A_622 : i32
      %add3A_624 = arith.constant 1 : i32
      %add3A_625 = arith.addi %mul3A_623, %add3A_624 : i32
      %mul3A_626 = arith.constant 16 : i32
      %mul3A_627 = arith.muli %add3A_625, %mul3A_626 : i32
      %get3A_628 = arith.index_cast %mul3A_627 : i32 to index
      %get3A_629 = tpu.vector_load %arg7[%get3A_628] {strides = array<i32>} : memref<512xi32, #tpu.memory_space<vmem>>, vector<16xi32>,
      %shift_right_logical3A_630 = arith.constant 3 : i32
      %shift_right_logical3A_631 = vector.broadcast %shift_right_logical3A_630 : i32 to vector<16xi32>
      %shift_right_logical3A_632 = arith.shrui %get3A_629, %shift_right_logical3A_631 : vector<16xi32>
      %get3A_633 = arith.index_cast %mul3A_627 : i32 to index
      %get3A_634 = tpu.vector_load %arg8[%get3A_633] {strides = array<i32>} : memref<512xi32, #tpu.memory_space<vmem>>, vector<16xi32>,
      %shift_right_logical3A_635 = arith.constant 3 : i32
      %shift_right_logical3A_636 = vector.broadcast %shift_right_logical3A_635 : i32 to vector<16xi32>
      %shift_right_logical3A_637 = arith.shrui %get3A_634, %shift_right_logical3A_636 : vector<16xi32>
      %slice3A_638 = vector.extract_strided_slice %shift_right_logical3A_632 {offsets = [0], sizes = [1], strides = [1]} : vector<16xi32> to vector<1xi32>
      %squeeze3A_639 = vector.extract %slice3A_638[0] : i32 from vector<1xi32>
      %dma_start3A_640 = arith.constant 0 : i32
      %dma_start3A_641 = arith.constant 0 : i32
      %dma_start3A_642 = arith.constant 0 : i32
      %dma_start3A_643 = tpu.memref_slice %arg11[%dma_start3A_640, %dma_start3A_641, %dma_start3A_642] : memref<16x8x64xf32, #tpu.memory_space<vmem>> -> memref<1x8x64xf32, #tpu.memory_space<vmem>>
      %dma_start3A_644 = tpu.memref_squeeze %dma_start3A_643 : memref<1x8x64xf32, #tpu.memory_space<vmem>> -> memref<8x64xf32, #tpu.memory_space<vmem>>
      %dma_start3A_645 = arith.constant 0 : i32
      %dma_start3A_646 = arith.constant 0 : i32
      %dma_start3A_647 = tpu.memref_slice %arg4[%squeeze3A_639, %dma_start3A_645, %dma_start3A_646] : memref<125000x8x64xf32, #tpu.memory_space<hbm>> -> memref<1x8x64xf32, #tpu.memory_space<hbm>>
      %dma_start3A_648 = tpu.memref_squeeze %dma_start3A_647 : memref<1x8x64xf32, #tpu.memory_space<hbm>> -> memref<8x64xf32, #tpu.memory_space<hbm>>
      %dma_start3A_649 = arith.constant 0 : i32
      %dma_start3A_650 = arith.constant 0 : i32
      %dma_start3A_651 = tpu.memref_slice %arg11[%dma_start3A_640, %dma_start3A_649, %dma_start3A_650] : memref<16x8x64xf32, #tpu.memory_space<vmem>> -> memref<1x8x64xf32, #tpu.memory_space<vmem>>
      %dma_start3A_652 = tpu.memref_squeeze %dma_start3A_651 : memref<1x8x64xf32, #tpu.memory_space<vmem>> -> memref<8x64xf32, #tpu.memory_space<vmem>>
      %dma_start3A_653 = arith.constant 0 : i32
      %dma_start3A_654 = arith.constant 0 : i32
      %dma_start3A_655 = tpu.memref_slice %arg4[%squeeze3A_639, %dma_start3A_653, %dma_start3A_654] : memref<125000x8x64xf32, #tpu.memory_space<hbm>> -> memref<1x8x64xf32, #tpu.memory_space<hbm>>
      %dma_start3A_656 = tpu.memref_squeeze %dma_start3A_655 : memref<1x8x64xf32, #tpu.memory_space<hbm>> -> memref<8x64xf32, #tpu.memory_space<hbm>>
      tpu.enqueue_dma source(%dma_start3A_656 : memref<8x64xf32, #tpu.memory_space<hbm>>) target(%dma_start3A_652 : memref<8x64xf32, #tpu.memory_space<vmem>>) target_semaphore(%arg17 : memref<!tpu.dma_semaphore, #tpu.memory_space<semaphore_mem>>)
      %slice3A_657 = vector.extract_strided_slice %shift_right_logical3A_637 {offsets = [0], sizes = [1], strides = [1]} : vector<16xi32> to vector<1xi32>
      %squeeze3A_658 = vector.extract %slice3A_657[0] : i32 from vector<1xi32>
      %dma_start3A_659 = arith.constant 0 : i32
      %dma_start3A_660 = arith.constant 0 : i32
      %dma_start3A_661 = arith.constant 0 : i32
      %dma_start3A_662 = tpu.memref_slice %arg12[%dma_start3A_659, %dma_start3A_660, %dma_start3A_661] : memref<16x8x64xf32, #tpu.memory_space<vmem>> -> memref<1x8x64xf32, #tpu.memory_space<vmem>>
      %dma_start3A_663 = tpu.memref_squeeze %dma_start3A_662 : memref<1x8x64xf32, #tpu.memory_space<vmem>> -> memref<8x64xf32, #tpu.memory_space<vmem>>
      %dma_start3A_664 = arith.constant 0 : i32
      %dma_start3A_665 = arith.constant 0 : i32
      %dma_start3A_666 = tpu.memref_slice %arg5[%squeeze3A_658, %dma_start3A_664, %dma_start3A_665] : memref<125000x8x64xf32, #tpu.memory_space<hbm>> -> memref<1x8x64xf32, #tpu.memory_space<hbm>>
      %dma_start3A_667 = tpu.memref_squeeze %dma_start3A_666 : memref<1x8x64xf32, #tpu.memory_space<hbm>> -> memref<8x64xf32, #tpu.memory_space<hbm>>
      %dma_start3A_668 = arith.constant 0 : i32
      %dma_start3A_669 = arith.constant 0 : i32
      %dma_start3A_670 = tpu.memref_slice %arg12[%dma_start3A_659, %dma_start3A_668, %dma_start3A_669] : memref<16x8x64xf32, #tpu.memory_space<vmem>> -> memref<1x8x64xf32, #tpu.memory_space<vmem>>
      %dma_start3A_671 = tpu.memref_squeeze %dma_start3A_670 : memref<1x8x64xf32, #tpu.memory_space<vmem>> -> memref<8x64xf32, #tpu.memory_space<vmem>>
      %dma_start3A_672 = arith.constant 0 : i32
      %dma_start3A_673 = arith.constant 0 : i32
      %dma_start3A_674 = tpu.memref_slice %arg5[%squeeze3A_658, %dma_start3A_672, %dma_start3A_673] : memref<125000x8x64xf32, #tpu.memory_space<hbm>> -> memref<1x8x64xf32, #tpu.memory_space<hbm>>
      %dma_start3A_675 = tpu.memref_squeeze %dma_start3A_674 : memref<1x8x64xf32, #tpu.memory_space<hbm>> -> memref<8x64xf32, #tpu.memory_space<hbm>>
      tpu.enqueue_dma source(%dma_start3A_675 : memref<8x64xf32, #tpu.memory_space<hbm>>) target(%dma_start3A_671 : memref<8x64xf32, #tpu.memory_space<vmem>>) target_semaphore(%arg18 : memref<!tpu.dma_semaphore, #tpu.memory_space<semaphore_mem>>)
      %slice3A_676 = vector.extract_strided_slice %shift_right_logical3A_632 {offsets = [1], sizes = [1], strides = [1]} : vector<16xi32> to vector<1xi32>
      %squeeze3A_677 = vector.extract %slice3A_676[0] : i32 from vector<1xi32>
      %dma_start3A_678 = arith.constant 1 : i32
      %dma_start3A_679 = arith.constant 0 : i32
      %dma_start3A_680 = arith.constant 0 : i32
      %dma_start3A_681 = tpu.memref_slice %arg11[%dma_start3A_678, %dma_start3A_679, %dma_start3A_680] : memref<16x8x64xf32, #tpu.memory_space<vmem>> -> memref<1x8x64xf32, #tpu.memory_space<vmem>>
      %dma_start3A_682 = tpu.memref_squeeze %dma_start3A_681 : memref<1x8x64xf32, #tpu.memory_space<vmem>> -> memref<8x64xf32, #tpu.memory_space<vmem>>
      %dma_start3A_683 = arith.constant 0 : i32
      %dma_start3A_684 = arith.constant 0 : i32
      %dma_start3A_685 = tpu.memref_slice %arg4[%squeeze3A_677, %dma_start3A_683, %dma_start3A_684] : memref<125000x8x64xf32, #tpu.memory_space<hbm>> -> memref<1x8x64xf32, #tpu.memory_space<hbm>>
      %dma_start3A_686 = tpu.memref_squeeze %dma_start3A_685 : memref<1x8x64xf32, #tpu.memory_space<hbm>> -> memref<8x64xf32, #tpu.memory_space<hbm>>
      %dma_start3A_687 = arith.constant 0 : i32
      %dma_start3A_688 = arith.constant 0 : i32
      %dma_start3A_689 = tpu.memref_slice %arg11[%dma_start3A_678, %dma_start3A_687, %dma_start3A_688] : memref<16x8x64xf32, #tpu.memory_space<vmem>> -> memref<1x8x64xf32, #tpu.memory_space<vmem>>
      %dma_start3A_690 = tpu.memref_squeeze %dma_start3A_689 : memref<1x8x64xf32, #tpu.memory_space<vmem>> -> memref<8x64xf32, #tpu.memory_space<vmem>>
      %dma_start3A_691 = arith.constant 0 : i32
      %dma_start3A_692 = arith.constant 0 : i32
      %dma_start3A_693 = tpu.memref_slice %arg4[%squeeze3A_677, %dma_start3A_691, %dma_start3A_692] : memref<125000x8x64xf32, #tpu.memory_space<hbm>> -> memref<1x8x64xf32, #tpu.memory_space<hbm>>
      %dma_start3A_694 = tpu.memref_squeeze %dma_start3A_693 : memref<1x8x64xf32, #tpu.memory_space<hbm>> -> memref<8x64xf32, #tpu.memory_space<hbm>>
      tpu.enqueue_dma source(%dma_start3A_694 : memref<8x64xf32, #tpu.memory_space<hbm>>) target(%dma_start3A_690 : memref<8x64xf32, #tpu.memory_space<vmem>>) target_semaphore(%arg17 : memref<!tpu.dma_semaphore, #tpu.memory_space<semaphore_mem>>)
      %slice3A_695 = vector.extract_strided_slice %shift_right_logical3A_637 {offsets = [1], sizes = [1], strides = [1]} : vector<16xi32> to vector<1xi32>
      %squeeze3A_696 = vector.extract %slice3A_695[0] : i32 from vector<1xi32>
      %dma_start3A_697 = arith.constant 1 : i32
      %dma_start3A_698 = arith.constant 0 : i32
      %dma_start3A_699 = arith.constant 0 : i32
      %dma_start3A_700 = tpu.memref_slice %arg12[%dma_start3A_697, %dma_start3A_698, %dma_start3A_699] : memref<16x8x64xf32, #tpu.memory_space<vmem>> -> memref<1x8x64xf32, #tpu.memory_space<vmem>>
      %dma_start3A_701 = tpu.memref_squeeze %dma_start3A_700 : memref<1x8x64xf32, #tpu.memory_space<vmem>> -> memref<8x64xf32, #tpu.memory_space<vmem>>
      %dma_start3A_702 = arith.constant 0 : i32
      %dma_start3A_703 = arith.constant 0 : i32
      %dma_start3A_704 = tpu.memref_slice %arg5[%squeeze3A_696, %dma_start3A_702, %dma_start3A_703] : memref<125000x8x64xf32, #tpu.memory_space<hbm>> -> memref<1x8x64xf32, #tpu.memory_space<hbm>>
      %dma_start3A_705 = tpu.memref_squeeze %dma_start3A_704 : memref<1x8x64xf32, #tpu.memory_space<hbm>> -> memref<8x64xf32, #tpu.memory_space<hbm>>
      %dma_start3A_706 = arith.constant 0 : i32
      %dma_start3A_707 = arith.constant 0 : i32
      %dma_start3A_708 = tpu.memref_slice %arg12[%dma_start3A_697, %dma_start3A_706, %dma_start3A_707] : memref<16x8x64xf32, #tpu.memory_space<vmem>> -> memref<1x8x64xf32, #tpu.memory_space<vmem>>
      %dma_start3A_709 = tpu.memref_squeeze %dma_start3A_708 : memref<1x8x64xf32, #tpu.memory_space<vmem>> -> memref<8x64xf32, #tpu.memory_space<vmem>>
      %dma_start3A_710 = arith.constant 0 : i32
      %dma_start3A_711 = arith.constant 0 : i32
      %dma_start3A_712 = tpu.memref_slice %arg5[%squeeze3A_696, %dma_start3A_710, %dma_start3A_711] : memref<125000x8x64xf32, #tpu.memory_space<hbm>> -> memref<1x8x64xf32, #tpu.memory_space<hbm>>
      %dma_start3A_713 = tpu.memref_squeeze %dma_start3A_712 : memref<1x8x64xf32, #tpu.memory_space<hbm>> -> memref<8x64xf32, #tpu.memory_space<hbm>>
      tpu.enqueue_dma source(%dma_start3A_713 : memref<8x64xf32, #tpu.memory_space<hbm>>) target(%dma_start3A_709 : memref<8x64xf32, #tpu.memory_space<vmem>>) target_semaphore(%arg18 : memref<!tpu.dma_semaphore, #tpu.memory_space<semaphore_mem>>)
      %slice3A_714 = vector.extract_strided_slice %shift_right_logical3A_632 {offsets = [2], sizes = [1], strides = [1]} : vector<16xi32> to vector<1xi32>
      %squeeze3A_715 = vector.extract %slice3A_714[0] : i32 from vector<1xi32>
      %dma_start3A_716 = arith.constant 2 : i32
      %dma_start3A_717 = arith.constant 0 : i32
      %dma_start3A_718 = arith.constant 0 : i32
      %dma_start3A_719 = tpu.memref_slice %arg11[%dma_start3A_716, %dma_start3A_717, %dma_start3A_718] : memref<16x8x64xf32, #tpu.memory_space<vmem>> -> memref<1x8x64xf32, #tpu.memory_space<vmem>>
      %dma_start3A_720 = tpu.memref_squeeze %dma_start3A_719 : memref<1x8x64xf32, #tpu.memory_space<vmem>> -> memref<8x64xf32, #tpu.memory_space<vmem>>
      %dma_start3A_721 = arith.constant 0 : i32
      %dma_start3A_722 = arith.constant 0 : i32
      %dma_start3A_723 = tpu.memref_slice %arg4[%squeeze3A_715, %dma_start3A_721, %dma_start3A_722] : memref<125000x8x64xf32, #tpu.memory_space<hbm>> -> memref<1x8x64xf32, #tpu.memory_space<hbm>>
      %dma_start3A_724 = tpu.memref_squeeze %dma_start3A_723 : memref<1x8x64xf32, #tpu.memory_space<hbm>> -> memref<8x64xf32, #tpu.memory_space<hbm>>
      %dma_start3A_725 = arith.constant 0 : i32
      %dma_start3A_726 = arith.constant 0 : i32
      %dma_start3A_727 = tpu.memref_slice %arg11[%dma_start3A_716, %dma_start3A_725, %dma_start3A_726] : memref<16x8x64xf32, #tpu.memory_space<vmem>> -> memref<1x8x64xf32, #tpu.memory_space<vmem>>
      %dma_start3A_728 = tpu.memref_squeeze %dma_start3A_727 : memref<1x8x64xf32, #tpu.memory_space<vmem>> -> memref<8x64xf32, #tpu.memory_space<vmem>>
      %dma_start3A_729 = arith.constant 0 : i32
      %dma_start3A_730 = arith.constant 0 : i32
      %dma_start3A_731 = tpu.memref_slice %arg4[%squeeze3A_715, %dma_start3A_729, %dma_start3A_730] : memref<125000x8x64xf32, #tpu.memory_space<hbm>> -> memref<1x8x64xf32, #tpu.memory_space<hbm>>
      %dma_start3A_732 = tpu.memref_squeeze %dma_start3A_731 : memref<1x8x64xf32, #tpu.memory_space<hbm>> -> memref<8x64xf32, #tpu.memory_space<hbm>>
      tpu.enqueue_dma source(%dma_start3A_732 : memref<8x64xf32, #tpu.memory_space<hbm>>) target(%dma_start3A_728 : memref<8x64xf32, #tpu.memory_space<vmem>>) target_semaphore(%arg17 : memref<!tpu.dma_semaphore, #tpu.memory_space<semaphore_mem>>)
      %slice3A_733 = vector.extract_strided_slice %shift_right_logical3A_637 {offsets = [2], sizes = [1], strides = [1]} : vector<16xi32> to vector<1xi32>
      %squeeze3A_734 = vector.extract %slice3A_733[0] : i32 from vector<1xi32>
      %dma_start3A_735 = arith.constant 2 : i32
      %dma_start3A_736 = arith.constant 0 : i32
      %dma_start3A_737 = arith.constant 0 : i32
      %dma_start3A_738 = tpu.memref_slice %arg12[%dma_start3A_735, %dma_start3A_736, %dma_start3A_737] : memref<16x8x64xf32, #tpu.memory_space<vmem>> -> memref<1x8x64xf32, #tpu.memory_space<vmem>>
      %dma_start3A_739 = tpu.memref_squeeze %dma_start3A_738 : memref<1x8x64xf32, #tpu.memory_space<vmem>> -> memref<8x64xf32, #tpu.memory_space<vmem>>
      %dma_start3A_740 = arith.constant 0 : i32
      %dma_start3A_741 = arith.constant 0 : i32
      %dma_start3A_742 = tpu.memref_slice %arg5[%squeeze3A_734, %dma_start3A_740, %dma_start3A_741] : memref<125000x8x64xf32, #tpu.memory_space<hbm>> -> memref<1x8x64xf32, #tpu.memory_space<hbm>>
      %dma_start3A_743 = tpu.memref_squeeze %dma_start3A_742 : memref<1x8x64xf32, #tpu.memory_space<hbm>> -> memref<8x64xf32, #tpu.memory_space<hbm>>
      %dma_start3A_744 = arith.constant 0 : i32
      %dma_start3A_745 = arith.constant 0 : i32
      %dma_start3A_746 = tpu.memref_slice %arg12[%dma_start3A_735, %dma_start3A_744, %dma_start3A_745] : memref<16x8x64xf32, #tpu.memory_space<vmem>> -> memref<1x8x64xf32, #tpu.memory_space<vmem>>
      %dma_start3A_747 = tpu.memref_squeeze %dma_start3A_746 : memref<1x8x64xf32, #tpu.memory_space<vmem>> -> memref<8x64xf32, #tpu.memory_space<vmem>>
      %dma_start3A_748 = arith.constant 0 : i32
      %dma_start3A_749 = arith.constant 0 : i32
      %dma_start3A_750 = tpu.memref_slice %arg5[%squeeze3A_734, %dma_start3A_748, %dma_start3A_749] : memref<125000x8x64xf32, #tpu.memory_space<hbm>> -> memref<1x8x64xf32, #tpu.memory_space<hbm>>
      %dma_start3A_751 = tpu.memref_squeeze %dma_start3A_750 : memref<1x8x64xf32, #tpu.memory_space<hbm>> -> memref<8x64xf32, #tpu.memory_space<hbm>>
      tpu.enqueue_dma source(%dma_start3A_751 : memref<8x64xf32, #tpu.memory_space<hbm>>) target(%dma_start3A_747 : memref<8x64xf32, #tpu.memory_space<vmem>>) target_semaphore(%arg18 : memref<!tpu.dma_semaphore, #tpu.memory_space<semaphore_mem>>)
      %slice3A_752 = vector.extract_strided_slice %shift_right_logical3A_632 {offsets = [3], sizes = [1], strides = [1]} : vector<16xi32> to vector<1xi32>
      %squeeze3A_753 = vector.extract %slice3A_752[0] : i32 from vector<1xi32>
      %dma_start3A_754 = arith.constant 3 : i32
      %dma_start3A_755 = arith.constant 0 : i32
      %dma_start3A_756 = arith.constant 0 : i32
      %dma_start3A_757 = tpu.memref_slice %arg11[%dma_start3A_754, %dma_start3A_755, %dma_start3A_756] : memref<16x8x64xf32, #tpu.memory_space<vmem>> -> memref<1x8x64xf32, #tpu.memory_space<vmem>>
      %dma_start3A_758 = tpu.memref_squeeze %dma_start3A_757 : memref<1x8x64xf32, #tpu.memory_space<vmem>> -> memref<8x64xf32, #tpu.memory_space<vmem>>
      %dma_start3A_759 = arith.constant 0 : i32
      %dma_start3A_760 = arith.constant 0 : i32
      %dma_start3A_761 = tpu.memref_slice %arg4[%squeeze3A_753, %dma_start3A_759, %dma_start3A_760] : memref<125000x8x64xf32, #tpu.memory_space<hbm>> -> memref<1x8x64xf32, #tpu.memory_space<hbm>>
      %dma_start3A_762 = tpu.memref_squeeze %dma_start3A_761 : memref<1x8x64xf32, #tpu.memory_space<hbm>> -> memref<8x64xf32, #tpu.memory_space<hbm>>
      %dma_start3A_763 = arith.constant 0 : i32
      %dma_start3A_764 = arith.constant 0 : i32
      %dma_start3A_765 = tpu.memref_slice %arg11[%dma_start3A_754, %dma_start3A_763, %dma_start3A_764] : memref<16x8x64xf32, #tpu.memory_space<vmem>> -> memref<1x8x64xf32, #tpu.memory_space<vmem>>
      %dma_start3A_766 = tpu.memref_squeeze %dma_start3A_765 : memref<1x8x64xf32, #tpu.memory_space<vmem>> -> memref<8x64xf32, #tpu.memory_space<vmem>>
      %dma_start3A_767 = arith.constant 0 : i32
      %dma_start3A_768 = arith.constant 0 : i32
      %dma_start3A_769 = tpu.memref_slice %arg4[%squeeze3A_753, %dma_start3A_767, %dma_start3A_768] : memref<125000x8x64xf32, #tpu.memory_space<hbm>> -> memref<1x8x64xf32, #tpu.memory_space<hbm>>
      %dma_start3A_770 = tpu.memref_squeeze %dma_start3A_769 : memref<1x8x64xf32, #tpu.memory_space<hbm>> -> memref<8x64xf32, #tpu.memory_space<hbm>>
      tpu.enqueue_dma source(%dma_start3A_770 : memref<8x64xf32, #tpu.memory_space<hbm>>) target(%dma_start3A_766 : memref<8x64xf32, #tpu.memory_space<vmem>>) target_semaphore(%arg17 : memref<!tpu.dma_semaphore, #tpu.memory_space<semaphore_mem>>)
      %slice3A_771 = vector.extract_strided_slice %shift_right_logical3A_637 {offsets = [3], sizes = [1], strides = [1]} : vector<16xi32> to vector<1xi32>
      %squeeze3A_772 = vector.extract %slice3A_771[0] : i32 from vector<1xi32>
      %dma_start3A_773 = arith.constant 3 : i32
      %dma_start3A_774 = arith.constant 0 : i32
      %dma_start3A_775 = arith.constant 0 : i32
      %dma_start3A_776 = tpu.memref_slice %arg12[%dma_start3A_773, %dma_start3A_774, %dma_start3A_775] : memref<16x8x64xf32, #tpu.memory_space<vmem>> -> memref<1x8x64xf32, #tpu.memory_space<vmem>>
      %dma_start3A_777 = tpu.memref_squeeze %dma_start3A_776 : memref<1x8x64xf32, #tpu.memory_space<vmem>> -> memref<8x64xf32, #tpu.memory_space<vmem>>
      %dma_start3A_778 = arith.constant 0 : i32
      %dma_start3A_779 = arith.constant 0 : i32
      %dma_start3A_780 = tpu.memref_slice %arg5[%squeeze3A_772, %dma_start3A_778, %dma_start3A_779] : memref<125000x8x64xf32, #tpu.memory_space<hbm>> -> memref<1x8x64xf32, #tpu.memory_space<hbm>>
      %dma_start3A_781 = tpu.memref_squeeze %dma_start3A_780 : memref<1x8x64xf32, #tpu.memory_space<hbm>> -> memref<8x64xf32, #tpu.memory_space<hbm>>
      %dma_start3A_782 = arith.constant 0 : i32
      %dma_start3A_783 = arith.constant 0 : i32
      %dma_start3A_784 = tpu.memref_slice %arg12[%dma_start3A_773, %dma_start3A_782, %dma_start3A_783] : memref<16x8x64xf32, #tpu.memory_space<vmem>> -> memref<1x8x64xf32, #tpu.memory_space<vmem>>
      %dma_start3A_785 = tpu.memref_squeeze %dma_start3A_784 : memref<1x8x64xf32, #tpu.memory_space<vmem>> -> memref<8x64xf32, #tpu.memory_space<vmem>>
      %dma_start3A_786 = arith.constant 0 : i32
      %dma_start3A_787 = arith.constant 0 : i32
      %dma_start3A_788 = tpu.memref_slice %arg5[%squeeze3A_772, %dma_start3A_786, %dma_start3A_787] : memref<125000x8x64xf32, #tpu.memory_space<hbm>> -> memref<1x8x64xf32, #tpu.memory_space<hbm>>
      %dma_start3A_789 = tpu.memref_squeeze %dma_start3A_788 : memref<1x8x64xf32, #tpu.memory_space<hbm>> -> memref<8x64xf32, #tpu.memory_space<hbm>>
      tpu.enqueue_dma source(%dma_start3A_789 : memref<8x64xf32, #tpu.memory_space<hbm>>) target(%dma_start3A_785 : memref<8x64xf32, #tpu.memory_space<vmem>>) target_semaphore(%arg18 : memref<!tpu.dma_semaphore, #tpu.memory_space<semaphore_mem>>)
      %slice3A_790 = vector.extract_strided_slice %shift_right_logical3A_632 {offsets = [4], sizes = [1], strides = [1]} : vector<16xi32> to vector<1xi32>
      %squeeze3A_791 = vector.extract %slice3A_790[0] : i32 from vector<1xi32>
      %dma_start3A_792 = arith.constant 4 : i32
      %dma_start3A_793 = arith.constant 0 : i32
      %dma_start3A_794 = arith.constant 0 : i32
      %dma_start3A_795 = tpu.memref_slice %arg11[%dma_start3A_792, %dma_start3A_793, %dma_start3A_794] : memref<16x8x64xf32, #tpu.memory_space<vmem>> -> memref<1x8x64xf32, #tpu.memory_space<vmem>>
      %dma_start3A_796 = tpu.memref_squeeze %dma_start3A_795 : memref<1x8x64xf32, #tpu.memory_space<vmem>> -> memref<8x64xf32, #tpu.memory_space<vmem>>
      %dma_start3A_797 = arith.constant 0 : i32
      %dma_start3A_798 = arith.constant 0 : i32
      %dma_start3A_799 = tpu.memref_slice %arg4[%squeeze3A_791, %dma_start3A_797, %dma_start3A_798] : memref<125000x8x64xf32, #tpu.memory_space<hbm>> -> memref<1x8x64xf32, #tpu.memory_space<hbm>>
      %dma_start3A_800 = tpu.memref_squeeze %dma_start3A_799 : memref<1x8x64xf32, #tpu.memory_space<hbm>> -> memref<8x64xf32, #tpu.memory_space<hbm>>
      %dma_start3A_801 = arith.constant 0 : i32
      %dma_start3A_802 = arith.constant 0 : i32
      %dma_start3A_803 = tpu.memref_slice %arg11[%dma_start3A_792, %dma_start3A_801, %dma_start3A_802] : memref<16x8x64xf32, #tpu.memory_space<vmem>> -> memref<1x8x64xf32, #tpu.memory_space<vmem>>
      %dma_start3A_804 = tpu.memref_squeeze %dma_start3A_803 : memref<1x8x64xf32, #tpu.memory_space<vmem>> -> memref<8x64xf32, #tpu.memory_space<vmem>>
      %dma_start3A_805 = arith.constant 0 : i32
      %dma_start3A_806 = arith.constant 0 : i32
      %dma_start3A_807 = tpu.memref_slice %arg4[%squeeze3A_791, %dma_start3A_805, %dma_start3A_806] : memref<125000x8x64xf32, #tpu.memory_space<hbm>> -> memref<1x8x64xf32, #tpu.memory_space<hbm>>
      %dma_start3A_808 = tpu.memref_squeeze %dma_start3A_807 : memref<1x8x64xf32, #tpu.memory_space<hbm>> -> memref<8x64xf32, #tpu.memory_space<hbm>>
      tpu.enqueue_dma source(%dma_start3A_808 : memref<8x64xf32, #tpu.memory_space<hbm>>) target(%dma_start3A_804 : memref<8x64xf32, #tpu.memory_space<vmem>>) target_semaphore(%arg17 : memref<!tpu.dma_semaphore, #tpu.memory_space<semaphore_mem>>)
      %slice3A_809 = vector.extract_strided_slice %shift_right_logical3A_637 {offsets = [4], sizes = [1], strides = [1]} : vector<16xi32> to vector<1xi32>
      %squeeze3A_810 = vector.extract %slice3A_809[0] : i32 from vector<1xi32>
      %dma_start3A_811 = arith.constant 4 : i32
      %dma_start3A_812 = arith.constant 0 : i32
      %dma_start3A_813 = arith.constant 0 : i32
      %dma_start3A_814 = tpu.memref_slice %arg12[%dma_start3A_811, %dma_start3A_812, %dma_start3A_813] : memref<16x8x64xf32, #tpu.memory_space<vmem>> -> memref<1x8x64xf32, #tpu.memory_space<vmem>>
      %dma_start3A_815 = tpu.memref_squeeze %dma_start3A_814 : memref<1x8x64xf32, #tpu.memory_space<vmem>> -> memref<8x64xf32, #tpu.memory_space<vmem>>
      %dma_start3A_816 = arith.constant 0 : i32
      %dma_start3A_817 = arith.constant 0 : i32
      %dma_start3A_818 = tpu.memref_slice %arg5[%squeeze3A_810, %dma_start3A_816, %dma_start3A_817] : memref<125000x8x64xf32, #tpu.memory_space<hbm>> -> memref<1x8x64xf32, #tpu.memory_space<hbm>>
      %dma_start3A_819 = tpu.memref_squeeze %dma_start3A_818 : memref<1x8x64xf32, #tpu.memory_space<hbm>> -> memref<8x64xf32, #tpu.memory_space<hbm>>
      %dma_start3A_820 = arith.constant 0 : i32
      %dma_start3A_821 = arith.constant 0 : i32
      %dma_start3A_822 = tpu.memref_slice %arg12[%dma_start3A_811, %dma_start3A_820, %dma_start3A_821] : memref<16x8x64xf32, #tpu.memory_space<vmem>> -> memref<1x8x64xf32, #tpu.memory_space<vmem>>
      %dma_start3A_823 = tpu.memref_squeeze %dma_start3A_822 : memref<1x8x64xf32, #tpu.memory_space<vmem>> -> memref<8x64xf32, #tpu.memory_space<vmem>>
      %dma_start3A_824 = arith.constant 0 : i32
      %dma_start3A_825 = arith.constant 0 : i32
      %dma_start3A_826 = tpu.memref_slice %arg5[%squeeze3A_810, %dma_start3A_824, %dma_start3A_825] : memref<125000x8x64xf32, #tpu.memory_space<hbm>> -> memref<1x8x64xf32, #tpu.memory_space<hbm>>
      %dma_start3A_827 = tpu.memref_squeeze %dma_start3A_826 : memref<1x8x64xf32, #tpu.memory_space<hbm>> -> memref<8x64xf32, #tpu.memory_space<hbm>>
      tpu.enqueue_dma source(%dma_start3A_827 : memref<8x64xf32, #tpu.memory_space<hbm>>) target(%dma_start3A_823 : memref<8x64xf32, #tpu.memory_space<vmem>>) target_semaphore(%arg18 : memref<!tpu.dma_semaphore, #tpu.memory_space<semaphore_mem>>)
      %slice3A_828 = vector.extract_strided_slice %shift_right_logical3A_632 {offsets = [5], sizes = [1], strides = [1]} : vector<16xi32> to vector<1xi32>
      %squeeze3A_829 = vector.extract %slice3A_828[0] : i32 from vector<1xi32>
      %dma_start3A_830 = arith.constant 5 : i32
      %dma_start3A_831 = arith.constant 0 : i32
      %dma_start3A_832 = arith.constant 0 : i32
      %dma_start3A_833 = tpu.memref_slice %arg11[%dma_start3A_830, %dma_start3A_831, %dma_start3A_832] : memref<16x8x64xf32, #tpu.memory_space<vmem>> -> memref<1x8x64xf32, #tpu.memory_space<vmem>>
      %dma_start3A_834 = tpu.memref_squeeze %dma_start3A_833 : memref<1x8x64xf32, #tpu.memory_space<vmem>> -> memref<8x64xf32, #tpu.memory_space<vmem>>
      %dma_start3A_835 = arith.constant 0 : i32
      %dma_start3A_836 = arith.constant 0 : i32
      %dma_start3A_837 = tpu.memref_slice %arg4[%squeeze3A_829, %dma_start3A_835, %dma_start3A_836] : memref<125000x8x64xf32, #tpu.memory_space<hbm>> -> memref<1x8x64xf32, #tpu.memory_space<hbm>>
      %dma_start3A_838 = tpu.memref_squeeze %dma_start3A_837 : memref<1x8x64xf32, #tpu.memory_space<hbm>> -> memref<8x64xf32, #tpu.memory_space<hbm>>
      %dma_start3A_839 = arith.constant 0 : i32
      %dma_start3A_840 = arith.constant 0 : i32
      %dma_start3A_841 = tpu.memref_slice %arg11[%dma_start3A_830, %dma_start3A_839, %dma_start3A_840] : memref<16x8x64xf32, #tpu.memory_space<vmem>> -> memref<1x8x64xf32, #tpu.memory_space<vmem>>
      %dma_start3A_842 = tpu.memref_squeeze %dma_start3A_841 : memref<1x8x64xf32, #tpu.memory_space<vmem>> -> memref<8x64xf32, #tpu.memory_space<vmem>>
      %dma_start3A_843 = arith.constant 0 : i32
      %dma_start3A_844 = arith.constant 0 : i32
      %dma_start3A_845 = tpu.memref_slice %arg4[%squeeze3A_829, %dma_start3A_843, %dma_start3A_844] : memref<125000x8x64xf32, #tpu.memory_space<hbm>> -> memref<1x8x64xf32, #tpu.memory_space<hbm>>
      %dma_start3A_846 = tpu.memref_squeeze %dma_start3A_845 : memref<1x8x64xf32, #tpu.memory_space<hbm>> -> memref<8x64xf32, #tpu.memory_space<hbm>>
      tpu.enqueue_dma source(%dma_start3A_846 : memref<8x64xf32, #tpu.memory_space<hbm>>) target(%dma_start3A_842 : memref<8x64xf32, #tpu.memory_space<vmem>>) target_semaphore(%arg17 : memref<!tpu.dma_semaphore, #tpu.memory_space<semaphore_mem>>)
      %slice3A_847 = vector.extract_strided_slice %shift_right_logical3A_637 {offsets = [5], sizes = [1], strides = [1]} : vector<16xi32> to vector<1xi32>
      %squeeze3A_848 = vector.extract %slice3A_847[0] : i32 from vector<1xi32>
      %dma_start3A_849 = arith.constant 5 : i32
      %dma_start3A_850 = arith.constant 0 : i32
      %dma_start3A_851 = arith.constant 0 : i32
      %dma_start3A_852 = tpu.memref_slice %arg12[%dma_start3A_849, %dma_start3A_850, %dma_start3A_851] : memref<16x8x64xf32, #tpu.memory_space<vmem>> -> memref<1x8x64xf32, #tpu.memory_space<vmem>>
      %dma_start3A_853 = tpu.memref_squeeze %dma_start3A_852 : memref<1x8x64xf32, #tpu.memory_space<vmem>> -> memref<8x64xf32, #tpu.memory_space<vmem>>
      %dma_start3A_854 = arith.constant 0 : i32
      %dma_start3A_855 = arith.constant 0 : i32
      %dma_start3A_856 = tpu.memref_slice %arg5[%squeeze3A_848, %dma_start3A_854, %dma_start3A_855] : memref<125000x8x64xf32, #tpu.memory_space<hbm>> -> memref<1x8x64xf32, #tpu.memory_space<hbm>>
      %dma_start3A_857 = tpu.memref_squeeze %dma_start3A_856 : memref<1x8x64xf32, #tpu.memory_space<hbm>> -> memref<8x64xf32, #tpu.memory_space<hbm>>
      %dma_start3A_858 = arith.constant 0 : i32
      %dma_start3A_859 = arith.constant 0 : i32
      %dma_start3A_860 = tpu.memref_slice %arg12[%dma_start3A_849, %dma_start3A_858, %dma_start3A_859] : memref<16x8x64xf32, #tpu.memory_space<vmem>> -> memref<1x8x64xf32, #tpu.memory_space<vmem>>
      %dma_start3A_861 = tpu.memref_squeeze %dma_start3A_860 : memref<1x8x64xf32, #tpu.memory_space<vmem>> -> memref<8x64xf32, #tpu.memory_space<vmem>>
      %dma_start3A_862 = arith.constant 0 : i32
      %dma_start3A_863 = arith.constant 0 : i32
      %dma_start3A_864 = tpu.memref_slice %arg5[%squeeze3A_848, %dma_start3A_862, %dma_start3A_863] : memref<125000x8x64xf32, #tpu.memory_space<hbm>> -> memref<1x8x64xf32, #tpu.memory_space<hbm>>
      %dma_start3A_865 = tpu.memref_squeeze %dma_start3A_864 : memref<1x8x64xf32, #tpu.memory_space<hbm>> -> memref<8x64xf32, #tpu.memory_space<hbm>>
      tpu.enqueue_dma source(%dma_start3A_865 : memref<8x64xf32, #tpu.memory_space<hbm>>) target(%dma_start3A_861 : memref<8x64xf32, #tpu.memory_space<vmem>>) target_semaphore(%arg18 : memref<!tpu.dma_semaphore, #tpu.memory_space<semaphore_mem>>)
      %slice3A_866 = vector.extract_strided_slice %shift_right_logical3A_632 {offsets = [6], sizes = [1], strides = [1]} : vector<16xi32> to vector<1xi32>
      %squeeze3A_867 = vector.extract %slice3A_866[0] : i32 from vector<1xi32>
      %dma_start3A_868 = arith.constant 6 : i32
      %dma_start3A_869 = arith.constant 0 : i32
      %dma_start3A_870 = arith.constant 0 : i32
      %dma_start3A_871 = tpu.memref_slice %arg11[%dma_start3A_868, %dma_start3A_869, %dma_start3A_870] : memref<16x8x64xf32, #tpu.memory_space<vmem>> -> memref<1x8x64xf32, #tpu.memory_space<vmem>>
      %dma_start3A_872 = tpu.memref_squeeze %dma_start3A_871 : memref<1x8x64xf32, #tpu.memory_space<vmem>> -> memref<8x64xf32, #tpu.memory_space<vmem>>
      %dma_start3A_873 = arith.constant 0 : i32
      %dma_start3A_874 = arith.constant 0 : i32
      %dma_start3A_875 = tpu.memref_slice %arg4[%squeeze3A_867, %dma_start3A_873, %dma_start3A_874] : memref<125000x8x64xf32, #tpu.memory_space<hbm>> -> memref<1x8x64xf32, #tpu.memory_space<hbm>>
      %dma_start3A_876 = tpu.memref_squeeze %dma_start3A_875 : memref<1x8x64xf32, #tpu.memory_space<hbm>> -> memref<8x64xf32, #tpu.memory_space<hbm>>
      %dma_start3A_877 = arith.constant 0 : i32
      %dma_start3A_878 = arith.constant 0 : i32
      %dma_start3A_879 = tpu.memref_slice %arg11[%dma_start3A_868, %dma_start3A_877, %dma_start3A_878] : memref<16x8x64xf32, #tpu.memory_space<vmem>> -> memref<1x8x64xf32, #tpu.memory_space<vmem>>
      %dma_start3A_880 = tpu.memref_squeeze %dma_start3A_879 : memref<1x8x64xf32, #tpu.memory_space<vmem>> -> memref<8x64xf32, #tpu.memory_space<vmem>>
      %dma_start3A_881 = arith.constant 0 : i32
      %dma_start3A_882 = arith.constant 0 : i32
      %dma_start3A_883 = tpu.memref_slice %arg4[%squeeze3A_867, %dma_start3A_881, %dma_start3A_882] : memref<125000x8x64xf32, #tpu.memory_space<hbm>> -> memref<1x8x64xf32, #tpu.memory_space<hbm>>
      %dma_start3A_884 = tpu.memref_squeeze %dma_start3A_883 : memref<1x8x64xf32, #tpu.memory_space<hbm>> -> memref<8x64xf32, #tpu.memory_space<hbm>>
      tpu.enqueue_dma source(%dma_start3A_884 : memref<8x64xf32, #tpu.memory_space<hbm>>) target(%dma_start3A_880 : memref<8x64xf32, #tpu.memory_space<vmem>>) target_semaphore(%arg17 : memref<!tpu.dma_semaphore, #tpu.memory_space<semaphore_mem>>)
      %slice3A_885 = vector.extract_strided_slice %shift_right_logical3A_637 {offsets = [6], sizes = [1], strides = [1]} : vector<16xi32> to vector<1xi32>
      %squeeze3A_886 = vector.extract %slice3A_885[0] : i32 from vector<1xi32>
      %dma_start3A_887 = arith.constant 6 : i32
      %dma_start3A_888 = arith.constant 0 : i32
      %dma_start3A_889 = arith.constant 0 : i32
      %dma_start3A_890 = tpu.memref_slice %arg12[%dma_start3A_887, %dma_start3A_888, %dma_start3A_889] : memref<16x8x64xf32, #tpu.memory_space<vmem>> -> memref<1x8x64xf32, #tpu.memory_space<vmem>>
      %dma_start3A_891 = tpu.memref_squeeze %dma_start3A_890 : memref<1x8x64xf32, #tpu.memory_space<vmem>> -> memref<8x64xf32, #tpu.memory_space<vmem>>
      %dma_start3A_892 = arith.constant 0 : i32
      %dma_start3A_893 = arith.constant 0 : i32
      %dma_start3A_894 = tpu.memref_slice %arg5[%squeeze3A_886, %dma_start3A_892, %dma_start3A_893] : memref<125000x8x64xf32, #tpu.memory_space<hbm>> -> memref<1x8x64xf32, #tpu.memory_space<hbm>>
      %dma_start3A_895 = tpu.memref_squeeze %dma_start3A_894 : memref<1x8x64xf32, #tpu.memory_space<hbm>> -> memref<8x64xf32, #tpu.memory_space<hbm>>
      %dma_start3A_896 = arith.constant 0 : i32
      %dma_start3A_897 = arith.constant 0 : i32
      %dma_start3A_898 = tpu.memref_slice %arg12[%dma_start3A_887, %dma_start3A_896, %dma_start3A_897] : memref<16x8x64xf32, #tpu.memory_space<vmem>> -> memref<1x8x64xf32, #tpu.memory_space<vmem>>
      %dma_start3A_899 = tpu.memref_squeeze %dma_start3A_898 : memref<1x8x64xf32, #tpu.memory_space<vmem>> -> memref<8x64xf32, #tpu.memory_space<vmem>>
      %dma_start3A_900 = arith.constant 0 : i32
      %dma_start3A_901 = arith.constant 0 : i32
      %dma_start3A_902 = tpu.memref_slice %arg5[%squeeze3A_886, %dma_start3A_900, %dma_start3A_901] : memref<125000x8x64xf32, #tpu.memory_space<hbm>> -> memref<1x8x64xf32, #tpu.memory_space<hbm>>
      %dma_start3A_903 = tpu.memref_squeeze %dma_start3A_902 : memref<1x8x64xf32, #tpu.memory_space<hbm>> -> memref<8x64xf32, #tpu.memory_space<hbm>>
      tpu.enqueue_dma source(%dma_start3A_903 : memref<8x64xf32, #tpu.memory_space<hbm>>) target(%dma_start3A_899 : memref<8x64xf32, #tpu.memory_space<vmem>>) target_semaphore(%arg18 : memref<!tpu.dma_semaphore, #tpu.memory_space<semaphore_mem>>)
      %slice3A_904 = vector.extract_strided_slice %shift_right_logical3A_632 {offsets = [7], sizes = [1], strides = [1]} : vector<16xi32> to vector<1xi32>
      %squeeze3A_905 = vector.extract %slice3A_904[0] : i32 from vector<1xi32>
      %dma_start3A_906 = arith.constant 7 : i32
      %dma_start3A_907 = arith.constant 0 : i32
      %dma_start3A_908 = arith.constant 0 : i32
      %dma_start3A_909 = tpu.memref_slice %arg11[%dma_start3A_906, %dma_start3A_907, %dma_start3A_908] : memref<16x8x64xf32, #tpu.memory_space<vmem>> -> memref<1x8x64xf32, #tpu.memory_space<vmem>>
      %dma_start3A_910 = tpu.memref_squeeze %dma_start3A_909 : memref<1x8x64xf32, #tpu.memory_space<vmem>> -> memref<8x64xf32, #tpu.memory_space<vmem>>
      %dma_start3A_911 = arith.constant 0 : i32
      %dma_start3A_912 = arith.constant 0 : i32
      %dma_start3A_913 = tpu.memref_slice %arg4[%squeeze3A_905, %dma_start3A_911, %dma_start3A_912] : memref<125000x8x64xf32, #tpu.memory_space<hbm>> -> memref<1x8x64xf32, #tpu.memory_space<hbm>>
      %dma_start3A_914 = tpu.memref_squeeze %dma_start3A_913 : memref<1x8x64xf32, #tpu.memory_space<hbm>> -> memref<8x64xf32, #tpu.memory_space<hbm>>
      %dma_start3A_915 = arith.constant 0 : i32
      %dma_start3A_916 = arith.constant 0 : i32
      %dma_start3A_917 = tpu.memref_slice %arg11[%dma_start3A_906, %dma_start3A_915, %dma_start3A_916] : memref<16x8x64xf32, #tpu.memory_space<vmem>> -> memref<1x8x64xf32, #tpu.memory_space<vmem>>
      %dma_start3A_918 = tpu.memref_squeeze %dma_start3A_917 : memref<1x8x64xf32, #tpu.memory_space<vmem>> -> memref<8x64xf32, #tpu.memory_space<vmem>>
      %dma_start3A_919 = arith.constant 0 : i32
      %dma_start3A_920 = arith.constant 0 : i32
      %dma_start3A_921 = tpu.memref_slice %arg4[%squeeze3A_905, %dma_start3A_919, %dma_start3A_920] : memref<125000x8x64xf32, #tpu.memory_space<hbm>> -> memref<1x8x64xf32, #tpu.memory_space<hbm>>
      %dma_start3A_922 = tpu.memref_squeeze %dma_start3A_921 : memref<1x8x64xf32, #tpu.memory_space<hbm>> -> memref<8x64xf32, #tpu.memory_space<hbm>>
      tpu.enqueue_dma source(%dma_start3A_922 : memref<8x64xf32, #tpu.memory_space<hbm>>) target(%dma_start3A_918 : memref<8x64xf32, #tpu.memory_space<vmem>>) target_semaphore(%arg17 : memref<!tpu.dma_semaphore, #tpu.memory_space<semaphore_mem>>)
      %slice3A_923 = vector.extract_strided_slice %shift_right_logical3A_637 {offsets = [7], sizes = [1], strides = [1]} : vector<16xi32> to vector<1xi32>
      %squeeze3A_924 = vector.extract %slice3A_923[0] : i32 from vector<1xi32>
      %dma_start3A_925 = arith.constant 7 : i32
      %dma_start3A_926 = arith.constant 0 : i32
      %dma_start3A_927 = arith.constant 0 : i32
      %dma_start3A_928 = tpu.memref_slice %arg12[%dma_start3A_925, %dma_start3A_926, %dma_start3A_927] : memref<16x8x64xf32, #tpu.memory_space<vmem>> -> memref<1x8x64xf32, #tpu.memory_space<vmem>>
      %dma_start3A_929 = tpu.memref_squeeze %dma_start3A_928 : memref<1x8x64xf32, #tpu.memory_space<vmem>> -> memref<8x64xf32, #tpu.memory_space<vmem>>
      %dma_start3A_930 = arith.constant 0 : i32
      %dma_start3A_931 = arith.constant 0 : i32
      %dma_start3A_932 = tpu.memref_slice %arg5[%squeeze3A_924, %dma_start3A_930, %dma_start3A_931] : memref<125000x8x64xf32, #tpu.memory_space<hbm>> -> memref<1x8x64xf32, #tpu.memory_space<hbm>>
      %dma_start3A_933 = tpu.memref_squeeze %dma_start3A_932 : memref<1x8x64xf32, #tpu.memory_space<hbm>> -> memref<8x64xf32, #tpu.memory_space<hbm>>
      %dma_start3A_934 = arith.constant 0 : i32
      %dma_start3A_935 = arith.constant 0 : i32
      %dma_start3A_936 = tpu.memref_slice %arg12[%dma_start3A_925, %dma_start3A_934, %dma_start3A_935] : memref<16x8x64xf32, #tpu.memory_space<vmem>> -> memref<1x8x64xf32, #tpu.memory_space<vmem>>
      %dma_start3A_937 = tpu.memref_squeeze %dma_start3A_936 : memref<1x8x64xf32, #tpu.memory_space<vmem>> -> memref<8x64xf32, #tpu.memory_space<vmem>>
      %dma_start3A_938 = arith.constant 0 : i32
      %dma_start3A_939 = arith.constant 0 : i32
      %dma_start3A_940 = tpu.memref_slice %arg5[%squeeze3A_924, %dma_start3A_938, %dma_start3A_939] : memref<125000x8x64xf32, #tpu.memory_space<hbm>> -> memref<1x8x64xf32, #tpu.memory_space<hbm>>
      %dma_start3A_941 = tpu.memref_squeeze %dma_start3A_940 : memref<1x8x64xf32, #tpu.memory_space<hbm>> -> memref<8x64xf32, #tpu.memory_space<hbm>>
      tpu.enqueue_dma source(%dma_start3A_941 : memref<8x64xf32, #tpu.memory_space<hbm>>) target(%dma_start3A_937 : memref<8x64xf32, #tpu.memory_space<vmem>>) target_semaphore(%arg18 : memref<!tpu.dma_semaphore, #tpu.memory_space<semaphore_mem>>)
      %slice3A_942 = vector.extract_strided_slice %shift_right_logical3A_632 {offsets = [8], sizes = [1], strides = [1]} : vector<16xi32> to vector<1xi32>
      %squeeze3A_943 = vector.extract %slice3A_942[0] : i32 from vector<1xi32>
      %dma_start3A_944 = arith.constant 8 : i32
      %dma_start3A_945 = arith.constant 0 : i32
      %dma_start3A_946 = arith.constant 0 : i32
      %dma_start3A_947 = tpu.memref_slice %arg11[%dma_start3A_944, %dma_start3A_945, %dma_start3A_946] : memref<16x8x64xf32, #tpu.memory_space<vmem>> -> memref<1x8x64xf32, #tpu.memory_space<vmem>>
      %dma_start3A_948 = tpu.memref_squeeze %dma_start3A_947 : memref<1x8x64xf32, #tpu.memory_space<vmem>> -> memref<8x64xf32, #tpu.memory_space<vmem>>
      %dma_start3A_949 = arith.constant 0 : i32
      %dma_start3A_950 = arith.constant 0 : i32
      %dma_start3A_951 = tpu.memref_slice %arg4[%squeeze3A_943, %dma_start3A_949, %dma_start3A_950] : memref<125000x8x64xf32, #tpu.memory_space<hbm>> -> memref<1x8x64xf32, #tpu.memory_space<hbm>>
      %dma_start3A_952 = tpu.memref_squeeze %dma_start3A_951 : memref<1x8x64xf32, #tpu.memory_space<hbm>> -> memref<8x64xf32, #tpu.memory_space<hbm>>
      %dma_start3A_953 = arith.constant 0 : i32
      %dma_start3A_954 = arith.constant 0 : i32
      %dma_start3A_955 = tpu.memref_slice %arg11[%dma_start3A_944, %dma_start3A_953, %dma_start3A_954] : memref<16x8x64xf32, #tpu.memory_space<vmem>> -> memref<1x8x64xf32, #tpu.memory_space<vmem>>
      %dma_start3A_956 = tpu.memref_squeeze %dma_start3A_955 : memref<1x8x64xf32, #tpu.memory_space<vmem>> -> memref<8x64xf32, #tpu.memory_space<vmem>>
      %dma_start3A_957 = arith.constant 0 : i32
      %dma_start3A_958 = arith.constant 0 : i32
      %dma_start3A_959 = tpu.memref_slice %arg4[%squeeze3A_943, %dma_start3A_957, %dma_start3A_958] : memref<125000x8x64xf32, #tpu.memory_space<hbm>> -> memref<1x8x64xf32, #tpu.memory_space<hbm>>
      %dma_start3A_960 = tpu.memref_squeeze %dma_start3A_959 : memref<1x8x64xf32, #tpu.memory_space<hbm>> -> memref<8x64xf32, #tpu.memory_space<hbm>>
      tpu.enqueue_dma source(%dma_start3A_960 : memref<8x64xf32, #tpu.memory_space<hbm>>) target(%dma_start3A_956 : memref<8x64xf32, #tpu.memory_space<vmem>>) target_semaphore(%arg17 : memref<!tpu.dma_semaphore, #tpu.memory_space<semaphore_mem>>)
      %slice3A_961 = vector.extract_strided_slice %shift_right_logical3A_637 {offsets = [8], sizes = [1], strides = [1]} : vector<16xi32> to vector<1xi32>
      %squeeze3A_962 = vector.extract %slice3A_961[0] : i32 from vector<1xi32>
      %dma_start3A_963 = arith.constant 8 : i32
      %dma_start3A_964 = arith.constant 0 : i32
      %dma_start3A_965 = arith.constant 0 : i32
      %dma_start3A_966 = tpu.memref_slice %arg12[%dma_start3A_963, %dma_start3A_964, %dma_start3A_965] : memref<16x8x64xf32, #tpu.memory_space<vmem>> -> memref<1x8x64xf32, #tpu.memory_space<vmem>>
      %dma_start3A_967 = tpu.memref_squeeze %dma_start3A_966 : memref<1x8x64xf32, #tpu.memory_space<vmem>> -> memref<8x64xf32, #tpu.memory_space<vmem>>
      %dma_start3A_968 = arith.constant 0 : i32
      %dma_start3A_969 = arith.constant 0 : i32
      %dma_start3A_970 = tpu.memref_slice %arg5[%squeeze3A_962, %dma_start3A_968, %dma_start3A_969] : memref<125000x8x64xf32, #tpu.memory_space<hbm>> -> memref<1x8x64xf32, #tpu.memory_space<hbm>>
      %dma_start3A_971 = tpu.memref_squeeze %dma_start3A_970 : memref<1x8x64xf32, #tpu.memory_space<hbm>> -> memref<8x64xf32, #tpu.memory_space<hbm>>
      %dma_start3A_972 = arith.constant 0 : i32
      %dma_start3A_973 = arith.constant 0 : i32
      %dma_start3A_974 = tpu.memref_slice %arg12[%dma_start3A_963, %dma_start3A_972, %dma_start3A_973] : memref<16x8x64xf32, #tpu.memory_space<vmem>> -> memref<1x8x64xf32, #tpu.memory_space<vmem>>
      %dma_start3A_975 = tpu.memref_squeeze %dma_start3A_974 : memref<1x8x64xf32, #tpu.memory_space<vmem>> -> memref<8x64xf32, #tpu.memory_space<vmem>>
      %dma_start3A_976 = arith.constant 0 : i32
      %dma_start3A_977 = arith.constant 0 : i32
      %dma_start3A_978 = tpu.memref_slice %arg5[%squeeze3A_962, %dma_start3A_976, %dma_start3A_977] : memref<125000x8x64xf32, #tpu.memory_space<hbm>> -> memref<1x8x64xf32, #tpu.memory_space<hbm>>
      %dma_start3A_979 = tpu.memref_squeeze %dma_start3A_978 : memref<1x8x64xf32, #tpu.memory_space<hbm>> -> memref<8x64xf32, #tpu.memory_space<hbm>>
      tpu.enqueue_dma source(%dma_start3A_979 : memref<8x64xf32, #tpu.memory_space<hbm>>) target(%dma_start3A_975 : memref<8x64xf32, #tpu.memory_space<vmem>>) target_semaphore(%arg18 : memref<!tpu.dma_semaphore, #tpu.memory_space<semaphore_mem>>)
      %slice3A_980 = vector.extract_strided_slice %shift_right_logical3A_632 {offsets = [9], sizes = [1], strides = [1]} : vector<16xi32> to vector<1xi32>
      %squeeze3A_981 = vector.extract %slice3A_980[0] : i32 from vector<1xi32>
      %dma_start3A_982 = arith.constant 9 : i32
      %dma_start3A_983 = arith.constant 0 : i32
      %dma_start3A_984 = arith.constant 0 : i32
      %dma_start3A_985 = tpu.memref_slice %arg11[%dma_start3A_982, %dma_start3A_983, %dma_start3A_984] : memref<16x8x64xf32, #tpu.memory_space<vmem>> -> memref<1x8x64xf32, #tpu.memory_space<vmem>>
      %dma_start3A_986 = tpu.memref_squeeze %dma_start3A_985 : memref<1x8x64xf32, #tpu.memory_space<vmem>> -> memref<8x64xf32, #tpu.memory_space<vmem>>
      %dma_start3A_987 = arith.constant 0 : i32
      %dma_start3A_988 = arith.constant 0 : i32
      %dma_start3A_989 = tpu.memref_slice %arg4[%squeeze3A_981, %dma_start3A_987, %dma_start3A_988] : memref<125000x8x64xf32, #tpu.memory_space<hbm>> -> memref<1x8x64xf32, #tpu.memory_space<hbm>>
      %dma_start3A_990 = tpu.memref_squeeze %dma_start3A_989 : memref<1x8x64xf32, #tpu.memory_space<hbm>> -> memref<8x64xf32, #tpu.memory_space<hbm>>
      %dma_start3A_991 = arith.constant 0 : i32
      %dma_start3A_992 = arith.constant 0 : i32
      %dma_start3A_993 = tpu.memref_slice %arg11[%dma_start3A_982, %dma_start3A_991, %dma_start3A_992] : memref<16x8x64xf32, #tpu.memory_space<vmem>> -> memref<1x8x64xf32, #tpu.memory_space<vmem>>
      %dma_start3A_994 = tpu.memref_squeeze %dma_start3A_993 : memref<1x8x64xf32, #tpu.memory_space<vmem>> -> memref<8x64xf32, #tpu.memory_space<vmem>>
      %dma_start3A_995 = arith.constant 0 : i32
      %dma_start3A_996 = arith.constant 0 : i32
      %dma_start3A_997 = tpu.memref_slice %arg4[%squeeze3A_981, %dma_start3A_995, %dma_start3A_996] : memref<125000x8x64xf32, #tpu.memory_space<hbm>> -> memref<1x8x64xf32, #tpu.memory_space<hbm>>
      %dma_start3A_998 = tpu.memref_squeeze %dma_start3A_997 : memref<1x8x64xf32, #tpu.memory_space<hbm>> -> memref<8x64xf32, #tpu.memory_space<hbm>>
      tpu.enqueue_dma source(%dma_start3A_998 : memref<8x64xf32, #tpu.memory_space<hbm>>) target(%dma_start3A_994 : memref<8x64xf32, #tpu.memory_space<vmem>>) target_semaphore(%arg17 : memref<!tpu.dma_semaphore, #tpu.memory_space<semaphore_mem>>)
      %slice3A_999 = vector.extract_strided_slice %shift_right_logical3A_637 {offsets = [9], sizes = [1], strides = [1]} : vector<16xi32> to vector<1xi32>
      %squeeze3A_1000 = vector.extract %slice3A_999[0] : i32 from vector<1xi32>
      %dma_start3A_1001 = arith.constant 9 : i32
      %dma_start3A_1002 = arith.constant 0 : i32
      %dma_start3A_1003 = arith.constant 0 : i32
      %dma_start3A_1004 = tpu.memref_slice %arg12[%dma_start3A_1001, %dma_start3A_1002, %dma_start3A_1003] : memref<16x8x64xf32, #tpu.memory_space<vmem>> -> memref<1x8x64xf32, #tpu.memory_space<vmem>>
      %dma_start3A_1005 = tpu.memref_squeeze %dma_start3A_1004 : memref<1x8x64xf32, #tpu.memory_space<vmem>> -> memref<8x64xf32, #tpu.memory_space<vmem>>
      %dma_start3A_1006 = arith.constant 0 : i32
      %dma_start3A_1007 = arith.constant 0 : i32
      %dma_start3A_1008 = tpu.memref_slice %arg5[%squeeze3A_1000, %dma_start3A_1006, %dma_start3A_1007] : memref<125000x8x64xf32, #tpu.memory_space<hbm>> -> memref<1x8x64xf32, #tpu.memory_space<hbm>>
      %dma_start3A_1009 = tpu.memref_squeeze %dma_start3A_1008 : memref<1x8x64xf32, #tpu.memory_space<hbm>> -> memref<8x64xf32, #tpu.memory_space<hbm>>
      %dma_start3A_1010 = arith.constant 0 : i32
      %dma_start3A_1011 = arith.constant 0 : i32
      %dma_start3A_1012 = tpu.memref_slice %arg12[%dma_start3A_1001, %dma_start3A_1010, %dma_start3A_1011] : memref<16x8x64xf32, #tpu.memory_space<vmem>> -> memref<1x8x64xf32, #tpu.memory_space<vmem>>
      %dma_start3A_1013 = tpu.memref_squeeze %dma_start3A_1012 : memref<1x8x64xf32, #tpu.memory_space<vmem>> -> memref<8x64xf32, #tpu.memory_space<vmem>>
      %dma_start3A_1014 = arith.constant 0 : i32
      %dma_start3A_1015 = arith.constant 0 : i32
      %dma_start3A_1016 = tpu.memref_slice %arg5[%squeeze3A_1000, %dma_start3A_1014, %dma_start3A_1015] : memref<125000x8x64xf32, #tpu.memory_space<hbm>> -> memref<1x8x64xf32, #tpu.memory_space<hbm>>
      %dma_start3A_1017 = tpu.memref_squeeze %dma_start3A_1016 : memref<1x8x64xf32, #tpu.memory_space<hbm>> -> memref<8x64xf32, #tpu.memory_space<hbm>>
      tpu.enqueue_dma source(%dma_start3A_1017 : memref<8x64xf32, #tpu.memory_space<hbm>>) target(%dma_start3A_1013 : memref<8x64xf32, #tpu.memory_space<vmem>>) target_semaphore(%arg18 : memref<!tpu.dma_semaphore, #tpu.memory_space<semaphore_mem>>)
      %slice3A_1018 = vector.extract_strided_slice %shift_right_logical3A_632 {offsets = [10], sizes = [1], strides = [1]} : vector<16xi32> to vector<1xi32>
      %squeeze3A_1019 = vector.extract %slice3A_1018[0] : i32 from vector<1xi32>
      %dma_start3A_1020 = arith.constant 10 : i32
      %dma_start3A_1021 = arith.constant 0 : i32
      %dma_start3A_1022 = arith.constant 0 : i32
      %dma_start3A_1023 = tpu.memref_slice %arg11[%dma_start3A_1020, %dma_start3A_1021, %dma_start3A_1022] : memref<16x8x64xf32, #tpu.memory_space<vmem>> -> memref<1x8x64xf32, #tpu.memory_space<vmem>>
      %dma_start3A_1024 = tpu.memref_squeeze %dma_start3A_1023 : memref<1x8x64xf32, #tpu.memory_space<vmem>> -> memref<8x64xf32, #tpu.memory_space<vmem>>
      %dma_start3A_1025 = arith.constant 0 : i32
      %dma_start3A_1026 = arith.constant 0 : i32
      %dma_start3A_1027 = tpu.memref_slice %arg4[%squeeze3A_1019, %dma_start3A_1025, %dma_start3A_1026] : memref<125000x8x64xf32, #tpu.memory_space<hbm>> -> memref<1x8x64xf32, #tpu.memory_space<hbm>>
      %dma_start3A_1028 = tpu.memref_squeeze %dma_start3A_1027 : memref<1x8x64xf32, #tpu.memory_space<hbm>> -> memref<8x64xf32, #tpu.memory_space<hbm>>
      %dma_start3A_1029 = arith.constant 0 : i32
      %dma_start3A_1030 = arith.constant 0 : i32
      %dma_start3A_1031 = tpu.memref_slice %arg11[%dma_start3A_1020, %dma_start3A_1029, %dma_start3A_1030] : memref<16x8x64xf32, #tpu.memory_space<vmem>> -> memref<1x8x64xf32, #tpu.memory_space<vmem>>
      %dma_start3A_1032 = tpu.memref_squeeze %dma_start3A_1031 : memref<1x8x64xf32, #tpu.memory_space<vmem>> -> memref<8x64xf32, #tpu.memory_space<vmem>>
      %dma_start3A_1033 = arith.constant 0 : i32
      %dma_start3A_1034 = arith.constant 0 : i32
      %dma_start3A_1035 = tpu.memref_slice %arg4[%squeeze3A_1019, %dma_start3A_1033, %dma_start3A_1034] : memref<125000x8x64xf32, #tpu.memory_space<hbm>> -> memref<1x8x64xf32, #tpu.memory_space<hbm>>
      %dma_start3A_1036 = tpu.memref_squeeze %dma_start3A_1035 : memref<1x8x64xf32, #tpu.memory_space<hbm>> -> memref<8x64xf32, #tpu.memory_space<hbm>>
      tpu.enqueue_dma source(%dma_start3A_1036 : memref<8x64xf32, #tpu.memory_space<hbm>>) target(%dma_start3A_1032 : memref<8x64xf32, #tpu.memory_space<vmem>>) target_semaphore(%arg17 : memref<!tpu.dma_semaphore, #tpu.memory_space<semaphore_mem>>)
      %slice3A_1037 = vector.extract_strided_slice %shift_right_logical3A_637 {offsets = [10], sizes = [1], strides = [1]} : vector<16xi32> to vector<1xi32>
      %squeeze3A_1038 = vector.extract %slice3A_1037[0] : i32 from vector<1xi32>
      %dma_start3A_1039 = arith.constant 10 : i32
      %dma_start3A_1040 = arith.constant 0 : i32
      %dma_start3A_1041 = arith.constant 0 : i32
      %dma_start3A_1042 = tpu.memref_slice %arg12[%dma_start3A_1039, %dma_start3A_1040, %dma_start3A_1041] : memref<16x8x64xf32, #tpu.memory_space<vmem>> -> memref<1x8x64xf32, #tpu.memory_space<vmem>>
      %dma_start3A_1043 = tpu.memref_squeeze %dma_start3A_1042 : memref<1x8x64xf32, #tpu.memory_space<vmem>> -> memref<8x64xf32, #tpu.memory_space<vmem>>
      %dma_start3A_1044 = arith.constant 0 : i32
      %dma_start3A_1045 = arith.constant 0 : i32
      %dma_start3A_1046 = tpu.memref_slice %arg5[%squeeze3A_1038, %dma_start3A_1044, %dma_start3A_1045] : memref<125000x8x64xf32, #tpu.memory_space<hbm>> -> memref<1x8x64xf32, #tpu.memory_space<hbm>>
      %dma_start3A_1047 = tpu.memref_squeeze %dma_start3A_1046 : memref<1x8x64xf32, #tpu.memory_space<hbm>> -> memref<8x64xf32, #tpu.memory_space<hbm>>
      %dma_start3A_1048 = arith.constant 0 : i32
      %dma_start3A_1049 = arith.constant 0 : i32
      %dma_start3A_1050 = tpu.memref_slice %arg12[%dma_start3A_1039, %dma_start3A_1048, %dma_start3A_1049] : memref<16x8x64xf32, #tpu.memory_space<vmem>> -> memref<1x8x64xf32, #tpu.memory_space<vmem>>
      %dma_start3A_1051 = tpu.memref_squeeze %dma_start3A_1050 : memref<1x8x64xf32, #tpu.memory_space<vmem>> -> memref<8x64xf32, #tpu.memory_space<vmem>>
      %dma_start3A_1052 = arith.constant 0 : i32
      %dma_start3A_1053 = arith.constant 0 : i32
      %dma_start3A_1054 = tpu.memref_slice %arg5[%squeeze3A_1038, %dma_start3A_1052, %dma_start3A_1053] : memref<125000x8x64xf32, #tpu.memory_space<hbm>> -> memref<1x8x64xf32, #tpu.memory_space<hbm>>
      %dma_start3A_1055 = tpu.memref_squeeze %dma_start3A_1054 : memref<1x8x64xf32, #tpu.memory_space<hbm>> -> memref<8x64xf32, #tpu.memory_space<hbm>>
      tpu.enqueue_dma source(%dma_start3A_1055 : memref<8x64xf32, #tpu.memory_space<hbm>>) target(%dma_start3A_1051 : memref<8x64xf32, #tpu.memory_space<vmem>>) target_semaphore(%arg18 : memref<!tpu.dma_semaphore, #tpu.memory_space<semaphore_mem>>)
      %slice3A_1056 = vector.extract_strided_slice %shift_right_logical3A_632 {offsets = [11], sizes = [1], strides = [1]} : vector<16xi32> to vector<1xi32>
      %squeeze3A_1057 = vector.extract %slice3A_1056[0] : i32 from vector<1xi32>
      %dma_start3A_1058 = arith.constant 11 : i32
      %dma_start3A_1059 = arith.constant 0 : i32
      %dma_start3A_1060 = arith.constant 0 : i32
      %dma_start3A_1061 = tpu.memref_slice %arg11[%dma_start3A_1058, %dma_start3A_1059, %dma_start3A_1060] : memref<16x8x64xf32, #tpu.memory_space<vmem>> -> memref<1x8x64xf32, #tpu.memory_space<vmem>>
      %dma_start3A_1062 = tpu.memref_squeeze %dma_start3A_1061 : memref<1x8x64xf32, #tpu.memory_space<vmem>> -> memref<8x64xf32, #tpu.memory_space<vmem>>
      %dma_start3A_1063 = arith.constant 0 : i32
      %dma_start3A_1064 = arith.constant 0 : i32
      %dma_start3A_1065 = tpu.memref_slice %arg4[%squeeze3A_1057, %dma_start3A_1063, %dma_start3A_1064] : memref<125000x8x64xf32, #tpu.memory_space<hbm>> -> memref<1x8x64xf32, #tpu.memory_space<hbm>>
      %dma_start3A_1066 = tpu.memref_squeeze %dma_start3A_1065 : memref<1x8x64xf32, #tpu.memory_space<hbm>> -> memref<8x64xf32, #tpu.memory_space<hbm>>
      %dma_start3A_1067 = arith.constant 0 : i32
      %dma_start3A_1068 = arith.constant 0 : i32
      %dma_start3A_1069 = tpu.memref_slice %arg11[%dma_start3A_1058, %dma_start3A_1067, %dma_start3A_1068] : memref<16x8x64xf32, #tpu.memory_space<vmem>> -> memref<1x8x64xf32, #tpu.memory_space<vmem>>
      %dma_start3A_1070 = tpu.memref_squeeze %dma_start3A_1069 : memref<1x8x64xf32, #tpu.memory_space<vmem>> -> memref<8x64xf32, #tpu.memory_space<vmem>>
      %dma_start3A_1071 = arith.constant 0 : i32
      %dma_start3A_1072 = arith.constant 0 : i32
      %dma_start3A_1073 = tpu.memref_slice %arg4[%squeeze3A_1057, %dma_start3A_1071, %dma_start3A_1072] : memref<125000x8x64xf32, #tpu.memory_space<hbm>> -> memref<1x8x64xf32, #tpu.memory_space<hbm>>
      %dma_start3A_1074 = tpu.memref_squeeze %dma_start3A_1073 : memref<1x8x64xf32, #tpu.memory_space<hbm>> -> memref<8x64xf32, #tpu.memory_space<hbm>>
      tpu.enqueue_dma source(%dma_start3A_1074 : memref<8x64xf32, #tpu.memory_space<hbm>>) target(%dma_start3A_1070 : memref<8x64xf32, #tpu.memory_space<vmem>>) target_semaphore(%arg17 : memref<!tpu.dma_semaphore, #tpu.memory_space<semaphore_mem>>)
      %slice3A_1075 = vector.extract_strided_slice %shift_right_logical3A_637 {offsets = [11], sizes = [1], strides = [1]} : vector<16xi32> to vector<1xi32>
      %squeeze3A_1076 = vector.extract %slice3A_1075[0] : i32 from vector<1xi32>
      %dma_start3A_1077 = arith.constant 11 : i32
      %dma_start3A_1078 = arith.constant 0 : i32
      %dma_start3A_1079 = arith.constant 0 : i32
      %dma_start3A_1080 = tpu.memref_slice %arg12[%dma_start3A_1077, %dma_start3A_1078, %dma_start3A_1079] : memref<16x8x64xf32, #tpu.memory_space<vmem>> -> memref<1x8x64xf32, #tpu.memory_space<vmem>>
      %dma_start3A_1081 = tpu.memref_squeeze %dma_start3A_1080 : memref<1x8x64xf32, #tpu.memory_space<vmem>> -> memref<8x64xf32, #tpu.memory_space<vmem>>
      %dma_start3A_1082 = arith.constant 0 : i32
      %dma_start3A_1083 = arith.constant 0 : i32
      %dma_start3A_1084 = tpu.memref_slice %arg5[%squeeze3A_1076, %dma_start3A_1082, %dma_start3A_1083] : memref<125000x8x64xf32, #tpu.memory_space<hbm>> -> memref<1x8x64xf32, #tpu.memory_space<hbm>>
      %dma_start3A_1085 = tpu.memref_squeeze %dma_start3A_1084 : memref<1x8x64xf32, #tpu.memory_space<hbm>> -> memref<8x64xf32, #tpu.memory_space<hbm>>
      %dma_start3A_1086 = arith.constant 0 : i32
      %dma_start3A_1087 = arith.constant 0 : i32
      %dma_start3A_1088 = tpu.memref_slice %arg12[%dma_start3A_1077, %dma_start3A_1086, %dma_start3A_1087] : memref<16x8x64xf32, #tpu.memory_space<vmem>> -> memref<1x8x64xf32, #tpu.memory_space<vmem>>
      %dma_start3A_1089 = tpu.memref_squeeze %dma_start3A_1088 : memref<1x8x64xf32, #tpu.memory_space<vmem>> -> memref<8x64xf32, #tpu.memory_space<vmem>>
      %dma_start3A_1090 = arith.constant 0 : i32
      %dma_start3A_1091 = arith.constant 0 : i32
      %dma_start3A_1092 = tpu.memref_slice %arg5[%squeeze3A_1076, %dma_start3A_1090, %dma_start3A_1091] : memref<125000x8x64xf32, #tpu.memory_space<hbm>> -> memref<1x8x64xf32, #tpu.memory_space<hbm>>
      %dma_start3A_1093 = tpu.memref_squeeze %dma_start3A_1092 : memref<1x8x64xf32, #tpu.memory_space<hbm>> -> memref<8x64xf32, #tpu.memory_space<hbm>>
      tpu.enqueue_dma source(%dma_start3A_1093 : memref<8x64xf32, #tpu.memory_space<hbm>>) target(%dma_start3A_1089 : memref<8x64xf32, #tpu.memory_space<vmem>>) target_semaphore(%arg18 : memref<!tpu.dma_semaphore, #tpu.memory_space<semaphore_mem>>)
      %slice3A_1094 = vector.extract_strided_slice %shift_right_logical3A_632 {offsets = [12], sizes = [1], strides = [1]} : vector<16xi32> to vector<1xi32>
      %squeeze3A_1095 = vector.extract %slice3A_1094[0] : i32 from vector<1xi32>
      %dma_start3A_1096 = arith.constant 12 : i32
      %dma_start3A_1097 = arith.constant 0 : i32
      %dma_start3A_1098 = arith.constant 0 : i32
      %dma_start3A_1099 = tpu.memref_slice %arg11[%dma_start3A_1096, %dma_start3A_1097, %dma_start3A_1098] : memref<16x8x64xf32, #tpu.memory_space<vmem>> -> memref<1x8x64xf32, #tpu.memory_space<vmem>>
      %dma_start3A_1100 = tpu.memref_squeeze %dma_start3A_1099 : memref<1x8x64xf32, #tpu.memory_space<vmem>> -> memref<8x64xf32, #tpu.memory_space<vmem>>
      %dma_start3A_1101 = arith.constant 0 : i32
      %dma_start3A_1102 = arith.constant 0 : i32
      %dma_start3A_1103 = tpu.memref_slice %arg4[%squeeze3A_1095, %dma_start3A_1101, %dma_start3A_1102] : memref<125000x8x64xf32, #tpu.memory_space<hbm>> -> memref<1x8x64xf32, #tpu.memory_space<hbm>>
      %dma_start3A_1104 = tpu.memref_squeeze %dma_start3A_1103 : memref<1x8x64xf32, #tpu.memory_space<hbm>> -> memref<8x64xf32, #tpu.memory_space<hbm>>
      %dma_start3A_1105 = arith.constant 0 : i32
      %dma_start3A_1106 = arith.constant 0 : i32
      %dma_start3A_1107 = tpu.memref_slice %arg11[%dma_start3A_1096, %dma_start3A_1105, %dma_start3A_1106] : memref<16x8x64xf32, #tpu.memory_space<vmem>> -> memref<1x8x64xf32, #tpu.memory_space<vmem>>
      %dma_start3A_1108 = tpu.memref_squeeze %dma_start3A_1107 : memref<1x8x64xf32, #tpu.memory_space<vmem>> -> memref<8x64xf32, #tpu.memory_space<vmem>>
      %dma_start3A_1109 = arith.constant 0 : i32
      %dma_start3A_1110 = arith.constant 0 : i32
      %dma_start3A_1111 = tpu.memref_slice %arg4[%squeeze3A_1095, %dma_start3A_1109, %dma_start3A_1110] : memref<125000x8x64xf32, #tpu.memory_space<hbm>> -> memref<1x8x64xf32, #tpu.memory_space<hbm>>
      %dma_start3A_1112 = tpu.memref_squeeze %dma_start3A_1111 : memref<1x8x64xf32, #tpu.memory_space<hbm>> -> memref<8x64xf32, #tpu.memory_space<hbm>>
      tpu.enqueue_dma source(%dma_start3A_1112 : memref<8x64xf32, #tpu.memory_space<hbm>>) target(%dma_start3A_1108 : memref<8x64xf32, #tpu.memory_space<vmem>>) target_semaphore(%arg17 : memref<!tpu.dma_semaphore, #tpu.memory_space<semaphore_mem>>)
      %slice3A_1113 = vector.extract_strided_slice %shift_right_logical3A_637 {offsets = [12], sizes = [1], strides = [1]} : vector<16xi32> to vector<1xi32>
      %squeeze3A_1114 = vector.extract %slice3A_1113[0] : i32 from vector<1xi32>
      %dma_start3A_1115 = arith.constant 12 : i32
      %dma_start3A_1116 = arith.constant 0 : i32
      %dma_start3A_1117 = arith.constant 0 : i32
      %dma_start3A_1118 = tpu.memref_slice %arg12[%dma_start3A_1115, %dma_start3A_1116, %dma_start3A_1117] : memref<16x8x64xf32, #tpu.memory_space<vmem>> -> memref<1x8x64xf32, #tpu.memory_space<vmem>>
      %dma_start3A_1119 = tpu.memref_squeeze %dma_start3A_1118 : memref<1x8x64xf32, #tpu.memory_space<vmem>> -> memref<8x64xf32, #tpu.memory_space<vmem>>
      %dma_start3A_1120 = arith.constant 0 : i32
      %dma_start3A_1121 = arith.constant 0 : i32
      %dma_start3A_1122 = tpu.memref_slice %arg5[%squeeze3A_1114, %dma_start3A_1120, %dma_start3A_1121] : memref<125000x8x64xf32, #tpu.memory_space<hbm>> -> memref<1x8x64xf32, #tpu.memory_space<hbm>>
      %dma_start3A_1123 = tpu.memref_squeeze %dma_start3A_1122 : memref<1x8x64xf32, #tpu.memory_space<hbm>> -> memref<8x64xf32, #tpu.memory_space<hbm>>
      %dma_start3A_1124 = arith.constant 0 : i32
      %dma_start3A_1125 = arith.constant 0 : i32
      %dma_start3A_1126 = tpu.memref_slice %arg12[%dma_start3A_1115, %dma_start3A_1124, %dma_start3A_1125] : memref<16x8x64xf32, #tpu.memory_space<vmem>> -> memref<1x8x64xf32, #tpu.memory_space<vmem>>
      %dma_start3A_1127 = tpu.memref_squeeze %dma_start3A_1126 : memref<1x8x64xf32, #tpu.memory_space<vmem>> -> memref<8x64xf32, #tpu.memory_space<vmem>>
      %dma_start3A_1128 = arith.constant 0 : i32
      %dma_start3A_1129 = arith.constant 0 : i32
      %dma_start3A_1130 = tpu.memref_slice %arg5[%squeeze3A_1114, %dma_start3A_1128, %dma_start3A_1129] : memref<125000x8x64xf32, #tpu.memory_space<hbm>> -> memref<1x8x64xf32, #tpu.memory_space<hbm>>
      %dma_start3A_1131 = tpu.memref_squeeze %dma_start3A_1130 : memref<1x8x64xf32, #tpu.memory_space<hbm>> -> memref<8x64xf32, #tpu.memory_space<hbm>>
      tpu.enqueue_dma source(%dma_start3A_1131 : memref<8x64xf32, #tpu.memory_space<hbm>>) target(%dma_start3A_1127 : memref<8x64xf32, #tpu.memory_space<vmem>>) target_semaphore(%arg18 : memref<!tpu.dma_semaphore, #tpu.memory_space<semaphore_mem>>)
      %slice3A_1132 = vector.extract_strided_slice %shift_right_logical3A_632 {offsets = [13], sizes = [1], strides = [1]} : vector<16xi32> to vector<1xi32>
      %squeeze3A_1133 = vector.extract %slice3A_1132[0] : i32 from vector<1xi32>
      %dma_start3A_1134 = arith.constant 13 : i32
      %dma_start3A_1135 = arith.constant 0 : i32
      %dma_start3A_1136 = arith.constant 0 : i32
      %dma_start3A_1137 = tpu.memref_slice %arg11[%dma_start3A_1134, %dma_start3A_1135, %dma_start3A_1136] : memref<16x8x64xf32, #tpu.memory_space<vmem>> -> memref<1x8x64xf32, #tpu.memory_space<vmem>>
      %dma_start3A_1138 = tpu.memref_squeeze %dma_start3A_1137 : memref<1x8x64xf32, #tpu.memory_space<vmem>> -> memref<8x64xf32, #tpu.memory_space<vmem>>
      %dma_start3A_1139 = arith.constant 0 : i32
      %dma_start3A_1140 = arith.constant 0 : i32
      %dma_start3A_1141 = tpu.memref_slice %arg4[%squeeze3A_1133, %dma_start3A_1139, %dma_start3A_1140] : memref<125000x8x64xf32, #tpu.memory_space<hbm>> -> memref<1x8x64xf32, #tpu.memory_space<hbm>>
      %dma_start3A_1142 = tpu.memref_squeeze %dma_start3A_1141 : memref<1x8x64xf32, #tpu.memory_space<hbm>> -> memref<8x64xf32, #tpu.memory_space<hbm>>
      %dma_start3A_1143 = arith.constant 0 : i32
      %dma_start3A_1144 = arith.constant 0 : i32
      %dma_start3A_1145 = tpu.memref_slice %arg11[%dma_start3A_1134, %dma_start3A_1143, %dma_start3A_1144] : memref<16x8x64xf32, #tpu.memory_space<vmem>> -> memref<1x8x64xf32, #tpu.memory_space<vmem>>
      %dma_start3A_1146 = tpu.memref_squeeze %dma_start3A_1145 : memref<1x8x64xf32, #tpu.memory_space<vmem>> -> memref<8x64xf32, #tpu.memory_space<vmem>>
      %dma_start3A_1147 = arith.constant 0 : i32
      %dma_start3A_1148 = arith.constant 0 : i32
      %dma_start3A_1149 = tpu.memref_slice %arg4[%squeeze3A_1133, %dma_start3A_1147, %dma_start3A_1148] : memref<125000x8x64xf32, #tpu.memory_space<hbm>> -> memref<1x8x64xf32, #tpu.memory_space<hbm>>
      %dma_start3A_1150 = tpu.memref_squeeze %dma_start3A_1149 : memref<1x8x64xf32, #tpu.memory_space<hbm>> -> memref<8x64xf32, #tpu.memory_space<hbm>>
      tpu.enqueue_dma source(%dma_start3A_1150 : memref<8x64xf32, #tpu.memory_space<hbm>>) target(%dma_start3A_1146 : memref<8x64xf32, #tpu.memory_space<vmem>>) target_semaphore(%arg17 : memref<!tpu.dma_semaphore, #tpu.memory_space<semaphore_mem>>)
      %slice3A_1151 = vector.extract_strided_slice %shift_right_logical3A_637 {offsets = [13], sizes = [1], strides = [1]} : vector<16xi32> to vector<1xi32>
      %squeeze3A_1152 = vector.extract %slice3A_1151[0] : i32 from vector<1xi32>
      %dma_start3A_1153 = arith.constant 13 : i32
      %dma_start3A_1154 = arith.constant 0 : i32
      %dma_start3A_1155 = arith.constant 0 : i32
      %dma_start3A_1156 = tpu.memref_slice %arg12[%dma_start3A_1153, %dma_start3A_1154, %dma_start3A_1155] : memref<16x8x64xf32, #tpu.memory_space<vmem>> -> memref<1x8x64xf32, #tpu.memory_space<vmem>>
      %dma_start3A_1157 = tpu.memref_squeeze %dma_start3A_1156 : memref<1x8x64xf32, #tpu.memory_space<vmem>> -> memref<8x64xf32, #tpu.memory_space<vmem>>
      %dma_start3A_1158 = arith.constant 0 : i32
      %dma_start3A_1159 = arith.constant 0 : i32
      %dma_start3A_1160 = tpu.memref_slice %arg5[%squeeze3A_1152, %dma_start3A_1158, %dma_start3A_1159] : memref<125000x8x64xf32, #tpu.memory_space<hbm>> -> memref<1x8x64xf32, #tpu.memory_space<hbm>>
      %dma_start3A_1161 = tpu.memref_squeeze %dma_start3A_1160 : memref<1x8x64xf32, #tpu.memory_space<hbm>> -> memref<8x64xf32, #tpu.memory_space<hbm>>
      %dma_start3A_1162 = arith.constant 0 : i32
      %dma_start3A_1163 = arith.constant 0 : i32
      %dma_start3A_1164 = tpu.memref_slice %arg12[%dma_start3A_1153, %dma_start3A_1162, %dma_start3A_1163] : memref<16x8x64xf32, #tpu.memory_space<vmem>> -> memref<1x8x64xf32, #tpu.memory_space<vmem>>
      %dma_start3A_1165 = tpu.memref_squeeze %dma_start3A_1164 : memref<1x8x64xf32, #tpu.memory_space<vmem>> -> memref<8x64xf32, #tpu.memory_space<vmem>>
      %dma_start3A_1166 = arith.constant 0 : i32
      %dma_start3A_1167 = arith.constant 0 : i32
      %dma_start3A_1168 = tpu.memref_slice %arg5[%squeeze3A_1152, %dma_start3A_1166, %dma_start3A_1167] : memref<125000x8x64xf32, #tpu.memory_space<hbm>> -> memref<1x8x64xf32, #tpu.memory_space<hbm>>
      %dma_start3A_1169 = tpu.memref_squeeze %dma_start3A_1168 : memref<1x8x64xf32, #tpu.memory_space<hbm>> -> memref<8x64xf32, #tpu.memory_space<hbm>>
      tpu.enqueue_dma source(%dma_start3A_1169 : memref<8x64xf32, #tpu.memory_space<hbm>>) target(%dma_start3A_1165 : memref<8x64xf32, #tpu.memory_space<vmem>>) target_semaphore(%arg18 : memref<!tpu.dma_semaphore, #tpu.memory_space<semaphore_mem>>)
      %slice3A_1170 = vector.extract_strided_slice %shift_right_logical3A_632 {offsets = [14], sizes = [1], strides = [1]} : vector<16xi32> to vector<1xi32>
      %squeeze3A_1171 = vector.extract %slice3A_1170[0] : i32 from vector<1xi32>
      %dma_start3A_1172 = arith.constant 14 : i32
      %dma_start3A_1173 = arith.constant 0 : i32
      %dma_start3A_1174 = arith.constant 0 : i32
      %dma_start3A_1175 = tpu.memref_slice %arg11[%dma_start3A_1172, %dma_start3A_1173, %dma_start3A_1174] : memref<16x8x64xf32, #tpu.memory_space<vmem>> -> memref<1x8x64xf32, #tpu.memory_space<vmem>>
      %dma_start3A_1176 = tpu.memref_squeeze %dma_start3A_1175 : memref<1x8x64xf32, #tpu.memory_space<vmem>> -> memref<8x64xf32, #tpu.memory_space<vmem>>
      %dma_start3A_1177 = arith.constant 0 : i32
      %dma_start3A_1178 = arith.constant 0 : i32
      %dma_start3A_1179 = tpu.memref_slice %arg4[%squeeze3A_1171, %dma_start3A_1177, %dma_start3A_1178] : memref<125000x8x64xf32, #tpu.memory_space<hbm>> -> memref<1x8x64xf32, #tpu.memory_space<hbm>>
      %dma_start3A_1180 = tpu.memref_squeeze %dma_start3A_1179 : memref<1x8x64xf32, #tpu.memory_space<hbm>> -> memref<8x64xf32, #tpu.memory_space<hbm>>
      %dma_start3A_1181 = arith.constant 0 : i32
      %dma_start3A_1182 = arith.constant 0 : i32
      %dma_start3A_1183 = tpu.memref_slice %arg11[%dma_start3A_1172, %dma_start3A_1181, %dma_start3A_1182] : memref<16x8x64xf32, #tpu.memory_space<vmem>> -> memref<1x8x64xf32, #tpu.memory_space<vmem>>
      %dma_start3A_1184 = tpu.memref_squeeze %dma_start3A_1183 : memref<1x8x64xf32, #tpu.memory_space<vmem>> -> memref<8x64xf32, #tpu.memory_space<vmem>>
      %dma_start3A_1185 = arith.constant 0 : i32
      %dma_start3A_1186 = arith.constant 0 : i32
      %dma_start3A_1187 = tpu.memref_slice %arg4[%squeeze3A_1171, %dma_start3A_1185, %dma_start3A_1186] : memref<125000x8x64xf32, #tpu.memory_space<hbm>> -> memref<1x8x64xf32, #tpu.memory_space<hbm>>
      %dma_start3A_1188 = tpu.memref_squeeze %dma_start3A_1187 : memref<1x8x64xf32, #tpu.memory_space<hbm>> -> memref<8x64xf32, #tpu.memory_space<hbm>>
      tpu.enqueue_dma source(%dma_start3A_1188 : memref<8x64xf32, #tpu.memory_space<hbm>>) target(%dma_start3A_1184 : memref<8x64xf32, #tpu.memory_space<vmem>>) target_semaphore(%arg17 : memref<!tpu.dma_semaphore, #tpu.memory_space<semaphore_mem>>)
      %slice3A_1189 = vector.extract_strided_slice %shift_right_logical3A_637 {offsets = [14], sizes = [1], strides = [1]} : vector<16xi32> to vector<1xi32>
      %squeeze3A_1190 = vector.extract %slice3A_1189[0] : i32 from vector<1xi32>
      %dma_start3A_1191 = arith.constant 14 : i32
      %dma_start3A_1192 = arith.constant 0 : i32
      %dma_start3A_1193 = arith.constant 0 : i32
      %dma_start3A_1194 = tpu.memref_slice %arg12[%dma_start3A_1191, %dma_start3A_1192, %dma_start3A_1193] : memref<16x8x64xf32, #tpu.memory_space<vmem>> -> memref<1x8x64xf32, #tpu.memory_space<vmem>>
      %dma_start3A_1195 = tpu.memref_squeeze %dma_start3A_1194 : memref<1x8x64xf32, #tpu.memory_space<vmem>> -> memref<8x64xf32, #tpu.memory_space<vmem>>
      %dma_start3A_1196 = arith.constant 0 : i32
      %dma_start3A_1197 = arith.constant 0 : i32
      %dma_start3A_1198 = tpu.memref_slice %arg5[%squeeze3A_1190, %dma_start3A_1196, %dma_start3A_1197] : memref<125000x8x64xf32, #tpu.memory_space<hbm>> -> memref<1x8x64xf32, #tpu.memory_space<hbm>>
      %dma_start3A_1199 = tpu.memref_squeeze %dma_start3A_1198 : memref<1x8x64xf32, #tpu.memory_space<hbm>> -> memref<8x64xf32, #tpu.memory_space<hbm>>
      %dma_start3A_1200 = arith.constant 0 : i32
      %dma_start3A_1201 = arith.constant 0 : i32
      %dma_start3A_1202 = tpu.memref_slice %arg12[%dma_start3A_1191, %dma_start3A_1200, %dma_start3A_1201] : memref<16x8x64xf32, #tpu.memory_space<vmem>> -> memref<1x8x64xf32, #tpu.memory_space<vmem>>
      %dma_start3A_1203 = tpu.memref_squeeze %dma_start3A_1202 : memref<1x8x64xf32, #tpu.memory_space<vmem>> -> memref<8x64xf32, #tpu.memory_space<vmem>>
      %dma_start3A_1204 = arith.constant 0 : i32
      %dma_start3A_1205 = arith.constant 0 : i32
      %dma_start3A_1206 = tpu.memref_slice %arg5[%squeeze3A_1190, %dma_start3A_1204, %dma_start3A_1205] : memref<125000x8x64xf32, #tpu.memory_space<hbm>> -> memref<1x8x64xf32, #tpu.memory_space<hbm>>
      %dma_start3A_1207 = tpu.memref_squeeze %dma_start3A_1206 : memref<1x8x64xf32, #tpu.memory_space<hbm>> -> memref<8x64xf32, #tpu.memory_space<hbm>>
      tpu.enqueue_dma source(%dma_start3A_1207 : memref<8x64xf32, #tpu.memory_space<hbm>>) target(%dma_start3A_1203 : memref<8x64xf32, #tpu.memory_space<vmem>>) target_semaphore(%arg18 : memref<!tpu.dma_semaphore, #tpu.memory_space<semaphore_mem>>)
      %slice3A_1208 = vector.extract_strided_slice %shift_right_logical3A_632 {offsets = [15], sizes = [1], strides = [1]} : vector<16xi32> to vector<1xi32>
      %squeeze3A_1209 = vector.extract %slice3A_1208[0] : i32 from vector<1xi32>
      %dma_start3A_1210 = arith.constant 15 : i32
      %dma_start3A_1211 = arith.constant 0 : i32
      %dma_start3A_1212 = arith.constant 0 : i32
      %dma_start3A_1213 = tpu.memref_slice %arg11[%dma_start3A_1210, %dma_start3A_1211, %dma_start3A_1212] : memref<16x8x64xf32, #tpu.memory_space<vmem>> -> memref<1x8x64xf32, #tpu.memory_space<vmem>>
      %dma_start3A_1214 = tpu.memref_squeeze %dma_start3A_1213 : memref<1x8x64xf32, #tpu.memory_space<vmem>> -> memref<8x64xf32, #tpu.memory_space<vmem>>
      %dma_start3A_1215 = arith.constant 0 : i32
      %dma_start3A_1216 = arith.constant 0 : i32
      %dma_start3A_1217 = tpu.memref_slice %arg4[%squeeze3A_1209, %dma_start3A_1215, %dma_start3A_1216] : memref<125000x8x64xf32, #tpu.memory_space<hbm>> -> memref<1x8x64xf32, #tpu.memory_space<hbm>>
      %dma_start3A_1218 = tpu.memref_squeeze %dma_start3A_1217 : memref<1x8x64xf32, #tpu.memory_space<hbm>> -> memref<8x64xf32, #tpu.memory_space<hbm>>
      %dma_start3A_1219 = arith.constant 0 : i32
      %dma_start3A_1220 = arith.constant 0 : i32
      %dma_start3A_1221 = tpu.memref_slice %arg11[%dma_start3A_1210, %dma_start3A_1219, %dma_start3A_1220] : memref<16x8x64xf32, #tpu.memory_space<vmem>> -> memref<1x8x64xf32, #tpu.memory_space<vmem>>
      %dma_start3A_1222 = tpu.memref_squeeze %dma_start3A_1221 : memref<1x8x64xf32, #tpu.memory_space<vmem>> -> memref<8x64xf32, #tpu.memory_space<vmem>>
      %dma_start3A_1223 = arith.constant 0 : i32
      %dma_start3A_1224 = arith.constant 0 : i32
      %dma_start3A_1225 = tpu.memref_slice %arg4[%squeeze3A_1209, %dma_start3A_1223, %dma_start3A_1224] : memref<125000x8x64xf32, #tpu.memory_space<hbm>> -> memref<1x8x64xf32, #tpu.memory_space<hbm>>
      %dma_start3A_1226 = tpu.memref_squeeze %dma_start3A_1225 : memref<1x8x64xf32, #tpu.memory_space<hbm>> -> memref<8x64xf32, #tpu.memory_space<hbm>>
      tpu.enqueue_dma source(%dma_start3A_1226 : memref<8x64xf32, #tpu.memory_space<hbm>>) target(%dma_start3A_1222 : memref<8x64xf32, #tpu.memory_space<vmem>>) target_semaphore(%arg17 : memref<!tpu.dma_semaphore, #tpu.memory_space<semaphore_mem>>)
      %slice3A_1227 = vector.extract_strided_slice %shift_right_logical3A_637 {offsets = [15], sizes = [1], strides = [1]} : vector<16xi32> to vector<1xi32>
      %squeeze3A_1228 = vector.extract %slice3A_1227[0] : i32 from vector<1xi32>
      %dma_start3A_1229 = arith.constant 15 : i32
      %dma_start3A_1230 = arith.constant 0 : i32
      %dma_start3A_1231 = arith.constant 0 : i32
      %dma_start3A_1232 = tpu.memref_slice %arg12[%dma_start3A_1229, %dma_start3A_1230, %dma_start3A_1231] : memref<16x8x64xf32, #tpu.memory_space<vmem>> -> memref<1x8x64xf32, #tpu.memory_space<vmem>>
      %dma_start3A_1233 = tpu.memref_squeeze %dma_start3A_1232 : memref<1x8x64xf32, #tpu.memory_space<vmem>> -> memref<8x64xf32, #tpu.memory_space<vmem>>
      %dma_start3A_1234 = arith.constant 0 : i32
      %dma_start3A_1235 = arith.constant 0 : i32
      %dma_start3A_1236 = tpu.memref_slice %arg5[%squeeze3A_1228, %dma_start3A_1234, %dma_start3A_1235] : memref<125000x8x64xf32, #tpu.memory_space<hbm>> -> memref<1x8x64xf32, #tpu.memory_space<hbm>>
      %dma_start3A_1237 = tpu.memref_squeeze %dma_start3A_1236 : memref<1x8x64xf32, #tpu.memory_space<hbm>> -> memref<8x64xf32, #tpu.memory_space<hbm>>
      %dma_start3A_1238 = arith.constant 0 : i32
      %dma_start3A_1239 = arith.constant 0 : i32
      %dma_start3A_1240 = tpu.memref_slice %arg12[%dma_start3A_1229, %dma_start3A_1238, %dma_start3A_1239] : memref<16x8x64xf32, #tpu.memory_space<vmem>> -> memref<1x8x64xf32, #tpu.memory_space<vmem>>
      %dma_start3A_1241 = tpu.memref_squeeze %dma_start3A_1240 : memref<1x8x64xf32, #tpu.memory_space<vmem>> -> memref<8x64xf32, #tpu.memory_space<vmem>>
      %dma_start3A_1242 = arith.constant 0 : i32
      %dma_start3A_1243 = arith.constant 0 : i32
      %dma_start3A_1244 = tpu.memref_slice %arg5[%squeeze3A_1228, %dma_start3A_1242, %dma_start3A_1243] : memref<125000x8x64xf32, #tpu.memory_space<hbm>> -> memref<1x8x64xf32, #tpu.memory_space<hbm>>
      %dma_start3A_1245 = tpu.memref_squeeze %dma_start3A_1244 : memref<1x8x64xf32, #tpu.memory_space<hbm>> -> memref<8x64xf32, #tpu.memory_space<hbm>>
      tpu.enqueue_dma source(%dma_start3A_1245 : memref<8x64xf32, #tpu.memory_space<hbm>>) target(%dma_start3A_1241 : memref<8x64xf32, #tpu.memory_space<vmem>>) target_semaphore(%arg18 : memref<!tpu.dma_semaphore, #tpu.memory_space<semaphore_mem>>)
      %dma_wait3A = arith.constant 0 : i32
      %dma_wait3A_1246 = arith.constant 0 : i32
      %dma_wait3A_1247 = arith.constant 0 : i32
      %dma_wait3A_1248 = tpu.memref_slice %arg4[%dma_wait3A, %dma_wait3A_1246, %dma_wait3A_1247] : memref<125000x8x64xf32, #tpu.memory_space<hbm>> -> memref<16x8x64xf32, #tpu.memory_space<hbm>>
      %dma_wait3A_1249 = arith.constant 0 : i32
      %dma_wait3A_1250 = arith.constant 0 : i32
      %dma_wait3A_1251 = arith.constant 0 : i32
      %dma_wait3A_1252 = tpu.memref_slice %arg4[%dma_wait3A_1249, %dma_wait3A_1250, %dma_wait3A_1251] : memref<125000x8x64xf32, #tpu.memory_space<hbm>> -> memref<16x8x64xf32, #tpu.memory_space<hbm>>
      tpu.wait_dma2 semaphore(%arg15 : memref<!tpu.dma_semaphore, #tpu.memory_space<semaphore_mem>>) src(%dma_wait3A_1252 : memref<16x8x64xf32, #tpu.memory_space<hbm>>) dst(%arg9 : memref<16x8x64xf32, #tpu.memory_space<vmem>>)
      %dma_wait3A_1253 = arith.constant 0 : i32
      %dma_wait3A_1254 = arith.constant 0 : i32
      %dma_wait3A_1255 = arith.constant 0 : i32
      %dma_wait3A_1256 = tpu.memref_slice %arg5[%dma_wait3A_1253, %dma_wait3A_1254, %dma_wait3A_1255] : memref<125000x8x64xf32, #tpu.memory_space<hbm>> -> memref<16x8x64xf32, #tpu.memory_space<hbm>>
      %dma_wait3A_1257 = arith.constant 0 : i32
      %dma_wait3A_1258 = arith.constant 0 : i32
      %dma_wait3A_1259 = arith.constant 0 : i32
      %dma_wait3A_1260 = tpu.memref_slice %arg5[%dma_wait3A_1257, %dma_wait3A_1258, %dma_wait3A_1259] : memref<125000x8x64xf32, #tpu.memory_space<hbm>> -> memref<16x8x64xf32, #tpu.memory_space<hbm>>
      tpu.wait_dma2 semaphore(%arg16 : memref<!tpu.dma_semaphore, #tpu.memory_space<semaphore_mem>>) src(%dma_wait3A_1260 : memref<16x8x64xf32, #tpu.memory_space<hbm>>) dst(%arg10 : memref<16x8x64xf32, #tpu.memory_space<vmem>>)
      %mul3A_1261 = arith.constant 16 : i32
      %mul3A_1262 = arith.muli %mul3A_623, %mul3A_1261 : i32
      %get3A_1263 = arith.index_cast %mul3A_1262 : i32 to index
      %get3A_1264 = tpu.vector_load %arg7[%get3A_1263] {strides = array<i32>} : memref<512xi32, #tpu.memory_space<vmem>>, vector<16xi32>,
      %and3A = arith.constant 7 : i32
      %and3A_1265 = vector.broadcast %and3A : i32 to vector<16xi32>
      %and3A_1266 = arith.andi %get3A_1264, %and3A_1265 : vector<16xi32>
      %get3A_1267 = arith.index_cast %mul3A_1262 : i32 to index
      %get3A_1268 = tpu.vector_load %arg8[%get3A_1267] {strides = array<i32>} : memref<512xi32, #tpu.memory_space<vmem>>, vector<16xi32>,
      %and3A_1269 = arith.constant 7 : i32
      %and3A_1270 = vector.broadcast %and3A_1269 : i32 to vector<16xi32>
      %and3A_1271 = arith.andi %get3A_1268, %and3A_1270 : vector<16xi32>
      %slice3A_1272 = vector.extract_strided_slice %and3A_1266 {offsets = [0], sizes = [1], strides = [1]} : vector<16xi32> to vector<1xi32>
      %squeeze3A_1273 = vector.extract %slice3A_1272[0] : i32 from vector<1xi32>
      %slice3A_1274 = vector.extract_strided_slice %and3A_1271 {offsets = [0], sizes = [1], strides = [1]} : vector<16xi32> to vector<1xi32>
      %squeeze3A_1275 = vector.extract %slice3A_1274[0] : i32 from vector<1xi32>
      %get3A_1276 = arith.constant 0 : i32
      %get3A_1277 = arith.index_cast %get3A_1276 : i32 to index
      %get3A_1278 = arith.index_cast %squeeze3A_1273 : i32 to index
      %get3A_1279 = arith.constant 0 : index
      %get3A_1280 = tpu.vector_load %arg9[%get3A_1277, %get3A_1278, %get3A_1279] {strides = array<i32>} : memref<16x8x64xf32, #tpu.memory_space<vmem>>, vector<16xf32>,
      %get3A_1281 = arith.constant 0 : i32
      %get3A_1282 = arith.index_cast %get3A_1281 : i32 to index
      %get3A_1283 = arith.index_cast %squeeze3A_1275 : i32 to index
      %get3A_1284 = arith.constant 0 : index
      %get3A_1285 = tpu.vector_load %arg10[%get3A_1282, %get3A_1283, %get3A_1284] {strides = array<i32>} : memref<16x8x64xf32, #tpu.memory_space<vmem>>, vector<16xf32>,
      %mul3A_1286 = arith.mulf %get3A_1280, %get3A_1285 : vector<16xf32>
      %get3A_1287 = arith.constant 0 : i32
      %get3A_1288 = arith.index_cast %get3A_1287 : i32 to index
      %get3A_1289 = arith.index_cast %squeeze3A_1273 : i32 to index
      %get3A_1290 = arith.constant 16 : index
      %get3A_1291 = tpu.vector_load %arg9[%get3A_1288, %get3A_1289, %get3A_1290] {strides = array<i32>} : memref<16x8x64xf32, #tpu.memory_space<vmem>>, vector<16xf32>,
      %get3A_1292 = arith.constant 0 : i32
      %get3A_1293 = arith.index_cast %get3A_1292 : i32 to index
      %get3A_1294 = arith.index_cast %squeeze3A_1275 : i32 to index
      %get3A_1295 = arith.constant 16 : index
      %get3A_1296 = tpu.vector_load %arg10[%get3A_1293, %get3A_1294, %get3A_1295] {strides = array<i32>} : memref<16x8x64xf32, #tpu.memory_space<vmem>>, vector<16xf32>,
      %mul3A_1297 = arith.mulf %get3A_1291, %get3A_1296 : vector<16xf32>
      %add3A_1298 = arith.addf %mul3A_1286, %mul3A_1297 : vector<16xf32>
      %get3A_1299 = arith.constant 0 : i32
      %get3A_1300 = arith.index_cast %get3A_1299 : i32 to index
      %get3A_1301 = arith.index_cast %squeeze3A_1273 : i32 to index
      %get3A_1302 = arith.constant 32 : index
      %get3A_1303 = tpu.vector_load %arg9[%get3A_1300, %get3A_1301, %get3A_1302] {strides = array<i32>} : memref<16x8x64xf32, #tpu.memory_space<vmem>>, vector<16xf32>,
      %get3A_1304 = arith.constant 0 : i32
      %get3A_1305 = arith.index_cast %get3A_1304 : i32 to index
      %get3A_1306 = arith.index_cast %squeeze3A_1275 : i32 to index
      %get3A_1307 = arith.constant 32 : index
      %get3A_1308 = tpu.vector_load %arg10[%get3A_1305, %get3A_1306, %get3A_1307] {strides = array<i32>} : memref<16x8x64xf32, #tpu.memory_space<vmem>>, vector<16xf32>,
      %mul3A_1309 = arith.mulf %get3A_1303, %get3A_1308 : vector<16xf32>
      %add3A_1310 = arith.addf %add3A_1298, %mul3A_1309 : vector<16xf32>
      %get3A_1311 = arith.constant 0 : i32
      %get3A_1312 = arith.index_cast %get3A_1311 : i32 to index
      %get3A_1313 = arith.index_cast %squeeze3A_1273 : i32 to index
      %get3A_1314 = arith.constant 48 : index
      %get3A_1315 = tpu.vector_load %arg9[%get3A_1312, %get3A_1313, %get3A_1314] {strides = array<i32>} : memref<16x8x64xf32, #tpu.memory_space<vmem>>, vector<16xf32>,
      %get3A_1316 = arith.constant 0 : i32
      %get3A_1317 = arith.index_cast %get3A_1316 : i32 to index
      %get3A_1318 = arith.index_cast %squeeze3A_1275 : i32 to index
      %get3A_1319 = arith.constant 48 : index
      %get3A_1320 = tpu.vector_load %arg10[%get3A_1317, %get3A_1318, %get3A_1319] {strides = array<i32>} : memref<16x8x64xf32, #tpu.memory_space<vmem>>, vector<16xf32>,
      %mul3A_1321 = arith.mulf %get3A_1315, %get3A_1320 : vector<16xf32>
      %add3A_1322 = arith.addf %add3A_1310, %mul3A_1321 : vector<16xf32>
      %mul3A_1323 = arith.constant 16 : i32
      %mul3A_1324 = vector.broadcast %mul3A_1323 : i32 to vector<16xi32>
      %mul3A_1325 = arith.muli %iota3A, %mul3A_1324 : vector<16xi32>
      %add3A_1326 = arith.constant 0 : i32
      %add3A_1327 = vector.broadcast %add3A_1326 : i32 to vector<16xi32>
      %add3A_1328 = arith.addi %mul3A_1325, %add3A_1327 : vector<16xi32>
      tpu.vector_store_idx %arg14[%add3A_1328], %add3A_1322 : memref<256xf32, #tpu.memory_space<vmem>>[vector<16xi32>], vector<16xf32>,
      %slice3A_1329 = vector.extract_strided_slice %and3A_1266 {offsets = [1], sizes = [1], strides = [1]} : vector<16xi32> to vector<1xi32>
      %squeeze3A_1330 = vector.extract %slice3A_1329[0] : i32 from vector<1xi32>
      %slice3A_1331 = vector.extract_strided_slice %and3A_1271 {offsets = [1], sizes = [1], strides = [1]} : vector<16xi32> to vector<1xi32>
      %squeeze3A_1332 = vector.extract %slice3A_1331[0] : i32 from vector<1xi32>
      %get3A_1333 = arith.constant 1 : i32
      %get3A_1334 = arith.index_cast %get3A_1333 : i32 to index
      %get3A_1335 = arith.index_cast %squeeze3A_1330 : i32 to index
      %get3A_1336 = arith.constant 0 : index
      %get3A_1337 = tpu.vector_load %arg9[%get3A_1334, %get3A_1335, %get3A_1336] {strides = array<i32>} : memref<16x8x64xf32, #tpu.memory_space<vmem>>, vector<16xf32>,
      %get3A_1338 = arith.constant 1 : i32
      %get3A_1339 = arith.index_cast %get3A_1338 : i32 to index
      %get3A_1340 = arith.index_cast %squeeze3A_1332 : i32 to index
      %get3A_1341 = arith.constant 0 : index
      %get3A_1342 = tpu.vector_load %arg10[%get3A_1339, %get3A_1340, %get3A_1341] {strides = array<i32>} : memref<16x8x64xf32, #tpu.memory_space<vmem>>, vector<16xf32>,
      %mul3A_1343 = arith.mulf %get3A_1337, %get3A_1342 : vector<16xf32>
      %get3A_1344 = arith.constant 1 : i32
      %get3A_1345 = arith.index_cast %get3A_1344 : i32 to index
      %get3A_1346 = arith.index_cast %squeeze3A_1330 : i32 to index
      %get3A_1347 = arith.constant 16 : index
      %get3A_1348 = tpu.vector_load %arg9[%get3A_1345, %get3A_1346, %get3A_1347] {strides = array<i32>} : memref<16x8x64xf32, #tpu.memory_space<vmem>>, vector<16xf32>,
      %get3A_1349 = arith.constant 1 : i32
      %get3A_1350 = arith.index_cast %get3A_1349 : i32 to index
      %get3A_1351 = arith.index_cast %squeeze3A_1332 : i32 to index
      %get3A_1352 = arith.constant 16 : index
      %get3A_1353 = tpu.vector_load %arg10[%get3A_1350, %get3A_1351, %get3A_1352] {strides = array<i32>} : memref<16x8x64xf32, #tpu.memory_space<vmem>>, vector<16xf32>,
      %mul3A_1354 = arith.mulf %get3A_1348, %get3A_1353 : vector<16xf32>
      %add3A_1355 = arith.addf %mul3A_1343, %mul3A_1354 : vector<16xf32>
      %get3A_1356 = arith.constant 1 : i32
      %get3A_1357 = arith.index_cast %get3A_1356 : i32 to index
      %get3A_1358 = arith.index_cast %squeeze3A_1330 : i32 to index
      %get3A_1359 = arith.constant 32 : index
      %get3A_1360 = tpu.vector_load %arg9[%get3A_1357, %get3A_1358, %get3A_1359] {strides = array<i32>} : memref<16x8x64xf32, #tpu.memory_space<vmem>>, vector<16xf32>,
      %get3A_1361 = arith.constant 1 : i32
      %get3A_1362 = arith.index_cast %get3A_1361 : i32 to index
      %get3A_1363 = arith.index_cast %squeeze3A_1332 : i32 to index
      %get3A_1364 = arith.constant 32 : index
      %get3A_1365 = tpu.vector_load %arg10[%get3A_1362, %get3A_1363, %get3A_1364] {strides = array<i32>} : memref<16x8x64xf32, #tpu.memory_space<vmem>>, vector<16xf32>,
      %mul3A_1366 = arith.mulf %get3A_1360, %get3A_1365 : vector<16xf32>
      %add3A_1367 = arith.addf %add3A_1355, %mul3A_1366 : vector<16xf32>
      %get3A_1368 = arith.constant 1 : i32
      %get3A_1369 = arith.index_cast %get3A_1368 : i32 to index
      %get3A_1370 = arith.index_cast %squeeze3A_1330 : i32 to index
      %get3A_1371 = arith.constant 48 : index
      %get3A_1372 = tpu.vector_load %arg9[%get3A_1369, %get3A_1370, %get3A_1371] {strides = array<i32>} : memref<16x8x64xf32, #tpu.memory_space<vmem>>, vector<16xf32>,
      %get3A_1373 = arith.constant 1 : i32
      %get3A_1374 = arith.index_cast %get3A_1373 : i32 to index
      %get3A_1375 = arith.index_cast %squeeze3A_1332 : i32 to index
      %get3A_1376 = arith.constant 48 : index
      %get3A_1377 = tpu.vector_load %arg10[%get3A_1374, %get3A_1375, %get3A_1376] {strides = array<i32>} : memref<16x8x64xf32, #tpu.memory_space<vmem>>, vector<16xf32>,
      %mul3A_1378 = arith.mulf %get3A_1372, %get3A_1377 : vector<16xf32>
      %add3A_1379 = arith.addf %add3A_1367, %mul3A_1378 : vector<16xf32>
      %mul3A_1380 = arith.constant 16 : i32
      %mul3A_1381 = vector.broadcast %mul3A_1380 : i32 to vector<16xi32>
      %mul3A_1382 = arith.muli %iota3A, %mul3A_1381 : vector<16xi32>
      %add3A_1383 = arith.constant 1 : i32
      %add3A_1384 = vector.broadcast %add3A_1383 : i32 to vector<16xi32>
      %add3A_1385 = arith.addi %mul3A_1382, %add3A_1384 : vector<16xi32>
      tpu.vector_store_idx %arg14[%add3A_1385], %add3A_1379 : memref<256xf32, #tpu.memory_space<vmem>>[vector<16xi32>], vector<16xf32>,
      %slice3A_1386 = vector.extract_strided_slice %and3A_1266 {offsets = [2], sizes = [1], strides = [1]} : vector<16xi32> to vector<1xi32>
      %squeeze3A_1387 = vector.extract %slice3A_1386[0] : i32 from vector<1xi32>
      %slice3A_1388 = vector.extract_strided_slice %and3A_1271 {offsets = [2], sizes = [1], strides = [1]} : vector<16xi32> to vector<1xi32>
      %squeeze3A_1389 = vector.extract %slice3A_1388[0] : i32 from vector<1xi32>
      %get3A_1390 = arith.constant 2 : i32
      %get3A_1391 = arith.index_cast %get3A_1390 : i32 to index
      %get3A_1392 = arith.index_cast %squeeze3A_1387 : i32 to index
      %get3A_1393 = arith.constant 0 : index
      %get3A_1394 = tpu.vector_load %arg9[%get3A_1391, %get3A_1392, %get3A_1393] {strides = array<i32>} : memref<16x8x64xf32, #tpu.memory_space<vmem>>, vector<16xf32>,
      %get3A_1395 = arith.constant 2 : i32
      %get3A_1396 = arith.index_cast %get3A_1395 : i32 to index
      %get3A_1397 = arith.index_cast %squeeze3A_1389 : i32 to index
      %get3A_1398 = arith.constant 0 : index
      %get3A_1399 = tpu.vector_load %arg10[%get3A_1396, %get3A_1397, %get3A_1398] {strides = array<i32>} : memref<16x8x64xf32, #tpu.memory_space<vmem>>, vector<16xf32>,
      %mul3A_1400 = arith.mulf %get3A_1394, %get3A_1399 : vector<16xf32>
      %get3A_1401 = arith.constant 2 : i32
      %get3A_1402 = arith.index_cast %get3A_1401 : i32 to index
      %get3A_1403 = arith.index_cast %squeeze3A_1387 : i32 to index
      %get3A_1404 = arith.constant 16 : index
      %get3A_1405 = tpu.vector_load %arg9[%get3A_1402, %get3A_1403, %get3A_1404] {strides = array<i32>} : memref<16x8x64xf32, #tpu.memory_space<vmem>>, vector<16xf32>,
      %get3A_1406 = arith.constant 2 : i32
      %get3A_1407 = arith.index_cast %get3A_1406 : i32 to index
      %get3A_1408 = arith.index_cast %squeeze3A_1389 : i32 to index
      %get3A_1409 = arith.constant 16 : index
      %get3A_1410 = tpu.vector_load %arg10[%get3A_1407, %get3A_1408, %get3A_1409] {strides = array<i32>} : memref<16x8x64xf32, #tpu.memory_space<vmem>>, vector<16xf32>,
      %mul3A_1411 = arith.mulf %get3A_1405, %get3A_1410 : vector<16xf32>
      %add3A_1412 = arith.addf %mul3A_1400, %mul3A_1411 : vector<16xf32>
      %get3A_1413 = arith.constant 2 : i32
      %get3A_1414 = arith.index_cast %get3A_1413 : i32 to index
      %get3A_1415 = arith.index_cast %squeeze3A_1387 : i32 to index
      %get3A_1416 = arith.constant 32 : index
      %get3A_1417 = tpu.vector_load %arg9[%get3A_1414, %get3A_1415, %get3A_1416] {strides = array<i32>} : memref<16x8x64xf32, #tpu.memory_space<vmem>>, vector<16xf32>,
      %get3A_1418 = arith.constant 2 : i32
      %get3A_1419 = arith.index_cast %get3A_1418 : i32 to index
      %get3A_1420 = arith.index_cast %squeeze3A_1389 : i32 to index
      %get3A_1421 = arith.constant 32 : index
      %get3A_1422 = tpu.vector_load %arg10[%get3A_1419, %get3A_1420, %get3A_1421] {strides = array<i32>} : memref<16x8x64xf32, #tpu.memory_space<vmem>>, vector<16xf32>,
      %mul3A_1423 = arith.mulf %get3A_1417, %get3A_1422 : vector<16xf32>
      %add3A_1424 = arith.addf %add3A_1412, %mul3A_1423 : vector<16xf32>
      %get3A_1425 = arith.constant 2 : i32
      %get3A_1426 = arith.index_cast %get3A_1425 : i32 to index
      %get3A_1427 = arith.index_cast %squeeze3A_1387 : i32 to index
      %get3A_1428 = arith.constant 48 : index
      %get3A_1429 = tpu.vector_load %arg9[%get3A_1426, %get3A_1427, %get3A_1428] {strides = array<i32>} : memref<16x8x64xf32, #tpu.memory_space<vmem>>, vector<16xf32>,
      %get3A_1430 = arith.constant 2 : i32
      %get3A_1431 = arith.index_cast %get3A_1430 : i32 to index
      %get3A_1432 = arith.index_cast %squeeze3A_1389 : i32 to index
      %get3A_1433 = arith.constant 48 : index
      %get3A_1434 = tpu.vector_load %arg10[%get3A_1431, %get3A_1432, %get3A_1433] {strides = array<i32>} : memref<16x8x64xf32, #tpu.memory_space<vmem>>, vector<16xf32>,
      %mul3A_1435 = arith.mulf %get3A_1429, %get3A_1434 : vector<16xf32>
      %add3A_1436 = arith.addf %add3A_1424, %mul3A_1435 : vector<16xf32>
      %mul3A_1437 = arith.constant 16 : i32
      %mul3A_1438 = vector.broadcast %mul3A_1437 : i32 to vector<16xi32>
      %mul3A_1439 = arith.muli %iota3A, %mul3A_1438 : vector<16xi32>
      %add3A_1440 = arith.constant 2 : i32
      %add3A_1441 = vector.broadcast %add3A_1440 : i32 to vector<16xi32>
      %add3A_1442 = arith.addi %mul3A_1439, %add3A_1441 : vector<16xi32>
      tpu.vector_store_idx %arg14[%add3A_1442], %add3A_1436 : memref<256xf32, #tpu.memory_space<vmem>>[vector<16xi32>], vector<16xf32>,
      %slice3A_1443 = vector.extract_strided_slice %and3A_1266 {offsets = [3], sizes = [1], strides = [1]} : vector<16xi32> to vector<1xi32>
      %squeeze3A_1444 = vector.extract %slice3A_1443[0] : i32 from vector<1xi32>
      %slice3A_1445 = vector.extract_strided_slice %and3A_1271 {offsets = [3], sizes = [1], strides = [1]} : vector<16xi32> to vector<1xi32>
      %squeeze3A_1446 = vector.extract %slice3A_1445[0] : i32 from vector<1xi32>
      %get3A_1447 = arith.constant 3 : i32
      %get3A_1448 = arith.index_cast %get3A_1447 : i32 to index
      %get3A_1449 = arith.index_cast %squeeze3A_1444 : i32 to index
      %get3A_1450 = arith.constant 0 : index
      %get3A_1451 = tpu.vector_load %arg9[%get3A_1448, %get3A_1449, %get3A_1450] {strides = array<i32>} : memref<16x8x64xf32, #tpu.memory_space<vmem>>, vector<16xf32>,
      %get3A_1452 = arith.constant 3 : i32
      %get3A_1453 = arith.index_cast %get3A_1452 : i32 to index
      %get3A_1454 = arith.index_cast %squeeze3A_1446 : i32 to index
      %get3A_1455 = arith.constant 0 : index
      %get3A_1456 = tpu.vector_load %arg10[%get3A_1453, %get3A_1454, %get3A_1455] {strides = array<i32>} : memref<16x8x64xf32, #tpu.memory_space<vmem>>, vector<16xf32>,
      %mul3A_1457 = arith.mulf %get3A_1451, %get3A_1456 : vector<16xf32>
      %get3A_1458 = arith.constant 3 : i32
      %get3A_1459 = arith.index_cast %get3A_1458 : i32 to index
      %get3A_1460 = arith.index_cast %squeeze3A_1444 : i32 to index
      %get3A_1461 = arith.constant 16 : index
      %get3A_1462 = tpu.vector_load %arg9[%get3A_1459, %get3A_1460, %get3A_1461] {strides = array<i32>} : memref<16x8x64xf32, #tpu.memory_space<vmem>>, vector<16xf32>,
      %get3A_1463 = arith.constant 3 : i32
      %get3A_1464 = arith.index_cast %get3A_1463 : i32 to index
      %get3A_1465 = arith.index_cast %squeeze3A_1446 : i32 to index
      %get3A_1466 = arith.constant 16 : index
      %get3A_1467 = tpu.vector_load %arg10[%get3A_1464, %get3A_1465, %get3A_1466] {strides = array<i32>} : memref<16x8x64xf32, #tpu.memory_space<vmem>>, vector<16xf32>,
      %mul3A_1468 = arith.mulf %get3A_1462, %get3A_1467 : vector<16xf32>
      %add3A_1469 = arith.addf %mul3A_1457, %mul3A_1468 : vector<16xf32>
      %get3A_1470 = arith.constant 3 : i32
      %get3A_1471 = arith.index_cast %get3A_1470 : i32 to index
      %get3A_1472 = arith.index_cast %squeeze3A_1444 : i32 to index
      %get3A_1473 = arith.constant 32 : index
      %get3A_1474 = tpu.vector_load %arg9[%get3A_1471, %get3A_1472, %get3A_1473] {strides = array<i32>} : memref<16x8x64xf32, #tpu.memory_space<vmem>>, vector<16xf32>,
      %get3A_1475 = arith.constant 3 : i32
      %get3A_1476 = arith.index_cast %get3A_1475 : i32 to index
      %get3A_1477 = arith.index_cast %squeeze3A_1446 : i32 to index
      %get3A_1478 = arith.constant 32 : index
      %get3A_1479 = tpu.vector_load %arg10[%get3A_1476, %get3A_1477, %get3A_1478] {strides = array<i32>} : memref<16x8x64xf32, #tpu.memory_space<vmem>>, vector<16xf32>,
      %mul3A_1480 = arith.mulf %get3A_1474, %get3A_1479 : vector<16xf32>
      %add3A_1481 = arith.addf %add3A_1469, %mul3A_1480 : vector<16xf32>
      %get3A_1482 = arith.constant 3 : i32
      %get3A_1483 = arith.index_cast %get3A_1482 : i32 to index
      %get3A_1484 = arith.index_cast %squeeze3A_1444 : i32 to index
      %get3A_1485 = arith.constant 48 : index
      %get3A_1486 = tpu.vector_load %arg9[%get3A_1483, %get3A_1484, %get3A_1485] {strides = array<i32>} : memref<16x8x64xf32, #tpu.memory_space<vmem>>, vector<16xf32>,
      %get3A_1487 = arith.constant 3 : i32
      %get3A_1488 = arith.index_cast %get3A_1487 : i32 to index
      %get3A_1489 = arith.index_cast %squeeze3A_1446 : i32 to index
      %get3A_1490 = arith.constant 48 : index
      %get3A_1491 = tpu.vector_load %arg10[%get3A_1488, %get3A_1489, %get3A_1490] {strides = array<i32>} : memref<16x8x64xf32, #tpu.memory_space<vmem>>, vector<16xf32>,
      %mul3A_1492 = arith.mulf %get3A_1486, %get3A_1491 : vector<16xf32>
      %add3A_1493 = arith.addf %add3A_1481, %mul3A_1492 : vector<16xf32>
      %mul3A_1494 = arith.constant 16 : i32
      %mul3A_1495 = vector.broadcast %mul3A_1494 : i32 to vector<16xi32>
      %mul3A_1496 = arith.muli %iota3A, %mul3A_1495 : vector<16xi32>
      %add3A_1497 = arith.constant 3 : i32
      %add3A_1498 = vector.broadcast %add3A_1497 : i32 to vector<16xi32>
      %add3A_1499 = arith.addi %mul3A_1496, %add3A_1498 : vector<16xi32>
      tpu.vector_store_idx %arg14[%add3A_1499], %add3A_1493 : memref<256xf32, #tpu.memory_space<vmem>>[vector<16xi32>], vector<16xf32>,
      %slice3A_1500 = vector.extract_strided_slice %and3A_1266 {offsets = [4], sizes = [1], strides = [1]} : vector<16xi32> to vector<1xi32>
      %squeeze3A_1501 = vector.extract %slice3A_1500[0] : i32 from vector<1xi32>
      %slice3A_1502 = vector.extract_strided_slice %and3A_1271 {offsets = [4], sizes = [1], strides = [1]} : vector<16xi32> to vector<1xi32>
      %squeeze3A_1503 = vector.extract %slice3A_1502[0] : i32 from vector<1xi32>
      %get3A_1504 = arith.constant 4 : i32
      %get3A_1505 = arith.index_cast %get3A_1504 : i32 to index
      %get3A_1506 = arith.index_cast %squeeze3A_1501 : i32 to index
      %get3A_1507 = arith.constant 0 : index
      %get3A_1508 = tpu.vector_load %arg9[%get3A_1505, %get3A_1506, %get3A_1507] {strides = array<i32>} : memref<16x8x64xf32, #tpu.memory_space<vmem>>, vector<16xf32>,
      %get3A_1509 = arith.constant 4 : i32
      %get3A_1510 = arith.index_cast %get3A_1509 : i32 to index
      %get3A_1511 = arith.index_cast %squeeze3A_1503 : i32 to index
      %get3A_1512 = arith.constant 0 : index
      %get3A_1513 = tpu.vector_load %arg10[%get3A_1510, %get3A_1511, %get3A_1512] {strides = array<i32>} : memref<16x8x64xf32, #tpu.memory_space<vmem>>, vector<16xf32>,
      %mul3A_1514 = arith.mulf %get3A_1508, %get3A_1513 : vector<16xf32>
      %get3A_1515 = arith.constant 4 : i32
      %get3A_1516 = arith.index_cast %get3A_1515 : i32 to index
      %get3A_1517 = arith.index_cast %squeeze3A_1501 : i32 to index
      %get3A_1518 = arith.constant 16 : index
      %get3A_1519 = tpu.vector_load %arg9[%get3A_1516, %get3A_1517, %get3A_1518] {strides = array<i32>} : memref<16x8x64xf32, #tpu.memory_space<vmem>>, vector<16xf32>,
      %get3A_1520 = arith.constant 4 : i32
      %get3A_1521 = arith.index_cast %get3A_1520 : i32 to index
      %get3A_1522 = arith.index_cast %squeeze3A_1503 : i32 to index
      %get3A_1523 = arith.constant 16 : index
      %get3A_1524 = tpu.vector_load %arg10[%get3A_1521, %get3A_1522, %get3A_1523] {strides = array<i32>} : memref<16x8x64xf32, #tpu.memory_space<vmem>>, vector<16xf32>,
      %mul3A_1525 = arith.mulf %get3A_1519, %get3A_1524 : vector<16xf32>
      %add3A_1526 = arith.addf %mul3A_1514, %mul3A_1525 : vector<16xf32>
      %get3A_1527 = arith.constant 4 : i32
      %get3A_1528 = arith.index_cast %get3A_1527 : i32 to index
      %get3A_1529 = arith.index_cast %squeeze3A_1501 : i32 to index
      %get3A_1530 = arith.constant 32 : index
      %get3A_1531 = tpu.vector_load %arg9[%get3A_1528, %get3A_1529, %get3A_1530] {strides = array<i32>} : memref<16x8x64xf32, #tpu.memory_space<vmem>>, vector<16xf32>,
      %get3A_1532 = arith.constant 4 : i32
      %get3A_1533 = arith.index_cast %get3A_1532 : i32 to index
      %get3A_1534 = arith.index_cast %squeeze3A_1503 : i32 to index
      %get3A_1535 = arith.constant 32 : index
      %get3A_1536 = tpu.vector_load %arg10[%get3A_1533, %get3A_1534, %get3A_1535] {strides = array<i32>} : memref<16x8x64xf32, #tpu.memory_space<vmem>>, vector<16xf32>,
      %mul3A_1537 = arith.mulf %get3A_1531, %get3A_1536 : vector<16xf32>
      %add3A_1538 = arith.addf %add3A_1526, %mul3A_1537 : vector<16xf32>
      %get3A_1539 = arith.constant 4 : i32
      %get3A_1540 = arith.index_cast %get3A_1539 : i32 to index
      %get3A_1541 = arith.index_cast %squeeze3A_1501 : i32 to index
      %get3A_1542 = arith.constant 48 : index
      %get3A_1543 = tpu.vector_load %arg9[%get3A_1540, %get3A_1541, %get3A_1542] {strides = array<i32>} : memref<16x8x64xf32, #tpu.memory_space<vmem>>, vector<16xf32>,
      %get3A_1544 = arith.constant 4 : i32
      %get3A_1545 = arith.index_cast %get3A_1544 : i32 to index
      %get3A_1546 = arith.index_cast %squeeze3A_1503 : i32 to index
      %get3A_1547 = arith.constant 48 : index
      %get3A_1548 = tpu.vector_load %arg10[%get3A_1545, %get3A_1546, %get3A_1547] {strides = array<i32>} : memref<16x8x64xf32, #tpu.memory_space<vmem>>, vector<16xf32>,
      %mul3A_1549 = arith.mulf %get3A_1543, %get3A_1548 : vector<16xf32>
      %add3A_1550 = arith.addf %add3A_1538, %mul3A_1549 : vector<16xf32>
      %mul3A_1551 = arith.constant 16 : i32
      %mul3A_1552 = vector.broadcast %mul3A_1551 : i32 to vector<16xi32>
      %mul3A_1553 = arith.muli %iota3A, %mul3A_1552 : vector<16xi32>
      %add3A_1554 = arith.constant 4 : i32
      %add3A_1555 = vector.broadcast %add3A_1554 : i32 to vector<16xi32>
      %add3A_1556 = arith.addi %mul3A_1553, %add3A_1555 : vector<16xi32>
      tpu.vector_store_idx %arg14[%add3A_1556], %add3A_1550 : memref<256xf32, #tpu.memory_space<vmem>>[vector<16xi32>], vector<16xf32>,
      %slice3A_1557 = vector.extract_strided_slice %and3A_1266 {offsets = [5], sizes = [1], strides = [1]} : vector<16xi32> to vector<1xi32>
      %squeeze3A_1558 = vector.extract %slice3A_1557[0] : i32 from vector<1xi32>
      %slice3A_1559 = vector.extract_strided_slice %and3A_1271 {offsets = [5], sizes = [1], strides = [1]} : vector<16xi32> to vector<1xi32>
      %squeeze3A_1560 = vector.extract %slice3A_1559[0] : i32 from vector<1xi32>
      %get3A_1561 = arith.constant 5 : i32
      %get3A_1562 = arith.index_cast %get3A_1561 : i32 to index
      %get3A_1563 = arith.index_cast %squeeze3A_1558 : i32 to index
      %get3A_1564 = arith.constant 0 : index
      %get3A_1565 = tpu.vector_load %arg9[%get3A_1562, %get3A_1563, %get3A_1564] {strides = array<i32>} : memref<16x8x64xf32, #tpu.memory_space<vmem>>, vector<16xf32>,
      %get3A_1566 = arith.constant 5 : i32
      %get3A_1567 = arith.index_cast %get3A_1566 : i32 to index
      %get3A_1568 = arith.index_cast %squeeze3A_1560 : i32 to index
      %get3A_1569 = arith.constant 0 : index
      %get3A_1570 = tpu.vector_load %arg10[%get3A_1567, %get3A_1568, %get3A_1569] {strides = array<i32>} : memref<16x8x64xf32, #tpu.memory_space<vmem>>, vector<16xf32>,
      %mul3A_1571 = arith.mulf %get3A_1565, %get3A_1570 : vector<16xf32>
      %get3A_1572 = arith.constant 5 : i32
      %get3A_1573 = arith.index_cast %get3A_1572 : i32 to index
      %get3A_1574 = arith.index_cast %squeeze3A_1558 : i32 to index
      %get3A_1575 = arith.constant 16 : index
      %get3A_1576 = tpu.vector_load %arg9[%get3A_1573, %get3A_1574, %get3A_1575] {strides = array<i32>} : memref<16x8x64xf32, #tpu.memory_space<vmem>>, vector<16xf32>,
      %get3A_1577 = arith.constant 5 : i32
      %get3A_1578 = arith.index_cast %get3A_1577 : i32 to index
      %get3A_1579 = arith.index_cast %squeeze3A_1560 : i32 to index
      %get3A_1580 = arith.constant 16 : index
      %get3A_1581 = tpu.vector_load %arg10[%get3A_1578, %get3A_1579, %get3A_1580] {strides = array<i32>} : memref<16x8x64xf32, #tpu.memory_space<vmem>>, vector<16xf32>,
      %mul3A_1582 = arith.mulf %get3A_1576, %get3A_1581 : vector<16xf32>
      %add3A_1583 = arith.addf %mul3A_1571, %mul3A_1582 : vector<16xf32>
      %get3A_1584 = arith.constant 5 : i32
      %get3A_1585 = arith.index_cast %get3A_1584 : i32 to index
      %get3A_1586 = arith.index_cast %squeeze3A_1558 : i32 to index
      %get3A_1587 = arith.constant 32 : index
      %get3A_1588 = tpu.vector_load %arg9[%get3A_1585, %get3A_1586, %get3A_1587] {strides = array<i32>} : memref<16x8x64xf32, #tpu.memory_space<vmem>>, vector<16xf32>,
      %get3A_1589 = arith.constant 5 : i32
      %get3A_1590 = arith.index_cast %get3A_1589 : i32 to index
      %get3A_1591 = arith.index_cast %squeeze3A_1560 : i32 to index
      %get3A_1592 = arith.constant 32 : index
      %get3A_1593 = tpu.vector_load %arg10[%get3A_1590, %get3A_1591, %get3A_1592] {strides = array<i32>} : memref<16x8x64xf32, #tpu.memory_space<vmem>>, vector<16xf32>,
      %mul3A_1594 = arith.mulf %get3A_1588, %get3A_1593 : vector<16xf32>
      %add3A_1595 = arith.addf %add3A_1583, %mul3A_1594 : vector<16xf32>
      %get3A_1596 = arith.constant 5 : i32
      %get3A_1597 = arith.index_cast %get3A_1596 : i32 to index
      %get3A_1598 = arith.index_cast %squeeze3A_1558 : i32 to index
      %get3A_1599 = arith.constant 48 : index
      %get3A_1600 = tpu.vector_load %arg9[%get3A_1597, %get3A_1598, %get3A_1599] {strides = array<i32>} : memref<16x8x64xf32, #tpu.memory_space<vmem>>, vector<16xf32>,
      %get3A_1601 = arith.constant 5 : i32
      %get3A_1602 = arith.index_cast %get3A_1601 : i32 to index
      %get3A_1603 = arith.index_cast %squeeze3A_1560 : i32 to index
      %get3A_1604 = arith.constant 48 : index
      %get3A_1605 = tpu.vector_load %arg10[%get3A_1602, %get3A_1603, %get3A_1604] {strides = array<i32>} : memref<16x8x64xf32, #tpu.memory_space<vmem>>, vector<16xf32>,
      %mul3A_1606 = arith.mulf %get3A_1600, %get3A_1605 : vector<16xf32>
      %add3A_1607 = arith.addf %add3A_1595, %mul3A_1606 : vector<16xf32>
      %mul3A_1608 = arith.constant 16 : i32
      %mul3A_1609 = vector.broadcast %mul3A_1608 : i32 to vector<16xi32>
      %mul3A_1610 = arith.muli %iota3A, %mul3A_1609 : vector<16xi32>
      %add3A_1611 = arith.constant 5 : i32
      %add3A_1612 = vector.broadcast %add3A_1611 : i32 to vector<16xi32>
      %add3A_1613 = arith.addi %mul3A_1610, %add3A_1612 : vector<16xi32>
      tpu.vector_store_idx %arg14[%add3A_1613], %add3A_1607 : memref<256xf32, #tpu.memory_space<vmem>>[vector<16xi32>], vector<16xf32>,
      %slice3A_1614 = vector.extract_strided_slice %and3A_1266 {offsets = [6], sizes = [1], strides = [1]} : vector<16xi32> to vector<1xi32>
      %squeeze3A_1615 = vector.extract %slice3A_1614[0] : i32 from vector<1xi32>
      %slice3A_1616 = vector.extract_strided_slice %and3A_1271 {offsets = [6], sizes = [1], strides = [1]} : vector<16xi32> to vector<1xi32>
      %squeeze3A_1617 = vector.extract %slice3A_1616[0] : i32 from vector<1xi32>
      %get3A_1618 = arith.constant 6 : i32
      %get3A_1619 = arith.index_cast %get3A_1618 : i32 to index
      %get3A_1620 = arith.index_cast %squeeze3A_1615 : i32 to index
      %get3A_1621 = arith.constant 0 : index
      %get3A_1622 = tpu.vector_load %arg9[%get3A_1619, %get3A_1620, %get3A_1621] {strides = array<i32>} : memref<16x8x64xf32, #tpu.memory_space<vmem>>, vector<16xf32>,
      %get3A_1623 = arith.constant 6 : i32
      %get3A_1624 = arith.index_cast %get3A_1623 : i32 to index
      %get3A_1625 = arith.index_cast %squeeze3A_1617 : i32 to index
      %get3A_1626 = arith.constant 0 : index
      %get3A_1627 = tpu.vector_load %arg10[%get3A_1624, %get3A_1625, %get3A_1626] {strides = array<i32>} : memref<16x8x64xf32, #tpu.memory_space<vmem>>, vector<16xf32>,
      %mul3A_1628 = arith.mulf %get3A_1622, %get3A_1627 : vector<16xf32>
      %get3A_1629 = arith.constant 6 : i32
      %get3A_1630 = arith.index_cast %get3A_1629 : i32 to index
      %get3A_1631 = arith.index_cast %squeeze3A_1615 : i32 to index
      %get3A_1632 = arith.constant 16 : index
      %get3A_1633 = tpu.vector_load %arg9[%get3A_1630, %get3A_1631, %get3A_1632] {strides = array<i32>} : memref<16x8x64xf32, #tpu.memory_space<vmem>>, vector<16xf32>,
      %get3A_1634 = arith.constant 6 : i32
      %get3A_1635 = arith.index_cast %get3A_1634 : i32 to index
      %get3A_1636 = arith.index_cast %squeeze3A_1617 : i32 to index
      %get3A_1637 = arith.constant 16 : index
      %get3A_1638 = tpu.vector_load %arg10[%get3A_1635, %get3A_1636, %get3A_1637] {strides = array<i32>} : memref<16x8x64xf32, #tpu.memory_space<vmem>>, vector<16xf32>,
      %mul3A_1639 = arith.mulf %get3A_1633, %get3A_1638 : vector<16xf32>
      %add3A_1640 = arith.addf %mul3A_1628, %mul3A_1639 : vector<16xf32>
      %get3A_1641 = arith.constant 6 : i32
      %get3A_1642 = arith.index_cast %get3A_1641 : i32 to index
      %get3A_1643 = arith.index_cast %squeeze3A_1615 : i32 to index
      %get3A_1644 = arith.constant 32 : index
      %get3A_1645 = tpu.vector_load %arg9[%get3A_1642, %get3A_1643, %get3A_1644] {strides = array<i32>} : memref<16x8x64xf32, #tpu.memory_space<vmem>>, vector<16xf32>,
      %get3A_1646 = arith.constant 6 : i32
      %get3A_1647 = arith.index_cast %get3A_1646 : i32 to index
      %get3A_1648 = arith.index_cast %squeeze3A_1617 : i32 to index
      %get3A_1649 = arith.constant 32 : index
      %get3A_1650 = tpu.vector_load %arg10[%get3A_1647, %get3A_1648, %get3A_1649] {strides = array<i32>} : memref<16x8x64xf32, #tpu.memory_space<vmem>>, vector<16xf32>,
      %mul3A_1651 = arith.mulf %get3A_1645, %get3A_1650 : vector<16xf32>
      %add3A_1652 = arith.addf %add3A_1640, %mul3A_1651 : vector<16xf32>
      %get3A_1653 = arith.constant 6 : i32
      %get3A_1654 = arith.index_cast %get3A_1653 : i32 to index
      %get3A_1655 = arith.index_cast %squeeze3A_1615 : i32 to index
      %get3A_1656 = arith.constant 48 : index
      %get3A_1657 = tpu.vector_load %arg9[%get3A_1654, %get3A_1655, %get3A_1656] {strides = array<i32>} : memref<16x8x64xf32, #tpu.memory_space<vmem>>, vector<16xf32>,
      %get3A_1658 = arith.constant 6 : i32
      %get3A_1659 = arith.index_cast %get3A_1658 : i32 to index
      %get3A_1660 = arith.index_cast %squeeze3A_1617 : i32 to index
      %get3A_1661 = arith.constant 48 : index
      %get3A_1662 = tpu.vector_load %arg10[%get3A_1659, %get3A_1660, %get3A_1661] {strides = array<i32>} : memref<16x8x64xf32, #tpu.memory_space<vmem>>, vector<16xf32>,
      %mul3A_1663 = arith.mulf %get3A_1657, %get3A_1662 : vector<16xf32>
      %add3A_1664 = arith.addf %add3A_1652, %mul3A_1663 : vector<16xf32>
      %mul3A_1665 = arith.constant 16 : i32
      %mul3A_1666 = vector.broadcast %mul3A_1665 : i32 to vector<16xi32>
      %mul3A_1667 = arith.muli %iota3A, %mul3A_1666 : vector<16xi32>
      %add3A_1668 = arith.constant 6 : i32
      %add3A_1669 = vector.broadcast %add3A_1668 : i32 to vector<16xi32>
      %add3A_1670 = arith.addi %mul3A_1667, %add3A_1669 : vector<16xi32>
      tpu.vector_store_idx %arg14[%add3A_1670], %add3A_1664 : memref<256xf32, #tpu.memory_space<vmem>>[vector<16xi32>], vector<16xf32>,
      %slice3A_1671 = vector.extract_strided_slice %and3A_1266 {offsets = [7], sizes = [1], strides = [1]} : vector<16xi32> to vector<1xi32>
      %squeeze3A_1672 = vector.extract %slice3A_1671[0] : i32 from vector<1xi32>
      %slice3A_1673 = vector.extract_strided_slice %and3A_1271 {offsets = [7], sizes = [1], strides = [1]} : vector<16xi32> to vector<1xi32>
      %squeeze3A_1674 = vector.extract %slice3A_1673[0] : i32 from vector<1xi32>
      %get3A_1675 = arith.constant 7 : i32
      %get3A_1676 = arith.index_cast %get3A_1675 : i32 to index
      %get3A_1677 = arith.index_cast %squeeze3A_1672 : i32 to index
      %get3A_1678 = arith.constant 0 : index
      %get3A_1679 = tpu.vector_load %arg9[%get3A_1676, %get3A_1677, %get3A_1678] {strides = array<i32>} : memref<16x8x64xf32, #tpu.memory_space<vmem>>, vector<16xf32>,
      %get3A_1680 = arith.constant 7 : i32
      %get3A_1681 = arith.index_cast %get3A_1680 : i32 to index
      %get3A_1682 = arith.index_cast %squeeze3A_1674 : i32 to index
      %get3A_1683 = arith.constant 0 : index
      %get3A_1684 = tpu.vector_load %arg10[%get3A_1681, %get3A_1682, %get3A_1683] {strides = array<i32>} : memref<16x8x64xf32, #tpu.memory_space<vmem>>, vector<16xf32>,
      %mul3A_1685 = arith.mulf %get3A_1679, %get3A_1684 : vector<16xf32>
      %get3A_1686 = arith.constant 7 : i32
      %get3A_1687 = arith.index_cast %get3A_1686 : i32 to index
      %get3A_1688 = arith.index_cast %squeeze3A_1672 : i32 to index
      %get3A_1689 = arith.constant 16 : index
      %get3A_1690 = tpu.vector_load %arg9[%get3A_1687, %get3A_1688, %get3A_1689] {strides = array<i32>} : memref<16x8x64xf32, #tpu.memory_space<vmem>>, vector<16xf32>,
      %get3A_1691 = arith.constant 7 : i32
      %get3A_1692 = arith.index_cast %get3A_1691 : i32 to index
      %get3A_1693 = arith.index_cast %squeeze3A_1674 : i32 to index
      %get3A_1694 = arith.constant 16 : index
      %get3A_1695 = tpu.vector_load %arg10[%get3A_1692, %get3A_1693, %get3A_1694] {strides = array<i32>} : memref<16x8x64xf32, #tpu.memory_space<vmem>>, vector<16xf32>,
      %mul3A_1696 = arith.mulf %get3A_1690, %get3A_1695 : vector<16xf32>
      %add3A_1697 = arith.addf %mul3A_1685, %mul3A_1696 : vector<16xf32>
      %get3A_1698 = arith.constant 7 : i32
      %get3A_1699 = arith.index_cast %get3A_1698 : i32 to index
      %get3A_1700 = arith.index_cast %squeeze3A_1672 : i32 to index
      %get3A_1701 = arith.constant 32 : index
      %get3A_1702 = tpu.vector_load %arg9[%get3A_1699, %get3A_1700, %get3A_1701] {strides = array<i32>} : memref<16x8x64xf32, #tpu.memory_space<vmem>>, vector<16xf32>,
      %get3A_1703 = arith.constant 7 : i32
      %get3A_1704 = arith.index_cast %get3A_1703 : i32 to index
      %get3A_1705 = arith.index_cast %squeeze3A_1674 : i32 to index
      %get3A_1706 = arith.constant 32 : index
      %get3A_1707 = tpu.vector_load %arg10[%get3A_1704, %get3A_1705, %get3A_1706] {strides = array<i32>} : memref<16x8x64xf32, #tpu.memory_space<vmem>>, vector<16xf32>,
      %mul3A_1708 = arith.mulf %get3A_1702, %get3A_1707 : vector<16xf32>
      %add3A_1709 = arith.addf %add3A_1697, %mul3A_1708 : vector<16xf32>
      %get3A_1710 = arith.constant 7 : i32
      %get3A_1711 = arith.index_cast %get3A_1710 : i32 to index
      %get3A_1712 = arith.index_cast %squeeze3A_1672 : i32 to index
      %get3A_1713 = arith.constant 48 : index
      %get3A_1714 = tpu.vector_load %arg9[%get3A_1711, %get3A_1712, %get3A_1713] {strides = array<i32>} : memref<16x8x64xf32, #tpu.memory_space<vmem>>, vector<16xf32>,
      %get3A_1715 = arith.constant 7 : i32
      %get3A_1716 = arith.index_cast %get3A_1715 : i32 to index
      %get3A_1717 = arith.index_cast %squeeze3A_1674 : i32 to index
      %get3A_1718 = arith.constant 48 : index
      %get3A_1719 = tpu.vector_load %arg10[%get3A_1716, %get3A_1717, %get3A_1718] {strides = array<i32>} : memref<16x8x64xf32, #tpu.memory_space<vmem>>, vector<16xf32>,
      %mul3A_1720 = arith.mulf %get3A_1714, %get3A_1719 : vector<16xf32>
      %add3A_1721 = arith.addf %add3A_1709, %mul3A_1720 : vector<16xf32>
      %mul3A_1722 = arith.constant 16 : i32
      %mul3A_1723 = vector.broadcast %mul3A_1722 : i32 to vector<16xi32>
      %mul3A_1724 = arith.muli %iota3A, %mul3A_1723 : vector<16xi32>
      %add3A_1725 = arith.constant 7 : i32
      %add3A_1726 = vector.broadcast %add3A_1725 : i32 to vector<16xi32>
      %add3A_1727 = arith.addi %mul3A_1724, %add3A_1726 : vector<16xi32>
      tpu.vector_store_idx %arg14[%add3A_1727], %add3A_1721 : memref<256xf32, #tpu.memory_space<vmem>>[vector<16xi32>], vector<16xf32>,
      %slice3A_1728 = vector.extract_strided_slice %and3A_1266 {offsets = [8], sizes = [1], strides = [1]} : vector<16xi32> to vector<1xi32>
      %squeeze3A_1729 = vector.extract %slice3A_1728[0] : i32 from vector<1xi32>
      %slice3A_1730 = vector.extract_strided_slice %and3A_1271 {offsets = [8], sizes = [1], strides = [1]} : vector<16xi32> to vector<1xi32>
      %squeeze3A_1731 = vector.extract %slice3A_1730[0] : i32 from vector<1xi32>
      %get3A_1732 = arith.constant 8 : i32
      %get3A_1733 = arith.index_cast %get3A_1732 : i32 to index
      %get3A_1734 = arith.index_cast %squeeze3A_1729 : i32 to index
      %get3A_1735 = arith.constant 0 : index
      %get3A_1736 = tpu.vector_load %arg9[%get3A_1733, %get3A_1734, %get3A_1735] {strides = array<i32>} : memref<16x8x64xf32, #tpu.memory_space<vmem>>, vector<16xf32>,
      %get3A_1737 = arith.constant 8 : i32
      %get3A_1738 = arith.index_cast %get3A_1737 : i32 to index
      %get3A_1739 = arith.index_cast %squeeze3A_1731 : i32 to index
      %get3A_1740 = arith.constant 0 : index
      %get3A_1741 = tpu.vector_load %arg10[%get3A_1738, %get3A_1739, %get3A_1740] {strides = array<i32>} : memref<16x8x64xf32, #tpu.memory_space<vmem>>, vector<16xf32>,
      %mul3A_1742 = arith.mulf %get3A_1736, %get3A_1741 : vector<16xf32>
      %get3A_1743 = arith.constant 8 : i32
      %get3A_1744 = arith.index_cast %get3A_1743 : i32 to index
      %get3A_1745 = arith.index_cast %squeeze3A_1729 : i32 to index
      %get3A_1746 = arith.constant 16 : index
      %get3A_1747 = tpu.vector_load %arg9[%get3A_1744, %get3A_1745, %get3A_1746] {strides = array<i32>} : memref<16x8x64xf32, #tpu.memory_space<vmem>>, vector<16xf32>,
      %get3A_1748 = arith.constant 8 : i32
      %get3A_1749 = arith.index_cast %get3A_1748 : i32 to index
      %get3A_1750 = arith.index_cast %squeeze3A_1731 : i32 to index
      %get3A_1751 = arith.constant 16 : index
      %get3A_1752 = tpu.vector_load %arg10[%get3A_1749, %get3A_1750, %get3A_1751] {strides = array<i32>} : memref<16x8x64xf32, #tpu.memory_space<vmem>>, vector<16xf32>,
      %mul3A_1753 = arith.mulf %get3A_1747, %get3A_1752 : vector<16xf32>
      %add3A_1754 = arith.addf %mul3A_1742, %mul3A_1753 : vector<16xf32>
      %get3A_1755 = arith.constant 8 : i32
      %get3A_1756 = arith.index_cast %get3A_1755 : i32 to index
      %get3A_1757 = arith.index_cast %squeeze3A_1729 : i32 to index
      %get3A_1758 = arith.constant 32 : index
      %get3A_1759 = tpu.vector_load %arg9[%get3A_1756, %get3A_1757, %get3A_1758] {strides = array<i32>} : memref<16x8x64xf32, #tpu.memory_space<vmem>>, vector<16xf32>,
      %get3A_1760 = arith.constant 8 : i32
      %get3A_1761 = arith.index_cast %get3A_1760 : i32 to index
      %get3A_1762 = arith.index_cast %squeeze3A_1731 : i32 to index
      %get3A_1763 = arith.constant 32 : index
      %get3A_1764 = tpu.vector_load %arg10[%get3A_1761, %get3A_1762, %get3A_1763] {strides = array<i32>} : memref<16x8x64xf32, #tpu.memory_space<vmem>>, vector<16xf32>,
      %mul3A_1765 = arith.mulf %get3A_1759, %get3A_1764 : vector<16xf32>
      %add3A_1766 = arith.addf %add3A_1754, %mul3A_1765 : vector<16xf32>
      %get3A_1767 = arith.constant 8 : i32
      %get3A_1768 = arith.index_cast %get3A_1767 : i32 to index
      %get3A_1769 = arith.index_cast %squeeze3A_1729 : i32 to index
      %get3A_1770 = arith.constant 48 : index
      %get3A_1771 = tpu.vector_load %arg9[%get3A_1768, %get3A_1769, %get3A_1770] {strides = array<i32>} : memref<16x8x64xf32, #tpu.memory_space<vmem>>, vector<16xf32>,
      %get3A_1772 = arith.constant 8 : i32
      %get3A_1773 = arith.index_cast %get3A_1772 : i32 to index
      %get3A_1774 = arith.index_cast %squeeze3A_1731 : i32 to index
      %get3A_1775 = arith.constant 48 : index
      %get3A_1776 = tpu.vector_load %arg10[%get3A_1773, %get3A_1774, %get3A_1775] {strides = array<i32>} : memref<16x8x64xf32, #tpu.memory_space<vmem>>, vector<16xf32>,
      %mul3A_1777 = arith.mulf %get3A_1771, %get3A_1776 : vector<16xf32>
      %add3A_1778 = arith.addf %add3A_1766, %mul3A_1777 : vector<16xf32>
      %mul3A_1779 = arith.constant 16 : i32
      %mul3A_1780 = vector.broadcast %mul3A_1779 : i32 to vector<16xi32>
      %mul3A_1781 = arith.muli %iota3A, %mul3A_1780 : vector<16xi32>
      %add3A_1782 = arith.constant 8 : i32
      %add3A_1783 = vector.broadcast %add3A_1782 : i32 to vector<16xi32>
      %add3A_1784 = arith.addi %mul3A_1781, %add3A_1783 : vector<16xi32>
      tpu.vector_store_idx %arg14[%add3A_1784], %add3A_1778 : memref<256xf32, #tpu.memory_space<vmem>>[vector<16xi32>], vector<16xf32>,
      %slice3A_1785 = vector.extract_strided_slice %and3A_1266 {offsets = [9], sizes = [1], strides = [1]} : vector<16xi32> to vector<1xi32>
      %squeeze3A_1786 = vector.extract %slice3A_1785[0] : i32 from vector<1xi32>
      %slice3A_1787 = vector.extract_strided_slice %and3A_1271 {offsets = [9], sizes = [1], strides = [1]} : vector<16xi32> to vector<1xi32>
      %squeeze3A_1788 = vector.extract %slice3A_1787[0] : i32 from vector<1xi32>
      %get3A_1789 = arith.constant 9 : i32
      %get3A_1790 = arith.index_cast %get3A_1789 : i32 to index
      %get3A_1791 = arith.index_cast %squeeze3A_1786 : i32 to index
      %get3A_1792 = arith.constant 0 : index
      %get3A_1793 = tpu.vector_load %arg9[%get3A_1790, %get3A_1791, %get3A_1792] {strides = array<i32>} : memref<16x8x64xf32, #tpu.memory_space<vmem>>, vector<16xf32>,
      %get3A_1794 = arith.constant 9 : i32
      %get3A_1795 = arith.index_cast %get3A_1794 : i32 to index
      %get3A_1796 = arith.index_cast %squeeze3A_1788 : i32 to index
      %get3A_1797 = arith.constant 0 : index
      %get3A_1798 = tpu.vector_load %arg10[%get3A_1795, %get3A_1796, %get3A_1797] {strides = array<i32>} : memref<16x8x64xf32, #tpu.memory_space<vmem>>, vector<16xf32>,
      %mul3A_1799 = arith.mulf %get3A_1793, %get3A_1798 : vector<16xf32>
      %get3A_1800 = arith.constant 9 : i32
      %get3A_1801 = arith.index_cast %get3A_1800 : i32 to index
      %get3A_1802 = arith.index_cast %squeeze3A_1786 : i32 to index
      %get3A_1803 = arith.constant 16 : index
      %get3A_1804 = tpu.vector_load %arg9[%get3A_1801, %get3A_1802, %get3A_1803] {strides = array<i32>} : memref<16x8x64xf32, #tpu.memory_space<vmem>>, vector<16xf32>,
      %get3A_1805 = arith.constant 9 : i32
      %get3A_1806 = arith.index_cast %get3A_1805 : i32 to index
      %get3A_1807 = arith.index_cast %squeeze3A_1788 : i32 to index
      %get3A_1808 = arith.constant 16 : index
      %get3A_1809 = tpu.vector_load %arg10[%get3A_1806, %get3A_1807, %get3A_1808] {strides = array<i32>} : memref<16x8x64xf32, #tpu.memory_space<vmem>>, vector<16xf32>,
      %mul3A_1810 = arith.mulf %get3A_1804, %get3A_1809 : vector<16xf32>
      %add3A_1811 = arith.addf %mul3A_1799, %mul3A_1810 : vector<16xf32>
      %get3A_1812 = arith.constant 9 : i32
      %get3A_1813 = arith.index_cast %get3A_1812 : i32 to index
      %get3A_1814 = arith.index_cast %squeeze3A_1786 : i32 to index
      %get3A_1815 = arith.constant 32 : index
      %get3A_1816 = tpu.vector_load %arg9[%get3A_1813, %get3A_1814, %get3A_1815] {strides = array<i32>} : memref<16x8x64xf32, #tpu.memory_space<vmem>>, vector<16xf32>,
      %get3A_1817 = arith.constant 9 : i32
      %get3A_1818 = arith.index_cast %get3A_1817 : i32 to index
      %get3A_1819 = arith.index_cast %squeeze3A_1788 : i32 to index
      %get3A_1820 = arith.constant 32 : index
      %get3A_1821 = tpu.vector_load %arg10[%get3A_1818, %get3A_1819, %get3A_1820] {strides = array<i32>} : memref<16x8x64xf32, #tpu.memory_space<vmem>>, vector<16xf32>,
      %mul3A_1822 = arith.mulf %get3A_1816, %get3A_1821 : vector<16xf32>
      %add3A_1823 = arith.addf %add3A_1811, %mul3A_1822 : vector<16xf32>
      %get3A_1824 = arith.constant 9 : i32
      %get3A_1825 = arith.index_cast %get3A_1824 : i32 to index
      %get3A_1826 = arith.index_cast %squeeze3A_1786 : i32 to index
      %get3A_1827 = arith.constant 48 : index
      %get3A_1828 = tpu.vector_load %arg9[%get3A_1825, %get3A_1826, %get3A_1827] {strides = array<i32>} : memref<16x8x64xf32, #tpu.memory_space<vmem>>, vector<16xf32>,
      %get3A_1829 = arith.constant 9 : i32
      %get3A_1830 = arith.index_cast %get3A_1829 : i32 to index
      %get3A_1831 = arith.index_cast %squeeze3A_1788 : i32 to index
      %get3A_1832 = arith.constant 48 : index
      %get3A_1833 = tpu.vector_load %arg10[%get3A_1830, %get3A_1831, %get3A_1832] {strides = array<i32>} : memref<16x8x64xf32, #tpu.memory_space<vmem>>, vector<16xf32>,
      %mul3A_1834 = arith.mulf %get3A_1828, %get3A_1833 : vector<16xf32>
      %add3A_1835 = arith.addf %add3A_1823, %mul3A_1834 : vector<16xf32>
      %mul3A_1836 = arith.constant 16 : i32
      %mul3A_1837 = vector.broadcast %mul3A_1836 : i32 to vector<16xi32>
      %mul3A_1838 = arith.muli %iota3A, %mul3A_1837 : vector<16xi32>
      %add3A_1839 = arith.constant 9 : i32
      %add3A_1840 = vector.broadcast %add3A_1839 : i32 to vector<16xi32>
      %add3A_1841 = arith.addi %mul3A_1838, %add3A_1840 : vector<16xi32>
      tpu.vector_store_idx %arg14[%add3A_1841], %add3A_1835 : memref<256xf32, #tpu.memory_space<vmem>>[vector<16xi32>], vector<16xf32>,
      %slice3A_1842 = vector.extract_strided_slice %and3A_1266 {offsets = [10], sizes = [1], strides = [1]} : vector<16xi32> to vector<1xi32>
      %squeeze3A_1843 = vector.extract %slice3A_1842[0] : i32 from vector<1xi32>
      %slice3A_1844 = vector.extract_strided_slice %and3A_1271 {offsets = [10], sizes = [1], strides = [1]} : vector<16xi32> to vector<1xi32>
      %squeeze3A_1845 = vector.extract %slice3A_1844[0] : i32 from vector<1xi32>
      %get3A_1846 = arith.constant 10 : i32
      %get3A_1847 = arith.index_cast %get3A_1846 : i32 to index
      %get3A_1848 = arith.index_cast %squeeze3A_1843 : i32 to index
      %get3A_1849 = arith.constant 0 : index
      %get3A_1850 = tpu.vector_load %arg9[%get3A_1847, %get3A_1848, %get3A_1849] {strides = array<i32>} : memref<16x8x64xf32, #tpu.memory_space<vmem>>, vector<16xf32>,
      %get3A_1851 = arith.constant 10 : i32
      %get3A_1852 = arith.index_cast %get3A_1851 : i32 to index
      %get3A_1853 = arith.index_cast %squeeze3A_1845 : i32 to index
      %get3A_1854 = arith.constant 0 : index
      %get3A_1855 = tpu.vector_load %arg10[%get3A_1852, %get3A_1853, %get3A_1854] {strides = array<i32>} : memref<16x8x64xf32, #tpu.memory_space<vmem>>, vector<16xf32>,
      %mul3A_1856 = arith.mulf %get3A_1850, %get3A_1855 : vector<16xf32>
      %get3A_1857 = arith.constant 10 : i32
      %get3A_1858 = arith.index_cast %get3A_1857 : i32 to index
      %get3A_1859 = arith.index_cast %squeeze3A_1843 : i32 to index
      %get3A_1860 = arith.constant 16 : index
      %get3A_1861 = tpu.vector_load %arg9[%get3A_1858, %get3A_1859, %get3A_1860] {strides = array<i32>} : memref<16x8x64xf32, #tpu.memory_space<vmem>>, vector<16xf32>,
      %get3A_1862 = arith.constant 10 : i32
      %get3A_1863 = arith.index_cast %get3A_1862 : i32 to index
      %get3A_1864 = arith.index_cast %squeeze3A_1845 : i32 to index
      %get3A_1865 = arith.constant 16 : index
      %get3A_1866 = tpu.vector_load %arg10[%get3A_1863, %get3A_1864, %get3A_1865] {strides = array<i32>} : memref<16x8x64xf32, #tpu.memory_space<vmem>>, vector<16xf32>,
      %mul3A_1867 = arith.mulf %get3A_1861, %get3A_1866 : vector<16xf32>
      %add3A_1868 = arith.addf %mul3A_1856, %mul3A_1867 : vector<16xf32>
      %get3A_1869 = arith.constant 10 : i32
      %get3A_1870 = arith.index_cast %get3A_1869 : i32 to index
      %get3A_1871 = arith.index_cast %squeeze3A_1843 : i32 to index
      %get3A_1872 = arith.constant 32 : index
      %get3A_1873 = tpu.vector_load %arg9[%get3A_1870, %get3A_1871, %get3A_1872] {strides = array<i32>} : memref<16x8x64xf32, #tpu.memory_space<vmem>>, vector<16xf32>,
      %get3A_1874 = arith.constant 10 : i32
      %get3A_1875 = arith.index_cast %get3A_1874 : i32 to index
      %get3A_1876 = arith.index_cast %squeeze3A_1845 : i32 to index
      %get3A_1877 = arith.constant 32 : index
      %get3A_1878 = tpu.vector_load %arg10[%get3A_1875, %get3A_1876, %get3A_1877] {strides = array<i32>} : memref<16x8x64xf32, #tpu.memory_space<vmem>>, vector<16xf32>,
      %mul3A_1879 = arith.mulf %get3A_1873, %get3A_1878 : vector<16xf32>
      %add3A_1880 = arith.addf %add3A_1868, %mul3A_1879 : vector<16xf32>
      %get3A_1881 = arith.constant 10 : i32
      %get3A_1882 = arith.index_cast %get3A_1881 : i32 to index
      %get3A_1883 = arith.index_cast %squeeze3A_1843 : i32 to index
      %get3A_1884 = arith.constant 48 : index
      %get3A_1885 = tpu.vector_load %arg9[%get3A_1882, %get3A_1883, %get3A_1884] {strides = array<i32>} : memref<16x8x64xf32, #tpu.memory_space<vmem>>, vector<16xf32>,
      %get3A_1886 = arith.constant 10 : i32
      %get3A_1887 = arith.index_cast %get3A_1886 : i32 to index
      %get3A_1888 = arith.index_cast %squeeze3A_1845 : i32 to index
      %get3A_1889 = arith.constant 48 : index
      %get3A_1890 = tpu.vector_load %arg10[%get3A_1887, %get3A_1888, %get3A_1889] {strides = array<i32>} : memref<16x8x64xf32, #tpu.memory_space<vmem>>, vector<16xf32>,
      %mul3A_1891 = arith.mulf %get3A_1885, %get3A_1890 : vector<16xf32>
      %add3A_1892 = arith.addf %add3A_1880, %mul3A_1891 : vector<16xf32>
      %mul3A_1893 = arith.constant 16 : i32
      %mul3A_1894 = vector.broadcast %mul3A_1893 : i32 to vector<16xi32>
      %mul3A_1895 = arith.muli %iota3A, %mul3A_1894 : vector<16xi32>
      %add3A_1896 = arith.constant 10 : i32
      %add3A_1897 = vector.broadcast %add3A_1896 : i32 to vector<16xi32>
      %add3A_1898 = arith.addi %mul3A_1895, %add3A_1897 : vector<16xi32>
      tpu.vector_store_idx %arg14[%add3A_1898], %add3A_1892 : memref<256xf32, #tpu.memory_space<vmem>>[vector<16xi32>], vector<16xf32>,
      %slice3A_1899 = vector.extract_strided_slice %and3A_1266 {offsets = [11], sizes = [1], strides = [1]} : vector<16xi32> to vector<1xi32>
      %squeeze3A_1900 = vector.extract %slice3A_1899[0] : i32 from vector<1xi32>
      %slice3A_1901 = vector.extract_strided_slice %and3A_1271 {offsets = [11], sizes = [1], strides = [1]} : vector<16xi32> to vector<1xi32>
      %squeeze3A_1902 = vector.extract %slice3A_1901[0] : i32 from vector<1xi32>
      %get3A_1903 = arith.constant 11 : i32
      %get3A_1904 = arith.index_cast %get3A_1903 : i32 to index
      %get3A_1905 = arith.index_cast %squeeze3A_1900 : i32 to index
      %get3A_1906 = arith.constant 0 : index
      %get3A_1907 = tpu.vector_load %arg9[%get3A_1904, %get3A_1905, %get3A_1906] {strides = array<i32>} : memref<16x8x64xf32, #tpu.memory_space<vmem>>, vector<16xf32>,
      %get3A_1908 = arith.constant 11 : i32
      %get3A_1909 = arith.index_cast %get3A_1908 : i32 to index
      %get3A_1910 = arith.index_cast %squeeze3A_1902 : i32 to index
      %get3A_1911 = arith.constant 0 : index
      %get3A_1912 = tpu.vector_load %arg10[%get3A_1909, %get3A_1910, %get3A_1911] {strides = array<i32>} : memref<16x8x64xf32, #tpu.memory_space<vmem>>, vector<16xf32>,
      %mul3A_1913 = arith.mulf %get3A_1907, %get3A_1912 : vector<16xf32>
      %get3A_1914 = arith.constant 11 : i32
      %get3A_1915 = arith.index_cast %get3A_1914 : i32 to index
      %get3A_1916 = arith.index_cast %squeeze3A_1900 : i32 to index
      %get3A_1917 = arith.constant 16 : index
      %get3A_1918 = tpu.vector_load %arg9[%get3A_1915, %get3A_1916, %get3A_1917] {strides = array<i32>} : memref<16x8x64xf32, #tpu.memory_space<vmem>>, vector<16xf32>,
      %get3A_1919 = arith.constant 11 : i32
      %get3A_1920 = arith.index_cast %get3A_1919 : i32 to index
      %get3A_1921 = arith.index_cast %squeeze3A_1902 : i32 to index
      %get3A_1922 = arith.constant 16 : index
      %get3A_1923 = tpu.vector_load %arg10[%get3A_1920, %get3A_1921, %get3A_1922] {strides = array<i32>} : memref<16x8x64xf32, #tpu.memory_space<vmem>>, vector<16xf32>,
      %mul3A_1924 = arith.mulf %get3A_1918, %get3A_1923 : vector<16xf32>
      %add3A_1925 = arith.addf %mul3A_1913, %mul3A_1924 : vector<16xf32>
      %get3A_1926 = arith.constant 11 : i32
      %get3A_1927 = arith.index_cast %get3A_1926 : i32 to index
      %get3A_1928 = arith.index_cast %squeeze3A_1900 : i32 to index
      %get3A_1929 = arith.constant 32 : index
      %get3A_1930 = tpu.vector_load %arg9[%get3A_1927, %get3A_1928, %get3A_1929] {strides = array<i32>} : memref<16x8x64xf32, #tpu.memory_space<vmem>>, vector<16xf32>,
      %get3A_1931 = arith.constant 11 : i32
      %get3A_1932 = arith.index_cast %get3A_1931 : i32 to index
      %get3A_1933 = arith.index_cast %squeeze3A_1902 : i32 to index
      %get3A_1934 = arith.constant 32 : index
      %get3A_1935 = tpu.vector_load %arg10[%get3A_1932, %get3A_1933, %get3A_1934] {strides = array<i32>} : memref<16x8x64xf32, #tpu.memory_space<vmem>>, vector<16xf32>,
      %mul3A_1936 = arith.mulf %get3A_1930, %get3A_1935 : vector<16xf32>
      %add3A_1937 = arith.addf %add3A_1925, %mul3A_1936 : vector<16xf32>
      %get3A_1938 = arith.constant 11 : i32
      %get3A_1939 = arith.index_cast %get3A_1938 : i32 to index
      %get3A_1940 = arith.index_cast %squeeze3A_1900 : i32 to index
      %get3A_1941 = arith.constant 48 : index
      %get3A_1942 = tpu.vector_load %arg9[%get3A_1939, %get3A_1940, %get3A_1941] {strides = array<i32>} : memref<16x8x64xf32, #tpu.memory_space<vmem>>, vector<16xf32>,
      %get3A_1943 = arith.constant 11 : i32
      %get3A_1944 = arith.index_cast %get3A_1943 : i32 to index
      %get3A_1945 = arith.index_cast %squeeze3A_1902 : i32 to index
      %get3A_1946 = arith.constant 48 : index
      %get3A_1947 = tpu.vector_load %arg10[%get3A_1944, %get3A_1945, %get3A_1946] {strides = array<i32>} : memref<16x8x64xf32, #tpu.memory_space<vmem>>, vector<16xf32>,
      %mul3A_1948 = arith.mulf %get3A_1942, %get3A_1947 : vector<16xf32>
      %add3A_1949 = arith.addf %add3A_1937, %mul3A_1948 : vector<16xf32>
      %mul3A_1950 = arith.constant 16 : i32
      %mul3A_1951 = vector.broadcast %mul3A_1950 : i32 to vector<16xi32>
      %mul3A_1952 = arith.muli %iota3A, %mul3A_1951 : vector<16xi32>
      %add3A_1953 = arith.constant 11 : i32
      %add3A_1954 = vector.broadcast %add3A_1953 : i32 to vector<16xi32>
      %add3A_1955 = arith.addi %mul3A_1952, %add3A_1954 : vector<16xi32>
      tpu.vector_store_idx %arg14[%add3A_1955], %add3A_1949 : memref<256xf32, #tpu.memory_space<vmem>>[vector<16xi32>], vector<16xf32>,
      %slice3A_1956 = vector.extract_strided_slice %and3A_1266 {offsets = [12], sizes = [1], strides = [1]} : vector<16xi32> to vector<1xi32>
      %squeeze3A_1957 = vector.extract %slice3A_1956[0] : i32 from vector<1xi32>
      %slice3A_1958 = vector.extract_strided_slice %and3A_1271 {offsets = [12], sizes = [1], strides = [1]} : vector<16xi32> to vector<1xi32>
      %squeeze3A_1959 = vector.extract %slice3A_1958[0] : i32 from vector<1xi32>
      %get3A_1960 = arith.constant 12 : i32
      %get3A_1961 = arith.index_cast %get3A_1960 : i32 to index
      %get3A_1962 = arith.index_cast %squeeze3A_1957 : i32 to index
      %get3A_1963 = arith.constant 0 : index
      %get3A_1964 = tpu.vector_load %arg9[%get3A_1961, %get3A_1962, %get3A_1963] {strides = array<i32>} : memref<16x8x64xf32, #tpu.memory_space<vmem>>, vector<16xf32>,
      %get3A_1965 = arith.constant 12 : i32
      %get3A_1966 = arith.index_cast %get3A_1965 : i32 to index
      %get3A_1967 = arith.index_cast %squeeze3A_1959 : i32 to index
      %get3A_1968 = arith.constant 0 : index
      %get3A_1969 = tpu.vector_load %arg10[%get3A_1966, %get3A_1967, %get3A_1968] {strides = array<i32>} : memref<16x8x64xf32, #tpu.memory_space<vmem>>, vector<16xf32>,
      %mul3A_1970 = arith.mulf %get3A_1964, %get3A_1969 : vector<16xf32>
      %get3A_1971 = arith.constant 12 : i32
      %get3A_1972 = arith.index_cast %get3A_1971 : i32 to index
      %get3A_1973 = arith.index_cast %squeeze3A_1957 : i32 to index
      %get3A_1974 = arith.constant 16 : index
      %get3A_1975 = tpu.vector_load %arg9[%get3A_1972, %get3A_1973, %get3A_1974] {strides = array<i32>} : memref<16x8x64xf32, #tpu.memory_space<vmem>>, vector<16xf32>,
      %get3A_1976 = arith.constant 12 : i32
      %get3A_1977 = arith.index_cast %get3A_1976 : i32 to index
      %get3A_1978 = arith.index_cast %squeeze3A_1959 : i32 to index
      %get3A_1979 = arith.constant 16 : index
      %get3A_1980 = tpu.vector_load %arg10[%get3A_1977, %get3A_1978, %get3A_1979] {strides = array<i32>} : memref<16x8x64xf32, #tpu.memory_space<vmem>>, vector<16xf32>,
      %mul3A_1981 = arith.mulf %get3A_1975, %get3A_1980 : vector<16xf32>
      %add3A_1982 = arith.addf %mul3A_1970, %mul3A_1981 : vector<16xf32>
      %get3A_1983 = arith.constant 12 : i32
      %get3A_1984 = arith.index_cast %get3A_1983 : i32 to index
      %get3A_1985 = arith.index_cast %squeeze3A_1957 : i32 to index
      %get3A_1986 = arith.constant 32 : index
      %get3A_1987 = tpu.vector_load %arg9[%get3A_1984, %get3A_1985, %get3A_1986] {strides = array<i32>} : memref<16x8x64xf32, #tpu.memory_space<vmem>>, vector<16xf32>,
      %get3A_1988 = arith.constant 12 : i32
      %get3A_1989 = arith.index_cast %get3A_1988 : i32 to index
      %get3A_1990 = arith.index_cast %squeeze3A_1959 : i32 to index
      %get3A_1991 = arith.constant 32 : index
      %get3A_1992 = tpu.vector_load %arg10[%get3A_1989, %get3A_1990, %get3A_1991] {strides = array<i32>} : memref<16x8x64xf32, #tpu.memory_space<vmem>>, vector<16xf32>,
      %mul3A_1993 = arith.mulf %get3A_1987, %get3A_1992 : vector<16xf32>
      %add3A_1994 = arith.addf %add3A_1982, %mul3A_1993 : vector<16xf32>
      %get3A_1995 = arith.constant 12 : i32
      %get3A_1996 = arith.index_cast %get3A_1995 : i32 to index
      %get3A_1997 = arith.index_cast %squeeze3A_1957 : i32 to index
      %get3A_1998 = arith.constant 48 : index
      %get3A_1999 = tpu.vector_load %arg9[%get3A_1996, %get3A_1997, %get3A_1998] {strides = array<i32>} : memref<16x8x64xf32, #tpu.memory_space<vmem>>, vector<16xf32>,
      %get3A_2000 = arith.constant 12 : i32
      %get3A_2001 = arith.index_cast %get3A_2000 : i32 to index
      %get3A_2002 = arith.index_cast %squeeze3A_1959 : i32 to index
      %get3A_2003 = arith.constant 48 : index
      %get3A_2004 = tpu.vector_load %arg10[%get3A_2001, %get3A_2002, %get3A_2003] {strides = array<i32>} : memref<16x8x64xf32, #tpu.memory_space<vmem>>, vector<16xf32>,
      %mul3A_2005 = arith.mulf %get3A_1999, %get3A_2004 : vector<16xf32>
      %add3A_2006 = arith.addf %add3A_1994, %mul3A_2005 : vector<16xf32>
      %mul3A_2007 = arith.constant 16 : i32
      %mul3A_2008 = vector.broadcast %mul3A_2007 : i32 to vector<16xi32>
      %mul3A_2009 = arith.muli %iota3A, %mul3A_2008 : vector<16xi32>
      %add3A_2010 = arith.constant 12 : i32
      %add3A_2011 = vector.broadcast %add3A_2010 : i32 to vector<16xi32>
      %add3A_2012 = arith.addi %mul3A_2009, %add3A_2011 : vector<16xi32>
      tpu.vector_store_idx %arg14[%add3A_2012], %add3A_2006 : memref<256xf32, #tpu.memory_space<vmem>>[vector<16xi32>], vector<16xf32>,
      %slice3A_2013 = vector.extract_strided_slice %and3A_1266 {offsets = [13], sizes = [1], strides = [1]} : vector<16xi32> to vector<1xi32>
      %squeeze3A_2014 = vector.extract %slice3A_2013[0] : i32 from vector<1xi32>
      %slice3A_2015 = vector.extract_strided_slice %and3A_1271 {offsets = [13], sizes = [1], strides = [1]} : vector<16xi32> to vector<1xi32>
      %squeeze3A_2016 = vector.extract %slice3A_2015[0] : i32 from vector<1xi32>
      %get3A_2017 = arith.constant 13 : i32
      %get3A_2018 = arith.index_cast %get3A_2017 : i32 to index
      %get3A_2019 = arith.index_cast %squeeze3A_2014 : i32 to index
      %get3A_2020 = arith.constant 0 : index
      %get3A_2021 = tpu.vector_load %arg9[%get3A_2018, %get3A_2019, %get3A_2020] {strides = array<i32>} : memref<16x8x64xf32, #tpu.memory_space<vmem>>, vector<16xf32>,
      %get3A_2022 = arith.constant 13 : i32
      %get3A_2023 = arith.index_cast %get3A_2022 : i32 to index
      %get3A_2024 = arith.index_cast %squeeze3A_2016 : i32 to index
      %get3A_2025 = arith.constant 0 : index
      %get3A_2026 = tpu.vector_load %arg10[%get3A_2023, %get3A_2024, %get3A_2025] {strides = array<i32>} : memref<16x8x64xf32, #tpu.memory_space<vmem>>, vector<16xf32>,
      %mul3A_2027 = arith.mulf %get3A_2021, %get3A_2026 : vector<16xf32>
      %get3A_2028 = arith.constant 13 : i32
      %get3A_2029 = arith.index_cast %get3A_2028 : i32 to index
      %get3A_2030 = arith.index_cast %squeeze3A_2014 : i32 to index
      %get3A_2031 = arith.constant 16 : index
      %get3A_2032 = tpu.vector_load %arg9[%get3A_2029, %get3A_2030, %get3A_2031] {strides = array<i32>} : memref<16x8x64xf32, #tpu.memory_space<vmem>>, vector<16xf32>,
      %get3A_2033 = arith.constant 13 : i32
      %get3A_2034 = arith.index_cast %get3A_2033 : i32 to index
      %get3A_2035 = arith.index_cast %squeeze3A_2016 : i32 to index
      %get3A_2036 = arith.constant 16 : index
      %get3A_2037 = tpu.vector_load %arg10[%get3A_2034, %get3A_2035, %get3A_2036] {strides = array<i32>} : memref<16x8x64xf32, #tpu.memory_space<vmem>>, vector<16xf32>,
      %mul3A_2038 = arith.mulf %get3A_2032, %get3A_2037 : vector<16xf32>
      %add3A_2039 = arith.addf %mul3A_2027, %mul3A_2038 : vector<16xf32>
      %get3A_2040 = arith.constant 13 : i32
      %get3A_2041 = arith.index_cast %get3A_2040 : i32 to index
      %get3A_2042 = arith.index_cast %squeeze3A_2014 : i32 to index
      %get3A_2043 = arith.constant 32 : index
      %get3A_2044 = tpu.vector_load %arg9[%get3A_2041, %get3A_2042, %get3A_2043] {strides = array<i32>} : memref<16x8x64xf32, #tpu.memory_space<vmem>>, vector<16xf32>,
      %get3A_2045 = arith.constant 13 : i32
      %get3A_2046 = arith.index_cast %get3A_2045 : i32 to index
      %get3A_2047 = arith.index_cast %squeeze3A_2016 : i32 to index
      %get3A_2048 = arith.constant 32 : index
      %get3A_2049 = tpu.vector_load %arg10[%get3A_2046, %get3A_2047, %get3A_2048] {strides = array<i32>} : memref<16x8x64xf32, #tpu.memory_space<vmem>>, vector<16xf32>,
      %mul3A_2050 = arith.mulf %get3A_2044, %get3A_2049 : vector<16xf32>
      %add3A_2051 = arith.addf %add3A_2039, %mul3A_2050 : vector<16xf32>
      %get3A_2052 = arith.constant 13 : i32
      %get3A_2053 = arith.index_cast %get3A_2052 : i32 to index
      %get3A_2054 = arith.index_cast %squeeze3A_2014 : i32 to index
      %get3A_2055 = arith.constant 48 : index
      %get3A_2056 = tpu.vector_load %arg9[%get3A_2053, %get3A_2054, %get3A_2055] {strides = array<i32>} : memref<16x8x64xf32, #tpu.memory_space<vmem>>, vector<16xf32>,
      %get3A_2057 = arith.constant 13 : i32
      %get3A_2058 = arith.index_cast %get3A_2057 : i32 to index
      %get3A_2059 = arith.index_cast %squeeze3A_2016 : i32 to index
      %get3A_2060 = arith.constant 48 : index
      %get3A_2061 = tpu.vector_load %arg10[%get3A_2058, %get3A_2059, %get3A_2060] {strides = array<i32>} : memref<16x8x64xf32, #tpu.memory_space<vmem>>, vector<16xf32>,
      %mul3A_2062 = arith.mulf %get3A_2056, %get3A_2061 : vector<16xf32>
      %add3A_2063 = arith.addf %add3A_2051, %mul3A_2062 : vector<16xf32>
      %mul3A_2064 = arith.constant 16 : i32
      %mul3A_2065 = vector.broadcast %mul3A_2064 : i32 to vector<16xi32>
      %mul3A_2066 = arith.muli %iota3A, %mul3A_2065 : vector<16xi32>
      %add3A_2067 = arith.constant 13 : i32
      %add3A_2068 = vector.broadcast %add3A_2067 : i32 to vector<16xi32>
      %add3A_2069 = arith.addi %mul3A_2066, %add3A_2068 : vector<16xi32>
      tpu.vector_store_idx %arg14[%add3A_2069], %add3A_2063 : memref<256xf32, #tpu.memory_space<vmem>>[vector<16xi32>], vector<16xf32>,
      %slice3A_2070 = vector.extract_strided_slice %and3A_1266 {offsets = [14], sizes = [1], strides = [1]} : vector<16xi32> to vector<1xi32>
      %squeeze3A_2071 = vector.extract %slice3A_2070[0] : i32 from vector<1xi32>
      %slice3A_2072 = vector.extract_strided_slice %and3A_1271 {offsets = [14], sizes = [1], strides = [1]} : vector<16xi32> to vector<1xi32>
      %squeeze3A_2073 = vector.extract %slice3A_2072[0] : i32 from vector<1xi32>
      %get3A_2074 = arith.constant 14 : i32
      %get3A_2075 = arith.index_cast %get3A_2074 : i32 to index
      %get3A_2076 = arith.index_cast %squeeze3A_2071 : i32 to index
      %get3A_2077 = arith.constant 0 : index
      %get3A_2078 = tpu.vector_load %arg9[%get3A_2075, %get3A_2076, %get3A_2077] {strides = array<i32>} : memref<16x8x64xf32, #tpu.memory_space<vmem>>, vector<16xf32>,
      %get3A_2079 = arith.constant 14 : i32
      %get3A_2080 = arith.index_cast %get3A_2079 : i32 to index
      %get3A_2081 = arith.index_cast %squeeze3A_2073 : i32 to index
      %get3A_2082 = arith.constant 0 : index
      %get3A_2083 = tpu.vector_load %arg10[%get3A_2080, %get3A_2081, %get3A_2082] {strides = array<i32>} : memref<16x8x64xf32, #tpu.memory_space<vmem>>, vector<16xf32>,
      %mul3A_2084 = arith.mulf %get3A_2078, %get3A_2083 : vector<16xf32>
      %get3A_2085 = arith.constant 14 : i32
      %get3A_2086 = arith.index_cast %get3A_2085 : i32 to index
      %get3A_2087 = arith.index_cast %squeeze3A_2071 : i32 to index
      %get3A_2088 = arith.constant 16 : index
      %get3A_2089 = tpu.vector_load %arg9[%get3A_2086, %get3A_2087, %get3A_2088] {strides = array<i32>} : memref<16x8x64xf32, #tpu.memory_space<vmem>>, vector<16xf32>,
      %get3A_2090 = arith.constant 14 : i32
      %get3A_2091 = arith.index_cast %get3A_2090 : i32 to index
      %get3A_2092 = arith.index_cast %squeeze3A_2073 : i32 to index
      %get3A_2093 = arith.constant 16 : index
      %get3A_2094 = tpu.vector_load %arg10[%get3A_2091, %get3A_2092, %get3A_2093] {strides = array<i32>} : memref<16x8x64xf32, #tpu.memory_space<vmem>>, vector<16xf32>,
      %mul3A_2095 = arith.mulf %get3A_2089, %get3A_2094 : vector<16xf32>
      %add3A_2096 = arith.addf %mul3A_2084, %mul3A_2095 : vector<16xf32>
      %get3A_2097 = arith.constant 14 : i32
      %get3A_2098 = arith.index_cast %get3A_2097 : i32 to index
      %get3A_2099 = arith.index_cast %squeeze3A_2071 : i32 to index
      %get3A_2100 = arith.constant 32 : index
      %get3A_2101 = tpu.vector_load %arg9[%get3A_2098, %get3A_2099, %get3A_2100] {strides = array<i32>} : memref<16x8x64xf32, #tpu.memory_space<vmem>>, vector<16xf32>,
      %get3A_2102 = arith.constant 14 : i32
      %get3A_2103 = arith.index_cast %get3A_2102 : i32 to index
      %get3A_2104 = arith.index_cast %squeeze3A_2073 : i32 to index
      %get3A_2105 = arith.constant 32 : index
      %get3A_2106 = tpu.vector_load %arg10[%get3A_2103, %get3A_2104, %get3A_2105] {strides = array<i32>} : memref<16x8x64xf32, #tpu.memory_space<vmem>>, vector<16xf32>,
      %mul3A_2107 = arith.mulf %get3A_2101, %get3A_2106 : vector<16xf32>
      %add3A_2108 = arith.addf %add3A_2096, %mul3A_2107 : vector<16xf32>
      %get3A_2109 = arith.constant 14 : i32
      %get3A_2110 = arith.index_cast %get3A_2109 : i32 to index
      %get3A_2111 = arith.index_cast %squeeze3A_2071 : i32 to index
      %get3A_2112 = arith.constant 48 : index
      %get3A_2113 = tpu.vector_load %arg9[%get3A_2110, %get3A_2111, %get3A_2112] {strides = array<i32>} : memref<16x8x64xf32, #tpu.memory_space<vmem>>, vector<16xf32>,
      %get3A_2114 = arith.constant 14 : i32
      %get3A_2115 = arith.index_cast %get3A_2114 : i32 to index
      %get3A_2116 = arith.index_cast %squeeze3A_2073 : i32 to index
      %get3A_2117 = arith.constant 48 : index
      %get3A_2118 = tpu.vector_load %arg10[%get3A_2115, %get3A_2116, %get3A_2117] {strides = array<i32>} : memref<16x8x64xf32, #tpu.memory_space<vmem>>, vector<16xf32>,
      %mul3A_2119 = arith.mulf %get3A_2113, %get3A_2118 : vector<16xf32>
      %add3A_2120 = arith.addf %add3A_2108, %mul3A_2119 : vector<16xf32>
      %mul3A_2121 = arith.constant 16 : i32
      %mul3A_2122 = vector.broadcast %mul3A_2121 : i32 to vector<16xi32>
      %mul3A_2123 = arith.muli %iota3A, %mul3A_2122 : vector<16xi32>
      %add3A_2124 = arith.constant 14 : i32
      %add3A_2125 = vector.broadcast %add3A_2124 : i32 to vector<16xi32>
      %add3A_2126 = arith.addi %mul3A_2123, %add3A_2125 : vector<16xi32>
      tpu.vector_store_idx %arg14[%add3A_2126], %add3A_2120 : memref<256xf32, #tpu.memory_space<vmem>>[vector<16xi32>], vector<16xf32>,
      %slice3A_2127 = vector.extract_strided_slice %and3A_1266 {offsets = [15], sizes = [1], strides = [1]} : vector<16xi32> to vector<1xi32>
      %squeeze3A_2128 = vector.extract %slice3A_2127[0] : i32 from vector<1xi32>
      %slice3A_2129 = vector.extract_strided_slice %and3A_1271 {offsets = [15], sizes = [1], strides = [1]} : vector<16xi32> to vector<1xi32>
      %squeeze3A_2130 = vector.extract %slice3A_2129[0] : i32 from vector<1xi32>
      %get3A_2131 = arith.constant 15 : i32
      %get3A_2132 = arith.index_cast %get3A_2131 : i32 to index
      %get3A_2133 = arith.index_cast %squeeze3A_2128 : i32 to index
      %get3A_2134 = arith.constant 0 : index
      %get3A_2135 = tpu.vector_load %arg9[%get3A_2132, %get3A_2133, %get3A_2134] {strides = array<i32>} : memref<16x8x64xf32, #tpu.memory_space<vmem>>, vector<16xf32>,
      %get3A_2136 = arith.constant 15 : i32
      %get3A_2137 = arith.index_cast %get3A_2136 : i32 to index
      %get3A_2138 = arith.index_cast %squeeze3A_2130 : i32 to index
      %get3A_2139 = arith.constant 0 : index
      %get3A_2140 = tpu.vector_load %arg10[%get3A_2137, %get3A_2138, %get3A_2139] {strides = array<i32>} : memref<16x8x64xf32, #tpu.memory_space<vmem>>, vector<16xf32>,
      %mul3A_2141 = arith.mulf %get3A_2135, %get3A_2140 : vector<16xf32>
      %get3A_2142 = arith.constant 15 : i32
      %get3A_2143 = arith.index_cast %get3A_2142 : i32 to index
      %get3A_2144 = arith.index_cast %squeeze3A_2128 : i32 to index
      %get3A_2145 = arith.constant 16 : index
      %get3A_2146 = tpu.vector_load %arg9[%get3A_2143, %get3A_2144, %get3A_2145] {strides = array<i32>} : memref<16x8x64xf32, #tpu.memory_space<vmem>>, vector<16xf32>,
      %get3A_2147 = arith.constant 15 : i32
      %get3A_2148 = arith.index_cast %get3A_2147 : i32 to index
      %get3A_2149 = arith.index_cast %squeeze3A_2130 : i32 to index
      %get3A_2150 = arith.constant 16 : index
      %get3A_2151 = tpu.vector_load %arg10[%get3A_2148, %get3A_2149, %get3A_2150] {strides = array<i32>} : memref<16x8x64xf32, #tpu.memory_space<vmem>>, vector<16xf32>,
      %mul3A_2152 = arith.mulf %get3A_2146, %get3A_2151 : vector<16xf32>
      %add3A_2153 = arith.addf %mul3A_2141, %mul3A_2152 : vector<16xf32>
      %get3A_2154 = arith.constant 15 : i32
      %get3A_2155 = arith.index_cast %get3A_2154 : i32 to index
      %get3A_2156 = arith.index_cast %squeeze3A_2128 : i32 to index
      %get3A_2157 = arith.constant 32 : index
      %get3A_2158 = tpu.vector_load %arg9[%get3A_2155, %get3A_2156, %get3A_2157] {strides = array<i32>} : memref<16x8x64xf32, #tpu.memory_space<vmem>>, vector<16xf32>,
      %get3A_2159 = arith.constant 15 : i32
      %get3A_2160 = arith.index_cast %get3A_2159 : i32 to index
      %get3A_2161 = arith.index_cast %squeeze3A_2130 : i32 to index
      %get3A_2162 = arith.constant 32 : index
      %get3A_2163 = tpu.vector_load %arg10[%get3A_2160, %get3A_2161, %get3A_2162] {strides = array<i32>} : memref<16x8x64xf32, #tpu.memory_space<vmem>>, vector<16xf32>,
      %mul3A_2164 = arith.mulf %get3A_2158, %get3A_2163 : vector<16xf32>
      %add3A_2165 = arith.addf %add3A_2153, %mul3A_2164 : vector<16xf32>
      %get3A_2166 = arith.constant 15 : i32
      %get3A_2167 = arith.index_cast %get3A_2166 : i32 to index
      %get3A_2168 = arith.index_cast %squeeze3A_2128 : i32 to index
      %get3A_2169 = arith.constant 48 : index
      %get3A_2170 = tpu.vector_load %arg9[%get3A_2167, %get3A_2168, %get3A_2169] {strides = array<i32>} : memref<16x8x64xf32, #tpu.memory_space<vmem>>, vector<16xf32>,
      %get3A_2171 = arith.constant 15 : i32
      %get3A_2172 = arith.index_cast %get3A_2171 : i32 to index
      %get3A_2173 = arith.index_cast %squeeze3A_2130 : i32 to index
      %get3A_2174 = arith.constant 48 : index
      %get3A_2175 = tpu.vector_load %arg10[%get3A_2172, %get3A_2173, %get3A_2174] {strides = array<i32>} : memref<16x8x64xf32, #tpu.memory_space<vmem>>, vector<16xf32>,
      %mul3A_2176 = arith.mulf %get3A_2170, %get3A_2175 : vector<16xf32>
      %add3A_2177 = arith.addf %add3A_2165, %mul3A_2176 : vector<16xf32>
      %mul3A_2178 = arith.constant 16 : i32
      %mul3A_2179 = vector.broadcast %mul3A_2178 : i32 to vector<16xi32>
      %mul3A_2180 = arith.muli %iota3A, %mul3A_2179 : vector<16xi32>
      %add3A_2181 = arith.constant 15 : i32
      %add3A_2182 = vector.broadcast %add3A_2181 : i32 to vector<16xi32>
      %add3A_2183 = arith.addi %mul3A_2180, %add3A_2182 : vector<16xi32>
      tpu.vector_store_idx %arg14[%add3A_2183], %add3A_2177 : memref<256xf32, #tpu.memory_space<vmem>>[vector<16xi32>], vector<16xf32>,
      %get3A_2184 = arith.constant 0 : index
      %get3A_2185 = tpu.vector_load %arg14[%get3A_2184] {strides = array<i32>} : memref<256xf32, #tpu.memory_space<vmem>>, vector<16xf32>,
      %get3A_2186 = arith.constant 16 : index
      %get3A_2187 = tpu.vector_load %arg14[%get3A_2186] {strides = array<i32>} : memref<256xf32, #tpu.memory_space<vmem>>, vector<16xf32>,
      %add3A_2188 = arith.addf %get3A_2185, %get3A_2187 : vector<16xf32>
      %get3A_2189 = arith.constant 32 : index
      %get3A_2190 = tpu.vector_load %arg14[%get3A_2189] {strides = array<i32>} : memref<256xf32, #tpu.memory_space<vmem>>, vector<16xf32>,
      %add3A_2191 = arith.addf %add3A_2188, %get3A_2190 : vector<16xf32>
      %get3A_2192 = arith.constant 48 : index
      %get3A_2193 = tpu.vector_load %arg14[%get3A_2192] {strides = array<i32>} : memref<256xf32, #tpu.memory_space<vmem>>, vector<16xf32>,
      %add3A_2194 = arith.addf %add3A_2191, %get3A_2193 : vector<16xf32>
      %get3A_2195 = arith.constant 64 : index
      %get3A_2196 = tpu.vector_load %arg14[%get3A_2195] {strides = array<i32>} : memref<256xf32, #tpu.memory_space<vmem>>, vector<16xf32>,
      %add3A_2197 = arith.addf %add3A_2194, %get3A_2196 : vector<16xf32>
      %get3A_2198 = arith.constant 80 : index
      %get3A_2199 = tpu.vector_load %arg14[%get3A_2198] {strides = array<i32>} : memref<256xf32, #tpu.memory_space<vmem>>, vector<16xf32>,
      %add3A_2200 = arith.addf %add3A_2197, %get3A_2199 : vector<16xf32>
      %get3A_2201 = arith.constant 96 : index
      %get3A_2202 = tpu.vector_load %arg14[%get3A_2201] {strides = array<i32>} : memref<256xf32, #tpu.memory_space<vmem>>, vector<16xf32>,
      %add3A_2203 = arith.addf %add3A_2200, %get3A_2202 : vector<16xf32>
      %get3A_2204 = arith.constant 112 : index
      %get3A_2205 = tpu.vector_load %arg14[%get3A_2204] {strides = array<i32>} : memref<256xf32, #tpu.memory_space<vmem>>, vector<16xf32>,
      %add3A_2206 = arith.addf %add3A_2203, %get3A_2205 : vector<16xf32>
      %get3A_2207 = arith.constant 128 : index
      %get3A_2208 = tpu.vector_load %arg14[%get3A_2207] {strides = array<i32>} : memref<256xf32, #tpu.memory_space<vmem>>, vector<16xf32>,
      %add3A_2209 = arith.addf %add3A_2206, %get3A_2208 : vector<16xf32>
      %get3A_2210 = arith.constant 144 : index
      %get3A_2211 = tpu.vector_load %arg14[%get3A_2210] {strides = array<i32>} : memref<256xf32, #tpu.memory_space<vmem>>, vector<16xf32>,
      %add3A_2212 = arith.addf %add3A_2209, %get3A_2211 : vector<16xf32>
      %get3A_2213 = arith.constant 160 : index
      %get3A_2214 = tpu.vector_load %arg14[%get3A_2213] {strides = array<i32>} : memref<256xf32, #tpu.memory_space<vmem>>, vector<16xf32>,
      %add3A_2215 = arith.addf %add3A_2212, %get3A_2214 : vector<16xf32>
      %get3A_2216 = arith.constant 176 : index
      %get3A_2217 = tpu.vector_load %arg14[%get3A_2216] {strides = array<i32>} : memref<256xf32, #tpu.memory_space<vmem>>, vector<16xf32>,
      %add3A_2218 = arith.addf %add3A_2215, %get3A_2217 : vector<16xf32>
      %get3A_2219 = arith.constant 192 : index
      %get3A_2220 = tpu.vector_load %arg14[%get3A_2219] {strides = array<i32>} : memref<256xf32, #tpu.memory_space<vmem>>, vector<16xf32>,
      %add3A_2221 = arith.addf %add3A_2218, %get3A_2220 : vector<16xf32>
      %get3A_2222 = arith.constant 208 : index
      %get3A_2223 = tpu.vector_load %arg14[%get3A_2222] {strides = array<i32>} : memref<256xf32, #tpu.memory_space<vmem>>, vector<16xf32>,
      %add3A_2224 = arith.addf %add3A_2221, %get3A_2223 : vector<16xf32>
      %get3A_2225 = arith.constant 224 : index
      %get3A_2226 = tpu.vector_load %arg14[%get3A_2225] {strides = array<i32>} : memref<256xf32, #tpu.memory_space<vmem>>, vector<16xf32>,
      %add3A_2227 = arith.addf %add3A_2224, %get3A_2226 : vector<16xf32>
      %get3A_2228 = arith.constant 240 : index
      %get3A_2229 = tpu.vector_load %arg14[%get3A_2228] {strides = array<i32>} : memref<256xf32, #tpu.memory_space<vmem>>, vector<16xf32>,
      %add3A_2230 = arith.addf %add3A_2227, %get3A_2229 : vector<16xf32>
      %swap3A = arith.index_cast %mul3A_1262 : i32 to index
      %swap3A_2231 = tpu.vector_load %arg13[%swap3A] {strides = array<i32>} : memref<512xf32, #tpu.memory_space<vmem>>, vector<16xf32>,
      tpu.vector_store %arg13[%swap3A], %add3A_2230 {strides = array<i32>} : memref<512xf32, #tpu.memory_space<vmem>>, vector<16xf32>,
      %lt3A = arith.constant 15 : i32
      %lt3A_2232 = arith.cmpi slt, %scan3A_621, %lt3A : i32
      %convert_element_type3A = arith.extui %lt3A_2232 : i1 to i32
      %cond3A = arith.constant 0 : i32
      %cond3A_2233 = arith.cmpi ne, %convert_element_type3A, %cond3A : i32
      scf.if %cond3A_2233 {
        %add3A_3225 = arith.constant 2 : i32
        %add3A_3226 = arith.addi %mul3A_623, %add3A_3225 : i32
        %mul3A_3227 = arith.constant 16 : i32
        %mul3A_3228 = arith.muli %add3A_3226, %mul3A_3227 : i32
        %get3A_3229 = arith.index_cast %mul3A_3228 : i32 to index
        %get3A_3230 = tpu.vector_load %arg7[%get3A_3229] {strides = array<i32>} : memref<512xi32, #tpu.memory_space<vmem>>, vector<16xi32>,
        %shift_right_logical3A_3231 = arith.constant 3 : i32
        %shift_right_logical3A_3232 = vector.broadcast %shift_right_logical3A_3231 : i32 to vector<16xi32>
        %shift_right_logical3A_3233 = arith.shrui %get3A_3230, %shift_right_logical3A_3232 : vector<16xi32>
        %get3A_3234 = arith.index_cast %mul3A_3228 : i32 to index
        %get3A_3235 = tpu.vector_load %arg8[%get3A_3234] {strides = array<i32>} : memref<512xi32, #tpu.memory_space<vmem>>, vector<16xi32>,
        %shift_right_logical3A_3236 = arith.constant 3 : i32
        %shift_right_logical3A_3237 = vector.broadcast %shift_right_logical3A_3236 : i32 to vector<16xi32>
        %shift_right_logical3A_3238 = arith.shrui %get3A_3235, %shift_right_logical3A_3237 : vector<16xi32>
        %slice3A_3239 = vector.extract_strided_slice %shift_right_logical3A_3233 {offsets = [0], sizes = [1], strides = [1]} : vector<16xi32> to vector<1xi32>
        %squeeze3A_3240 = vector.extract %slice3A_3239[0] : i32 from vector<1xi32>
        %dma_start3A_3241 = arith.constant 0 : i32
        %dma_start3A_3242 = arith.constant 0 : i32
        %dma_start3A_3243 = arith.constant 0 : i32
        %dma_start3A_3244 = tpu.memref_slice %arg9[%dma_start3A_3241, %dma_start3A_3242, %dma_start3A_3243] : memref<16x8x64xf32, #tpu.memory_space<vmem>> -> memref<1x8x64xf32, #tpu.memory_space<vmem>>
        %dma_start3A_3245 = tpu.memref_squeeze %dma_start3A_3244 : memref<1x8x64xf32, #tpu.memory_space<vmem>> -> memref<8x64xf32, #tpu.memory_space<vmem>>
        %dma_start3A_3246 = arith.constant 0 : i32
        %dma_start3A_3247 = arith.constant 0 : i32
        %dma_start3A_3248 = tpu.memref_slice %arg4[%squeeze3A_3240, %dma_start3A_3246, %dma_start3A_3247] : memref<125000x8x64xf32, #tpu.memory_space<hbm>> -> memref<1x8x64xf32, #tpu.memory_space<hbm>>
        %dma_start3A_3249 = tpu.memref_squeeze %dma_start3A_3248 : memref<1x8x64xf32, #tpu.memory_space<hbm>> -> memref<8x64xf32, #tpu.memory_space<hbm>>
        %dma_start3A_3250 = arith.constant 0 : i32
        %dma_start3A_3251 = arith.constant 0 : i32
        %dma_start3A_3252 = tpu.memref_slice %arg9[%dma_start3A_3241, %dma_start3A_3250, %dma_start3A_3251] : memref<16x8x64xf32, #tpu.memory_space<vmem>> -> memref<1x8x64xf32, #tpu.memory_space<vmem>>
        %dma_start3A_3253 = tpu.memref_squeeze %dma_start3A_3252 : memref<1x8x64xf32, #tpu.memory_space<vmem>> -> memref<8x64xf32, #tpu.memory_space<vmem>>
        %dma_start3A_3254 = arith.constant 0 : i32
        %dma_start3A_3255 = arith.constant 0 : i32
        %dma_start3A_3256 = tpu.memref_slice %arg4[%squeeze3A_3240, %dma_start3A_3254, %dma_start3A_3255] : memref<125000x8x64xf32, #tpu.memory_space<hbm>> -> memref<1x8x64xf32, #tpu.memory_space<hbm>>
        %dma_start3A_3257 = tpu.memref_squeeze %dma_start3A_3256 : memref<1x8x64xf32, #tpu.memory_space<hbm>> -> memref<8x64xf32, #tpu.memory_space<hbm>>
        tpu.enqueue_dma source(%dma_start3A_3257 : memref<8x64xf32, #tpu.memory_space<hbm>>) target(%dma_start3A_3253 : memref<8x64xf32, #tpu.memory_space<vmem>>) target_semaphore(%arg15 : memref<!tpu.dma_semaphore, #tpu.memory_space<semaphore_mem>>)
        %slice3A_3258 = vector.extract_strided_slice %shift_right_logical3A_3238 {offsets = [0], sizes = [1], strides = [1]} : vector<16xi32> to vector<1xi32>
        %squeeze3A_3259 = vector.extract %slice3A_3258[0] : i32 from vector<1xi32>
        %dma_start3A_3260 = arith.constant 0 : i32
        %dma_start3A_3261 = arith.constant 0 : i32
        %dma_start3A_3262 = arith.constant 0 : i32
        %dma_start3A_3263 = tpu.memref_slice %arg10[%dma_start3A_3260, %dma_start3A_3261, %dma_start3A_3262] : memref<16x8x64xf32, #tpu.memory_space<vmem>> -> memref<1x8x64xf32, #tpu.memory_space<vmem>>
        %dma_start3A_3264 = tpu.memref_squeeze %dma_start3A_3263 : memref<1x8x64xf32, #tpu.memory_space<vmem>> -> memref<8x64xf32, #tpu.memory_space<vmem>>
        %dma_start3A_3265 = arith.constant 0 : i32
        %dma_start3A_3266 = arith.constant 0 : i32
        %dma_start3A_3267 = tpu.memref_slice %arg5[%squeeze3A_3259, %dma_start3A_3265, %dma_start3A_3266] : memref<125000x8x64xf32, #tpu.memory_space<hbm>> -> memref<1x8x64xf32, #tpu.memory_space<hbm>>
        %dma_start3A_3268 = tpu.memref_squeeze %dma_start3A_3267 : memref<1x8x64xf32, #tpu.memory_space<hbm>> -> memref<8x64xf32, #tpu.memory_space<hbm>>
        %dma_start3A_3269 = arith.constant 0 : i32
        %dma_start3A_3270 = arith.constant 0 : i32
        %dma_start3A_3271 = tpu.memref_slice %arg10[%dma_start3A_3260, %dma_start3A_3269, %dma_start3A_3270] : memref<16x8x64xf32, #tpu.memory_space<vmem>> -> memref<1x8x64xf32, #tpu.memory_space<vmem>>
        %dma_start3A_3272 = tpu.memref_squeeze %dma_start3A_3271 : memref<1x8x64xf32, #tpu.memory_space<vmem>> -> memref<8x64xf32, #tpu.memory_space<vmem>>
        %dma_start3A_3273 = arith.constant 0 : i32
        %dma_start3A_3274 = arith.constant 0 : i32
        %dma_start3A_3275 = tpu.memref_slice %arg5[%squeeze3A_3259, %dma_start3A_3273, %dma_start3A_3274] : memref<125000x8x64xf32, #tpu.memory_space<hbm>> -> memref<1x8x64xf32, #tpu.memory_space<hbm>>
        %dma_start3A_3276 = tpu.memref_squeeze %dma_start3A_3275 : memref<1x8x64xf32, #tpu.memory_space<hbm>> -> memref<8x64xf32, #tpu.memory_space<hbm>>
        tpu.enqueue_dma source(%dma_start3A_3276 : memref<8x64xf32, #tpu.memory_space<hbm>>) target(%dma_start3A_3272 : memref<8x64xf32, #tpu.memory_space<vmem>>) target_semaphore(%arg16 : memref<!tpu.dma_semaphore, #tpu.memory_space<semaphore_mem>>)
        %slice3A_3277 = vector.extract_strided_slice %shift_right_logical3A_3233 {offsets = [1], sizes = [1], strides = [1]} : vector<16xi32> to vector<1xi32>
        %squeeze3A_3278 = vector.extract %slice3A_3277[0] : i32 from vector<1xi32>
        %dma_start3A_3279 = arith.constant 1 : i32
        %dma_start3A_3280 = arith.constant 0 : i32
        %dma_start3A_3281 = arith.constant 0 : i32
        %dma_start3A_3282 = tpu.memref_slice %arg9[%dma_start3A_3279, %dma_start3A_3280, %dma_start3A_3281] : memref<16x8x64xf32, #tpu.memory_space<vmem>> -> memref<1x8x64xf32, #tpu.memory_space<vmem>>
        %dma_start3A_3283 = tpu.memref_squeeze %dma_start3A_3282 : memref<1x8x64xf32, #tpu.memory_space<vmem>> -> memref<8x64xf32, #tpu.memory_space<vmem>>
        %dma_start3A_3284 = arith.constant 0 : i32
        %dma_start3A_3285 = arith.constant 0 : i32
        %dma_start3A_3286 = tpu.memref_slice %arg4[%squeeze3A_3278, %dma_start3A_3284, %dma_start3A_3285] : memref<125000x8x64xf32, #tpu.memory_space<hbm>> -> memref<1x8x64xf32, #tpu.memory_space<hbm>>
        %dma_start3A_3287 = tpu.memref_squeeze %dma_start3A_3286 : memref<1x8x64xf32, #tpu.memory_space<hbm>> -> memref<8x64xf32, #tpu.memory_space<hbm>>
        %dma_start3A_3288 = arith.constant 0 : i32
        %dma_start3A_3289 = arith.constant 0 : i32
        %dma_start3A_3290 = tpu.memref_slice %arg9[%dma_start3A_3279, %dma_start3A_3288, %dma_start3A_3289] : memref<16x8x64xf32, #tpu.memory_space<vmem>> -> memref<1x8x64xf32, #tpu.memory_space<vmem>>
        %dma_start3A_3291 = tpu.memref_squeeze %dma_start3A_3290 : memref<1x8x64xf32, #tpu.memory_space<vmem>> -> memref<8x64xf32, #tpu.memory_space<vmem>>
        %dma_start3A_3292 = arith.constant 0 : i32
        %dma_start3A_3293 = arith.constant 0 : i32
        %dma_start3A_3294 = tpu.memref_slice %arg4[%squeeze3A_3278, %dma_start3A_3292, %dma_start3A_3293] : memref<125000x8x64xf32, #tpu.memory_space<hbm>> -> memref<1x8x64xf32, #tpu.memory_space<hbm>>
        %dma_start3A_3295 = tpu.memref_squeeze %dma_start3A_3294 : memref<1x8x64xf32, #tpu.memory_space<hbm>> -> memref<8x64xf32, #tpu.memory_space<hbm>>
        tpu.enqueue_dma source(%dma_start3A_3295 : memref<8x64xf32, #tpu.memory_space<hbm>>) target(%dma_start3A_3291 : memref<8x64xf32, #tpu.memory_space<vmem>>) target_semaphore(%arg15 : memref<!tpu.dma_semaphore, #tpu.memory_space<semaphore_mem>>)
        %slice3A_3296 = vector.extract_strided_slice %shift_right_logical3A_3238 {offsets = [1], sizes = [1], strides = [1]} : vector<16xi32> to vector<1xi32>
        %squeeze3A_3297 = vector.extract %slice3A_3296[0] : i32 from vector<1xi32>
        %dma_start3A_3298 = arith.constant 1 : i32
        %dma_start3A_3299 = arith.constant 0 : i32
        %dma_start3A_3300 = arith.constant 0 : i32
        %dma_start3A_3301 = tpu.memref_slice %arg10[%dma_start3A_3298, %dma_start3A_3299, %dma_start3A_3300] : memref<16x8x64xf32, #tpu.memory_space<vmem>> -> memref<1x8x64xf32, #tpu.memory_space<vmem>>
        %dma_start3A_3302 = tpu.memref_squeeze %dma_start3A_3301 : memref<1x8x64xf32, #tpu.memory_space<vmem>> -> memref<8x64xf32, #tpu.memory_space<vmem>>
        %dma_start3A_3303 = arith.constant 0 : i32
        %dma_start3A_3304 = arith.constant 0 : i32
        %dma_start3A_3305 = tpu.memref_slice %arg5[%squeeze3A_3297, %dma_start3A_3303, %dma_start3A_3304] : memref<125000x8x64xf32, #tpu.memory_space<hbm>> -> memref<1x8x64xf32, #tpu.memory_space<hbm>>
        %dma_start3A_3306 = tpu.memref_squeeze %dma_start3A_3305 : memref<1x8x64xf32, #tpu.memory_space<hbm>> -> memref<8x64xf32, #tpu.memory_space<hbm>>
        %dma_start3A_3307 = arith.constant 0 : i32
        %dma_start3A_3308 = arith.constant 0 : i32
        %dma_start3A_3309 = tpu.memref_slice %arg10[%dma_start3A_3298, %dma_start3A_3307, %dma_start3A_3308] : memref<16x8x64xf32, #tpu.memory_space<vmem>> -> memref<1x8x64xf32, #tpu.memory_space<vmem>>
        %dma_start3A_3310 = tpu.memref_squeeze %dma_start3A_3309 : memref<1x8x64xf32, #tpu.memory_space<vmem>> -> memref<8x64xf32, #tpu.memory_space<vmem>>
        %dma_start3A_3311 = arith.constant 0 : i32
        %dma_start3A_3312 = arith.constant 0 : i32
        %dma_start3A_3313 = tpu.memref_slice %arg5[%squeeze3A_3297, %dma_start3A_3311, %dma_start3A_3312] : memref<125000x8x64xf32, #tpu.memory_space<hbm>> -> memref<1x8x64xf32, #tpu.memory_space<hbm>>
        %dma_start3A_3314 = tpu.memref_squeeze %dma_start3A_3313 : memref<1x8x64xf32, #tpu.memory_space<hbm>> -> memref<8x64xf32, #tpu.memory_space<hbm>>
        tpu.enqueue_dma source(%dma_start3A_3314 : memref<8x64xf32, #tpu.memory_space<hbm>>) target(%dma_start3A_3310 : memref<8x64xf32, #tpu.memory_space<vmem>>) target_semaphore(%arg16 : memref<!tpu.dma_semaphore, #tpu.memory_space<semaphore_mem>>)
        %slice3A_3315 = vector.extract_strided_slice %shift_right_logical3A_3233 {offsets = [2], sizes = [1], strides = [1]} : vector<16xi32> to vector<1xi32>
        %squeeze3A_3316 = vector.extract %slice3A_3315[0] : i32 from vector<1xi32>
        %dma_start3A_3317 = arith.constant 2 : i32
        %dma_start3A_3318 = arith.constant 0 : i32
        %dma_start3A_3319 = arith.constant 0 : i32
        %dma_start3A_3320 = tpu.memref_slice %arg9[%dma_start3A_3317, %dma_start3A_3318, %dma_start3A_3319] : memref<16x8x64xf32, #tpu.memory_space<vmem>> -> memref<1x8x64xf32, #tpu.memory_space<vmem>>
        %dma_start3A_3321 = tpu.memref_squeeze %dma_start3A_3320 : memref<1x8x64xf32, #tpu.memory_space<vmem>> -> memref<8x64xf32, #tpu.memory_space<vmem>>
        %dma_start3A_3322 = arith.constant 0 : i32
        %dma_start3A_3323 = arith.constant 0 : i32
        %dma_start3A_3324 = tpu.memref_slice %arg4[%squeeze3A_3316, %dma_start3A_3322, %dma_start3A_3323] : memref<125000x8x64xf32, #tpu.memory_space<hbm>> -> memref<1x8x64xf32, #tpu.memory_space<hbm>>
        %dma_start3A_3325 = tpu.memref_squeeze %dma_start3A_3324 : memref<1x8x64xf32, #tpu.memory_space<hbm>> -> memref<8x64xf32, #tpu.memory_space<hbm>>
        %dma_start3A_3326 = arith.constant 0 : i32
        %dma_start3A_3327 = arith.constant 0 : i32
        %dma_start3A_3328 = tpu.memref_slice %arg9[%dma_start3A_3317, %dma_start3A_3326, %dma_start3A_3327] : memref<16x8x64xf32, #tpu.memory_space<vmem>> -> memref<1x8x64xf32, #tpu.memory_space<vmem>>
        %dma_start3A_3329 = tpu.memref_squeeze %dma_start3A_3328 : memref<1x8x64xf32, #tpu.memory_space<vmem>> -> memref<8x64xf32, #tpu.memory_space<vmem>>
        %dma_start3A_3330 = arith.constant 0 : i32
        %dma_start3A_3331 = arith.constant 0 : i32
        %dma_start3A_3332 = tpu.memref_slice %arg4[%squeeze3A_3316, %dma_start3A_3330, %dma_start3A_3331] : memref<125000x8x64xf32, #tpu.memory_space<hbm>> -> memref<1x8x64xf32, #tpu.memory_space<hbm>>
        %dma_start3A_3333 = tpu.memref_squeeze %dma_start3A_3332 : memref<1x8x64xf32, #tpu.memory_space<hbm>> -> memref<8x64xf32, #tpu.memory_space<hbm>>
        tpu.enqueue_dma source(%dma_start3A_3333 : memref<8x64xf32, #tpu.memory_space<hbm>>) target(%dma_start3A_3329 : memref<8x64xf32, #tpu.memory_space<vmem>>) target_semaphore(%arg15 : memref<!tpu.dma_semaphore, #tpu.memory_space<semaphore_mem>>)
        %slice3A_3334 = vector.extract_strided_slice %shift_right_logical3A_3238 {offsets = [2], sizes = [1], strides = [1]} : vector<16xi32> to vector<1xi32>
        %squeeze3A_3335 = vector.extract %slice3A_3334[0] : i32 from vector<1xi32>
        %dma_start3A_3336 = arith.constant 2 : i32
        %dma_start3A_3337 = arith.constant 0 : i32
        %dma_start3A_3338 = arith.constant 0 : i32
        %dma_start3A_3339 = tpu.memref_slice %arg10[%dma_start3A_3336, %dma_start3A_3337, %dma_start3A_3338] : memref<16x8x64xf32, #tpu.memory_space<vmem>> -> memref<1x8x64xf32, #tpu.memory_space<vmem>>
        %dma_start3A_3340 = tpu.memref_squeeze %dma_start3A_3339 : memref<1x8x64xf32, #tpu.memory_space<vmem>> -> memref<8x64xf32, #tpu.memory_space<vmem>>
        %dma_start3A_3341 = arith.constant 0 : i32
        %dma_start3A_3342 = arith.constant 0 : i32
        %dma_start3A_3343 = tpu.memref_slice %arg5[%squeeze3A_3335, %dma_start3A_3341, %dma_start3A_3342] : memref<125000x8x64xf32, #tpu.memory_space<hbm>> -> memref<1x8x64xf32, #tpu.memory_space<hbm>>
        %dma_start3A_3344 = tpu.memref_squeeze %dma_start3A_3343 : memref<1x8x64xf32, #tpu.memory_space<hbm>> -> memref<8x64xf32, #tpu.memory_space<hbm>>
        %dma_start3A_3345 = arith.constant 0 : i32
        %dma_start3A_3346 = arith.constant 0 : i32
        %dma_start3A_3347 = tpu.memref_slice %arg10[%dma_start3A_3336, %dma_start3A_3345, %dma_start3A_3346] : memref<16x8x64xf32, #tpu.memory_space<vmem>> -> memref<1x8x64xf32, #tpu.memory_space<vmem>>
        %dma_start3A_3348 = tpu.memref_squeeze %dma_start3A_3347 : memref<1x8x64xf32, #tpu.memory_space<vmem>> -> memref<8x64xf32, #tpu.memory_space<vmem>>
        %dma_start3A_3349 = arith.constant 0 : i32
        %dma_start3A_3350 = arith.constant 0 : i32
        %dma_start3A_3351 = tpu.memref_slice %arg5[%squeeze3A_3335, %dma_start3A_3349, %dma_start3A_3350] : memref<125000x8x64xf32, #tpu.memory_space<hbm>> -> memref<1x8x64xf32, #tpu.memory_space<hbm>>
        %dma_start3A_3352 = tpu.memref_squeeze %dma_start3A_3351 : memref<1x8x64xf32, #tpu.memory_space<hbm>> -> memref<8x64xf32, #tpu.memory_space<hbm>>
        tpu.enqueue_dma source(%dma_start3A_3352 : memref<8x64xf32, #tpu.memory_space<hbm>>) target(%dma_start3A_3348 : memref<8x64xf32, #tpu.memory_space<vmem>>) target_semaphore(%arg16 : memref<!tpu.dma_semaphore, #tpu.memory_space<semaphore_mem>>)
        %slice3A_3353 = vector.extract_strided_slice %shift_right_logical3A_3233 {offsets = [3], sizes = [1], strides = [1]} : vector<16xi32> to vector<1xi32>
        %squeeze3A_3354 = vector.extract %slice3A_3353[0] : i32 from vector<1xi32>
        %dma_start3A_3355 = arith.constant 3 : i32
        %dma_start3A_3356 = arith.constant 0 : i32
        %dma_start3A_3357 = arith.constant 0 : i32
        %dma_start3A_3358 = tpu.memref_slice %arg9[%dma_start3A_3355, %dma_start3A_3356, %dma_start3A_3357] : memref<16x8x64xf32, #tpu.memory_space<vmem>> -> memref<1x8x64xf32, #tpu.memory_space<vmem>>
        %dma_start3A_3359 = tpu.memref_squeeze %dma_start3A_3358 : memref<1x8x64xf32, #tpu.memory_space<vmem>> -> memref<8x64xf32, #tpu.memory_space<vmem>>
        %dma_start3A_3360 = arith.constant 0 : i32
        %dma_start3A_3361 = arith.constant 0 : i32
        %dma_start3A_3362 = tpu.memref_slice %arg4[%squeeze3A_3354, %dma_start3A_3360, %dma_start3A_3361] : memref<125000x8x64xf32, #tpu.memory_space<hbm>> -> memref<1x8x64xf32, #tpu.memory_space<hbm>>
        %dma_start3A_3363 = tpu.memref_squeeze %dma_start3A_3362 : memref<1x8x64xf32, #tpu.memory_space<hbm>> -> memref<8x64xf32, #tpu.memory_space<hbm>>
        %dma_start3A_3364 = arith.constant 0 : i32
        %dma_start3A_3365 = arith.constant 0 : i32
        %dma_start3A_3366 = tpu.memref_slice %arg9[%dma_start3A_3355, %dma_start3A_3364, %dma_start3A_3365] : memref<16x8x64xf32, #tpu.memory_space<vmem>> -> memref<1x8x64xf32, #tpu.memory_space<vmem>>
        %dma_start3A_3367 = tpu.memref_squeeze %dma_start3A_3366 : memref<1x8x64xf32, #tpu.memory_space<vmem>> -> memref<8x64xf32, #tpu.memory_space<vmem>>
        %dma_start3A_3368 = arith.constant 0 : i32
        %dma_start3A_3369 = arith.constant 0 : i32
        %dma_start3A_3370 = tpu.memref_slice %arg4[%squeeze3A_3354, %dma_start3A_3368, %dma_start3A_3369] : memref<125000x8x64xf32, #tpu.memory_space<hbm>> -> memref<1x8x64xf32, #tpu.memory_space<hbm>>
        %dma_start3A_3371 = tpu.memref_squeeze %dma_start3A_3370 : memref<1x8x64xf32, #tpu.memory_space<hbm>> -> memref<8x64xf32, #tpu.memory_space<hbm>>
        tpu.enqueue_dma source(%dma_start3A_3371 : memref<8x64xf32, #tpu.memory_space<hbm>>) target(%dma_start3A_3367 : memref<8x64xf32, #tpu.memory_space<vmem>>) target_semaphore(%arg15 : memref<!tpu.dma_semaphore, #tpu.memory_space<semaphore_mem>>)
        %slice3A_3372 = vector.extract_strided_slice %shift_right_logical3A_3238 {offsets = [3], sizes = [1], strides = [1]} : vector<16xi32> to vector<1xi32>
        %squeeze3A_3373 = vector.extract %slice3A_3372[0] : i32 from vector<1xi32>
        %dma_start3A_3374 = arith.constant 3 : i32
        %dma_start3A_3375 = arith.constant 0 : i32
        %dma_start3A_3376 = arith.constant 0 : i32
        %dma_start3A_3377 = tpu.memref_slice %arg10[%dma_start3A_3374, %dma_start3A_3375, %dma_start3A_3376] : memref<16x8x64xf32, #tpu.memory_space<vmem>> -> memref<1x8x64xf32, #tpu.memory_space<vmem>>
        %dma_start3A_3378 = tpu.memref_squeeze %dma_start3A_3377 : memref<1x8x64xf32, #tpu.memory_space<vmem>> -> memref<8x64xf32, #tpu.memory_space<vmem>>
        %dma_start3A_3379 = arith.constant 0 : i32
        %dma_start3A_3380 = arith.constant 0 : i32
        %dma_start3A_3381 = tpu.memref_slice %arg5[%squeeze3A_3373, %dma_start3A_3379, %dma_start3A_3380] : memref<125000x8x64xf32, #tpu.memory_space<hbm>> -> memref<1x8x64xf32, #tpu.memory_space<hbm>>
        %dma_start3A_3382 = tpu.memref_squeeze %dma_start3A_3381 : memref<1x8x64xf32, #tpu.memory_space<hbm>> -> memref<8x64xf32, #tpu.memory_space<hbm>>
        %dma_start3A_3383 = arith.constant 0 : i32
        %dma_start3A_3384 = arith.constant 0 : i32
        %dma_start3A_3385 = tpu.memref_slice %arg10[%dma_start3A_3374, %dma_start3A_3383, %dma_start3A_3384] : memref<16x8x64xf32, #tpu.memory_space<vmem>> -> memref<1x8x64xf32, #tpu.memory_space<vmem>>
        %dma_start3A_3386 = tpu.memref_squeeze %dma_start3A_3385 : memref<1x8x64xf32, #tpu.memory_space<vmem>> -> memref<8x64xf32, #tpu.memory_space<vmem>>
        %dma_start3A_3387 = arith.constant 0 : i32
        %dma_start3A_3388 = arith.constant 0 : i32
        %dma_start3A_3389 = tpu.memref_slice %arg5[%squeeze3A_3373, %dma_start3A_3387, %dma_start3A_3388] : memref<125000x8x64xf32, #tpu.memory_space<hbm>> -> memref<1x8x64xf32, #tpu.memory_space<hbm>>
        %dma_start3A_3390 = tpu.memref_squeeze %dma_start3A_3389 : memref<1x8x64xf32, #tpu.memory_space<hbm>> -> memref<8x64xf32, #tpu.memory_space<hbm>>
        tpu.enqueue_dma source(%dma_start3A_3390 : memref<8x64xf32, #tpu.memory_space<hbm>>) target(%dma_start3A_3386 : memref<8x64xf32, #tpu.memory_space<vmem>>) target_semaphore(%arg16 : memref<!tpu.dma_semaphore, #tpu.memory_space<semaphore_mem>>)
        %slice3A_3391 = vector.extract_strided_slice %shift_right_logical3A_3233 {offsets = [4], sizes = [1], strides = [1]} : vector<16xi32> to vector<1xi32>
        %squeeze3A_3392 = vector.extract %slice3A_3391[0] : i32 from vector<1xi32>
        %dma_start3A_3393 = arith.constant 4 : i32
        %dma_start3A_3394 = arith.constant 0 : i32
        %dma_start3A_3395 = arith.constant 0 : i32
        %dma_start3A_3396 = tpu.memref_slice %arg9[%dma_start3A_3393, %dma_start3A_3394, %dma_start3A_3395] : memref<16x8x64xf32, #tpu.memory_space<vmem>> -> memref<1x8x64xf32, #tpu.memory_space<vmem>>
        %dma_start3A_3397 = tpu.memref_squeeze %dma_start3A_3396 : memref<1x8x64xf32, #tpu.memory_space<vmem>> -> memref<8x64xf32, #tpu.memory_space<vmem>>
        %dma_start3A_3398 = arith.constant 0 : i32
        %dma_start3A_3399 = arith.constant 0 : i32
        %dma_start3A_3400 = tpu.memref_slice %arg4[%squeeze3A_3392, %dma_start3A_3398, %dma_start3A_3399] : memref<125000x8x64xf32, #tpu.memory_space<hbm>> -> memref<1x8x64xf32, #tpu.memory_space<hbm>>
        %dma_start3A_3401 = tpu.memref_squeeze %dma_start3A_3400 : memref<1x8x64xf32, #tpu.memory_space<hbm>> -> memref<8x64xf32, #tpu.memory_space<hbm>>
        %dma_start3A_3402 = arith.constant 0 : i32
        %dma_start3A_3403 = arith.constant 0 : i32
        %dma_start3A_3404 = tpu.memref_slice %arg9[%dma_start3A_3393, %dma_start3A_3402, %dma_start3A_3403] : memref<16x8x64xf32, #tpu.memory_space<vmem>> -> memref<1x8x64xf32, #tpu.memory_space<vmem>>
        %dma_start3A_3405 = tpu.memref_squeeze %dma_start3A_3404 : memref<1x8x64xf32, #tpu.memory_space<vmem>> -> memref<8x64xf32, #tpu.memory_space<vmem>>
        %dma_start3A_3406 = arith.constant 0 : i32
        %dma_start3A_3407 = arith.constant 0 : i32
        %dma_start3A_3408 = tpu.memref_slice %arg4[%squeeze3A_3392, %dma_start3A_3406, %dma_start3A_3407] : memref<125000x8x64xf32, #tpu.memory_space<hbm>> -> memref<1x8x64xf32, #tpu.memory_space<hbm>>
        %dma_start3A_3409 = tpu.memref_squeeze %dma_start3A_3408 : memref<1x8x64xf32, #tpu.memory_space<hbm>> -> memref<8x64xf32, #tpu.memory_space<hbm>>
        tpu.enqueue_dma source(%dma_start3A_3409 : memref<8x64xf32, #tpu.memory_space<hbm>>) target(%dma_start3A_3405 : memref<8x64xf32, #tpu.memory_space<vmem>>) target_semaphore(%arg15 : memref<!tpu.dma_semaphore, #tpu.memory_space<semaphore_mem>>)
        %slice3A_3410 = vector.extract_strided_slice %shift_right_logical3A_3238 {offsets = [4], sizes = [1], strides = [1]} : vector<16xi32> to vector<1xi32>
        %squeeze3A_3411 = vector.extract %slice3A_3410[0] : i32 from vector<1xi32>
        %dma_start3A_3412 = arith.constant 4 : i32
        %dma_start3A_3413 = arith.constant 0 : i32
        %dma_start3A_3414 = arith.constant 0 : i32
        %dma_start3A_3415 = tpu.memref_slice %arg10[%dma_start3A_3412, %dma_start3A_3413, %dma_start3A_3414] : memref<16x8x64xf32, #tpu.memory_space<vmem>> -> memref<1x8x64xf32, #tpu.memory_space<vmem>>
        %dma_start3A_3416 = tpu.memref_squeeze %dma_start3A_3415 : memref<1x8x64xf32, #tpu.memory_space<vmem>> -> memref<8x64xf32, #tpu.memory_space<vmem>>
        %dma_start3A_3417 = arith.constant 0 : i32
        %dma_start3A_3418 = arith.constant 0 : i32
        %dma_start3A_3419 = tpu.memref_slice %arg5[%squeeze3A_3411, %dma_start3A_3417, %dma_start3A_3418] : memref<125000x8x64xf32, #tpu.memory_space<hbm>> -> memref<1x8x64xf32, #tpu.memory_space<hbm>>
        %dma_start3A_3420 = tpu.memref_squeeze %dma_start3A_3419 : memref<1x8x64xf32, #tpu.memory_space<hbm>> -> memref<8x64xf32, #tpu.memory_space<hbm>>
        %dma_start3A_3421 = arith.constant 0 : i32
        %dma_start3A_3422 = arith.constant 0 : i32
        %dma_start3A_3423 = tpu.memref_slice %arg10[%dma_start3A_3412, %dma_start3A_3421, %dma_start3A_3422] : memref<16x8x64xf32, #tpu.memory_space<vmem>> -> memref<1x8x64xf32, #tpu.memory_space<vmem>>
        %dma_start3A_3424 = tpu.memref_squeeze %dma_start3A_3423 : memref<1x8x64xf32, #tpu.memory_space<vmem>> -> memref<8x64xf32, #tpu.memory_space<vmem>>
        %dma_start3A_3425 = arith.constant 0 : i32
        %dma_start3A_3426 = arith.constant 0 : i32
        %dma_start3A_3427 = tpu.memref_slice %arg5[%squeeze3A_3411, %dma_start3A_3425, %dma_start3A_3426] : memref<125000x8x64xf32, #tpu.memory_space<hbm>> -> memref<1x8x64xf32, #tpu.memory_space<hbm>>
        %dma_start3A_3428 = tpu.memref_squeeze %dma_start3A_3427 : memref<1x8x64xf32, #tpu.memory_space<hbm>> -> memref<8x64xf32, #tpu.memory_space<hbm>>
        tpu.enqueue_dma source(%dma_start3A_3428 : memref<8x64xf32, #tpu.memory_space<hbm>>) target(%dma_start3A_3424 : memref<8x64xf32, #tpu.memory_space<vmem>>) target_semaphore(%arg16 : memref<!tpu.dma_semaphore, #tpu.memory_space<semaphore_mem>>)
        %slice3A_3429 = vector.extract_strided_slice %shift_right_logical3A_3233 {offsets = [5], sizes = [1], strides = [1]} : vector<16xi32> to vector<1xi32>
        %squeeze3A_3430 = vector.extract %slice3A_3429[0] : i32 from vector<1xi32>
        %dma_start3A_3431 = arith.constant 5 : i32
        %dma_start3A_3432 = arith.constant 0 : i32
        %dma_start3A_3433 = arith.constant 0 : i32
        %dma_start3A_3434 = tpu.memref_slice %arg9[%dma_start3A_3431, %dma_start3A_3432, %dma_start3A_3433] : memref<16x8x64xf32, #tpu.memory_space<vmem>> -> memref<1x8x64xf32, #tpu.memory_space<vmem>>
        %dma_start3A_3435 = tpu.memref_squeeze %dma_start3A_3434 : memref<1x8x64xf32, #tpu.memory_space<vmem>> -> memref<8x64xf32, #tpu.memory_space<vmem>>
        %dma_start3A_3436 = arith.constant 0 : i32
        %dma_start3A_3437 = arith.constant 0 : i32
        %dma_start3A_3438 = tpu.memref_slice %arg4[%squeeze3A_3430, %dma_start3A_3436, %dma_start3A_3437] : memref<125000x8x64xf32, #tpu.memory_space<hbm>> -> memref<1x8x64xf32, #tpu.memory_space<hbm>>
        %dma_start3A_3439 = tpu.memref_squeeze %dma_start3A_3438 : memref<1x8x64xf32, #tpu.memory_space<hbm>> -> memref<8x64xf32, #tpu.memory_space<hbm>>
        %dma_start3A_3440 = arith.constant 0 : i32
        %dma_start3A_3441 = arith.constant 0 : i32
        %dma_start3A_3442 = tpu.memref_slice %arg9[%dma_start3A_3431, %dma_start3A_3440, %dma_start3A_3441] : memref<16x8x64xf32, #tpu.memory_space<vmem>> -> memref<1x8x64xf32, #tpu.memory_space<vmem>>
        %dma_start3A_3443 = tpu.memref_squeeze %dma_start3A_3442 : memref<1x8x64xf32, #tpu.memory_space<vmem>> -> memref<8x64xf32, #tpu.memory_space<vmem>>
        %dma_start3A_3444 = arith.constant 0 : i32
        %dma_start3A_3445 = arith.constant 0 : i32
        %dma_start3A_3446 = tpu.memref_slice %arg4[%squeeze3A_3430, %dma_start3A_3444, %dma_start3A_3445] : memref<125000x8x64xf32, #tpu.memory_space<hbm>> -> memref<1x8x64xf32, #tpu.memory_space<hbm>>
        %dma_start3A_3447 = tpu.memref_squeeze %dma_start3A_3446 : memref<1x8x64xf32, #tpu.memory_space<hbm>> -> memref<8x64xf32, #tpu.memory_space<hbm>>
        tpu.enqueue_dma source(%dma_start3A_3447 : memref<8x64xf32, #tpu.memory_space<hbm>>) target(%dma_start3A_3443 : memref<8x64xf32, #tpu.memory_space<vmem>>) target_semaphore(%arg15 : memref<!tpu.dma_semaphore, #tpu.memory_space<semaphore_mem>>)
        %slice3A_3448 = vector.extract_strided_slice %shift_right_logical3A_3238 {offsets = [5], sizes = [1], strides = [1]} : vector<16xi32> to vector<1xi32>
        %squeeze3A_3449 = vector.extract %slice3A_3448[0] : i32 from vector<1xi32>
        %dma_start3A_3450 = arith.constant 5 : i32
        %dma_start3A_3451 = arith.constant 0 : i32
        %dma_start3A_3452 = arith.constant 0 : i32
        %dma_start3A_3453 = tpu.memref_slice %arg10[%dma_start3A_3450, %dma_start3A_3451, %dma_start3A_3452] : memref<16x8x64xf32, #tpu.memory_space<vmem>> -> memref<1x8x64xf32, #tpu.memory_space<vmem>>
        %dma_start3A_3454 = tpu.memref_squeeze %dma_start3A_3453 : memref<1x8x64xf32, #tpu.memory_space<vmem>> -> memref<8x64xf32, #tpu.memory_space<vmem>>
        %dma_start3A_3455 = arith.constant 0 : i32
        %dma_start3A_3456 = arith.constant 0 : i32
        %dma_start3A_3457 = tpu.memref_slice %arg5[%squeeze3A_3449, %dma_start3A_3455, %dma_start3A_3456] : memref<125000x8x64xf32, #tpu.memory_space<hbm>> -> memref<1x8x64xf32, #tpu.memory_space<hbm>>
        %dma_start3A_3458 = tpu.memref_squeeze %dma_start3A_3457 : memref<1x8x64xf32, #tpu.memory_space<hbm>> -> memref<8x64xf32, #tpu.memory_space<hbm>>
        %dma_start3A_3459 = arith.constant 0 : i32
        %dma_start3A_3460 = arith.constant 0 : i32
        %dma_start3A_3461 = tpu.memref_slice %arg10[%dma_start3A_3450, %dma_start3A_3459, %dma_start3A_3460] : memref<16x8x64xf32, #tpu.memory_space<vmem>> -> memref<1x8x64xf32, #tpu.memory_space<vmem>>
        %dma_start3A_3462 = tpu.memref_squeeze %dma_start3A_3461 : memref<1x8x64xf32, #tpu.memory_space<vmem>> -> memref<8x64xf32, #tpu.memory_space<vmem>>
        %dma_start3A_3463 = arith.constant 0 : i32
        %dma_start3A_3464 = arith.constant 0 : i32
        %dma_start3A_3465 = tpu.memref_slice %arg5[%squeeze3A_3449, %dma_start3A_3463, %dma_start3A_3464] : memref<125000x8x64xf32, #tpu.memory_space<hbm>> -> memref<1x8x64xf32, #tpu.memory_space<hbm>>
        %dma_start3A_3466 = tpu.memref_squeeze %dma_start3A_3465 : memref<1x8x64xf32, #tpu.memory_space<hbm>> -> memref<8x64xf32, #tpu.memory_space<hbm>>
        tpu.enqueue_dma source(%dma_start3A_3466 : memref<8x64xf32, #tpu.memory_space<hbm>>) target(%dma_start3A_3462 : memref<8x64xf32, #tpu.memory_space<vmem>>) target_semaphore(%arg16 : memref<!tpu.dma_semaphore, #tpu.memory_space<semaphore_mem>>)
        %slice3A_3467 = vector.extract_strided_slice %shift_right_logical3A_3233 {offsets = [6], sizes = [1], strides = [1]} : vector<16xi32> to vector<1xi32>
        %squeeze3A_3468 = vector.extract %slice3A_3467[0] : i32 from vector<1xi32>
        %dma_start3A_3469 = arith.constant 6 : i32
        %dma_start3A_3470 = arith.constant 0 : i32
        %dma_start3A_3471 = arith.constant 0 : i32
        %dma_start3A_3472 = tpu.memref_slice %arg9[%dma_start3A_3469, %dma_start3A_3470, %dma_start3A_3471] : memref<16x8x64xf32, #tpu.memory_space<vmem>> -> memref<1x8x64xf32, #tpu.memory_space<vmem>>
        %dma_start3A_3473 = tpu.memref_squeeze %dma_start3A_3472 : memref<1x8x64xf32, #tpu.memory_space<vmem>> -> memref<8x64xf32, #tpu.memory_space<vmem>>
        %dma_start3A_3474 = arith.constant 0 : i32
        %dma_start3A_3475 = arith.constant 0 : i32
        %dma_start3A_3476 = tpu.memref_slice %arg4[%squeeze3A_3468, %dma_start3A_3474, %dma_start3A_3475] : memref<125000x8x64xf32, #tpu.memory_space<hbm>> -> memref<1x8x64xf32, #tpu.memory_space<hbm>>
        %dma_start3A_3477 = tpu.memref_squeeze %dma_start3A_3476 : memref<1x8x64xf32, #tpu.memory_space<hbm>> -> memref<8x64xf32, #tpu.memory_space<hbm>>
        %dma_start3A_3478 = arith.constant 0 : i32
        %dma_start3A_3479 = arith.constant 0 : i32
        %dma_start3A_3480 = tpu.memref_slice %arg9[%dma_start3A_3469, %dma_start3A_3478, %dma_start3A_3479] : memref<16x8x64xf32, #tpu.memory_space<vmem>> -> memref<1x8x64xf32, #tpu.memory_space<vmem>>
        %dma_start3A_3481 = tpu.memref_squeeze %dma_start3A_3480 : memref<1x8x64xf32, #tpu.memory_space<vmem>> -> memref<8x64xf32, #tpu.memory_space<vmem>>
        %dma_start3A_3482 = arith.constant 0 : i32
        %dma_start3A_3483 = arith.constant 0 : i32
        %dma_start3A_3484 = tpu.memref_slice %arg4[%squeeze3A_3468, %dma_start3A_3482, %dma_start3A_3483] : memref<125000x8x64xf32, #tpu.memory_space<hbm>> -> memref<1x8x64xf32, #tpu.memory_space<hbm>>
        %dma_start3A_3485 = tpu.memref_squeeze %dma_start3A_3484 : memref<1x8x64xf32, #tpu.memory_space<hbm>> -> memref<8x64xf32, #tpu.memory_space<hbm>>
        tpu.enqueue_dma source(%dma_start3A_3485 : memref<8x64xf32, #tpu.memory_space<hbm>>) target(%dma_start3A_3481 : memref<8x64xf32, #tpu.memory_space<vmem>>) target_semaphore(%arg15 : memref<!tpu.dma_semaphore, #tpu.memory_space<semaphore_mem>>)
        %slice3A_3486 = vector.extract_strided_slice %shift_right_logical3A_3238 {offsets = [6], sizes = [1], strides = [1]} : vector<16xi32> to vector<1xi32>
        %squeeze3A_3487 = vector.extract %slice3A_3486[0] : i32 from vector<1xi32>
        %dma_start3A_3488 = arith.constant 6 : i32
        %dma_start3A_3489 = arith.constant 0 : i32
        %dma_start3A_3490 = arith.constant 0 : i32
        %dma_start3A_3491 = tpu.memref_slice %arg10[%dma_start3A_3488, %dma_start3A_3489, %dma_start3A_3490] : memref<16x8x64xf32, #tpu.memory_space<vmem>> -> memref<1x8x64xf32, #tpu.memory_space<vmem>>
        %dma_start3A_3492 = tpu.memref_squeeze %dma_start3A_3491 : memref<1x8x64xf32, #tpu.memory_space<vmem>> -> memref<8x64xf32, #tpu.memory_space<vmem>>
        %dma_start3A_3493 = arith.constant 0 : i32
        %dma_start3A_3494 = arith.constant 0 : i32
        %dma_start3A_3495 = tpu.memref_slice %arg5[%squeeze3A_3487, %dma_start3A_3493, %dma_start3A_3494] : memref<125000x8x64xf32, #tpu.memory_space<hbm>> -> memref<1x8x64xf32, #tpu.memory_space<hbm>>
        %dma_start3A_3496 = tpu.memref_squeeze %dma_start3A_3495 : memref<1x8x64xf32, #tpu.memory_space<hbm>> -> memref<8x64xf32, #tpu.memory_space<hbm>>
        %dma_start3A_3497 = arith.constant 0 : i32
        %dma_start3A_3498 = arith.constant 0 : i32
        %dma_start3A_3499 = tpu.memref_slice %arg10[%dma_start3A_3488, %dma_start3A_3497, %dma_start3A_3498] : memref<16x8x64xf32, #tpu.memory_space<vmem>> -> memref<1x8x64xf32, #tpu.memory_space<vmem>>
        %dma_start3A_3500 = tpu.memref_squeeze %dma_start3A_3499 : memref<1x8x64xf32, #tpu.memory_space<vmem>> -> memref<8x64xf32, #tpu.memory_space<vmem>>
        %dma_start3A_3501 = arith.constant 0 : i32
        %dma_start3A_3502 = arith.constant 0 : i32
        %dma_start3A_3503 = tpu.memref_slice %arg5[%squeeze3A_3487, %dma_start3A_3501, %dma_start3A_3502] : memref<125000x8x64xf32, #tpu.memory_space<hbm>> -> memref<1x8x64xf32, #tpu.memory_space<hbm>>
        %dma_start3A_3504 = tpu.memref_squeeze %dma_start3A_3503 : memref<1x8x64xf32, #tpu.memory_space<hbm>> -> memref<8x64xf32, #tpu.memory_space<hbm>>
        tpu.enqueue_dma source(%dma_start3A_3504 : memref<8x64xf32, #tpu.memory_space<hbm>>) target(%dma_start3A_3500 : memref<8x64xf32, #tpu.memory_space<vmem>>) target_semaphore(%arg16 : memref<!tpu.dma_semaphore, #tpu.memory_space<semaphore_mem>>)
        %slice3A_3505 = vector.extract_strided_slice %shift_right_logical3A_3233 {offsets = [7], sizes = [1], strides = [1]} : vector<16xi32> to vector<1xi32>
        %squeeze3A_3506 = vector.extract %slice3A_3505[0] : i32 from vector<1xi32>
        %dma_start3A_3507 = arith.constant 7 : i32
        %dma_start3A_3508 = arith.constant 0 : i32
        %dma_start3A_3509 = arith.constant 0 : i32
        %dma_start3A_3510 = tpu.memref_slice %arg9[%dma_start3A_3507, %dma_start3A_3508, %dma_start3A_3509] : memref<16x8x64xf32, #tpu.memory_space<vmem>> -> memref<1x8x64xf32, #tpu.memory_space<vmem>>
        %dma_start3A_3511 = tpu.memref_squeeze %dma_start3A_3510 : memref<1x8x64xf32, #tpu.memory_space<vmem>> -> memref<8x64xf32, #tpu.memory_space<vmem>>
        %dma_start3A_3512 = arith.constant 0 : i32
        %dma_start3A_3513 = arith.constant 0 : i32
        %dma_start3A_3514 = tpu.memref_slice %arg4[%squeeze3A_3506, %dma_start3A_3512, %dma_start3A_3513] : memref<125000x8x64xf32, #tpu.memory_space<hbm>> -> memref<1x8x64xf32, #tpu.memory_space<hbm>>
        %dma_start3A_3515 = tpu.memref_squeeze %dma_start3A_3514 : memref<1x8x64xf32, #tpu.memory_space<hbm>> -> memref<8x64xf32, #tpu.memory_space<hbm>>
        %dma_start3A_3516 = arith.constant 0 : i32
        %dma_start3A_3517 = arith.constant 0 : i32
        %dma_start3A_3518 = tpu.memref_slice %arg9[%dma_start3A_3507, %dma_start3A_3516, %dma_start3A_3517] : memref<16x8x64xf32, #tpu.memory_space<vmem>> -> memref<1x8x64xf32, #tpu.memory_space<vmem>>
        %dma_start3A_3519 = tpu.memref_squeeze %dma_start3A_3518 : memref<1x8x64xf32, #tpu.memory_space<vmem>> -> memref<8x64xf32, #tpu.memory_space<vmem>>
        %dma_start3A_3520 = arith.constant 0 : i32
        %dma_start3A_3521 = arith.constant 0 : i32
        %dma_start3A_3522 = tpu.memref_slice %arg4[%squeeze3A_3506, %dma_start3A_3520, %dma_start3A_3521] : memref<125000x8x64xf32, #tpu.memory_space<hbm>> -> memref<1x8x64xf32, #tpu.memory_space<hbm>>
        %dma_start3A_3523 = tpu.memref_squeeze %dma_start3A_3522 : memref<1x8x64xf32, #tpu.memory_space<hbm>> -> memref<8x64xf32, #tpu.memory_space<hbm>>
        tpu.enqueue_dma source(%dma_start3A_3523 : memref<8x64xf32, #tpu.memory_space<hbm>>) target(%dma_start3A_3519 : memref<8x64xf32, #tpu.memory_space<vmem>>) target_semaphore(%arg15 : memref<!tpu.dma_semaphore, #tpu.memory_space<semaphore_mem>>)
        %slice3A_3524 = vector.extract_strided_slice %shift_right_logical3A_3238 {offsets = [7], sizes = [1], strides = [1]} : vector<16xi32> to vector<1xi32>
        %squeeze3A_3525 = vector.extract %slice3A_3524[0] : i32 from vector<1xi32>
        %dma_start3A_3526 = arith.constant 7 : i32
        %dma_start3A_3527 = arith.constant 0 : i32
        %dma_start3A_3528 = arith.constant 0 : i32
        %dma_start3A_3529 = tpu.memref_slice %arg10[%dma_start3A_3526, %dma_start3A_3527, %dma_start3A_3528] : memref<16x8x64xf32, #tpu.memory_space<vmem>> -> memref<1x8x64xf32, #tpu.memory_space<vmem>>
        %dma_start3A_3530 = tpu.memref_squeeze %dma_start3A_3529 : memref<1x8x64xf32, #tpu.memory_space<vmem>> -> memref<8x64xf32, #tpu.memory_space<vmem>>
        %dma_start3A_3531 = arith.constant 0 : i32
        %dma_start3A_3532 = arith.constant 0 : i32
        %dma_start3A_3533 = tpu.memref_slice %arg5[%squeeze3A_3525, %dma_start3A_3531, %dma_start3A_3532] : memref<125000x8x64xf32, #tpu.memory_space<hbm>> -> memref<1x8x64xf32, #tpu.memory_space<hbm>>
        %dma_start3A_3534 = tpu.memref_squeeze %dma_start3A_3533 : memref<1x8x64xf32, #tpu.memory_space<hbm>> -> memref<8x64xf32, #tpu.memory_space<hbm>>
        %dma_start3A_3535 = arith.constant 0 : i32
        %dma_start3A_3536 = arith.constant 0 : i32
        %dma_start3A_3537 = tpu.memref_slice %arg10[%dma_start3A_3526, %dma_start3A_3535, %dma_start3A_3536] : memref<16x8x64xf32, #tpu.memory_space<vmem>> -> memref<1x8x64xf32, #tpu.memory_space<vmem>>
        %dma_start3A_3538 = tpu.memref_squeeze %dma_start3A_3537 : memref<1x8x64xf32, #tpu.memory_space<vmem>> -> memref<8x64xf32, #tpu.memory_space<vmem>>
        %dma_start3A_3539 = arith.constant 0 : i32
        %dma_start3A_3540 = arith.constant 0 : i32
        %dma_start3A_3541 = tpu.memref_slice %arg5[%squeeze3A_3525, %dma_start3A_3539, %dma_start3A_3540] : memref<125000x8x64xf32, #tpu.memory_space<hbm>> -> memref<1x8x64xf32, #tpu.memory_space<hbm>>
        %dma_start3A_3542 = tpu.memref_squeeze %dma_start3A_3541 : memref<1x8x64xf32, #tpu.memory_space<hbm>> -> memref<8x64xf32, #tpu.memory_space<hbm>>
        tpu.enqueue_dma source(%dma_start3A_3542 : memref<8x64xf32, #tpu.memory_space<hbm>>) target(%dma_start3A_3538 : memref<8x64xf32, #tpu.memory_space<vmem>>) target_semaphore(%arg16 : memref<!tpu.dma_semaphore, #tpu.memory_space<semaphore_mem>>)
        %slice3A_3543 = vector.extract_strided_slice %shift_right_logical3A_3233 {offsets = [8], sizes = [1], strides = [1]} : vector<16xi32> to vector<1xi32>
        %squeeze3A_3544 = vector.extract %slice3A_3543[0] : i32 from vector<1xi32>
        %dma_start3A_3545 = arith.constant 8 : i32
        %dma_start3A_3546 = arith.constant 0 : i32
        %dma_start3A_3547 = arith.constant 0 : i32
        %dma_start3A_3548 = tpu.memref_slice %arg9[%dma_start3A_3545, %dma_start3A_3546, %dma_start3A_3547] : memref<16x8x64xf32, #tpu.memory_space<vmem>> -> memref<1x8x64xf32, #tpu.memory_space<vmem>>
        %dma_start3A_3549 = tpu.memref_squeeze %dma_start3A_3548 : memref<1x8x64xf32, #tpu.memory_space<vmem>> -> memref<8x64xf32, #tpu.memory_space<vmem>>
        %dma_start3A_3550 = arith.constant 0 : i32
        %dma_start3A_3551 = arith.constant 0 : i32
        %dma_start3A_3552 = tpu.memref_slice %arg4[%squeeze3A_3544, %dma_start3A_3550, %dma_start3A_3551] : memref<125000x8x64xf32, #tpu.memory_space<hbm>> -> memref<1x8x64xf32, #tpu.memory_space<hbm>>
        %dma_start3A_3553 = tpu.memref_squeeze %dma_start3A_3552 : memref<1x8x64xf32, #tpu.memory_space<hbm>> -> memref<8x64xf32, #tpu.memory_space<hbm>>
        %dma_start3A_3554 = arith.constant 0 : i32
        %dma_start3A_3555 = arith.constant 0 : i32
        %dma_start3A_3556 = tpu.memref_slice %arg9[%dma_start3A_3545, %dma_start3A_3554, %dma_start3A_3555] : memref<16x8x64xf32, #tpu.memory_space<vmem>> -> memref<1x8x64xf32, #tpu.memory_space<vmem>>
        %dma_start3A_3557 = tpu.memref_squeeze %dma_start3A_3556 : memref<1x8x64xf32, #tpu.memory_space<vmem>> -> memref<8x64xf32, #tpu.memory_space<vmem>>
        %dma_start3A_3558 = arith.constant 0 : i32
        %dma_start3A_3559 = arith.constant 0 : i32
        %dma_start3A_3560 = tpu.memref_slice %arg4[%squeeze3A_3544, %dma_start3A_3558, %dma_start3A_3559] : memref<125000x8x64xf32, #tpu.memory_space<hbm>> -> memref<1x8x64xf32, #tpu.memory_space<hbm>>
        %dma_start3A_3561 = tpu.memref_squeeze %dma_start3A_3560 : memref<1x8x64xf32, #tpu.memory_space<hbm>> -> memref<8x64xf32, #tpu.memory_space<hbm>>
        tpu.enqueue_dma source(%dma_start3A_3561 : memref<8x64xf32, #tpu.memory_space<hbm>>) target(%dma_start3A_3557 : memref<8x64xf32, #tpu.memory_space<vmem>>) target_semaphore(%arg15 : memref<!tpu.dma_semaphore, #tpu.memory_space<semaphore_mem>>)
        %slice3A_3562 = vector.extract_strided_slice %shift_right_logical3A_3238 {offsets = [8], sizes = [1], strides = [1]} : vector<16xi32> to vector<1xi32>
        %squeeze3A_3563 = vector.extract %slice3A_3562[0] : i32 from vector<1xi32>
        %dma_start3A_3564 = arith.constant 8 : i32
        %dma_start3A_3565 = arith.constant 0 : i32
        %dma_start3A_3566 = arith.constant 0 : i32
        %dma_start3A_3567 = tpu.memref_slice %arg10[%dma_start3A_3564, %dma_start3A_3565, %dma_start3A_3566] : memref<16x8x64xf32, #tpu.memory_space<vmem>> -> memref<1x8x64xf32, #tpu.memory_space<vmem>>
        %dma_start3A_3568 = tpu.memref_squeeze %dma_start3A_3567 : memref<1x8x64xf32, #tpu.memory_space<vmem>> -> memref<8x64xf32, #tpu.memory_space<vmem>>
        %dma_start3A_3569 = arith.constant 0 : i32
        %dma_start3A_3570 = arith.constant 0 : i32
        %dma_start3A_3571 = tpu.memref_slice %arg5[%squeeze3A_3563, %dma_start3A_3569, %dma_start3A_3570] : memref<125000x8x64xf32, #tpu.memory_space<hbm>> -> memref<1x8x64xf32, #tpu.memory_space<hbm>>
        %dma_start3A_3572 = tpu.memref_squeeze %dma_start3A_3571 : memref<1x8x64xf32, #tpu.memory_space<hbm>> -> memref<8x64xf32, #tpu.memory_space<hbm>>
        %dma_start3A_3573 = arith.constant 0 : i32
        %dma_start3A_3574 = arith.constant 0 : i32
        %dma_start3A_3575 = tpu.memref_slice %arg10[%dma_start3A_3564, %dma_start3A_3573, %dma_start3A_3574] : memref<16x8x64xf32, #tpu.memory_space<vmem>> -> memref<1x8x64xf32, #tpu.memory_space<vmem>>
        %dma_start3A_3576 = tpu.memref_squeeze %dma_start3A_3575 : memref<1x8x64xf32, #tpu.memory_space<vmem>> -> memref<8x64xf32, #tpu.memory_space<vmem>>
        %dma_start3A_3577 = arith.constant 0 : i32
        %dma_start3A_3578 = arith.constant 0 : i32
        %dma_start3A_3579 = tpu.memref_slice %arg5[%squeeze3A_3563, %dma_start3A_3577, %dma_start3A_3578] : memref<125000x8x64xf32, #tpu.memory_space<hbm>> -> memref<1x8x64xf32, #tpu.memory_space<hbm>>
        %dma_start3A_3580 = tpu.memref_squeeze %dma_start3A_3579 : memref<1x8x64xf32, #tpu.memory_space<hbm>> -> memref<8x64xf32, #tpu.memory_space<hbm>>
        tpu.enqueue_dma source(%dma_start3A_3580 : memref<8x64xf32, #tpu.memory_space<hbm>>) target(%dma_start3A_3576 : memref<8x64xf32, #tpu.memory_space<vmem>>) target_semaphore(%arg16 : memref<!tpu.dma_semaphore, #tpu.memory_space<semaphore_mem>>)
        %slice3A_3581 = vector.extract_strided_slice %shift_right_logical3A_3233 {offsets = [9], sizes = [1], strides = [1]} : vector<16xi32> to vector<1xi32>
        %squeeze3A_3582 = vector.extract %slice3A_3581[0] : i32 from vector<1xi32>
        %dma_start3A_3583 = arith.constant 9 : i32
        %dma_start3A_3584 = arith.constant 0 : i32
        %dma_start3A_3585 = arith.constant 0 : i32
        %dma_start3A_3586 = tpu.memref_slice %arg9[%dma_start3A_3583, %dma_start3A_3584, %dma_start3A_3585] : memref<16x8x64xf32, #tpu.memory_space<vmem>> -> memref<1x8x64xf32, #tpu.memory_space<vmem>>
        %dma_start3A_3587 = tpu.memref_squeeze %dma_start3A_3586 : memref<1x8x64xf32, #tpu.memory_space<vmem>> -> memref<8x64xf32, #tpu.memory_space<vmem>>
        %dma_start3A_3588 = arith.constant 0 : i32
        %dma_start3A_3589 = arith.constant 0 : i32
        %dma_start3A_3590 = tpu.memref_slice %arg4[%squeeze3A_3582, %dma_start3A_3588, %dma_start3A_3589] : memref<125000x8x64xf32, #tpu.memory_space<hbm>> -> memref<1x8x64xf32, #tpu.memory_space<hbm>>
        %dma_start3A_3591 = tpu.memref_squeeze %dma_start3A_3590 : memref<1x8x64xf32, #tpu.memory_space<hbm>> -> memref<8x64xf32, #tpu.memory_space<hbm>>
        %dma_start3A_3592 = arith.constant 0 : i32
        %dma_start3A_3593 = arith.constant 0 : i32
        %dma_start3A_3594 = tpu.memref_slice %arg9[%dma_start3A_3583, %dma_start3A_3592, %dma_start3A_3593] : memref<16x8x64xf32, #tpu.memory_space<vmem>> -> memref<1x8x64xf32, #tpu.memory_space<vmem>>
        %dma_start3A_3595 = tpu.memref_squeeze %dma_start3A_3594 : memref<1x8x64xf32, #tpu.memory_space<vmem>> -> memref<8x64xf32, #tpu.memory_space<vmem>>
        %dma_start3A_3596 = arith.constant 0 : i32
        %dma_start3A_3597 = arith.constant 0 : i32
        %dma_start3A_3598 = tpu.memref_slice %arg4[%squeeze3A_3582, %dma_start3A_3596, %dma_start3A_3597] : memref<125000x8x64xf32, #tpu.memory_space<hbm>> -> memref<1x8x64xf32, #tpu.memory_space<hbm>>
        %dma_start3A_3599 = tpu.memref_squeeze %dma_start3A_3598 : memref<1x8x64xf32, #tpu.memory_space<hbm>> -> memref<8x64xf32, #tpu.memory_space<hbm>>
        tpu.enqueue_dma source(%dma_start3A_3599 : memref<8x64xf32, #tpu.memory_space<hbm>>) target(%dma_start3A_3595 : memref<8x64xf32, #tpu.memory_space<vmem>>) target_semaphore(%arg15 : memref<!tpu.dma_semaphore, #tpu.memory_space<semaphore_mem>>)
        %slice3A_3600 = vector.extract_strided_slice %shift_right_logical3A_3238 {offsets = [9], sizes = [1], strides = [1]} : vector<16xi32> to vector<1xi32>
        %squeeze3A_3601 = vector.extract %slice3A_3600[0] : i32 from vector<1xi32>
        %dma_start3A_3602 = arith.constant 9 : i32
        %dma_start3A_3603 = arith.constant 0 : i32
        %dma_start3A_3604 = arith.constant 0 : i32
        %dma_start3A_3605 = tpu.memref_slice %arg10[%dma_start3A_3602, %dma_start3A_3603, %dma_start3A_3604] : memref<16x8x64xf32, #tpu.memory_space<vmem>> -> memref<1x8x64xf32, #tpu.memory_space<vmem>>
        %dma_start3A_3606 = tpu.memref_squeeze %dma_start3A_3605 : memref<1x8x64xf32, #tpu.memory_space<vmem>> -> memref<8x64xf32, #tpu.memory_space<vmem>>
        %dma_start3A_3607 = arith.constant 0 : i32
        %dma_start3A_3608 = arith.constant 0 : i32
        %dma_start3A_3609 = tpu.memref_slice %arg5[%squeeze3A_3601, %dma_start3A_3607, %dma_start3A_3608] : memref<125000x8x64xf32, #tpu.memory_space<hbm>> -> memref<1x8x64xf32, #tpu.memory_space<hbm>>
        %dma_start3A_3610 = tpu.memref_squeeze %dma_start3A_3609 : memref<1x8x64xf32, #tpu.memory_space<hbm>> -> memref<8x64xf32, #tpu.memory_space<hbm>>
        %dma_start3A_3611 = arith.constant 0 : i32
        %dma_start3A_3612 = arith.constant 0 : i32
        %dma_start3A_3613 = tpu.memref_slice %arg10[%dma_start3A_3602, %dma_start3A_3611, %dma_start3A_3612] : memref<16x8x64xf32, #tpu.memory_space<vmem>> -> memref<1x8x64xf32, #tpu.memory_space<vmem>>
        %dma_start3A_3614 = tpu.memref_squeeze %dma_start3A_3613 : memref<1x8x64xf32, #tpu.memory_space<vmem>> -> memref<8x64xf32, #tpu.memory_space<vmem>>
        %dma_start3A_3615 = arith.constant 0 : i32
        %dma_start3A_3616 = arith.constant 0 : i32
        %dma_start3A_3617 = tpu.memref_slice %arg5[%squeeze3A_3601, %dma_start3A_3615, %dma_start3A_3616] : memref<125000x8x64xf32, #tpu.memory_space<hbm>> -> memref<1x8x64xf32, #tpu.memory_space<hbm>>
        %dma_start3A_3618 = tpu.memref_squeeze %dma_start3A_3617 : memref<1x8x64xf32, #tpu.memory_space<hbm>> -> memref<8x64xf32, #tpu.memory_space<hbm>>
        tpu.enqueue_dma source(%dma_start3A_3618 : memref<8x64xf32, #tpu.memory_space<hbm>>) target(%dma_start3A_3614 : memref<8x64xf32, #tpu.memory_space<vmem>>) target_semaphore(%arg16 : memref<!tpu.dma_semaphore, #tpu.memory_space<semaphore_mem>>)
        %slice3A_3619 = vector.extract_strided_slice %shift_right_logical3A_3233 {offsets = [10], sizes = [1], strides = [1]} : vector<16xi32> to vector<1xi32>
        %squeeze3A_3620 = vector.extract %slice3A_3619[0] : i32 from vector<1xi32>
        %dma_start3A_3621 = arith.constant 10 : i32
        %dma_start3A_3622 = arith.constant 0 : i32
        %dma_start3A_3623 = arith.constant 0 : i32
        %dma_start3A_3624 = tpu.memref_slice %arg9[%dma_start3A_3621, %dma_start3A_3622, %dma_start3A_3623] : memref<16x8x64xf32, #tpu.memory_space<vmem>> -> memref<1x8x64xf32, #tpu.memory_space<vmem>>
        %dma_start3A_3625 = tpu.memref_squeeze %dma_start3A_3624 : memref<1x8x64xf32, #tpu.memory_space<vmem>> -> memref<8x64xf32, #tpu.memory_space<vmem>>
        %dma_start3A_3626 = arith.constant 0 : i32
        %dma_start3A_3627 = arith.constant 0 : i32
        %dma_start3A_3628 = tpu.memref_slice %arg4[%squeeze3A_3620, %dma_start3A_3626, %dma_start3A_3627] : memref<125000x8x64xf32, #tpu.memory_space<hbm>> -> memref<1x8x64xf32, #tpu.memory_space<hbm>>
        %dma_start3A_3629 = tpu.memref_squeeze %dma_start3A_3628 : memref<1x8x64xf32, #tpu.memory_space<hbm>> -> memref<8x64xf32, #tpu.memory_space<hbm>>
        %dma_start3A_3630 = arith.constant 0 : i32
        %dma_start3A_3631 = arith.constant 0 : i32
        %dma_start3A_3632 = tpu.memref_slice %arg9[%dma_start3A_3621, %dma_start3A_3630, %dma_start3A_3631] : memref<16x8x64xf32, #tpu.memory_space<vmem>> -> memref<1x8x64xf32, #tpu.memory_space<vmem>>
        %dma_start3A_3633 = tpu.memref_squeeze %dma_start3A_3632 : memref<1x8x64xf32, #tpu.memory_space<vmem>> -> memref<8x64xf32, #tpu.memory_space<vmem>>
        %dma_start3A_3634 = arith.constant 0 : i32
        %dma_start3A_3635 = arith.constant 0 : i32
        %dma_start3A_3636 = tpu.memref_slice %arg4[%squeeze3A_3620, %dma_start3A_3634, %dma_start3A_3635] : memref<125000x8x64xf32, #tpu.memory_space<hbm>> -> memref<1x8x64xf32, #tpu.memory_space<hbm>>
        %dma_start3A_3637 = tpu.memref_squeeze %dma_start3A_3636 : memref<1x8x64xf32, #tpu.memory_space<hbm>> -> memref<8x64xf32, #tpu.memory_space<hbm>>
        tpu.enqueue_dma source(%dma_start3A_3637 : memref<8x64xf32, #tpu.memory_space<hbm>>) target(%dma_start3A_3633 : memref<8x64xf32, #tpu.memory_space<vmem>>) target_semaphore(%arg15 : memref<!tpu.dma_semaphore, #tpu.memory_space<semaphore_mem>>)
        %slice3A_3638 = vector.extract_strided_slice %shift_right_logical3A_3238 {offsets = [10], sizes = [1], strides = [1]} : vector<16xi32> to vector<1xi32>
        %squeeze3A_3639 = vector.extract %slice3A_3638[0] : i32 from vector<1xi32>
        %dma_start3A_3640 = arith.constant 10 : i32
        %dma_start3A_3641 = arith.constant 0 : i32
        %dma_start3A_3642 = arith.constant 0 : i32
        %dma_start3A_3643 = tpu.memref_slice %arg10[%dma_start3A_3640, %dma_start3A_3641, %dma_start3A_3642] : memref<16x8x64xf32, #tpu.memory_space<vmem>> -> memref<1x8x64xf32, #tpu.memory_space<vmem>>
        %dma_start3A_3644 = tpu.memref_squeeze %dma_start3A_3643 : memref<1x8x64xf32, #tpu.memory_space<vmem>> -> memref<8x64xf32, #tpu.memory_space<vmem>>
        %dma_start3A_3645 = arith.constant 0 : i32
        %dma_start3A_3646 = arith.constant 0 : i32
        %dma_start3A_3647 = tpu.memref_slice %arg5[%squeeze3A_3639, %dma_start3A_3645, %dma_start3A_3646] : memref<125000x8x64xf32, #tpu.memory_space<hbm>> -> memref<1x8x64xf32, #tpu.memory_space<hbm>>
        %dma_start3A_3648 = tpu.memref_squeeze %dma_start3A_3647 : memref<1x8x64xf32, #tpu.memory_space<hbm>> -> memref<8x64xf32, #tpu.memory_space<hbm>>
        %dma_start3A_3649 = arith.constant 0 : i32
        %dma_start3A_3650 = arith.constant 0 : i32
        %dma_start3A_3651 = tpu.memref_slice %arg10[%dma_start3A_3640, %dma_start3A_3649, %dma_start3A_3650] : memref<16x8x64xf32, #tpu.memory_space<vmem>> -> memref<1x8x64xf32, #tpu.memory_space<vmem>>
        %dma_start3A_3652 = tpu.memref_squeeze %dma_start3A_3651 : memref<1x8x64xf32, #tpu.memory_space<vmem>> -> memref<8x64xf32, #tpu.memory_space<vmem>>
        %dma_start3A_3653 = arith.constant 0 : i32
        %dma_start3A_3654 = arith.constant 0 : i32
        %dma_start3A_3655 = tpu.memref_slice %arg5[%squeeze3A_3639, %dma_start3A_3653, %dma_start3A_3654] : memref<125000x8x64xf32, #tpu.memory_space<hbm>> -> memref<1x8x64xf32, #tpu.memory_space<hbm>>
        %dma_start3A_3656 = tpu.memref_squeeze %dma_start3A_3655 : memref<1x8x64xf32, #tpu.memory_space<hbm>> -> memref<8x64xf32, #tpu.memory_space<hbm>>
        tpu.enqueue_dma source(%dma_start3A_3656 : memref<8x64xf32, #tpu.memory_space<hbm>>) target(%dma_start3A_3652 : memref<8x64xf32, #tpu.memory_space<vmem>>) target_semaphore(%arg16 : memref<!tpu.dma_semaphore, #tpu.memory_space<semaphore_mem>>)
        %slice3A_3657 = vector.extract_strided_slice %shift_right_logical3A_3233 {offsets = [11], sizes = [1], strides = [1]} : vector<16xi32> to vector<1xi32>
        %squeeze3A_3658 = vector.extract %slice3A_3657[0] : i32 from vector<1xi32>
        %dma_start3A_3659 = arith.constant 11 : i32
        %dma_start3A_3660 = arith.constant 0 : i32
        %dma_start3A_3661 = arith.constant 0 : i32
        %dma_start3A_3662 = tpu.memref_slice %arg9[%dma_start3A_3659, %dma_start3A_3660, %dma_start3A_3661] : memref<16x8x64xf32, #tpu.memory_space<vmem>> -> memref<1x8x64xf32, #tpu.memory_space<vmem>>
        %dma_start3A_3663 = tpu.memref_squeeze %dma_start3A_3662 : memref<1x8x64xf32, #tpu.memory_space<vmem>> -> memref<8x64xf32, #tpu.memory_space<vmem>>
        %dma_start3A_3664 = arith.constant 0 : i32
        %dma_start3A_3665 = arith.constant 0 : i32
        %dma_start3A_3666 = tpu.memref_slice %arg4[%squeeze3A_3658, %dma_start3A_3664, %dma_start3A_3665] : memref<125000x8x64xf32, #tpu.memory_space<hbm>> -> memref<1x8x64xf32, #tpu.memory_space<hbm>>
        %dma_start3A_3667 = tpu.memref_squeeze %dma_start3A_3666 : memref<1x8x64xf32, #tpu.memory_space<hbm>> -> memref<8x64xf32, #tpu.memory_space<hbm>>
        %dma_start3A_3668 = arith.constant 0 : i32
        %dma_start3A_3669 = arith.constant 0 : i32
        %dma_start3A_3670 = tpu.memref_slice %arg9[%dma_start3A_3659, %dma_start3A_3668, %dma_start3A_3669] : memref<16x8x64xf32, #tpu.memory_space<vmem>> -> memref<1x8x64xf32, #tpu.memory_space<vmem>>
        %dma_start3A_3671 = tpu.memref_squeeze %dma_start3A_3670 : memref<1x8x64xf32, #tpu.memory_space<vmem>> -> memref<8x64xf32, #tpu.memory_space<vmem>>
        %dma_start3A_3672 = arith.constant 0 : i32
        %dma_start3A_3673 = arith.constant 0 : i32
        %dma_start3A_3674 = tpu.memref_slice %arg4[%squeeze3A_3658, %dma_start3A_3672, %dma_start3A_3673] : memref<125000x8x64xf32, #tpu.memory_space<hbm>> -> memref<1x8x64xf32, #tpu.memory_space<hbm>>
        %dma_start3A_3675 = tpu.memref_squeeze %dma_start3A_3674 : memref<1x8x64xf32, #tpu.memory_space<hbm>> -> memref<8x64xf32, #tpu.memory_space<hbm>>
        tpu.enqueue_dma source(%dma_start3A_3675 : memref<8x64xf32, #tpu.memory_space<hbm>>) target(%dma_start3A_3671 : memref<8x64xf32, #tpu.memory_space<vmem>>) target_semaphore(%arg15 : memref<!tpu.dma_semaphore, #tpu.memory_space<semaphore_mem>>)
        %slice3A_3676 = vector.extract_strided_slice %shift_right_logical3A_3238 {offsets = [11], sizes = [1], strides = [1]} : vector<16xi32> to vector<1xi32>
        %squeeze3A_3677 = vector.extract %slice3A_3676[0] : i32 from vector<1xi32>
        %dma_start3A_3678 = arith.constant 11 : i32
        %dma_start3A_3679 = arith.constant 0 : i32
        %dma_start3A_3680 = arith.constant 0 : i32
        %dma_start3A_3681 = tpu.memref_slice %arg10[%dma_start3A_3678, %dma_start3A_3679, %dma_start3A_3680] : memref<16x8x64xf32, #tpu.memory_space<vmem>> -> memref<1x8x64xf32, #tpu.memory_space<vmem>>
        %dma_start3A_3682 = tpu.memref_squeeze %dma_start3A_3681 : memref<1x8x64xf32, #tpu.memory_space<vmem>> -> memref<8x64xf32, #tpu.memory_space<vmem>>
        %dma_start3A_3683 = arith.constant 0 : i32
        %dma_start3A_3684 = arith.constant 0 : i32
        %dma_start3A_3685 = tpu.memref_slice %arg5[%squeeze3A_3677, %dma_start3A_3683, %dma_start3A_3684] : memref<125000x8x64xf32, #tpu.memory_space<hbm>> -> memref<1x8x64xf32, #tpu.memory_space<hbm>>
        %dma_start3A_3686 = tpu.memref_squeeze %dma_start3A_3685 : memref<1x8x64xf32, #tpu.memory_space<hbm>> -> memref<8x64xf32, #tpu.memory_space<hbm>>
        %dma_start3A_3687 = arith.constant 0 : i32
        %dma_start3A_3688 = arith.constant 0 : i32
        %dma_start3A_3689 = tpu.memref_slice %arg10[%dma_start3A_3678, %dma_start3A_3687, %dma_start3A_3688] : memref<16x8x64xf32, #tpu.memory_space<vmem>> -> memref<1x8x64xf32, #tpu.memory_space<vmem>>
        %dma_start3A_3690 = tpu.memref_squeeze %dma_start3A_3689 : memref<1x8x64xf32, #tpu.memory_space<vmem>> -> memref<8x64xf32, #tpu.memory_space<vmem>>
        %dma_start3A_3691 = arith.constant 0 : i32
        %dma_start3A_3692 = arith.constant 0 : i32
        %dma_start3A_3693 = tpu.memref_slice %arg5[%squeeze3A_3677, %dma_start3A_3691, %dma_start3A_3692] : memref<125000x8x64xf32, #tpu.memory_space<hbm>> -> memref<1x8x64xf32, #tpu.memory_space<hbm>>
        %dma_start3A_3694 = tpu.memref_squeeze %dma_start3A_3693 : memref<1x8x64xf32, #tpu.memory_space<hbm>> -> memref<8x64xf32, #tpu.memory_space<hbm>>
        tpu.enqueue_dma source(%dma_start3A_3694 : memref<8x64xf32, #tpu.memory_space<hbm>>) target(%dma_start3A_3690 : memref<8x64xf32, #tpu.memory_space<vmem>>) target_semaphore(%arg16 : memref<!tpu.dma_semaphore, #tpu.memory_space<semaphore_mem>>)
        %slice3A_3695 = vector.extract_strided_slice %shift_right_logical3A_3233 {offsets = [12], sizes = [1], strides = [1]} : vector<16xi32> to vector<1xi32>
        %squeeze3A_3696 = vector.extract %slice3A_3695[0] : i32 from vector<1xi32>
        %dma_start3A_3697 = arith.constant 12 : i32
        %dma_start3A_3698 = arith.constant 0 : i32
        %dma_start3A_3699 = arith.constant 0 : i32
        %dma_start3A_3700 = tpu.memref_slice %arg9[%dma_start3A_3697, %dma_start3A_3698, %dma_start3A_3699] : memref<16x8x64xf32, #tpu.memory_space<vmem>> -> memref<1x8x64xf32, #tpu.memory_space<vmem>>
        %dma_start3A_3701 = tpu.memref_squeeze %dma_start3A_3700 : memref<1x8x64xf32, #tpu.memory_space<vmem>> -> memref<8x64xf32, #tpu.memory_space<vmem>>
        %dma_start3A_3702 = arith.constant 0 : i32
        %dma_start3A_3703 = arith.constant 0 : i32
        %dma_start3A_3704 = tpu.memref_slice %arg4[%squeeze3A_3696, %dma_start3A_3702, %dma_start3A_3703] : memref<125000x8x64xf32, #tpu.memory_space<hbm>> -> memref<1x8x64xf32, #tpu.memory_space<hbm>>
        %dma_start3A_3705 = tpu.memref_squeeze %dma_start3A_3704 : memref<1x8x64xf32, #tpu.memory_space<hbm>> -> memref<8x64xf32, #tpu.memory_space<hbm>>
        %dma_start3A_3706 = arith.constant 0 : i32
        %dma_start3A_3707 = arith.constant 0 : i32
        %dma_start3A_3708 = tpu.memref_slice %arg9[%dma_start3A_3697, %dma_start3A_3706, %dma_start3A_3707] : memref<16x8x64xf32, #tpu.memory_space<vmem>> -> memref<1x8x64xf32, #tpu.memory_space<vmem>>
        %dma_start3A_3709 = tpu.memref_squeeze %dma_start3A_3708 : memref<1x8x64xf32, #tpu.memory_space<vmem>> -> memref<8x64xf32, #tpu.memory_space<vmem>>
        %dma_start3A_3710 = arith.constant 0 : i32
        %dma_start3A_3711 = arith.constant 0 : i32
        %dma_start3A_3712 = tpu.memref_slice %arg4[%squeeze3A_3696, %dma_start3A_3710, %dma_start3A_3711] : memref<125000x8x64xf32, #tpu.memory_space<hbm>> -> memref<1x8x64xf32, #tpu.memory_space<hbm>>
        %dma_start3A_3713 = tpu.memref_squeeze %dma_start3A_3712 : memref<1x8x64xf32, #tpu.memory_space<hbm>> -> memref<8x64xf32, #tpu.memory_space<hbm>>
        tpu.enqueue_dma source(%dma_start3A_3713 : memref<8x64xf32, #tpu.memory_space<hbm>>) target(%dma_start3A_3709 : memref<8x64xf32, #tpu.memory_space<vmem>>) target_semaphore(%arg15 : memref<!tpu.dma_semaphore, #tpu.memory_space<semaphore_mem>>)
        %slice3A_3714 = vector.extract_strided_slice %shift_right_logical3A_3238 {offsets = [12], sizes = [1], strides = [1]} : vector<16xi32> to vector<1xi32>
        %squeeze3A_3715 = vector.extract %slice3A_3714[0] : i32 from vector<1xi32>
        %dma_start3A_3716 = arith.constant 12 : i32
        %dma_start3A_3717 = arith.constant 0 : i32
        %dma_start3A_3718 = arith.constant 0 : i32
        %dma_start3A_3719 = tpu.memref_slice %arg10[%dma_start3A_3716, %dma_start3A_3717, %dma_start3A_3718] : memref<16x8x64xf32, #tpu.memory_space<vmem>> -> memref<1x8x64xf32, #tpu.memory_space<vmem>>
        %dma_start3A_3720 = tpu.memref_squeeze %dma_start3A_3719 : memref<1x8x64xf32, #tpu.memory_space<vmem>> -> memref<8x64xf32, #tpu.memory_space<vmem>>
        %dma_start3A_3721 = arith.constant 0 : i32
        %dma_start3A_3722 = arith.constant 0 : i32
        %dma_start3A_3723 = tpu.memref_slice %arg5[%squeeze3A_3715, %dma_start3A_3721, %dma_start3A_3722] : memref<125000x8x64xf32, #tpu.memory_space<hbm>> -> memref<1x8x64xf32, #tpu.memory_space<hbm>>
        %dma_start3A_3724 = tpu.memref_squeeze %dma_start3A_3723 : memref<1x8x64xf32, #tpu.memory_space<hbm>> -> memref<8x64xf32, #tpu.memory_space<hbm>>
        %dma_start3A_3725 = arith.constant 0 : i32
        %dma_start3A_3726 = arith.constant 0 : i32
        %dma_start3A_3727 = tpu.memref_slice %arg10[%dma_start3A_3716, %dma_start3A_3725, %dma_start3A_3726] : memref<16x8x64xf32, #tpu.memory_space<vmem>> -> memref<1x8x64xf32, #tpu.memory_space<vmem>>
        %dma_start3A_3728 = tpu.memref_squeeze %dma_start3A_3727 : memref<1x8x64xf32, #tpu.memory_space<vmem>> -> memref<8x64xf32, #tpu.memory_space<vmem>>
        %dma_start3A_3729 = arith.constant 0 : i32
        %dma_start3A_3730 = arith.constant 0 : i32
        %dma_start3A_3731 = tpu.memref_slice %arg5[%squeeze3A_3715, %dma_start3A_3729, %dma_start3A_3730] : memref<125000x8x64xf32, #tpu.memory_space<hbm>> -> memref<1x8x64xf32, #tpu.memory_space<hbm>>
        %dma_start3A_3732 = tpu.memref_squeeze %dma_start3A_3731 : memref<1x8x64xf32, #tpu.memory_space<hbm>> -> memref<8x64xf32, #tpu.memory_space<hbm>>
        tpu.enqueue_dma source(%dma_start3A_3732 : memref<8x64xf32, #tpu.memory_space<hbm>>) target(%dma_start3A_3728 : memref<8x64xf32, #tpu.memory_space<vmem>>) target_semaphore(%arg16 : memref<!tpu.dma_semaphore, #tpu.memory_space<semaphore_mem>>)
        %slice3A_3733 = vector.extract_strided_slice %shift_right_logical3A_3233 {offsets = [13], sizes = [1], strides = [1]} : vector<16xi32> to vector<1xi32>
        %squeeze3A_3734 = vector.extract %slice3A_3733[0] : i32 from vector<1xi32>
        %dma_start3A_3735 = arith.constant 13 : i32
        %dma_start3A_3736 = arith.constant 0 : i32
        %dma_start3A_3737 = arith.constant 0 : i32
        %dma_start3A_3738 = tpu.memref_slice %arg9[%dma_start3A_3735, %dma_start3A_3736, %dma_start3A_3737] : memref<16x8x64xf32, #tpu.memory_space<vmem>> -> memref<1x8x64xf32, #tpu.memory_space<vmem>>
        %dma_start3A_3739 = tpu.memref_squeeze %dma_start3A_3738 : memref<1x8x64xf32, #tpu.memory_space<vmem>> -> memref<8x64xf32, #tpu.memory_space<vmem>>
        %dma_start3A_3740 = arith.constant 0 : i32
        %dma_start3A_3741 = arith.constant 0 : i32
        %dma_start3A_3742 = tpu.memref_slice %arg4[%squeeze3A_3734, %dma_start3A_3740, %dma_start3A_3741] : memref<125000x8x64xf32, #tpu.memory_space<hbm>> -> memref<1x8x64xf32, #tpu.memory_space<hbm>>
        %dma_start3A_3743 = tpu.memref_squeeze %dma_start3A_3742 : memref<1x8x64xf32, #tpu.memory_space<hbm>> -> memref<8x64xf32, #tpu.memory_space<hbm>>
        %dma_start3A_3744 = arith.constant 0 : i32
        %dma_start3A_3745 = arith.constant 0 : i32
        %dma_start3A_3746 = tpu.memref_slice %arg9[%dma_start3A_3735, %dma_start3A_3744, %dma_start3A_3745] : memref<16x8x64xf32, #tpu.memory_space<vmem>> -> memref<1x8x64xf32, #tpu.memory_space<vmem>>
        %dma_start3A_3747 = tpu.memref_squeeze %dma_start3A_3746 : memref<1x8x64xf32, #tpu.memory_space<vmem>> -> memref<8x64xf32, #tpu.memory_space<vmem>>
        %dma_start3A_3748 = arith.constant 0 : i32
        %dma_start3A_3749 = arith.constant 0 : i32
        %dma_start3A_3750 = tpu.memref_slice %arg4[%squeeze3A_3734, %dma_start3A_3748, %dma_start3A_3749] : memref<125000x8x64xf32, #tpu.memory_space<hbm>> -> memref<1x8x64xf32, #tpu.memory_space<hbm>>
        %dma_start3A_3751 = tpu.memref_squeeze %dma_start3A_3750 : memref<1x8x64xf32, #tpu.memory_space<hbm>> -> memref<8x64xf32, #tpu.memory_space<hbm>>
        tpu.enqueue_dma source(%dma_start3A_3751 : memref<8x64xf32, #tpu.memory_space<hbm>>) target(%dma_start3A_3747 : memref<8x64xf32, #tpu.memory_space<vmem>>) target_semaphore(%arg15 : memref<!tpu.dma_semaphore, #tpu.memory_space<semaphore_mem>>)
        %slice3A_3752 = vector.extract_strided_slice %shift_right_logical3A_3238 {offsets = [13], sizes = [1], strides = [1]} : vector<16xi32> to vector<1xi32>
        %squeeze3A_3753 = vector.extract %slice3A_3752[0] : i32 from vector<1xi32>
        %dma_start3A_3754 = arith.constant 13 : i32
        %dma_start3A_3755 = arith.constant 0 : i32
        %dma_start3A_3756 = arith.constant 0 : i32
        %dma_start3A_3757 = tpu.memref_slice %arg10[%dma_start3A_3754, %dma_start3A_3755, %dma_start3A_3756] : memref<16x8x64xf32, #tpu.memory_space<vmem>> -> memref<1x8x64xf32, #tpu.memory_space<vmem>>
        %dma_start3A_3758 = tpu.memref_squeeze %dma_start3A_3757 : memref<1x8x64xf32, #tpu.memory_space<vmem>> -> memref<8x64xf32, #tpu.memory_space<vmem>>
        %dma_start3A_3759 = arith.constant 0 : i32
        %dma_start3A_3760 = arith.constant 0 : i32
        %dma_start3A_3761 = tpu.memref_slice %arg5[%squeeze3A_3753, %dma_start3A_3759, %dma_start3A_3760] : memref<125000x8x64xf32, #tpu.memory_space<hbm>> -> memref<1x8x64xf32, #tpu.memory_space<hbm>>
        %dma_start3A_3762 = tpu.memref_squeeze %dma_start3A_3761 : memref<1x8x64xf32, #tpu.memory_space<hbm>> -> memref<8x64xf32, #tpu.memory_space<hbm>>
        %dma_start3A_3763 = arith.constant 0 : i32
        %dma_start3A_3764 = arith.constant 0 : i32
        %dma_start3A_3765 = tpu.memref_slice %arg10[%dma_start3A_3754, %dma_start3A_3763, %dma_start3A_3764] : memref<16x8x64xf32, #tpu.memory_space<vmem>> -> memref<1x8x64xf32, #tpu.memory_space<vmem>>
        %dma_start3A_3766 = tpu.memref_squeeze %dma_start3A_3765 : memref<1x8x64xf32, #tpu.memory_space<vmem>> -> memref<8x64xf32, #tpu.memory_space<vmem>>
        %dma_start3A_3767 = arith.constant 0 : i32
        %dma_start3A_3768 = arith.constant 0 : i32
        %dma_start3A_3769 = tpu.memref_slice %arg5[%squeeze3A_3753, %dma_start3A_3767, %dma_start3A_3768] : memref<125000x8x64xf32, #tpu.memory_space<hbm>> -> memref<1x8x64xf32, #tpu.memory_space<hbm>>
        %dma_start3A_3770 = tpu.memref_squeeze %dma_start3A_3769 : memref<1x8x64xf32, #tpu.memory_space<hbm>> -> memref<8x64xf32, #tpu.memory_space<hbm>>
        tpu.enqueue_dma source(%dma_start3A_3770 : memref<8x64xf32, #tpu.memory_space<hbm>>) target(%dma_start3A_3766 : memref<8x64xf32, #tpu.memory_space<vmem>>) target_semaphore(%arg16 : memref<!tpu.dma_semaphore, #tpu.memory_space<semaphore_mem>>)
        %slice3A_3771 = vector.extract_strided_slice %shift_right_logical3A_3233 {offsets = [14], sizes = [1], strides = [1]} : vector<16xi32> to vector<1xi32>
        %squeeze3A_3772 = vector.extract %slice3A_3771[0] : i32 from vector<1xi32>
        %dma_start3A_3773 = arith.constant 14 : i32
        %dma_start3A_3774 = arith.constant 0 : i32
        %dma_start3A_3775 = arith.constant 0 : i32
        %dma_start3A_3776 = tpu.memref_slice %arg9[%dma_start3A_3773, %dma_start3A_3774, %dma_start3A_3775] : memref<16x8x64xf32, #tpu.memory_space<vmem>> -> memref<1x8x64xf32, #tpu.memory_space<vmem>>
        %dma_start3A_3777 = tpu.memref_squeeze %dma_start3A_3776 : memref<1x8x64xf32, #tpu.memory_space<vmem>> -> memref<8x64xf32, #tpu.memory_space<vmem>>
        %dma_start3A_3778 = arith.constant 0 : i32
        %dma_start3A_3779 = arith.constant 0 : i32
        %dma_start3A_3780 = tpu.memref_slice %arg4[%squeeze3A_3772, %dma_start3A_3778, %dma_start3A_3779] : memref<125000x8x64xf32, #tpu.memory_space<hbm>> -> memref<1x8x64xf32, #tpu.memory_space<hbm>>
        %dma_start3A_3781 = tpu.memref_squeeze %dma_start3A_3780 : memref<1x8x64xf32, #tpu.memory_space<hbm>> -> memref<8x64xf32, #tpu.memory_space<hbm>>
        %dma_start3A_3782 = arith.constant 0 : i32
        %dma_start3A_3783 = arith.constant 0 : i32
        %dma_start3A_3784 = tpu.memref_slice %arg9[%dma_start3A_3773, %dma_start3A_3782, %dma_start3A_3783] : memref<16x8x64xf32, #tpu.memory_space<vmem>> -> memref<1x8x64xf32, #tpu.memory_space<vmem>>
        %dma_start3A_3785 = tpu.memref_squeeze %dma_start3A_3784 : memref<1x8x64xf32, #tpu.memory_space<vmem>> -> memref<8x64xf32, #tpu.memory_space<vmem>>
        %dma_start3A_3786 = arith.constant 0 : i32
        %dma_start3A_3787 = arith.constant 0 : i32
        %dma_start3A_3788 = tpu.memref_slice %arg4[%squeeze3A_3772, %dma_start3A_3786, %dma_start3A_3787] : memref<125000x8x64xf32, #tpu.memory_space<hbm>> -> memref<1x8x64xf32, #tpu.memory_space<hbm>>
        %dma_start3A_3789 = tpu.memref_squeeze %dma_start3A_3788 : memref<1x8x64xf32, #tpu.memory_space<hbm>> -> memref<8x64xf32, #tpu.memory_space<hbm>>
        tpu.enqueue_dma source(%dma_start3A_3789 : memref<8x64xf32, #tpu.memory_space<hbm>>) target(%dma_start3A_3785 : memref<8x64xf32, #tpu.memory_space<vmem>>) target_semaphore(%arg15 : memref<!tpu.dma_semaphore, #tpu.memory_space<semaphore_mem>>)
        %slice3A_3790 = vector.extract_strided_slice %shift_right_logical3A_3238 {offsets = [14], sizes = [1], strides = [1]} : vector<16xi32> to vector<1xi32>
        %squeeze3A_3791 = vector.extract %slice3A_3790[0] : i32 from vector<1xi32>
        %dma_start3A_3792 = arith.constant 14 : i32
        %dma_start3A_3793 = arith.constant 0 : i32
        %dma_start3A_3794 = arith.constant 0 : i32
        %dma_start3A_3795 = tpu.memref_slice %arg10[%dma_start3A_3792, %dma_start3A_3793, %dma_start3A_3794] : memref<16x8x64xf32, #tpu.memory_space<vmem>> -> memref<1x8x64xf32, #tpu.memory_space<vmem>>
        %dma_start3A_3796 = tpu.memref_squeeze %dma_start3A_3795 : memref<1x8x64xf32, #tpu.memory_space<vmem>> -> memref<8x64xf32, #tpu.memory_space<vmem>>
        %dma_start3A_3797 = arith.constant 0 : i32
        %dma_start3A_3798 = arith.constant 0 : i32
        %dma_start3A_3799 = tpu.memref_slice %arg5[%squeeze3A_3791, %dma_start3A_3797, %dma_start3A_3798] : memref<125000x8x64xf32, #tpu.memory_space<hbm>> -> memref<1x8x64xf32, #tpu.memory_space<hbm>>
        %dma_start3A_3800 = tpu.memref_squeeze %dma_start3A_3799 : memref<1x8x64xf32, #tpu.memory_space<hbm>> -> memref<8x64xf32, #tpu.memory_space<hbm>>
        %dma_start3A_3801 = arith.constant 0 : i32
        %dma_start3A_3802 = arith.constant 0 : i32
        %dma_start3A_3803 = tpu.memref_slice %arg10[%dma_start3A_3792, %dma_start3A_3801, %dma_start3A_3802] : memref<16x8x64xf32, #tpu.memory_space<vmem>> -> memref<1x8x64xf32, #tpu.memory_space<vmem>>
        %dma_start3A_3804 = tpu.memref_squeeze %dma_start3A_3803 : memref<1x8x64xf32, #tpu.memory_space<vmem>> -> memref<8x64xf32, #tpu.memory_space<vmem>>
        %dma_start3A_3805 = arith.constant 0 : i32
        %dma_start3A_3806 = arith.constant 0 : i32
        %dma_start3A_3807 = tpu.memref_slice %arg5[%squeeze3A_3791, %dma_start3A_3805, %dma_start3A_3806] : memref<125000x8x64xf32, #tpu.memory_space<hbm>> -> memref<1x8x64xf32, #tpu.memory_space<hbm>>
        %dma_start3A_3808 = tpu.memref_squeeze %dma_start3A_3807 : memref<1x8x64xf32, #tpu.memory_space<hbm>> -> memref<8x64xf32, #tpu.memory_space<hbm>>
        tpu.enqueue_dma source(%dma_start3A_3808 : memref<8x64xf32, #tpu.memory_space<hbm>>) target(%dma_start3A_3804 : memref<8x64xf32, #tpu.memory_space<vmem>>) target_semaphore(%arg16 : memref<!tpu.dma_semaphore, #tpu.memory_space<semaphore_mem>>)
        %slice3A_3809 = vector.extract_strided_slice %shift_right_logical3A_3233 {offsets = [15], sizes = [1], strides = [1]} : vector<16xi32> to vector<1xi32>
        %squeeze3A_3810 = vector.extract %slice3A_3809[0] : i32 from vector<1xi32>
        %dma_start3A_3811 = arith.constant 15 : i32
        %dma_start3A_3812 = arith.constant 0 : i32
        %dma_start3A_3813 = arith.constant 0 : i32
        %dma_start3A_3814 = tpu.memref_slice %arg9[%dma_start3A_3811, %dma_start3A_3812, %dma_start3A_3813] : memref<16x8x64xf32, #tpu.memory_space<vmem>> -> memref<1x8x64xf32, #tpu.memory_space<vmem>>
        %dma_start3A_3815 = tpu.memref_squeeze %dma_start3A_3814 : memref<1x8x64xf32, #tpu.memory_space<vmem>> -> memref<8x64xf32, #tpu.memory_space<vmem>>
        %dma_start3A_3816 = arith.constant 0 : i32
        %dma_start3A_3817 = arith.constant 0 : i32
        %dma_start3A_3818 = tpu.memref_slice %arg4[%squeeze3A_3810, %dma_start3A_3816, %dma_start3A_3817] : memref<125000x8x64xf32, #tpu.memory_space<hbm>> -> memref<1x8x64xf32, #tpu.memory_space<hbm>>
        %dma_start3A_3819 = tpu.memref_squeeze %dma_start3A_3818 : memref<1x8x64xf32, #tpu.memory_space<hbm>> -> memref<8x64xf32, #tpu.memory_space<hbm>>
        %dma_start3A_3820 = arith.constant 0 : i32
        %dma_start3A_3821 = arith.constant 0 : i32
        %dma_start3A_3822 = tpu.memref_slice %arg9[%dma_start3A_3811, %dma_start3A_3820, %dma_start3A_3821] : memref<16x8x64xf32, #tpu.memory_space<vmem>> -> memref<1x8x64xf32, #tpu.memory_space<vmem>>
        %dma_start3A_3823 = tpu.memref_squeeze %dma_start3A_3822 : memref<1x8x64xf32, #tpu.memory_space<vmem>> -> memref<8x64xf32, #tpu.memory_space<vmem>>
        %dma_start3A_3824 = arith.constant 0 : i32
        %dma_start3A_3825 = arith.constant 0 : i32
        %dma_start3A_3826 = tpu.memref_slice %arg4[%squeeze3A_3810, %dma_start3A_3824, %dma_start3A_3825] : memref<125000x8x64xf32, #tpu.memory_space<hbm>> -> memref<1x8x64xf32, #tpu.memory_space<hbm>>
        %dma_start3A_3827 = tpu.memref_squeeze %dma_start3A_3826 : memref<1x8x64xf32, #tpu.memory_space<hbm>> -> memref<8x64xf32, #tpu.memory_space<hbm>>
        tpu.enqueue_dma source(%dma_start3A_3827 : memref<8x64xf32, #tpu.memory_space<hbm>>) target(%dma_start3A_3823 : memref<8x64xf32, #tpu.memory_space<vmem>>) target_semaphore(%arg15 : memref<!tpu.dma_semaphore, #tpu.memory_space<semaphore_mem>>)
        %slice3A_3828 = vector.extract_strided_slice %shift_right_logical3A_3238 {offsets = [15], sizes = [1], strides = [1]} : vector<16xi32> to vector<1xi32>
        %squeeze3A_3829 = vector.extract %slice3A_3828[0] : i32 from vector<1xi32>
        %dma_start3A_3830 = arith.constant 15 : i32
        %dma_start3A_3831 = arith.constant 0 : i32
        %dma_start3A_3832 = arith.constant 0 : i32
        %dma_start3A_3833 = tpu.memref_slice %arg10[%dma_start3A_3830, %dma_start3A_3831, %dma_start3A_3832] : memref<16x8x64xf32, #tpu.memory_space<vmem>> -> memref<1x8x64xf32, #tpu.memory_space<vmem>>
        %dma_start3A_3834 = tpu.memref_squeeze %dma_start3A_3833 : memref<1x8x64xf32, #tpu.memory_space<vmem>> -> memref<8x64xf32, #tpu.memory_space<vmem>>
        %dma_start3A_3835 = arith.constant 0 : i32
        %dma_start3A_3836 = arith.constant 0 : i32
        %dma_start3A_3837 = tpu.memref_slice %arg5[%squeeze3A_3829, %dma_start3A_3835, %dma_start3A_3836] : memref<125000x8x64xf32, #tpu.memory_space<hbm>> -> memref<1x8x64xf32, #tpu.memory_space<hbm>>
        %dma_start3A_3838 = tpu.memref_squeeze %dma_start3A_3837 : memref<1x8x64xf32, #tpu.memory_space<hbm>> -> memref<8x64xf32, #tpu.memory_space<hbm>>
        %dma_start3A_3839 = arith.constant 0 : i32
        %dma_start3A_3840 = arith.constant 0 : i32
        %dma_start3A_3841 = tpu.memref_slice %arg10[%dma_start3A_3830, %dma_start3A_3839, %dma_start3A_3840] : memref<16x8x64xf32, #tpu.memory_space<vmem>> -> memref<1x8x64xf32, #tpu.memory_space<vmem>>
        %dma_start3A_3842 = tpu.memref_squeeze %dma_start3A_3841 : memref<1x8x64xf32, #tpu.memory_space<vmem>> -> memref<8x64xf32, #tpu.memory_space<vmem>>
        %dma_start3A_3843 = arith.constant 0 : i32
        %dma_start3A_3844 = arith.constant 0 : i32
        %dma_start3A_3845 = tpu.memref_slice %arg5[%squeeze3A_3829, %dma_start3A_3843, %dma_start3A_3844] : memref<125000x8x64xf32, #tpu.memory_space<hbm>> -> memref<1x8x64xf32, #tpu.memory_space<hbm>>
        %dma_start3A_3846 = tpu.memref_squeeze %dma_start3A_3845 : memref<1x8x64xf32, #tpu.memory_space<hbm>> -> memref<8x64xf32, #tpu.memory_space<hbm>>
        tpu.enqueue_dma source(%dma_start3A_3846 : memref<8x64xf32, #tpu.memory_space<hbm>>) target(%dma_start3A_3842 : memref<8x64xf32, #tpu.memory_space<vmem>>) target_semaphore(%arg16 : memref<!tpu.dma_semaphore, #tpu.memory_space<semaphore_mem>>)
      } else {
      }
      %dma_wait3A_2234 = arith.constant 0 : i32
      %dma_wait3A_2235 = arith.constant 0 : i32
      %dma_wait3A_2236 = arith.constant 0 : i32
      %dma_wait3A_2237 = tpu.memref_slice %arg4[%dma_wait3A_2234, %dma_wait3A_2235, %dma_wait3A_2236] : memref<125000x8x64xf32, #tpu.memory_space<hbm>> -> memref<16x8x64xf32, #tpu.memory_space<hbm>>
      %dma_wait3A_2238 = arith.constant 0 : i32
      %dma_wait3A_2239 = arith.constant 0 : i32
      %dma_wait3A_2240 = arith.constant 0 : i32
      %dma_wait3A_2241 = tpu.memref_slice %arg4[%dma_wait3A_2238, %dma_wait3A_2239, %dma_wait3A_2240] : memref<125000x8x64xf32, #tpu.memory_space<hbm>> -> memref<16x8x64xf32, #tpu.memory_space<hbm>>
      tpu.wait_dma2 semaphore(%arg17 : memref<!tpu.dma_semaphore, #tpu.memory_space<semaphore_mem>>) src(%dma_wait3A_2241 : memref<16x8x64xf32, #tpu.memory_space<hbm>>) dst(%arg11 : memref<16x8x64xf32, #tpu.memory_space<vmem>>)
      %dma_wait3A_2242 = arith.constant 0 : i32
      %dma_wait3A_2243 = arith.constant 0 : i32
      %dma_wait3A_2244 = arith.constant 0 : i32
      %dma_wait3A_2245 = tpu.memref_slice %arg5[%dma_wait3A_2242, %dma_wait3A_2243, %dma_wait3A_2244] : memref<125000x8x64xf32, #tpu.memory_space<hbm>> -> memref<16x8x64xf32, #tpu.memory_space<hbm>>
      %dma_wait3A_2246 = arith.constant 0 : i32
      %dma_wait3A_2247 = arith.constant 0 : i32
      %dma_wait3A_2248 = arith.constant 0 : i32
      %dma_wait3A_2249 = tpu.memref_slice %arg5[%dma_wait3A_2246, %dma_wait3A_2247, %dma_wait3A_2248] : memref<125000x8x64xf32, #tpu.memory_space<hbm>> -> memref<16x8x64xf32, #tpu.memory_space<hbm>>
      tpu.wait_dma2 semaphore(%arg18 : memref<!tpu.dma_semaphore, #tpu.memory_space<semaphore_mem>>) src(%dma_wait3A_2249 : memref<16x8x64xf32, #tpu.memory_space<hbm>>) dst(%arg12 : memref<16x8x64xf32, #tpu.memory_space<vmem>>)
      %add3A_2250 = arith.constant 1 : i32
      %add3A_2251 = arith.addi %mul3A_623, %add3A_2250 : i32
      %mul3A_2252 = arith.constant 16 : i32
      %mul3A_2253 = arith.muli %add3A_2251, %mul3A_2252 : i32
      %get3A_2254 = arith.index_cast %mul3A_2253 : i32 to index
      %get3A_2255 = tpu.vector_load %arg7[%get3A_2254] {strides = array<i32>} : memref<512xi32, #tpu.memory_space<vmem>>, vector<16xi32>,
      %and3A_2256 = arith.constant 7 : i32
      %and3A_2257 = vector.broadcast %and3A_2256 : i32 to vector<16xi32>
      %and3A_2258 = arith.andi %get3A_2255, %and3A_2257 : vector<16xi32>
      %get3A_2259 = arith.index_cast %mul3A_2253 : i32 to index
      %get3A_2260 = tpu.vector_load %arg8[%get3A_2259] {strides = array<i32>} : memref<512xi32, #tpu.memory_space<vmem>>, vector<16xi32>,
      %and3A_2261 = arith.constant 7 : i32
      %and3A_2262 = vector.broadcast %and3A_2261 : i32 to vector<16xi32>
      %and3A_2263 = arith.andi %get3A_2260, %and3A_2262 : vector<16xi32>
      %slice3A_2264 = vector.extract_strided_slice %and3A_2258 {offsets = [0], sizes = [1], strides = [1]} : vector<16xi32> to vector<1xi32>
      %squeeze3A_2265 = vector.extract %slice3A_2264[0] : i32 from vector<1xi32>
      %slice3A_2266 = vector.extract_strided_slice %and3A_2263 {offsets = [0], sizes = [1], strides = [1]} : vector<16xi32> to vector<1xi32>
      %squeeze3A_2267 = vector.extract %slice3A_2266[0] : i32 from vector<1xi32>
      %get3A_2268 = arith.constant 0 : i32
      %get3A_2269 = arith.index_cast %get3A_2268 : i32 to index
      %get3A_2270 = arith.index_cast %squeeze3A_2265 : i32 to index
      %get3A_2271 = arith.constant 0 : index
      %get3A_2272 = tpu.vector_load %arg11[%get3A_2269, %get3A_2270, %get3A_2271] {strides = array<i32>} : memref<16x8x64xf32, #tpu.memory_space<vmem>>, vector<16xf32>,
      %get3A_2273 = arith.constant 0 : i32
      %get3A_2274 = arith.index_cast %get3A_2273 : i32 to index
      %get3A_2275 = arith.index_cast %squeeze3A_2267 : i32 to index
      %get3A_2276 = arith.constant 0 : index
      %get3A_2277 = tpu.vector_load %arg12[%get3A_2274, %get3A_2275, %get3A_2276] {strides = array<i32>} : memref<16x8x64xf32, #tpu.memory_space<vmem>>, vector<16xf32>,
      %mul3A_2278 = arith.mulf %get3A_2272, %get3A_2277 : vector<16xf32>
      %get3A_2279 = arith.constant 0 : i32
      %get3A_2280 = arith.index_cast %get3A_2279 : i32 to index
      %get3A_2281 = arith.index_cast %squeeze3A_2265 : i32 to index
      %get3A_2282 = arith.constant 16 : index
      %get3A_2283 = tpu.vector_load %arg11[%get3A_2280, %get3A_2281, %get3A_2282] {strides = array<i32>} : memref<16x8x64xf32, #tpu.memory_space<vmem>>, vector<16xf32>,
      %get3A_2284 = arith.constant 0 : i32
      %get3A_2285 = arith.index_cast %get3A_2284 : i32 to index
      %get3A_2286 = arith.index_cast %squeeze3A_2267 : i32 to index
      %get3A_2287 = arith.constant 16 : index
      %get3A_2288 = tpu.vector_load %arg12[%get3A_2285, %get3A_2286, %get3A_2287] {strides = array<i32>} : memref<16x8x64xf32, #tpu.memory_space<vmem>>, vector<16xf32>,
      %mul3A_2289 = arith.mulf %get3A_2283, %get3A_2288 : vector<16xf32>
      %add3A_2290 = arith.addf %mul3A_2278, %mul3A_2289 : vector<16xf32>
      %get3A_2291 = arith.constant 0 : i32
      %get3A_2292 = arith.index_cast %get3A_2291 : i32 to index
      %get3A_2293 = arith.index_cast %squeeze3A_2265 : i32 to index
      %get3A_2294 = arith.constant 32 : index
      %get3A_2295 = tpu.vector_load %arg11[%get3A_2292, %get3A_2293, %get3A_2294] {strides = array<i32>} : memref<16x8x64xf32, #tpu.memory_space<vmem>>, vector<16xf32>,
      %get3A_2296 = arith.constant 0 : i32
      %get3A_2297 = arith.index_cast %get3A_2296 : i32 to index
      %get3A_2298 = arith.index_cast %squeeze3A_2267 : i32 to index
      %get3A_2299 = arith.constant 32 : index
      %get3A_2300 = tpu.vector_load %arg12[%get3A_2297, %get3A_2298, %get3A_2299] {strides = array<i32>} : memref<16x8x64xf32, #tpu.memory_space<vmem>>, vector<16xf32>,
      %mul3A_2301 = arith.mulf %get3A_2295, %get3A_2300 : vector<16xf32>
      %add3A_2302 = arith.addf %add3A_2290, %mul3A_2301 : vector<16xf32>
      %get3A_2303 = arith.constant 0 : i32
      %get3A_2304 = arith.index_cast %get3A_2303 : i32 to index
      %get3A_2305 = arith.index_cast %squeeze3A_2265 : i32 to index
      %get3A_2306 = arith.constant 48 : index
      %get3A_2307 = tpu.vector_load %arg11[%get3A_2304, %get3A_2305, %get3A_2306] {strides = array<i32>} : memref<16x8x64xf32, #tpu.memory_space<vmem>>, vector<16xf32>,
      %get3A_2308 = arith.constant 0 : i32
      %get3A_2309 = arith.index_cast %get3A_2308 : i32 to index
      %get3A_2310 = arith.index_cast %squeeze3A_2267 : i32 to index
      %get3A_2311 = arith.constant 48 : index
      %get3A_2312 = tpu.vector_load %arg12[%get3A_2309, %get3A_2310, %get3A_2311] {strides = array<i32>} : memref<16x8x64xf32, #tpu.memory_space<vmem>>, vector<16xf32>,
      %mul3A_2313 = arith.mulf %get3A_2307, %get3A_2312 : vector<16xf32>
      %add3A_2314 = arith.addf %add3A_2302, %mul3A_2313 : vector<16xf32>
      %mul3A_2315 = arith.constant 16 : i32
      %mul3A_2316 = vector.broadcast %mul3A_2315 : i32 to vector<16xi32>
      %mul3A_2317 = arith.muli %iota3A, %mul3A_2316 : vector<16xi32>
      %add3A_2318 = arith.constant 0 : i32
      %add3A_2319 = vector.broadcast %add3A_2318 : i32 to vector<16xi32>
      %add3A_2320 = arith.addi %mul3A_2317, %add3A_2319 : vector<16xi32>
      tpu.vector_store_idx %arg14[%add3A_2320], %add3A_2314 : memref<256xf32, #tpu.memory_space<vmem>>[vector<16xi32>], vector<16xf32>,
      %slice3A_2321 = vector.extract_strided_slice %and3A_2258 {offsets = [1], sizes = [1], strides = [1]} : vector<16xi32> to vector<1xi32>
      %squeeze3A_2322 = vector.extract %slice3A_2321[0] : i32 from vector<1xi32>
      %slice3A_2323 = vector.extract_strided_slice %and3A_2263 {offsets = [1], sizes = [1], strides = [1]} : vector<16xi32> to vector<1xi32>
      %squeeze3A_2324 = vector.extract %slice3A_2323[0] : i32 from vector<1xi32>
      %get3A_2325 = arith.constant 1 : i32
      %get3A_2326 = arith.index_cast %get3A_2325 : i32 to index
      %get3A_2327 = arith.index_cast %squeeze3A_2322 : i32 to index
      %get3A_2328 = arith.constant 0 : index
      %get3A_2329 = tpu.vector_load %arg11[%get3A_2326, %get3A_2327, %get3A_2328] {strides = array<i32>} : memref<16x8x64xf32, #tpu.memory_space<vmem>>, vector<16xf32>,
      %get3A_2330 = arith.constant 1 : i32
      %get3A_2331 = arith.index_cast %get3A_2330 : i32 to index
      %get3A_2332 = arith.index_cast %squeeze3A_2324 : i32 to index
      %get3A_2333 = arith.constant 0 : index
      %get3A_2334 = tpu.vector_load %arg12[%get3A_2331, %get3A_2332, %get3A_2333] {strides = array<i32>} : memref<16x8x64xf32, #tpu.memory_space<vmem>>, vector<16xf32>,
      %mul3A_2335 = arith.mulf %get3A_2329, %get3A_2334 : vector<16xf32>
      %get3A_2336 = arith.constant 1 : i32
      %get3A_2337 = arith.index_cast %get3A_2336 : i32 to index
      %get3A_2338 = arith.index_cast %squeeze3A_2322 : i32 to index
      %get3A_2339 = arith.constant 16 : index
      %get3A_2340 = tpu.vector_load %arg11[%get3A_2337, %get3A_2338, %get3A_2339] {strides = array<i32>} : memref<16x8x64xf32, #tpu.memory_space<vmem>>, vector<16xf32>,
      %get3A_2341 = arith.constant 1 : i32
      %get3A_2342 = arith.index_cast %get3A_2341 : i32 to index
      %get3A_2343 = arith.index_cast %squeeze3A_2324 : i32 to index
      %get3A_2344 = arith.constant 16 : index
      %get3A_2345 = tpu.vector_load %arg12[%get3A_2342, %get3A_2343, %get3A_2344] {strides = array<i32>} : memref<16x8x64xf32, #tpu.memory_space<vmem>>, vector<16xf32>,
      %mul3A_2346 = arith.mulf %get3A_2340, %get3A_2345 : vector<16xf32>
      %add3A_2347 = arith.addf %mul3A_2335, %mul3A_2346 : vector<16xf32>
      %get3A_2348 = arith.constant 1 : i32
      %get3A_2349 = arith.index_cast %get3A_2348 : i32 to index
      %get3A_2350 = arith.index_cast %squeeze3A_2322 : i32 to index
      %get3A_2351 = arith.constant 32 : index
      %get3A_2352 = tpu.vector_load %arg11[%get3A_2349, %get3A_2350, %get3A_2351] {strides = array<i32>} : memref<16x8x64xf32, #tpu.memory_space<vmem>>, vector<16xf32>,
      %get3A_2353 = arith.constant 1 : i32
      %get3A_2354 = arith.index_cast %get3A_2353 : i32 to index
      %get3A_2355 = arith.index_cast %squeeze3A_2324 : i32 to index
      %get3A_2356 = arith.constant 32 : index
      %get3A_2357 = tpu.vector_load %arg12[%get3A_2354, %get3A_2355, %get3A_2356] {strides = array<i32>} : memref<16x8x64xf32, #tpu.memory_space<vmem>>, vector<16xf32>,
      %mul3A_2358 = arith.mulf %get3A_2352, %get3A_2357 : vector<16xf32>
      %add3A_2359 = arith.addf %add3A_2347, %mul3A_2358 : vector<16xf32>
      %get3A_2360 = arith.constant 1 : i32
      %get3A_2361 = arith.index_cast %get3A_2360 : i32 to index
      %get3A_2362 = arith.index_cast %squeeze3A_2322 : i32 to index
      %get3A_2363 = arith.constant 48 : index
      %get3A_2364 = tpu.vector_load %arg11[%get3A_2361, %get3A_2362, %get3A_2363] {strides = array<i32>} : memref<16x8x64xf32, #tpu.memory_space<vmem>>, vector<16xf32>,
      %get3A_2365 = arith.constant 1 : i32
      %get3A_2366 = arith.index_cast %get3A_2365 : i32 to index
      %get3A_2367 = arith.index_cast %squeeze3A_2324 : i32 to index
      %get3A_2368 = arith.constant 48 : index
      %get3A_2369 = tpu.vector_load %arg12[%get3A_2366, %get3A_2367, %get3A_2368] {strides = array<i32>} : memref<16x8x64xf32, #tpu.memory_space<vmem>>, vector<16xf32>,
      %mul3A_2370 = arith.mulf %get3A_2364, %get3A_2369 : vector<16xf32>
      %add3A_2371 = arith.addf %add3A_2359, %mul3A_2370 : vector<16xf32>
      %mul3A_2372 = arith.constant 16 : i32
      %mul3A_2373 = vector.broadcast %mul3A_2372 : i32 to vector<16xi32>
      %mul3A_2374 = arith.muli %iota3A, %mul3A_2373 : vector<16xi32>
      %add3A_2375 = arith.constant 1 : i32
      %add3A_2376 = vector.broadcast %add3A_2375 : i32 to vector<16xi32>
      %add3A_2377 = arith.addi %mul3A_2374, %add3A_2376 : vector<16xi32>
      tpu.vector_store_idx %arg14[%add3A_2377], %add3A_2371 : memref<256xf32, #tpu.memory_space<vmem>>[vector<16xi32>], vector<16xf32>,
      %slice3A_2378 = vector.extract_strided_slice %and3A_2258 {offsets = [2], sizes = [1], strides = [1]} : vector<16xi32> to vector<1xi32>
      %squeeze3A_2379 = vector.extract %slice3A_2378[0] : i32 from vector<1xi32>
      %slice3A_2380 = vector.extract_strided_slice %and3A_2263 {offsets = [2], sizes = [1], strides = [1]} : vector<16xi32> to vector<1xi32>
      %squeeze3A_2381 = vector.extract %slice3A_2380[0] : i32 from vector<1xi32>
      %get3A_2382 = arith.constant 2 : i32
      %get3A_2383 = arith.index_cast %get3A_2382 : i32 to index
      %get3A_2384 = arith.index_cast %squeeze3A_2379 : i32 to index
      %get3A_2385 = arith.constant 0 : index
      %get3A_2386 = tpu.vector_load %arg11[%get3A_2383, %get3A_2384, %get3A_2385] {strides = array<i32>} : memref<16x8x64xf32, #tpu.memory_space<vmem>>, vector<16xf32>,
      %get3A_2387 = arith.constant 2 : i32
      %get3A_2388 = arith.index_cast %get3A_2387 : i32 to index
      %get3A_2389 = arith.index_cast %squeeze3A_2381 : i32 to index
      %get3A_2390 = arith.constant 0 : index
      %get3A_2391 = tpu.vector_load %arg12[%get3A_2388, %get3A_2389, %get3A_2390] {strides = array<i32>} : memref<16x8x64xf32, #tpu.memory_space<vmem>>, vector<16xf32>,
      %mul3A_2392 = arith.mulf %get3A_2386, %get3A_2391 : vector<16xf32>
      %get3A_2393 = arith.constant 2 : i32
      %get3A_2394 = arith.index_cast %get3A_2393 : i32 to index
      %get3A_2395 = arith.index_cast %squeeze3A_2379 : i32 to index
      %get3A_2396 = arith.constant 16 : index
      %get3A_2397 = tpu.vector_load %arg11[%get3A_2394, %get3A_2395, %get3A_2396] {strides = array<i32>} : memref<16x8x64xf32, #tpu.memory_space<vmem>>, vector<16xf32>,
      %get3A_2398 = arith.constant 2 : i32
      %get3A_2399 = arith.index_cast %get3A_2398 : i32 to index
      %get3A_2400 = arith.index_cast %squeeze3A_2381 : i32 to index
      %get3A_2401 = arith.constant 16 : index
      %get3A_2402 = tpu.vector_load %arg12[%get3A_2399, %get3A_2400, %get3A_2401] {strides = array<i32>} : memref<16x8x64xf32, #tpu.memory_space<vmem>>, vector<16xf32>,
      %mul3A_2403 = arith.mulf %get3A_2397, %get3A_2402 : vector<16xf32>
      %add3A_2404 = arith.addf %mul3A_2392, %mul3A_2403 : vector<16xf32>
      %get3A_2405 = arith.constant 2 : i32
      %get3A_2406 = arith.index_cast %get3A_2405 : i32 to index
      %get3A_2407 = arith.index_cast %squeeze3A_2379 : i32 to index
      %get3A_2408 = arith.constant 32 : index
      %get3A_2409 = tpu.vector_load %arg11[%get3A_2406, %get3A_2407, %get3A_2408] {strides = array<i32>} : memref<16x8x64xf32, #tpu.memory_space<vmem>>, vector<16xf32>,
      %get3A_2410 = arith.constant 2 : i32
      %get3A_2411 = arith.index_cast %get3A_2410 : i32 to index
      %get3A_2412 = arith.index_cast %squeeze3A_2381 : i32 to index
      %get3A_2413 = arith.constant 32 : index
      %get3A_2414 = tpu.vector_load %arg12[%get3A_2411, %get3A_2412, %get3A_2413] {strides = array<i32>} : memref<16x8x64xf32, #tpu.memory_space<vmem>>, vector<16xf32>,
      %mul3A_2415 = arith.mulf %get3A_2409, %get3A_2414 : vector<16xf32>
      %add3A_2416 = arith.addf %add3A_2404, %mul3A_2415 : vector<16xf32>
      %get3A_2417 = arith.constant 2 : i32
      %get3A_2418 = arith.index_cast %get3A_2417 : i32 to index
      %get3A_2419 = arith.index_cast %squeeze3A_2379 : i32 to index
      %get3A_2420 = arith.constant 48 : index
      %get3A_2421 = tpu.vector_load %arg11[%get3A_2418, %get3A_2419, %get3A_2420] {strides = array<i32>} : memref<16x8x64xf32, #tpu.memory_space<vmem>>, vector<16xf32>,
      %get3A_2422 = arith.constant 2 : i32
      %get3A_2423 = arith.index_cast %get3A_2422 : i32 to index
      %get3A_2424 = arith.index_cast %squeeze3A_2381 : i32 to index
      %get3A_2425 = arith.constant 48 : index
      %get3A_2426 = tpu.vector_load %arg12[%get3A_2423, %get3A_2424, %get3A_2425] {strides = array<i32>} : memref<16x8x64xf32, #tpu.memory_space<vmem>>, vector<16xf32>,
      %mul3A_2427 = arith.mulf %get3A_2421, %get3A_2426 : vector<16xf32>
      %add3A_2428 = arith.addf %add3A_2416, %mul3A_2427 : vector<16xf32>
      %mul3A_2429 = arith.constant 16 : i32
      %mul3A_2430 = vector.broadcast %mul3A_2429 : i32 to vector<16xi32>
      %mul3A_2431 = arith.muli %iota3A, %mul3A_2430 : vector<16xi32>
      %add3A_2432 = arith.constant 2 : i32
      %add3A_2433 = vector.broadcast %add3A_2432 : i32 to vector<16xi32>
      %add3A_2434 = arith.addi %mul3A_2431, %add3A_2433 : vector<16xi32>
      tpu.vector_store_idx %arg14[%add3A_2434], %add3A_2428 : memref<256xf32, #tpu.memory_space<vmem>>[vector<16xi32>], vector<16xf32>,
      %slice3A_2435 = vector.extract_strided_slice %and3A_2258 {offsets = [3], sizes = [1], strides = [1]} : vector<16xi32> to vector<1xi32>
      %squeeze3A_2436 = vector.extract %slice3A_2435[0] : i32 from vector<1xi32>
      %slice3A_2437 = vector.extract_strided_slice %and3A_2263 {offsets = [3], sizes = [1], strides = [1]} : vector<16xi32> to vector<1xi32>
      %squeeze3A_2438 = vector.extract %slice3A_2437[0] : i32 from vector<1xi32>
      %get3A_2439 = arith.constant 3 : i32
      %get3A_2440 = arith.index_cast %get3A_2439 : i32 to index
      %get3A_2441 = arith.index_cast %squeeze3A_2436 : i32 to index
      %get3A_2442 = arith.constant 0 : index
      %get3A_2443 = tpu.vector_load %arg11[%get3A_2440, %get3A_2441, %get3A_2442] {strides = array<i32>} : memref<16x8x64xf32, #tpu.memory_space<vmem>>, vector<16xf32>,
      %get3A_2444 = arith.constant 3 : i32
      %get3A_2445 = arith.index_cast %get3A_2444 : i32 to index
      %get3A_2446 = arith.index_cast %squeeze3A_2438 : i32 to index
      %get3A_2447 = arith.constant 0 : index
      %get3A_2448 = tpu.vector_load %arg12[%get3A_2445, %get3A_2446, %get3A_2447] {strides = array<i32>} : memref<16x8x64xf32, #tpu.memory_space<vmem>>, vector<16xf32>,
      %mul3A_2449 = arith.mulf %get3A_2443, %get3A_2448 : vector<16xf32>
      %get3A_2450 = arith.constant 3 : i32
      %get3A_2451 = arith.index_cast %get3A_2450 : i32 to index
      %get3A_2452 = arith.index_cast %squeeze3A_2436 : i32 to index
      %get3A_2453 = arith.constant 16 : index
      %get3A_2454 = tpu.vector_load %arg11[%get3A_2451, %get3A_2452, %get3A_2453] {strides = array<i32>} : memref<16x8x64xf32, #tpu.memory_space<vmem>>, vector<16xf32>,
      %get3A_2455 = arith.constant 3 : i32
      %get3A_2456 = arith.index_cast %get3A_2455 : i32 to index
      %get3A_2457 = arith.index_cast %squeeze3A_2438 : i32 to index
      %get3A_2458 = arith.constant 16 : index
      %get3A_2459 = tpu.vector_load %arg12[%get3A_2456, %get3A_2457, %get3A_2458] {strides = array<i32>} : memref<16x8x64xf32, #tpu.memory_space<vmem>>, vector<16xf32>,
      %mul3A_2460 = arith.mulf %get3A_2454, %get3A_2459 : vector<16xf32>
      %add3A_2461 = arith.addf %mul3A_2449, %mul3A_2460 : vector<16xf32>
      %get3A_2462 = arith.constant 3 : i32
      %get3A_2463 = arith.index_cast %get3A_2462 : i32 to index
      %get3A_2464 = arith.index_cast %squeeze3A_2436 : i32 to index
      %get3A_2465 = arith.constant 32 : index
      %get3A_2466 = tpu.vector_load %arg11[%get3A_2463, %get3A_2464, %get3A_2465] {strides = array<i32>} : memref<16x8x64xf32, #tpu.memory_space<vmem>>, vector<16xf32>,
      %get3A_2467 = arith.constant 3 : i32
      %get3A_2468 = arith.index_cast %get3A_2467 : i32 to index
      %get3A_2469 = arith.index_cast %squeeze3A_2438 : i32 to index
      %get3A_2470 = arith.constant 32 : index
      %get3A_2471 = tpu.vector_load %arg12[%get3A_2468, %get3A_2469, %get3A_2470] {strides = array<i32>} : memref<16x8x64xf32, #tpu.memory_space<vmem>>, vector<16xf32>,
      %mul3A_2472 = arith.mulf %get3A_2466, %get3A_2471 : vector<16xf32>
      %add3A_2473 = arith.addf %add3A_2461, %mul3A_2472 : vector<16xf32>
      %get3A_2474 = arith.constant 3 : i32
      %get3A_2475 = arith.index_cast %get3A_2474 : i32 to index
      %get3A_2476 = arith.index_cast %squeeze3A_2436 : i32 to index
      %get3A_2477 = arith.constant 48 : index
      %get3A_2478 = tpu.vector_load %arg11[%get3A_2475, %get3A_2476, %get3A_2477] {strides = array<i32>} : memref<16x8x64xf32, #tpu.memory_space<vmem>>, vector<16xf32>,
      %get3A_2479 = arith.constant 3 : i32
      %get3A_2480 = arith.index_cast %get3A_2479 : i32 to index
      %get3A_2481 = arith.index_cast %squeeze3A_2438 : i32 to index
      %get3A_2482 = arith.constant 48 : index
      %get3A_2483 = tpu.vector_load %arg12[%get3A_2480, %get3A_2481, %get3A_2482] {strides = array<i32>} : memref<16x8x64xf32, #tpu.memory_space<vmem>>, vector<16xf32>,
      %mul3A_2484 = arith.mulf %get3A_2478, %get3A_2483 : vector<16xf32>
      %add3A_2485 = arith.addf %add3A_2473, %mul3A_2484 : vector<16xf32>
      %mul3A_2486 = arith.constant 16 : i32
      %mul3A_2487 = vector.broadcast %mul3A_2486 : i32 to vector<16xi32>
      %mul3A_2488 = arith.muli %iota3A, %mul3A_2487 : vector<16xi32>
      %add3A_2489 = arith.constant 3 : i32
      %add3A_2490 = vector.broadcast %add3A_2489 : i32 to vector<16xi32>
      %add3A_2491 = arith.addi %mul3A_2488, %add3A_2490 : vector<16xi32>
      tpu.vector_store_idx %arg14[%add3A_2491], %add3A_2485 : memref<256xf32, #tpu.memory_space<vmem>>[vector<16xi32>], vector<16xf32>,
      %slice3A_2492 = vector.extract_strided_slice %and3A_2258 {offsets = [4], sizes = [1], strides = [1]} : vector<16xi32> to vector<1xi32>
      %squeeze3A_2493 = vector.extract %slice3A_2492[0] : i32 from vector<1xi32>
      %slice3A_2494 = vector.extract_strided_slice %and3A_2263 {offsets = [4], sizes = [1], strides = [1]} : vector<16xi32> to vector<1xi32>
      %squeeze3A_2495 = vector.extract %slice3A_2494[0] : i32 from vector<1xi32>
      %get3A_2496 = arith.constant 4 : i32
      %get3A_2497 = arith.index_cast %get3A_2496 : i32 to index
      %get3A_2498 = arith.index_cast %squeeze3A_2493 : i32 to index
      %get3A_2499 = arith.constant 0 : index
      %get3A_2500 = tpu.vector_load %arg11[%get3A_2497, %get3A_2498, %get3A_2499] {strides = array<i32>} : memref<16x8x64xf32, #tpu.memory_space<vmem>>, vector<16xf32>,
      %get3A_2501 = arith.constant 4 : i32
      %get3A_2502 = arith.index_cast %get3A_2501 : i32 to index
      %get3A_2503 = arith.index_cast %squeeze3A_2495 : i32 to index
      %get3A_2504 = arith.constant 0 : index
      %get3A_2505 = tpu.vector_load %arg12[%get3A_2502, %get3A_2503, %get3A_2504] {strides = array<i32>} : memref<16x8x64xf32, #tpu.memory_space<vmem>>, vector<16xf32>,
      %mul3A_2506 = arith.mulf %get3A_2500, %get3A_2505 : vector<16xf32>
      %get3A_2507 = arith.constant 4 : i32
      %get3A_2508 = arith.index_cast %get3A_2507 : i32 to index
      %get3A_2509 = arith.index_cast %squeeze3A_2493 : i32 to index
      %get3A_2510 = arith.constant 16 : index
      %get3A_2511 = tpu.vector_load %arg11[%get3A_2508, %get3A_2509, %get3A_2510] {strides = array<i32>} : memref<16x8x64xf32, #tpu.memory_space<vmem>>, vector<16xf32>,
      %get3A_2512 = arith.constant 4 : i32
      %get3A_2513 = arith.index_cast %get3A_2512 : i32 to index
      %get3A_2514 = arith.index_cast %squeeze3A_2495 : i32 to index
      %get3A_2515 = arith.constant 16 : index
      %get3A_2516 = tpu.vector_load %arg12[%get3A_2513, %get3A_2514, %get3A_2515] {strides = array<i32>} : memref<16x8x64xf32, #tpu.memory_space<vmem>>, vector<16xf32>,
      %mul3A_2517 = arith.mulf %get3A_2511, %get3A_2516 : vector<16xf32>
      %add3A_2518 = arith.addf %mul3A_2506, %mul3A_2517 : vector<16xf32>
      %get3A_2519 = arith.constant 4 : i32
      %get3A_2520 = arith.index_cast %get3A_2519 : i32 to index
      %get3A_2521 = arith.index_cast %squeeze3A_2493 : i32 to index
      %get3A_2522 = arith.constant 32 : index
      %get3A_2523 = tpu.vector_load %arg11[%get3A_2520, %get3A_2521, %get3A_2522] {strides = array<i32>} : memref<16x8x64xf32, #tpu.memory_space<vmem>>, vector<16xf32>,
      %get3A_2524 = arith.constant 4 : i32
      %get3A_2525 = arith.index_cast %get3A_2524 : i32 to index
      %get3A_2526 = arith.index_cast %squeeze3A_2495 : i32 to index
      %get3A_2527 = arith.constant 32 : index
      %get3A_2528 = tpu.vector_load %arg12[%get3A_2525, %get3A_2526, %get3A_2527] {strides = array<i32>} : memref<16x8x64xf32, #tpu.memory_space<vmem>>, vector<16xf32>,
      %mul3A_2529 = arith.mulf %get3A_2523, %get3A_2528 : vector<16xf32>
      %add3A_2530 = arith.addf %add3A_2518, %mul3A_2529 : vector<16xf32>
      %get3A_2531 = arith.constant 4 : i32
      %get3A_2532 = arith.index_cast %get3A_2531 : i32 to index
      %get3A_2533 = arith.index_cast %squeeze3A_2493 : i32 to index
      %get3A_2534 = arith.constant 48 : index
      %get3A_2535 = tpu.vector_load %arg11[%get3A_2532, %get3A_2533, %get3A_2534] {strides = array<i32>} : memref<16x8x64xf32, #tpu.memory_space<vmem>>, vector<16xf32>,
      %get3A_2536 = arith.constant 4 : i32
      %get3A_2537 = arith.index_cast %get3A_2536 : i32 to index
      %get3A_2538 = arith.index_cast %squeeze3A_2495 : i32 to index
      %get3A_2539 = arith.constant 48 : index
      %get3A_2540 = tpu.vector_load %arg12[%get3A_2537, %get3A_2538, %get3A_2539] {strides = array<i32>} : memref<16x8x64xf32, #tpu.memory_space<vmem>>, vector<16xf32>,
      %mul3A_2541 = arith.mulf %get3A_2535, %get3A_2540 : vector<16xf32>
      %add3A_2542 = arith.addf %add3A_2530, %mul3A_2541 : vector<16xf32>
      %mul3A_2543 = arith.constant 16 : i32
      %mul3A_2544 = vector.broadcast %mul3A_2543 : i32 to vector<16xi32>
      %mul3A_2545 = arith.muli %iota3A, %mul3A_2544 : vector<16xi32>
      %add3A_2546 = arith.constant 4 : i32
      %add3A_2547 = vector.broadcast %add3A_2546 : i32 to vector<16xi32>
      %add3A_2548 = arith.addi %mul3A_2545, %add3A_2547 : vector<16xi32>
      tpu.vector_store_idx %arg14[%add3A_2548], %add3A_2542 : memref<256xf32, #tpu.memory_space<vmem>>[vector<16xi32>], vector<16xf32>,
      %slice3A_2549 = vector.extract_strided_slice %and3A_2258 {offsets = [5], sizes = [1], strides = [1]} : vector<16xi32> to vector<1xi32>
      %squeeze3A_2550 = vector.extract %slice3A_2549[0] : i32 from vector<1xi32>
      %slice3A_2551 = vector.extract_strided_slice %and3A_2263 {offsets = [5], sizes = [1], strides = [1]} : vector<16xi32> to vector<1xi32>
      %squeeze3A_2552 = vector.extract %slice3A_2551[0] : i32 from vector<1xi32>
      %get3A_2553 = arith.constant 5 : i32
      %get3A_2554 = arith.index_cast %get3A_2553 : i32 to index
      %get3A_2555 = arith.index_cast %squeeze3A_2550 : i32 to index
      %get3A_2556 = arith.constant 0 : index
      %get3A_2557 = tpu.vector_load %arg11[%get3A_2554, %get3A_2555, %get3A_2556] {strides = array<i32>} : memref<16x8x64xf32, #tpu.memory_space<vmem>>, vector<16xf32>,
      %get3A_2558 = arith.constant 5 : i32
      %get3A_2559 = arith.index_cast %get3A_2558 : i32 to index
      %get3A_2560 = arith.index_cast %squeeze3A_2552 : i32 to index
      %get3A_2561 = arith.constant 0 : index
      %get3A_2562 = tpu.vector_load %arg12[%get3A_2559, %get3A_2560, %get3A_2561] {strides = array<i32>} : memref<16x8x64xf32, #tpu.memory_space<vmem>>, vector<16xf32>,
      %mul3A_2563 = arith.mulf %get3A_2557, %get3A_2562 : vector<16xf32>
      %get3A_2564 = arith.constant 5 : i32
      %get3A_2565 = arith.index_cast %get3A_2564 : i32 to index
      %get3A_2566 = arith.index_cast %squeeze3A_2550 : i32 to index
      %get3A_2567 = arith.constant 16 : index
      %get3A_2568 = tpu.vector_load %arg11[%get3A_2565, %get3A_2566, %get3A_2567] {strides = array<i32>} : memref<16x8x64xf32, #tpu.memory_space<vmem>>, vector<16xf32>,
      %get3A_2569 = arith.constant 5 : i32
      %get3A_2570 = arith.index_cast %get3A_2569 : i32 to index
      %get3A_2571 = arith.index_cast %squeeze3A_2552 : i32 to index
      %get3A_2572 = arith.constant 16 : index
      %get3A_2573 = tpu.vector_load %arg12[%get3A_2570, %get3A_2571, %get3A_2572] {strides = array<i32>} : memref<16x8x64xf32, #tpu.memory_space<vmem>>, vector<16xf32>,
      %mul3A_2574 = arith.mulf %get3A_2568, %get3A_2573 : vector<16xf32>
      %add3A_2575 = arith.addf %mul3A_2563, %mul3A_2574 : vector<16xf32>
      %get3A_2576 = arith.constant 5 : i32
      %get3A_2577 = arith.index_cast %get3A_2576 : i32 to index
      %get3A_2578 = arith.index_cast %squeeze3A_2550 : i32 to index
      %get3A_2579 = arith.constant 32 : index
      %get3A_2580 = tpu.vector_load %arg11[%get3A_2577, %get3A_2578, %get3A_2579] {strides = array<i32>} : memref<16x8x64xf32, #tpu.memory_space<vmem>>, vector<16xf32>,
      %get3A_2581 = arith.constant 5 : i32
      %get3A_2582 = arith.index_cast %get3A_2581 : i32 to index
      %get3A_2583 = arith.index_cast %squeeze3A_2552 : i32 to index
      %get3A_2584 = arith.constant 32 : index
      %get3A_2585 = tpu.vector_load %arg12[%get3A_2582, %get3A_2583, %get3A_2584] {strides = array<i32>} : memref<16x8x64xf32, #tpu.memory_space<vmem>>, vector<16xf32>,
      %mul3A_2586 = arith.mulf %get3A_2580, %get3A_2585 : vector<16xf32>
      %add3A_2587 = arith.addf %add3A_2575, %mul3A_2586 : vector<16xf32>
      %get3A_2588 = arith.constant 5 : i32
      %get3A_2589 = arith.index_cast %get3A_2588 : i32 to index
      %get3A_2590 = arith.index_cast %squeeze3A_2550 : i32 to index
      %get3A_2591 = arith.constant 48 : index
      %get3A_2592 = tpu.vector_load %arg11[%get3A_2589, %get3A_2590, %get3A_2591] {strides = array<i32>} : memref<16x8x64xf32, #tpu.memory_space<vmem>>, vector<16xf32>,
      %get3A_2593 = arith.constant 5 : i32
      %get3A_2594 = arith.index_cast %get3A_2593 : i32 to index
      %get3A_2595 = arith.index_cast %squeeze3A_2552 : i32 to index
      %get3A_2596 = arith.constant 48 : index
      %get3A_2597 = tpu.vector_load %arg12[%get3A_2594, %get3A_2595, %get3A_2596] {strides = array<i32>} : memref<16x8x64xf32, #tpu.memory_space<vmem>>, vector<16xf32>,
      %mul3A_2598 = arith.mulf %get3A_2592, %get3A_2597 : vector<16xf32>
      %add3A_2599 = arith.addf %add3A_2587, %mul3A_2598 : vector<16xf32>
      %mul3A_2600 = arith.constant 16 : i32
      %mul3A_2601 = vector.broadcast %mul3A_2600 : i32 to vector<16xi32>
      %mul3A_2602 = arith.muli %iota3A, %mul3A_2601 : vector<16xi32>
      %add3A_2603 = arith.constant 5 : i32
      %add3A_2604 = vector.broadcast %add3A_2603 : i32 to vector<16xi32>
      %add3A_2605 = arith.addi %mul3A_2602, %add3A_2604 : vector<16xi32>
      tpu.vector_store_idx %arg14[%add3A_2605], %add3A_2599 : memref<256xf32, #tpu.memory_space<vmem>>[vector<16xi32>], vector<16xf32>,
      %slice3A_2606 = vector.extract_strided_slice %and3A_2258 {offsets = [6], sizes = [1], strides = [1]} : vector<16xi32> to vector<1xi32>
      %squeeze3A_2607 = vector.extract %slice3A_2606[0] : i32 from vector<1xi32>
      %slice3A_2608 = vector.extract_strided_slice %and3A_2263 {offsets = [6], sizes = [1], strides = [1]} : vector<16xi32> to vector<1xi32>
      %squeeze3A_2609 = vector.extract %slice3A_2608[0] : i32 from vector<1xi32>
      %get3A_2610 = arith.constant 6 : i32
      %get3A_2611 = arith.index_cast %get3A_2610 : i32 to index
      %get3A_2612 = arith.index_cast %squeeze3A_2607 : i32 to index
      %get3A_2613 = arith.constant 0 : index
      %get3A_2614 = tpu.vector_load %arg11[%get3A_2611, %get3A_2612, %get3A_2613] {strides = array<i32>} : memref<16x8x64xf32, #tpu.memory_space<vmem>>, vector<16xf32>,
      %get3A_2615 = arith.constant 6 : i32
      %get3A_2616 = arith.index_cast %get3A_2615 : i32 to index
      %get3A_2617 = arith.index_cast %squeeze3A_2609 : i32 to index
      %get3A_2618 = arith.constant 0 : index
      %get3A_2619 = tpu.vector_load %arg12[%get3A_2616, %get3A_2617, %get3A_2618] {strides = array<i32>} : memref<16x8x64xf32, #tpu.memory_space<vmem>>, vector<16xf32>,
      %mul3A_2620 = arith.mulf %get3A_2614, %get3A_2619 : vector<16xf32>
      %get3A_2621 = arith.constant 6 : i32
      %get3A_2622 = arith.index_cast %get3A_2621 : i32 to index
      %get3A_2623 = arith.index_cast %squeeze3A_2607 : i32 to index
      %get3A_2624 = arith.constant 16 : index
      %get3A_2625 = tpu.vector_load %arg11[%get3A_2622, %get3A_2623, %get3A_2624] {strides = array<i32>} : memref<16x8x64xf32, #tpu.memory_space<vmem>>, vector<16xf32>,
      %get3A_2626 = arith.constant 6 : i32
      %get3A_2627 = arith.index_cast %get3A_2626 : i32 to index
      %get3A_2628 = arith.index_cast %squeeze3A_2609 : i32 to index
      %get3A_2629 = arith.constant 16 : index
      %get3A_2630 = tpu.vector_load %arg12[%get3A_2627, %get3A_2628, %get3A_2629] {strides = array<i32>} : memref<16x8x64xf32, #tpu.memory_space<vmem>>, vector<16xf32>,
      %mul3A_2631 = arith.mulf %get3A_2625, %get3A_2630 : vector<16xf32>
      %add3A_2632 = arith.addf %mul3A_2620, %mul3A_2631 : vector<16xf32>
      %get3A_2633 = arith.constant 6 : i32
      %get3A_2634 = arith.index_cast %get3A_2633 : i32 to index
      %get3A_2635 = arith.index_cast %squeeze3A_2607 : i32 to index
      %get3A_2636 = arith.constant 32 : index
      %get3A_2637 = tpu.vector_load %arg11[%get3A_2634, %get3A_2635, %get3A_2636] {strides = array<i32>} : memref<16x8x64xf32, #tpu.memory_space<vmem>>, vector<16xf32>,
      %get3A_2638 = arith.constant 6 : i32
      %get3A_2639 = arith.index_cast %get3A_2638 : i32 to index
      %get3A_2640 = arith.index_cast %squeeze3A_2609 : i32 to index
      %get3A_2641 = arith.constant 32 : index
      %get3A_2642 = tpu.vector_load %arg12[%get3A_2639, %get3A_2640, %get3A_2641] {strides = array<i32>} : memref<16x8x64xf32, #tpu.memory_space<vmem>>, vector<16xf32>,
      %mul3A_2643 = arith.mulf %get3A_2637, %get3A_2642 : vector<16xf32>
      %add3A_2644 = arith.addf %add3A_2632, %mul3A_2643 : vector<16xf32>
      %get3A_2645 = arith.constant 6 : i32
      %get3A_2646 = arith.index_cast %get3A_2645 : i32 to index
      %get3A_2647 = arith.index_cast %squeeze3A_2607 : i32 to index
      %get3A_2648 = arith.constant 48 : index
      %get3A_2649 = tpu.vector_load %arg11[%get3A_2646, %get3A_2647, %get3A_2648] {strides = array<i32>} : memref<16x8x64xf32, #tpu.memory_space<vmem>>, vector<16xf32>,
      %get3A_2650 = arith.constant 6 : i32
      %get3A_2651 = arith.index_cast %get3A_2650 : i32 to index
      %get3A_2652 = arith.index_cast %squeeze3A_2609 : i32 to index
      %get3A_2653 = arith.constant 48 : index
      %get3A_2654 = tpu.vector_load %arg12[%get3A_2651, %get3A_2652, %get3A_2653] {strides = array<i32>} : memref<16x8x64xf32, #tpu.memory_space<vmem>>, vector<16xf32>,
      %mul3A_2655 = arith.mulf %get3A_2649, %get3A_2654 : vector<16xf32>
      %add3A_2656 = arith.addf %add3A_2644, %mul3A_2655 : vector<16xf32>
      %mul3A_2657 = arith.constant 16 : i32
      %mul3A_2658 = vector.broadcast %mul3A_2657 : i32 to vector<16xi32>
      %mul3A_2659 = arith.muli %iota3A, %mul3A_2658 : vector<16xi32>
      %add3A_2660 = arith.constant 6 : i32
      %add3A_2661 = vector.broadcast %add3A_2660 : i32 to vector<16xi32>
      %add3A_2662 = arith.addi %mul3A_2659, %add3A_2661 : vector<16xi32>
      tpu.vector_store_idx %arg14[%add3A_2662], %add3A_2656 : memref<256xf32, #tpu.memory_space<vmem>>[vector<16xi32>], vector<16xf32>,
      %slice3A_2663 = vector.extract_strided_slice %and3A_2258 {offsets = [7], sizes = [1], strides = [1]} : vector<16xi32> to vector<1xi32>
      %squeeze3A_2664 = vector.extract %slice3A_2663[0] : i32 from vector<1xi32>
      %slice3A_2665 = vector.extract_strided_slice %and3A_2263 {offsets = [7], sizes = [1], strides = [1]} : vector<16xi32> to vector<1xi32>
      %squeeze3A_2666 = vector.extract %slice3A_2665[0] : i32 from vector<1xi32>
      %get3A_2667 = arith.constant 7 : i32
      %get3A_2668 = arith.index_cast %get3A_2667 : i32 to index
      %get3A_2669 = arith.index_cast %squeeze3A_2664 : i32 to index
      %get3A_2670 = arith.constant 0 : index
      %get3A_2671 = tpu.vector_load %arg11[%get3A_2668, %get3A_2669, %get3A_2670] {strides = array<i32>} : memref<16x8x64xf32, #tpu.memory_space<vmem>>, vector<16xf32>,
      %get3A_2672 = arith.constant 7 : i32
      %get3A_2673 = arith.index_cast %get3A_2672 : i32 to index
      %get3A_2674 = arith.index_cast %squeeze3A_2666 : i32 to index
      %get3A_2675 = arith.constant 0 : index
      %get3A_2676 = tpu.vector_load %arg12[%get3A_2673, %get3A_2674, %get3A_2675] {strides = array<i32>} : memref<16x8x64xf32, #tpu.memory_space<vmem>>, vector<16xf32>,
      %mul3A_2677 = arith.mulf %get3A_2671, %get3A_2676 : vector<16xf32>
      %get3A_2678 = arith.constant 7 : i32
      %get3A_2679 = arith.index_cast %get3A_2678 : i32 to index
      %get3A_2680 = arith.index_cast %squeeze3A_2664 : i32 to index
      %get3A_2681 = arith.constant 16 : index
      %get3A_2682 = tpu.vector_load %arg11[%get3A_2679, %get3A_2680, %get3A_2681] {strides = array<i32>} : memref<16x8x64xf32, #tpu.memory_space<vmem>>, vector<16xf32>,
      %get3A_2683 = arith.constant 7 : i32
      %get3A_2684 = arith.index_cast %get3A_2683 : i32 to index
      %get3A_2685 = arith.index_cast %squeeze3A_2666 : i32 to index
      %get3A_2686 = arith.constant 16 : index
      %get3A_2687 = tpu.vector_load %arg12[%get3A_2684, %get3A_2685, %get3A_2686] {strides = array<i32>} : memref<16x8x64xf32, #tpu.memory_space<vmem>>, vector<16xf32>,
      %mul3A_2688 = arith.mulf %get3A_2682, %get3A_2687 : vector<16xf32>
      %add3A_2689 = arith.addf %mul3A_2677, %mul3A_2688 : vector<16xf32>
      %get3A_2690 = arith.constant 7 : i32
      %get3A_2691 = arith.index_cast %get3A_2690 : i32 to index
      %get3A_2692 = arith.index_cast %squeeze3A_2664 : i32 to index
      %get3A_2693 = arith.constant 32 : index
      %get3A_2694 = tpu.vector_load %arg11[%get3A_2691, %get3A_2692, %get3A_2693] {strides = array<i32>} : memref<16x8x64xf32, #tpu.memory_space<vmem>>, vector<16xf32>,
      %get3A_2695 = arith.constant 7 : i32
      %get3A_2696 = arith.index_cast %get3A_2695 : i32 to index
      %get3A_2697 = arith.index_cast %squeeze3A_2666 : i32 to index
      %get3A_2698 = arith.constant 32 : index
      %get3A_2699 = tpu.vector_load %arg12[%get3A_2696, %get3A_2697, %get3A_2698] {strides = array<i32>} : memref<16x8x64xf32, #tpu.memory_space<vmem>>, vector<16xf32>,
      %mul3A_2700 = arith.mulf %get3A_2694, %get3A_2699 : vector<16xf32>
      %add3A_2701 = arith.addf %add3A_2689, %mul3A_2700 : vector<16xf32>
      %get3A_2702 = arith.constant 7 : i32
      %get3A_2703 = arith.index_cast %get3A_2702 : i32 to index
      %get3A_2704 = arith.index_cast %squeeze3A_2664 : i32 to index
      %get3A_2705 = arith.constant 48 : index
      %get3A_2706 = tpu.vector_load %arg11[%get3A_2703, %get3A_2704, %get3A_2705] {strides = array<i32>} : memref<16x8x64xf32, #tpu.memory_space<vmem>>, vector<16xf32>,
      %get3A_2707 = arith.constant 7 : i32
      %get3A_2708 = arith.index_cast %get3A_2707 : i32 to index
      %get3A_2709 = arith.index_cast %squeeze3A_2666 : i32 to index
      %get3A_2710 = arith.constant 48 : index
      %get3A_2711 = tpu.vector_load %arg12[%get3A_2708, %get3A_2709, %get3A_2710] {strides = array<i32>} : memref<16x8x64xf32, #tpu.memory_space<vmem>>, vector<16xf32>,
      %mul3A_2712 = arith.mulf %get3A_2706, %get3A_2711 : vector<16xf32>
      %add3A_2713 = arith.addf %add3A_2701, %mul3A_2712 : vector<16xf32>
      %mul3A_2714 = arith.constant 16 : i32
      %mul3A_2715 = vector.broadcast %mul3A_2714 : i32 to vector<16xi32>
      %mul3A_2716 = arith.muli %iota3A, %mul3A_2715 : vector<16xi32>
      %add3A_2717 = arith.constant 7 : i32
      %add3A_2718 = vector.broadcast %add3A_2717 : i32 to vector<16xi32>
      %add3A_2719 = arith.addi %mul3A_2716, %add3A_2718 : vector<16xi32>
      tpu.vector_store_idx %arg14[%add3A_2719], %add3A_2713 : memref<256xf32, #tpu.memory_space<vmem>>[vector<16xi32>], vector<16xf32>,
      %slice3A_2720 = vector.extract_strided_slice %and3A_2258 {offsets = [8], sizes = [1], strides = [1]} : vector<16xi32> to vector<1xi32>
      %squeeze3A_2721 = vector.extract %slice3A_2720[0] : i32 from vector<1xi32>
      %slice3A_2722 = vector.extract_strided_slice %and3A_2263 {offsets = [8], sizes = [1], strides = [1]} : vector<16xi32> to vector<1xi32>
      %squeeze3A_2723 = vector.extract %slice3A_2722[0] : i32 from vector<1xi32>
      %get3A_2724 = arith.constant 8 : i32
      %get3A_2725 = arith.index_cast %get3A_2724 : i32 to index
      %get3A_2726 = arith.index_cast %squeeze3A_2721 : i32 to index
      %get3A_2727 = arith.constant 0 : index
      %get3A_2728 = tpu.vector_load %arg11[%get3A_2725, %get3A_2726, %get3A_2727] {strides = array<i32>} : memref<16x8x64xf32, #tpu.memory_space<vmem>>, vector<16xf32>,
      %get3A_2729 = arith.constant 8 : i32
      %get3A_2730 = arith.index_cast %get3A_2729 : i32 to index
      %get3A_2731 = arith.index_cast %squeeze3A_2723 : i32 to index
      %get3A_2732 = arith.constant 0 : index
      %get3A_2733 = tpu.vector_load %arg12[%get3A_2730, %get3A_2731, %get3A_2732] {strides = array<i32>} : memref<16x8x64xf32, #tpu.memory_space<vmem>>, vector<16xf32>,
      %mul3A_2734 = arith.mulf %get3A_2728, %get3A_2733 : vector<16xf32>
      %get3A_2735 = arith.constant 8 : i32
      %get3A_2736 = arith.index_cast %get3A_2735 : i32 to index
      %get3A_2737 = arith.index_cast %squeeze3A_2721 : i32 to index
      %get3A_2738 = arith.constant 16 : index
      %get3A_2739 = tpu.vector_load %arg11[%get3A_2736, %get3A_2737, %get3A_2738] {strides = array<i32>} : memref<16x8x64xf32, #tpu.memory_space<vmem>>, vector<16xf32>,
      %get3A_2740 = arith.constant 8 : i32
      %get3A_2741 = arith.index_cast %get3A_2740 : i32 to index
      %get3A_2742 = arith.index_cast %squeeze3A_2723 : i32 to index
      %get3A_2743 = arith.constant 16 : index
      %get3A_2744 = tpu.vector_load %arg12[%get3A_2741, %get3A_2742, %get3A_2743] {strides = array<i32>} : memref<16x8x64xf32, #tpu.memory_space<vmem>>, vector<16xf32>,
      %mul3A_2745 = arith.mulf %get3A_2739, %get3A_2744 : vector<16xf32>
      %add3A_2746 = arith.addf %mul3A_2734, %mul3A_2745 : vector<16xf32>
      %get3A_2747 = arith.constant 8 : i32
      %get3A_2748 = arith.index_cast %get3A_2747 : i32 to index
      %get3A_2749 = arith.index_cast %squeeze3A_2721 : i32 to index
      %get3A_2750 = arith.constant 32 : index
      %get3A_2751 = tpu.vector_load %arg11[%get3A_2748, %get3A_2749, %get3A_2750] {strides = array<i32>} : memref<16x8x64xf32, #tpu.memory_space<vmem>>, vector<16xf32>,
      %get3A_2752 = arith.constant 8 : i32
      %get3A_2753 = arith.index_cast %get3A_2752 : i32 to index
      %get3A_2754 = arith.index_cast %squeeze3A_2723 : i32 to index
      %get3A_2755 = arith.constant 32 : index
      %get3A_2756 = tpu.vector_load %arg12[%get3A_2753, %get3A_2754, %get3A_2755] {strides = array<i32>} : memref<16x8x64xf32, #tpu.memory_space<vmem>>, vector<16xf32>,
      %mul3A_2757 = arith.mulf %get3A_2751, %get3A_2756 : vector<16xf32>
      %add3A_2758 = arith.addf %add3A_2746, %mul3A_2757 : vector<16xf32>
      %get3A_2759 = arith.constant 8 : i32
      %get3A_2760 = arith.index_cast %get3A_2759 : i32 to index
      %get3A_2761 = arith.index_cast %squeeze3A_2721 : i32 to index
      %get3A_2762 = arith.constant 48 : index
      %get3A_2763 = tpu.vector_load %arg11[%get3A_2760, %get3A_2761, %get3A_2762] {strides = array<i32>} : memref<16x8x64xf32, #tpu.memory_space<vmem>>, vector<16xf32>,
      %get3A_2764 = arith.constant 8 : i32
      %get3A_2765 = arith.index_cast %get3A_2764 : i32 to index
      %get3A_2766 = arith.index_cast %squeeze3A_2723 : i32 to index
      %get3A_2767 = arith.constant 48 : index
      %get3A_2768 = tpu.vector_load %arg12[%get3A_2765, %get3A_2766, %get3A_2767] {strides = array<i32>} : memref<16x8x64xf32, #tpu.memory_space<vmem>>, vector<16xf32>,
      %mul3A_2769 = arith.mulf %get3A_2763, %get3A_2768 : vector<16xf32>
      %add3A_2770 = arith.addf %add3A_2758, %mul3A_2769 : vector<16xf32>
      %mul3A_2771 = arith.constant 16 : i32
      %mul3A_2772 = vector.broadcast %mul3A_2771 : i32 to vector<16xi32>
      %mul3A_2773 = arith.muli %iota3A, %mul3A_2772 : vector<16xi32>
      %add3A_2774 = arith.constant 8 : i32
      %add3A_2775 = vector.broadcast %add3A_2774 : i32 to vector<16xi32>
      %add3A_2776 = arith.addi %mul3A_2773, %add3A_2775 : vector<16xi32>
      tpu.vector_store_idx %arg14[%add3A_2776], %add3A_2770 : memref<256xf32, #tpu.memory_space<vmem>>[vector<16xi32>], vector<16xf32>,
      %slice3A_2777 = vector.extract_strided_slice %and3A_2258 {offsets = [9], sizes = [1], strides = [1]} : vector<16xi32> to vector<1xi32>
      %squeeze3A_2778 = vector.extract %slice3A_2777[0] : i32 from vector<1xi32>
      %slice3A_2779 = vector.extract_strided_slice %and3A_2263 {offsets = [9], sizes = [1], strides = [1]} : vector<16xi32> to vector<1xi32>
      %squeeze3A_2780 = vector.extract %slice3A_2779[0] : i32 from vector<1xi32>
      %get3A_2781 = arith.constant 9 : i32
      %get3A_2782 = arith.index_cast %get3A_2781 : i32 to index
      %get3A_2783 = arith.index_cast %squeeze3A_2778 : i32 to index
      %get3A_2784 = arith.constant 0 : index
      %get3A_2785 = tpu.vector_load %arg11[%get3A_2782, %get3A_2783, %get3A_2784] {strides = array<i32>} : memref<16x8x64xf32, #tpu.memory_space<vmem>>, vector<16xf32>,
      %get3A_2786 = arith.constant 9 : i32
      %get3A_2787 = arith.index_cast %get3A_2786 : i32 to index
      %get3A_2788 = arith.index_cast %squeeze3A_2780 : i32 to index
      %get3A_2789 = arith.constant 0 : index
      %get3A_2790 = tpu.vector_load %arg12[%get3A_2787, %get3A_2788, %get3A_2789] {strides = array<i32>} : memref<16x8x64xf32, #tpu.memory_space<vmem>>, vector<16xf32>,
      %mul3A_2791 = arith.mulf %get3A_2785, %get3A_2790 : vector<16xf32>
      %get3A_2792 = arith.constant 9 : i32
      %get3A_2793 = arith.index_cast %get3A_2792 : i32 to index
      %get3A_2794 = arith.index_cast %squeeze3A_2778 : i32 to index
      %get3A_2795 = arith.constant 16 : index
      %get3A_2796 = tpu.vector_load %arg11[%get3A_2793, %get3A_2794, %get3A_2795] {strides = array<i32>} : memref<16x8x64xf32, #tpu.memory_space<vmem>>, vector<16xf32>,
      %get3A_2797 = arith.constant 9 : i32
      %get3A_2798 = arith.index_cast %get3A_2797 : i32 to index
      %get3A_2799 = arith.index_cast %squeeze3A_2780 : i32 to index
      %get3A_2800 = arith.constant 16 : index
      %get3A_2801 = tpu.vector_load %arg12[%get3A_2798, %get3A_2799, %get3A_2800] {strides = array<i32>} : memref<16x8x64xf32, #tpu.memory_space<vmem>>, vector<16xf32>,
      %mul3A_2802 = arith.mulf %get3A_2796, %get3A_2801 : vector<16xf32>
      %add3A_2803 = arith.addf %mul3A_2791, %mul3A_2802 : vector<16xf32>
      %get3A_2804 = arith.constant 9 : i32
      %get3A_2805 = arith.index_cast %get3A_2804 : i32 to index
      %get3A_2806 = arith.index_cast %squeeze3A_2778 : i32 to index
      %get3A_2807 = arith.constant 32 : index
      %get3A_2808 = tpu.vector_load %arg11[%get3A_2805, %get3A_2806, %get3A_2807] {strides = array<i32>} : memref<16x8x64xf32, #tpu.memory_space<vmem>>, vector<16xf32>,
      %get3A_2809 = arith.constant 9 : i32
      %get3A_2810 = arith.index_cast %get3A_2809 : i32 to index
      %get3A_2811 = arith.index_cast %squeeze3A_2780 : i32 to index
      %get3A_2812 = arith.constant 32 : index
      %get3A_2813 = tpu.vector_load %arg12[%get3A_2810, %get3A_2811, %get3A_2812] {strides = array<i32>} : memref<16x8x64xf32, #tpu.memory_space<vmem>>, vector<16xf32>,
      %mul3A_2814 = arith.mulf %get3A_2808, %get3A_2813 : vector<16xf32>
      %add3A_2815 = arith.addf %add3A_2803, %mul3A_2814 : vector<16xf32>
      %get3A_2816 = arith.constant 9 : i32
      %get3A_2817 = arith.index_cast %get3A_2816 : i32 to index
      %get3A_2818 = arith.index_cast %squeeze3A_2778 : i32 to index
      %get3A_2819 = arith.constant 48 : index
      %get3A_2820 = tpu.vector_load %arg11[%get3A_2817, %get3A_2818, %get3A_2819] {strides = array<i32>} : memref<16x8x64xf32, #tpu.memory_space<vmem>>, vector<16xf32>,
      %get3A_2821 = arith.constant 9 : i32
      %get3A_2822 = arith.index_cast %get3A_2821 : i32 to index
      %get3A_2823 = arith.index_cast %squeeze3A_2780 : i32 to index
      %get3A_2824 = arith.constant 48 : index
      %get3A_2825 = tpu.vector_load %arg12[%get3A_2822, %get3A_2823, %get3A_2824] {strides = array<i32>} : memref<16x8x64xf32, #tpu.memory_space<vmem>>, vector<16xf32>,
      %mul3A_2826 = arith.mulf %get3A_2820, %get3A_2825 : vector<16xf32>
      %add3A_2827 = arith.addf %add3A_2815, %mul3A_2826 : vector<16xf32>
      %mul3A_2828 = arith.constant 16 : i32
      %mul3A_2829 = vector.broadcast %mul3A_2828 : i32 to vector<16xi32>
      %mul3A_2830 = arith.muli %iota3A, %mul3A_2829 : vector<16xi32>
      %add3A_2831 = arith.constant 9 : i32
      %add3A_2832 = vector.broadcast %add3A_2831 : i32 to vector<16xi32>
      %add3A_2833 = arith.addi %mul3A_2830, %add3A_2832 : vector<16xi32>
      tpu.vector_store_idx %arg14[%add3A_2833], %add3A_2827 : memref<256xf32, #tpu.memory_space<vmem>>[vector<16xi32>], vector<16xf32>,
      %slice3A_2834 = vector.extract_strided_slice %and3A_2258 {offsets = [10], sizes = [1], strides = [1]} : vector<16xi32> to vector<1xi32>
      %squeeze3A_2835 = vector.extract %slice3A_2834[0] : i32 from vector<1xi32>
      %slice3A_2836 = vector.extract_strided_slice %and3A_2263 {offsets = [10], sizes = [1], strides = [1]} : vector<16xi32> to vector<1xi32>
      %squeeze3A_2837 = vector.extract %slice3A_2836[0] : i32 from vector<1xi32>
      %get3A_2838 = arith.constant 10 : i32
      %get3A_2839 = arith.index_cast %get3A_2838 : i32 to index
      %get3A_2840 = arith.index_cast %squeeze3A_2835 : i32 to index
      %get3A_2841 = arith.constant 0 : index
      %get3A_2842 = tpu.vector_load %arg11[%get3A_2839, %get3A_2840, %get3A_2841] {strides = array<i32>} : memref<16x8x64xf32, #tpu.memory_space<vmem>>, vector<16xf32>,
      %get3A_2843 = arith.constant 10 : i32
      %get3A_2844 = arith.index_cast %get3A_2843 : i32 to index
      %get3A_2845 = arith.index_cast %squeeze3A_2837 : i32 to index
      %get3A_2846 = arith.constant 0 : index
      %get3A_2847 = tpu.vector_load %arg12[%get3A_2844, %get3A_2845, %get3A_2846] {strides = array<i32>} : memref<16x8x64xf32, #tpu.memory_space<vmem>>, vector<16xf32>,
      %mul3A_2848 = arith.mulf %get3A_2842, %get3A_2847 : vector<16xf32>
      %get3A_2849 = arith.constant 10 : i32
      %get3A_2850 = arith.index_cast %get3A_2849 : i32 to index
      %get3A_2851 = arith.index_cast %squeeze3A_2835 : i32 to index
      %get3A_2852 = arith.constant 16 : index
      %get3A_2853 = tpu.vector_load %arg11[%get3A_2850, %get3A_2851, %get3A_2852] {strides = array<i32>} : memref<16x8x64xf32, #tpu.memory_space<vmem>>, vector<16xf32>,
      %get3A_2854 = arith.constant 10 : i32
      %get3A_2855 = arith.index_cast %get3A_2854 : i32 to index
      %get3A_2856 = arith.index_cast %squeeze3A_2837 : i32 to index
      %get3A_2857 = arith.constant 16 : index
      %get3A_2858 = tpu.vector_load %arg12[%get3A_2855, %get3A_2856, %get3A_2857] {strides = array<i32>} : memref<16x8x64xf32, #tpu.memory_space<vmem>>, vector<16xf32>,
      %mul3A_2859 = arith.mulf %get3A_2853, %get3A_2858 : vector<16xf32>
      %add3A_2860 = arith.addf %mul3A_2848, %mul3A_2859 : vector<16xf32>
      %get3A_2861 = arith.constant 10 : i32
      %get3A_2862 = arith.index_cast %get3A_2861 : i32 to index
      %get3A_2863 = arith.index_cast %squeeze3A_2835 : i32 to index
      %get3A_2864 = arith.constant 32 : index
      %get3A_2865 = tpu.vector_load %arg11[%get3A_2862, %get3A_2863, %get3A_2864] {strides = array<i32>} : memref<16x8x64xf32, #tpu.memory_space<vmem>>, vector<16xf32>,
      %get3A_2866 = arith.constant 10 : i32
      %get3A_2867 = arith.index_cast %get3A_2866 : i32 to index
      %get3A_2868 = arith.index_cast %squeeze3A_2837 : i32 to index
      %get3A_2869 = arith.constant 32 : index
      %get3A_2870 = tpu.vector_load %arg12[%get3A_2867, %get3A_2868, %get3A_2869] {strides = array<i32>} : memref<16x8x64xf32, #tpu.memory_space<vmem>>, vector<16xf32>,
      %mul3A_2871 = arith.mulf %get3A_2865, %get3A_2870 : vector<16xf32>
      %add3A_2872 = arith.addf %add3A_2860, %mul3A_2871 : vector<16xf32>
      %get3A_2873 = arith.constant 10 : i32
      %get3A_2874 = arith.index_cast %get3A_2873 : i32 to index
      %get3A_2875 = arith.index_cast %squeeze3A_2835 : i32 to index
      %get3A_2876 = arith.constant 48 : index
      %get3A_2877 = tpu.vector_load %arg11[%get3A_2874, %get3A_2875, %get3A_2876] {strides = array<i32>} : memref<16x8x64xf32, #tpu.memory_space<vmem>>, vector<16xf32>,
      %get3A_2878 = arith.constant 10 : i32
      %get3A_2879 = arith.index_cast %get3A_2878 : i32 to index
      %get3A_2880 = arith.index_cast %squeeze3A_2837 : i32 to index
      %get3A_2881 = arith.constant 48 : index
      %get3A_2882 = tpu.vector_load %arg12[%get3A_2879, %get3A_2880, %get3A_2881] {strides = array<i32>} : memref<16x8x64xf32, #tpu.memory_space<vmem>>, vector<16xf32>,
      %mul3A_2883 = arith.mulf %get3A_2877, %get3A_2882 : vector<16xf32>
      %add3A_2884 = arith.addf %add3A_2872, %mul3A_2883 : vector<16xf32>
      %mul3A_2885 = arith.constant 16 : i32
      %mul3A_2886 = vector.broadcast %mul3A_2885 : i32 to vector<16xi32>
      %mul3A_2887 = arith.muli %iota3A, %mul3A_2886 : vector<16xi32>
      %add3A_2888 = arith.constant 10 : i32
      %add3A_2889 = vector.broadcast %add3A_2888 : i32 to vector<16xi32>
      %add3A_2890 = arith.addi %mul3A_2887, %add3A_2889 : vector<16xi32>
      tpu.vector_store_idx %arg14[%add3A_2890], %add3A_2884 : memref<256xf32, #tpu.memory_space<vmem>>[vector<16xi32>], vector<16xf32>,
      %slice3A_2891 = vector.extract_strided_slice %and3A_2258 {offsets = [11], sizes = [1], strides = [1]} : vector<16xi32> to vector<1xi32>
      %squeeze3A_2892 = vector.extract %slice3A_2891[0] : i32 from vector<1xi32>
      %slice3A_2893 = vector.extract_strided_slice %and3A_2263 {offsets = [11], sizes = [1], strides = [1]} : vector<16xi32> to vector<1xi32>
      %squeeze3A_2894 = vector.extract %slice3A_2893[0] : i32 from vector<1xi32>
      %get3A_2895 = arith.constant 11 : i32
      %get3A_2896 = arith.index_cast %get3A_2895 : i32 to index
      %get3A_2897 = arith.index_cast %squeeze3A_2892 : i32 to index
      %get3A_2898 = arith.constant 0 : index
      %get3A_2899 = tpu.vector_load %arg11[%get3A_2896, %get3A_2897, %get3A_2898] {strides = array<i32>} : memref<16x8x64xf32, #tpu.memory_space<vmem>>, vector<16xf32>,
      %get3A_2900 = arith.constant 11 : i32
      %get3A_2901 = arith.index_cast %get3A_2900 : i32 to index
      %get3A_2902 = arith.index_cast %squeeze3A_2894 : i32 to index
      %get3A_2903 = arith.constant 0 : index
      %get3A_2904 = tpu.vector_load %arg12[%get3A_2901, %get3A_2902, %get3A_2903] {strides = array<i32>} : memref<16x8x64xf32, #tpu.memory_space<vmem>>, vector<16xf32>,
      %mul3A_2905 = arith.mulf %get3A_2899, %get3A_2904 : vector<16xf32>
      %get3A_2906 = arith.constant 11 : i32
      %get3A_2907 = arith.index_cast %get3A_2906 : i32 to index
      %get3A_2908 = arith.index_cast %squeeze3A_2892 : i32 to index
      %get3A_2909 = arith.constant 16 : index
      %get3A_2910 = tpu.vector_load %arg11[%get3A_2907, %get3A_2908, %get3A_2909] {strides = array<i32>} : memref<16x8x64xf32, #tpu.memory_space<vmem>>, vector<16xf32>,
      %get3A_2911 = arith.constant 11 : i32
      %get3A_2912 = arith.index_cast %get3A_2911 : i32 to index
      %get3A_2913 = arith.index_cast %squeeze3A_2894 : i32 to index
      %get3A_2914 = arith.constant 16 : index
      %get3A_2915 = tpu.vector_load %arg12[%get3A_2912, %get3A_2913, %get3A_2914] {strides = array<i32>} : memref<16x8x64xf32, #tpu.memory_space<vmem>>, vector<16xf32>,
      %mul3A_2916 = arith.mulf %get3A_2910, %get3A_2915 : vector<16xf32>
      %add3A_2917 = arith.addf %mul3A_2905, %mul3A_2916 : vector<16xf32>
      %get3A_2918 = arith.constant 11 : i32
      %get3A_2919 = arith.index_cast %get3A_2918 : i32 to index
      %get3A_2920 = arith.index_cast %squeeze3A_2892 : i32 to index
      %get3A_2921 = arith.constant 32 : index
      %get3A_2922 = tpu.vector_load %arg11[%get3A_2919, %get3A_2920, %get3A_2921] {strides = array<i32>} : memref<16x8x64xf32, #tpu.memory_space<vmem>>, vector<16xf32>,
      %get3A_2923 = arith.constant 11 : i32
      %get3A_2924 = arith.index_cast %get3A_2923 : i32 to index
      %get3A_2925 = arith.index_cast %squeeze3A_2894 : i32 to index
      %get3A_2926 = arith.constant 32 : index
      %get3A_2927 = tpu.vector_load %arg12[%get3A_2924, %get3A_2925, %get3A_2926] {strides = array<i32>} : memref<16x8x64xf32, #tpu.memory_space<vmem>>, vector<16xf32>,
      %mul3A_2928 = arith.mulf %get3A_2922, %get3A_2927 : vector<16xf32>
      %add3A_2929 = arith.addf %add3A_2917, %mul3A_2928 : vector<16xf32>
      %get3A_2930 = arith.constant 11 : i32
      %get3A_2931 = arith.index_cast %get3A_2930 : i32 to index
      %get3A_2932 = arith.index_cast %squeeze3A_2892 : i32 to index
      %get3A_2933 = arith.constant 48 : index
      %get3A_2934 = tpu.vector_load %arg11[%get3A_2931, %get3A_2932, %get3A_2933] {strides = array<i32>} : memref<16x8x64xf32, #tpu.memory_space<vmem>>, vector<16xf32>,
      %get3A_2935 = arith.constant 11 : i32
      %get3A_2936 = arith.index_cast %get3A_2935 : i32 to index
      %get3A_2937 = arith.index_cast %squeeze3A_2894 : i32 to index
      %get3A_2938 = arith.constant 48 : index
      %get3A_2939 = tpu.vector_load %arg12[%get3A_2936, %get3A_2937, %get3A_2938] {strides = array<i32>} : memref<16x8x64xf32, #tpu.memory_space<vmem>>, vector<16xf32>,
      %mul3A_2940 = arith.mulf %get3A_2934, %get3A_2939 : vector<16xf32>
      %add3A_2941 = arith.addf %add3A_2929, %mul3A_2940 : vector<16xf32>
      %mul3A_2942 = arith.constant 16 : i32
      %mul3A_2943 = vector.broadcast %mul3A_2942 : i32 to vector<16xi32>
      %mul3A_2944 = arith.muli %iota3A, %mul3A_2943 : vector<16xi32>
      %add3A_2945 = arith.constant 11 : i32
      %add3A_2946 = vector.broadcast %add3A_2945 : i32 to vector<16xi32>
      %add3A_2947 = arith.addi %mul3A_2944, %add3A_2946 : vector<16xi32>
      tpu.vector_store_idx %arg14[%add3A_2947], %add3A_2941 : memref<256xf32, #tpu.memory_space<vmem>>[vector<16xi32>], vector<16xf32>,
      %slice3A_2948 = vector.extract_strided_slice %and3A_2258 {offsets = [12], sizes = [1], strides = [1]} : vector<16xi32> to vector<1xi32>
      %squeeze3A_2949 = vector.extract %slice3A_2948[0] : i32 from vector<1xi32>
      %slice3A_2950 = vector.extract_strided_slice %and3A_2263 {offsets = [12], sizes = [1], strides = [1]} : vector<16xi32> to vector<1xi32>
      %squeeze3A_2951 = vector.extract %slice3A_2950[0] : i32 from vector<1xi32>
      %get3A_2952 = arith.constant 12 : i32
      %get3A_2953 = arith.index_cast %get3A_2952 : i32 to index
      %get3A_2954 = arith.index_cast %squeeze3A_2949 : i32 to index
      %get3A_2955 = arith.constant 0 : index
      %get3A_2956 = tpu.vector_load %arg11[%get3A_2953, %get3A_2954, %get3A_2955] {strides = array<i32>} : memref<16x8x64xf32, #tpu.memory_space<vmem>>, vector<16xf32>,
      %get3A_2957 = arith.constant 12 : i32
      %get3A_2958 = arith.index_cast %get3A_2957 : i32 to index
      %get3A_2959 = arith.index_cast %squeeze3A_2951 : i32 to index
      %get3A_2960 = arith.constant 0 : index
      %get3A_2961 = tpu.vector_load %arg12[%get3A_2958, %get3A_2959, %get3A_2960] {strides = array<i32>} : memref<16x8x64xf32, #tpu.memory_space<vmem>>, vector<16xf32>,
      %mul3A_2962 = arith.mulf %get3A_2956, %get3A_2961 : vector<16xf32>
      %get3A_2963 = arith.constant 12 : i32
      %get3A_2964 = arith.index_cast %get3A_2963 : i32 to index
      %get3A_2965 = arith.index_cast %squeeze3A_2949 : i32 to index
      %get3A_2966 = arith.constant 16 : index
      %get3A_2967 = tpu.vector_load %arg11[%get3A_2964, %get3A_2965, %get3A_2966] {strides = array<i32>} : memref<16x8x64xf32, #tpu.memory_space<vmem>>, vector<16xf32>,
      %get3A_2968 = arith.constant 12 : i32
      %get3A_2969 = arith.index_cast %get3A_2968 : i32 to index
      %get3A_2970 = arith.index_cast %squeeze3A_2951 : i32 to index
      %get3A_2971 = arith.constant 16 : index
      %get3A_2972 = tpu.vector_load %arg12[%get3A_2969, %get3A_2970, %get3A_2971] {strides = array<i32>} : memref<16x8x64xf32, #tpu.memory_space<vmem>>, vector<16xf32>,
      %mul3A_2973 = arith.mulf %get3A_2967, %get3A_2972 : vector<16xf32>
      %add3A_2974 = arith.addf %mul3A_2962, %mul3A_2973 : vector<16xf32>
      %get3A_2975 = arith.constant 12 : i32
      %get3A_2976 = arith.index_cast %get3A_2975 : i32 to index
      %get3A_2977 = arith.index_cast %squeeze3A_2949 : i32 to index
      %get3A_2978 = arith.constant 32 : index
      %get3A_2979 = tpu.vector_load %arg11[%get3A_2976, %get3A_2977, %get3A_2978] {strides = array<i32>} : memref<16x8x64xf32, #tpu.memory_space<vmem>>, vector<16xf32>,
      %get3A_2980 = arith.constant 12 : i32
      %get3A_2981 = arith.index_cast %get3A_2980 : i32 to index
      %get3A_2982 = arith.index_cast %squeeze3A_2951 : i32 to index
      %get3A_2983 = arith.constant 32 : index
      %get3A_2984 = tpu.vector_load %arg12[%get3A_2981, %get3A_2982, %get3A_2983] {strides = array<i32>} : memref<16x8x64xf32, #tpu.memory_space<vmem>>, vector<16xf32>,
      %mul3A_2985 = arith.mulf %get3A_2979, %get3A_2984 : vector<16xf32>
      %add3A_2986 = arith.addf %add3A_2974, %mul3A_2985 : vector<16xf32>
      %get3A_2987 = arith.constant 12 : i32
      %get3A_2988 = arith.index_cast %get3A_2987 : i32 to index
      %get3A_2989 = arith.index_cast %squeeze3A_2949 : i32 to index
      %get3A_2990 = arith.constant 48 : index
      %get3A_2991 = tpu.vector_load %arg11[%get3A_2988, %get3A_2989, %get3A_2990] {strides = array<i32>} : memref<16x8x64xf32, #tpu.memory_space<vmem>>, vector<16xf32>,
      %get3A_2992 = arith.constant 12 : i32
      %get3A_2993 = arith.index_cast %get3A_2992 : i32 to index
      %get3A_2994 = arith.index_cast %squeeze3A_2951 : i32 to index
      %get3A_2995 = arith.constant 48 : index
      %get3A_2996 = tpu.vector_load %arg12[%get3A_2993, %get3A_2994, %get3A_2995] {strides = array<i32>} : memref<16x8x64xf32, #tpu.memory_space<vmem>>, vector<16xf32>,
      %mul3A_2997 = arith.mulf %get3A_2991, %get3A_2996 : vector<16xf32>
      %add3A_2998 = arith.addf %add3A_2986, %mul3A_2997 : vector<16xf32>
      %mul3A_2999 = arith.constant 16 : i32
      %mul3A_3000 = vector.broadcast %mul3A_2999 : i32 to vector<16xi32>
      %mul3A_3001 = arith.muli %iota3A, %mul3A_3000 : vector<16xi32>
      %add3A_3002 = arith.constant 12 : i32
      %add3A_3003 = vector.broadcast %add3A_3002 : i32 to vector<16xi32>
      %add3A_3004 = arith.addi %mul3A_3001, %add3A_3003 : vector<16xi32>
      tpu.vector_store_idx %arg14[%add3A_3004], %add3A_2998 : memref<256xf32, #tpu.memory_space<vmem>>[vector<16xi32>], vector<16xf32>,
      %slice3A_3005 = vector.extract_strided_slice %and3A_2258 {offsets = [13], sizes = [1], strides = [1]} : vector<16xi32> to vector<1xi32>
      %squeeze3A_3006 = vector.extract %slice3A_3005[0] : i32 from vector<1xi32>
      %slice3A_3007 = vector.extract_strided_slice %and3A_2263 {offsets = [13], sizes = [1], strides = [1]} : vector<16xi32> to vector<1xi32>
      %squeeze3A_3008 = vector.extract %slice3A_3007[0] : i32 from vector<1xi32>
      %get3A_3009 = arith.constant 13 : i32
      %get3A_3010 = arith.index_cast %get3A_3009 : i32 to index
      %get3A_3011 = arith.index_cast %squeeze3A_3006 : i32 to index
      %get3A_3012 = arith.constant 0 : index
      %get3A_3013 = tpu.vector_load %arg11[%get3A_3010, %get3A_3011, %get3A_3012] {strides = array<i32>} : memref<16x8x64xf32, #tpu.memory_space<vmem>>, vector<16xf32>,
      %get3A_3014 = arith.constant 13 : i32
      %get3A_3015 = arith.index_cast %get3A_3014 : i32 to index
      %get3A_3016 = arith.index_cast %squeeze3A_3008 : i32 to index
      %get3A_3017 = arith.constant 0 : index
      %get3A_3018 = tpu.vector_load %arg12[%get3A_3015, %get3A_3016, %get3A_3017] {strides = array<i32>} : memref<16x8x64xf32, #tpu.memory_space<vmem>>, vector<16xf32>,
      %mul3A_3019 = arith.mulf %get3A_3013, %get3A_3018 : vector<16xf32>
      %get3A_3020 = arith.constant 13 : i32
      %get3A_3021 = arith.index_cast %get3A_3020 : i32 to index
      %get3A_3022 = arith.index_cast %squeeze3A_3006 : i32 to index
      %get3A_3023 = arith.constant 16 : index
      %get3A_3024 = tpu.vector_load %arg11[%get3A_3021, %get3A_3022, %get3A_3023] {strides = array<i32>} : memref<16x8x64xf32, #tpu.memory_space<vmem>>, vector<16xf32>,
      %get3A_3025 = arith.constant 13 : i32
      %get3A_3026 = arith.index_cast %get3A_3025 : i32 to index
      %get3A_3027 = arith.index_cast %squeeze3A_3008 : i32 to index
      %get3A_3028 = arith.constant 16 : index
      %get3A_3029 = tpu.vector_load %arg12[%get3A_3026, %get3A_3027, %get3A_3028] {strides = array<i32>} : memref<16x8x64xf32, #tpu.memory_space<vmem>>, vector<16xf32>,
      %mul3A_3030 = arith.mulf %get3A_3024, %get3A_3029 : vector<16xf32>
      %add3A_3031 = arith.addf %mul3A_3019, %mul3A_3030 : vector<16xf32>
      %get3A_3032 = arith.constant 13 : i32
      %get3A_3033 = arith.index_cast %get3A_3032 : i32 to index
      %get3A_3034 = arith.index_cast %squeeze3A_3006 : i32 to index
      %get3A_3035 = arith.constant 32 : index
      %get3A_3036 = tpu.vector_load %arg11[%get3A_3033, %get3A_3034, %get3A_3035] {strides = array<i32>} : memref<16x8x64xf32, #tpu.memory_space<vmem>>, vector<16xf32>,
      %get3A_3037 = arith.constant 13 : i32
      %get3A_3038 = arith.index_cast %get3A_3037 : i32 to index
      %get3A_3039 = arith.index_cast %squeeze3A_3008 : i32 to index
      %get3A_3040 = arith.constant 32 : index
      %get3A_3041 = tpu.vector_load %arg12[%get3A_3038, %get3A_3039, %get3A_3040] {strides = array<i32>} : memref<16x8x64xf32, #tpu.memory_space<vmem>>, vector<16xf32>,
      %mul3A_3042 = arith.mulf %get3A_3036, %get3A_3041 : vector<16xf32>
      %add3A_3043 = arith.addf %add3A_3031, %mul3A_3042 : vector<16xf32>
      %get3A_3044 = arith.constant 13 : i32
      %get3A_3045 = arith.index_cast %get3A_3044 : i32 to index
      %get3A_3046 = arith.index_cast %squeeze3A_3006 : i32 to index
      %get3A_3047 = arith.constant 48 : index
      %get3A_3048 = tpu.vector_load %arg11[%get3A_3045, %get3A_3046, %get3A_3047] {strides = array<i32>} : memref<16x8x64xf32, #tpu.memory_space<vmem>>, vector<16xf32>,
      %get3A_3049 = arith.constant 13 : i32
      %get3A_3050 = arith.index_cast %get3A_3049 : i32 to index
      %get3A_3051 = arith.index_cast %squeeze3A_3008 : i32 to index
      %get3A_3052 = arith.constant 48 : index
      %get3A_3053 = tpu.vector_load %arg12[%get3A_3050, %get3A_3051, %get3A_3052] {strides = array<i32>} : memref<16x8x64xf32, #tpu.memory_space<vmem>>, vector<16xf32>,
      %mul3A_3054 = arith.mulf %get3A_3048, %get3A_3053 : vector<16xf32>
      %add3A_3055 = arith.addf %add3A_3043, %mul3A_3054 : vector<16xf32>
      %mul3A_3056 = arith.constant 16 : i32
      %mul3A_3057 = vector.broadcast %mul3A_3056 : i32 to vector<16xi32>
      %mul3A_3058 = arith.muli %iota3A, %mul3A_3057 : vector<16xi32>
      %add3A_3059 = arith.constant 13 : i32
      %add3A_3060 = vector.broadcast %add3A_3059 : i32 to vector<16xi32>
      %add3A_3061 = arith.addi %mul3A_3058, %add3A_3060 : vector<16xi32>
      tpu.vector_store_idx %arg14[%add3A_3061], %add3A_3055 : memref<256xf32, #tpu.memory_space<vmem>>[vector<16xi32>], vector<16xf32>,
      %slice3A_3062 = vector.extract_strided_slice %and3A_2258 {offsets = [14], sizes = [1], strides = [1]} : vector<16xi32> to vector<1xi32>
      %squeeze3A_3063 = vector.extract %slice3A_3062[0] : i32 from vector<1xi32>
      %slice3A_3064 = vector.extract_strided_slice %and3A_2263 {offsets = [14], sizes = [1], strides = [1]} : vector<16xi32> to vector<1xi32>
      %squeeze3A_3065 = vector.extract %slice3A_3064[0] : i32 from vector<1xi32>
      %get3A_3066 = arith.constant 14 : i32
      %get3A_3067 = arith.index_cast %get3A_3066 : i32 to index
      %get3A_3068 = arith.index_cast %squeeze3A_3063 : i32 to index
      %get3A_3069 = arith.constant 0 : index
      %get3A_3070 = tpu.vector_load %arg11[%get3A_3067, %get3A_3068, %get3A_3069] {strides = array<i32>} : memref<16x8x64xf32, #tpu.memory_space<vmem>>, vector<16xf32>,
      %get3A_3071 = arith.constant 14 : i32
      %get3A_3072 = arith.index_cast %get3A_3071 : i32 to index
      %get3A_3073 = arith.index_cast %squeeze3A_3065 : i32 to index
      %get3A_3074 = arith.constant 0 : index
      %get3A_3075 = tpu.vector_load %arg12[%get3A_3072, %get3A_3073, %get3A_3074] {strides = array<i32>} : memref<16x8x64xf32, #tpu.memory_space<vmem>>, vector<16xf32>,
      %mul3A_3076 = arith.mulf %get3A_3070, %get3A_3075 : vector<16xf32>
      %get3A_3077 = arith.constant 14 : i32
      %get3A_3078 = arith.index_cast %get3A_3077 : i32 to index
      %get3A_3079 = arith.index_cast %squeeze3A_3063 : i32 to index
      %get3A_3080 = arith.constant 16 : index
      %get3A_3081 = tpu.vector_load %arg11[%get3A_3078, %get3A_3079, %get3A_3080] {strides = array<i32>} : memref<16x8x64xf32, #tpu.memory_space<vmem>>, vector<16xf32>,
      %get3A_3082 = arith.constant 14 : i32
      %get3A_3083 = arith.index_cast %get3A_3082 : i32 to index
      %get3A_3084 = arith.index_cast %squeeze3A_3065 : i32 to index
      %get3A_3085 = arith.constant 16 : index
      %get3A_3086 = tpu.vector_load %arg12[%get3A_3083, %get3A_3084, %get3A_3085] {strides = array<i32>} : memref<16x8x64xf32, #tpu.memory_space<vmem>>, vector<16xf32>,
      %mul3A_3087 = arith.mulf %get3A_3081, %get3A_3086 : vector<16xf32>
      %add3A_3088 = arith.addf %mul3A_3076, %mul3A_3087 : vector<16xf32>
      %get3A_3089 = arith.constant 14 : i32
      %get3A_3090 = arith.index_cast %get3A_3089 : i32 to index
      %get3A_3091 = arith.index_cast %squeeze3A_3063 : i32 to index
      %get3A_3092 = arith.constant 32 : index
      %get3A_3093 = tpu.vector_load %arg11[%get3A_3090, %get3A_3091, %get3A_3092] {strides = array<i32>} : memref<16x8x64xf32, #tpu.memory_space<vmem>>, vector<16xf32>,
      %get3A_3094 = arith.constant 14 : i32
      %get3A_3095 = arith.index_cast %get3A_3094 : i32 to index
      %get3A_3096 = arith.index_cast %squeeze3A_3065 : i32 to index
      %get3A_3097 = arith.constant 32 : index
      %get3A_3098 = tpu.vector_load %arg12[%get3A_3095, %get3A_3096, %get3A_3097] {strides = array<i32>} : memref<16x8x64xf32, #tpu.memory_space<vmem>>, vector<16xf32>,
      %mul3A_3099 = arith.mulf %get3A_3093, %get3A_3098 : vector<16xf32>
      %add3A_3100 = arith.addf %add3A_3088, %mul3A_3099 : vector<16xf32>
      %get3A_3101 = arith.constant 14 : i32
      %get3A_3102 = arith.index_cast %get3A_3101 : i32 to index
      %get3A_3103 = arith.index_cast %squeeze3A_3063 : i32 to index
      %get3A_3104 = arith.constant 48 : index
      %get3A_3105 = tpu.vector_load %arg11[%get3A_3102, %get3A_3103, %get3A_3104] {strides = array<i32>} : memref<16x8x64xf32, #tpu.memory_space<vmem>>, vector<16xf32>,
      %get3A_3106 = arith.constant 14 : i32
      %get3A_3107 = arith.index_cast %get3A_3106 : i32 to index
      %get3A_3108 = arith.index_cast %squeeze3A_3065 : i32 to index
      %get3A_3109 = arith.constant 48 : index
      %get3A_3110 = tpu.vector_load %arg12[%get3A_3107, %get3A_3108, %get3A_3109] {strides = array<i32>} : memref<16x8x64xf32, #tpu.memory_space<vmem>>, vector<16xf32>,
      %mul3A_3111 = arith.mulf %get3A_3105, %get3A_3110 : vector<16xf32>
      %add3A_3112 = arith.addf %add3A_3100, %mul3A_3111 : vector<16xf32>
      %mul3A_3113 = arith.constant 16 : i32
      %mul3A_3114 = vector.broadcast %mul3A_3113 : i32 to vector<16xi32>
      %mul3A_3115 = arith.muli %iota3A, %mul3A_3114 : vector<16xi32>
      %add3A_3116 = arith.constant 14 : i32
      %add3A_3117 = vector.broadcast %add3A_3116 : i32 to vector<16xi32>
      %add3A_3118 = arith.addi %mul3A_3115, %add3A_3117 : vector<16xi32>
      tpu.vector_store_idx %arg14[%add3A_3118], %add3A_3112 : memref<256xf32, #tpu.memory_space<vmem>>[vector<16xi32>], vector<16xf32>,
      %slice3A_3119 = vector.extract_strided_slice %and3A_2258 {offsets = [15], sizes = [1], strides = [1]} : vector<16xi32> to vector<1xi32>
      %squeeze3A_3120 = vector.extract %slice3A_3119[0] : i32 from vector<1xi32>
      %slice3A_3121 = vector.extract_strided_slice %and3A_2263 {offsets = [15], sizes = [1], strides = [1]} : vector<16xi32> to vector<1xi32>
      %squeeze3A_3122 = vector.extract %slice3A_3121[0] : i32 from vector<1xi32>
      %get3A_3123 = arith.constant 15 : i32
      %get3A_3124 = arith.index_cast %get3A_3123 : i32 to index
      %get3A_3125 = arith.index_cast %squeeze3A_3120 : i32 to index
      %get3A_3126 = arith.constant 0 : index
      %get3A_3127 = tpu.vector_load %arg11[%get3A_3124, %get3A_3125, %get3A_3126] {strides = array<i32>} : memref<16x8x64xf32, #tpu.memory_space<vmem>>, vector<16xf32>,
      %get3A_3128 = arith.constant 15 : i32
      %get3A_3129 = arith.index_cast %get3A_3128 : i32 to index
      %get3A_3130 = arith.index_cast %squeeze3A_3122 : i32 to index
      %get3A_3131 = arith.constant 0 : index
      %get3A_3132 = tpu.vector_load %arg12[%get3A_3129, %get3A_3130, %get3A_3131] {strides = array<i32>} : memref<16x8x64xf32, #tpu.memory_space<vmem>>, vector<16xf32>,
      %mul3A_3133 = arith.mulf %get3A_3127, %get3A_3132 : vector<16xf32>
      %get3A_3134 = arith.constant 15 : i32
      %get3A_3135 = arith.index_cast %get3A_3134 : i32 to index
      %get3A_3136 = arith.index_cast %squeeze3A_3120 : i32 to index
      %get3A_3137 = arith.constant 16 : index
      %get3A_3138 = tpu.vector_load %arg11[%get3A_3135, %get3A_3136, %get3A_3137] {strides = array<i32>} : memref<16x8x64xf32, #tpu.memory_space<vmem>>, vector<16xf32>,
      %get3A_3139 = arith.constant 15 : i32
      %get3A_3140 = arith.index_cast %get3A_3139 : i32 to index
      %get3A_3141 = arith.index_cast %squeeze3A_3122 : i32 to index
      %get3A_3142 = arith.constant 16 : index
      %get3A_3143 = tpu.vector_load %arg12[%get3A_3140, %get3A_3141, %get3A_3142] {strides = array<i32>} : memref<16x8x64xf32, #tpu.memory_space<vmem>>, vector<16xf32>,
      %mul3A_3144 = arith.mulf %get3A_3138, %get3A_3143 : vector<16xf32>
      %add3A_3145 = arith.addf %mul3A_3133, %mul3A_3144 : vector<16xf32>
      %get3A_3146 = arith.constant 15 : i32
      %get3A_3147 = arith.index_cast %get3A_3146 : i32 to index
      %get3A_3148 = arith.index_cast %squeeze3A_3120 : i32 to index
      %get3A_3149 = arith.constant 32 : index
      %get3A_3150 = tpu.vector_load %arg11[%get3A_3147, %get3A_3148, %get3A_3149] {strides = array<i32>} : memref<16x8x64xf32, #tpu.memory_space<vmem>>, vector<16xf32>,
      %get3A_3151 = arith.constant 15 : i32
      %get3A_3152 = arith.index_cast %get3A_3151 : i32 to index
      %get3A_3153 = arith.index_cast %squeeze3A_3122 : i32 to index
      %get3A_3154 = arith.constant 32 : index
      %get3A_3155 = tpu.vector_load %arg12[%get3A_3152, %get3A_3153, %get3A_3154] {strides = array<i32>} : memref<16x8x64xf32, #tpu.memory_space<vmem>>, vector<16xf32>,
      %mul3A_3156 = arith.mulf %get3A_3150, %get3A_3155 : vector<16xf32>
      %add3A_3157 = arith.addf %add3A_3145, %mul3A_3156 : vector<16xf32>
      %get3A_3158 = arith.constant 15 : i32
      %get3A_3159 = arith.index_cast %get3A_3158 : i32 to index
      %get3A_3160 = arith.index_cast %squeeze3A_3120 : i32 to index
      %get3A_3161 = arith.constant 48 : index
      %get3A_3162 = tpu.vector_load %arg11[%get3A_3159, %get3A_3160, %get3A_3161] {strides = array<i32>} : memref<16x8x64xf32, #tpu.memory_space<vmem>>, vector<16xf32>,
      %get3A_3163 = arith.constant 15 : i32
      %get3A_3164 = arith.index_cast %get3A_3163 : i32 to index
      %get3A_3165 = arith.index_cast %squeeze3A_3122 : i32 to index
      %get3A_3166 = arith.constant 48 : index
      %get3A_3167 = tpu.vector_load %arg12[%get3A_3164, %get3A_3165, %get3A_3166] {strides = array<i32>} : memref<16x8x64xf32, #tpu.memory_space<vmem>>, vector<16xf32>,
      %mul3A_3168 = arith.mulf %get3A_3162, %get3A_3167 : vector<16xf32>
      %add3A_3169 = arith.addf %add3A_3157, %mul3A_3168 : vector<16xf32>
      %mul3A_3170 = arith.constant 16 : i32
      %mul3A_3171 = vector.broadcast %mul3A_3170 : i32 to vector<16xi32>
      %mul3A_3172 = arith.muli %iota3A, %mul3A_3171 : vector<16xi32>
      %add3A_3173 = arith.constant 15 : i32
      %add3A_3174 = vector.broadcast %add3A_3173 : i32 to vector<16xi32>
      %add3A_3175 = arith.addi %mul3A_3172, %add3A_3174 : vector<16xi32>
      tpu.vector_store_idx %arg14[%add3A_3175], %add3A_3169 : memref<256xf32, #tpu.memory_space<vmem>>[vector<16xi32>], vector<16xf32>,
      %get3A_3176 = arith.constant 0 : index
      %get3A_3177 = tpu.vector_load %arg14[%get3A_3176] {strides = array<i32>} : memref<256xf32, #tpu.memory_space<vmem>>, vector<16xf32>,
      %get3A_3178 = arith.constant 16 : index
      %get3A_3179 = tpu.vector_load %arg14[%get3A_3178] {strides = array<i32>} : memref<256xf32, #tpu.memory_space<vmem>>, vector<16xf32>,
      %add3A_3180 = arith.addf %get3A_3177, %get3A_3179 : vector<16xf32>
      %get3A_3181 = arith.constant 32 : index
      %get3A_3182 = tpu.vector_load %arg14[%get3A_3181] {strides = array<i32>} : memref<256xf32, #tpu.memory_space<vmem>>, vector<16xf32>,
      %add3A_3183 = arith.addf %add3A_3180, %get3A_3182 : vector<16xf32>
      %get3A_3184 = arith.constant 48 : index
      %get3A_3185 = tpu.vector_load %arg14[%get3A_3184] {strides = array<i32>} : memref<256xf32, #tpu.memory_space<vmem>>, vector<16xf32>,
      %add3A_3186 = arith.addf %add3A_3183, %get3A_3185 : vector<16xf32>
      %get3A_3187 = arith.constant 64 : index
      %get3A_3188 = tpu.vector_load %arg14[%get3A_3187] {strides = array<i32>} : memref<256xf32, #tpu.memory_space<vmem>>, vector<16xf32>,
      %add3A_3189 = arith.addf %add3A_3186, %get3A_3188 : vector<16xf32>
      %get3A_3190 = arith.constant 80 : index
      %get3A_3191 = tpu.vector_load %arg14[%get3A_3190] {strides = array<i32>} : memref<256xf32, #tpu.memory_space<vmem>>, vector<16xf32>,
      %add3A_3192 = arith.addf %add3A_3189, %get3A_3191 : vector<16xf32>
      %get3A_3193 = arith.constant 96 : index
      %get3A_3194 = tpu.vector_load %arg14[%get3A_3193] {strides = array<i32>} : memref<256xf32, #tpu.memory_space<vmem>>, vector<16xf32>,
      %add3A_3195 = arith.addf %add3A_3192, %get3A_3194 : vector<16xf32>
      %get3A_3196 = arith.constant 112 : index
      %get3A_3197 = tpu.vector_load %arg14[%get3A_3196] {strides = array<i32>} : memref<256xf32, #tpu.memory_space<vmem>>, vector<16xf32>,
      %add3A_3198 = arith.addf %add3A_3195, %get3A_3197 : vector<16xf32>
      %get3A_3199 = arith.constant 128 : index
      %get3A_3200 = tpu.vector_load %arg14[%get3A_3199] {strides = array<i32>} : memref<256xf32, #tpu.memory_space<vmem>>, vector<16xf32>,
      %add3A_3201 = arith.addf %add3A_3198, %get3A_3200 : vector<16xf32>
      %get3A_3202 = arith.constant 144 : index
      %get3A_3203 = tpu.vector_load %arg14[%get3A_3202] {strides = array<i32>} : memref<256xf32, #tpu.memory_space<vmem>>, vector<16xf32>,
      %add3A_3204 = arith.addf %add3A_3201, %get3A_3203 : vector<16xf32>
      %get3A_3205 = arith.constant 160 : index
      %get3A_3206 = tpu.vector_load %arg14[%get3A_3205] {strides = array<i32>} : memref<256xf32, #tpu.memory_space<vmem>>, vector<16xf32>,
      %add3A_3207 = arith.addf %add3A_3204, %get3A_3206 : vector<16xf32>
      %get3A_3208 = arith.constant 176 : index
      %get3A_3209 = tpu.vector_load %arg14[%get3A_3208] {strides = array<i32>} : memref<256xf32, #tpu.memory_space<vmem>>, vector<16xf32>,
      %add3A_3210 = arith.addf %add3A_3207, %get3A_3209 : vector<16xf32>
      %get3A_3211 = arith.constant 192 : index
      %get3A_3212 = tpu.vector_load %arg14[%get3A_3211] {strides = array<i32>} : memref<256xf32, #tpu.memory_space<vmem>>, vector<16xf32>,
      %add3A_3213 = arith.addf %add3A_3210, %get3A_3212 : vector<16xf32>
      %get3A_3214 = arith.constant 208 : index
      %get3A_3215 = tpu.vector_load %arg14[%get3A_3214] {strides = array<i32>} : memref<256xf32, #tpu.memory_space<vmem>>, vector<16xf32>,
      %add3A_3216 = arith.addf %add3A_3213, %get3A_3215 : vector<16xf32>
      %get3A_3217 = arith.constant 224 : index
      %get3A_3218 = tpu.vector_load %arg14[%get3A_3217] {strides = array<i32>} : memref<256xf32, #tpu.memory_space<vmem>>, vector<16xf32>,
      %add3A_3219 = arith.addf %add3A_3216, %get3A_3218 : vector<16xf32>
      %get3A_3220 = arith.constant 240 : index
      %get3A_3221 = tpu.vector_load %arg14[%get3A_3220] {strides = array<i32>} : memref<256xf32, #tpu.memory_space<vmem>>, vector<16xf32>,
      %add3A_3222 = arith.addf %add3A_3219, %get3A_3221 : vector<16xf32>
      %swap3A_3223 = arith.index_cast %mul3A_2253 : i32 to index
      %swap3A_3224 = tpu.vector_load %arg13[%swap3A_3223] {strides = array<i32>} : memref<512xf32, #tpu.memory_space<vmem>>, vector<16xf32>,
      tpu.vector_store %arg13[%swap3A_3223], %add3A_3222 {strides = array<i32>} : memref<512xf32, #tpu.memory_space<vmem>>, vector<16xf32>,
    }
    %scan3A_620 = arith.constant 16 : i32
    "tpu.region"() ({
      %run_scoped3A = tpu.sem_alloc : memref<!tpu.dma_semaphore, #tpu.memory_space<semaphore_mem>>
      %dma_start3A_621 = tpu.memref_slice %arg6[%mul3A_2] : memref<16384xf32, #tpu.memory_space<hbm>> -> memref<512xf32, #tpu.memory_space<hbm>>
      %dma_start3A_622 = tpu.memref_slice %arg6[%mul3A_2] : memref<16384xf32, #tpu.memory_space<hbm>> -> memref<512xf32, #tpu.memory_space<hbm>>
      tpu.enqueue_dma source(%arg13 : memref<512xf32, #tpu.memory_space<vmem>>) target(%dma_start3A_622 : memref<512xf32, #tpu.memory_space<hbm>>) target_semaphore(%run_scoped3A : memref<!tpu.dma_semaphore, #tpu.memory_space<semaphore_mem>>)
      %dma_wait3A = tpu.memref_slice %arg6[%mul3A_2] : memref<16384xf32, #tpu.memory_space<hbm>> -> memref<512xf32, #tpu.memory_space<hbm>>
      %dma_wait3A_623 = tpu.memref_slice %arg6[%mul3A_2] : memref<16384xf32, #tpu.memory_space<hbm>> -> memref<512xf32, #tpu.memory_space<hbm>>
      tpu.wait_dma2 semaphore(%run_scoped3A : memref<!tpu.dma_semaphore, #tpu.memory_space<semaphore_mem>>) src(%arg13 : memref<512xf32, #tpu.memory_space<vmem>>) dst(%dma_wait3A_623 : memref<512xf32, #tpu.memory_space<hbm>>)
      tpu.yield
    }) : () -> ()
    return
  }
}

</mosaic_0001>

<sc_bundles>
// kernel: _run.3.cloned.1.call-start
scs
__scs_entry_jumppad:
0x0: {  	(pc) =	sbr.rel $0x88, $3  }
0x1: {  	(tag) =	ssettag $0x0;
	lr =	simm.s32 $0x1  }
0x2: {  	[smem:$0x3F9D] =	sst lr;
	_ =	strace $0xD0000000  }
0x3: {  	_ = 	snop  }
0x4: {  	_ = 	snop  }
0x5: {  	_ = 	snop  }
0x6: {  	_ = 	snop  }
0x7: {  	_ = 	snop  }
__scs_overlays_trampoline_lowered:
0x8: {  	[smem:$0x3FAC] =	sst s0  }
0x9: {  	[smem:$0x3FAD] =	sst s1  }
0xa: {  	[smem:$0x3FAE] =	sst s2  }
0xb: {  	[smem:$0x3FAF] =	sst s3  }
0xc: {  	[smem:$0x3FB0] =	sst s4  }
0xd: {  	[smem:$0x3FB1] =	sst s5  }
0xe: {  	[smem:$0x3FB2] =	sst s6  }
0xf: {  	[smem:$0x3FB3] =	sst s7  }
0x10: {  	[smem:$0x3FB4] =	sst s8  }
0x11: {  	[smem:$0x3FB5] =	sst s9;
	s0 =	simm.s32 @!p0 $0x0  }
0x12: {  	s1 =	sld [smem:$0x3F9B];
	s0 =	simm.s32 @p0 $0x1  }
0x13: {  	[smem:$0x3FB6] =	sst s0;
	s0 =	simm.s32 @!p1 $0x0  }
0x14: {  	s2 =	sld [smem:$0x3F9A];
	s0 =	simm.s32 @p1 $0x1  }
0x15: {  	[smem:$0x3FB7] =	sst s0;
	s0 =	simm.s32 @!p2 $0x0  }
0x16: {  	s3 =	sld [smem:$0x3FDB];
	s0 =	simm.s32 @p2 $0x1  }
0x17: {  	s4 =	simm.s32 $0x1BF5;
	[smem:$0x3FB9] =	sst s0  }
0x18: {  	s0 =	sld [smem:$0x3F9C];
	_ =	swait.ge [sflag:s4], $0x0  }
0x19: {  	s7 =	sld [smem:$0x3F9D]  }
0x1a: {  	s8 =	sadd.s32 $0xFFFFE003, lr  }
0x1b: {  	s9 =	sadd.s32 $0xFFFFFEF7, lr;
	s5 =	simm.s32 $0xFFFFFFFF;
	p2 =	slt.u32 s8, $0xFFFFF086  }
0x1c: {  	p1 =	slt.u32 s9, $0xF7A;
	s5 =	simm.s32 @!p2 $0x0  }
0x1d: {  	s5 =	simm.s32 @p1 $0x1;
	p0 =	seq.s32 s7, s2  }
0x1e: {  	s7 =	smul.u32 @!p0 $0xF7A, s2;
	p2 =	seq.s32 @!p0 s5, $0x0  }
0x1f: {  	s9 =	smul.u32 $0xF7A, s1;
	s8 =	simm.s32 @!p0 $0x1BF5;
	p2 =	por !p2, p0  }
0x20: {  	[sflag:s8] =	ssyncset.s32 @!p0 $0xFFFFF086;
	s6 =	sadd.s32 @!p0 s3, s7;
	s7 =	simm.s32 @!p0 $0x108  }
0x21: {  	s3 =	sadd.s32 s3, s9;
	s6 =	sadd.s32 @!p0 $0x88, s6;
	s7 =	simm.s32 @p2 $0x1082  }
0x22: {  	[simem:s7], [sflag:s8] =	dma.local @!p0 [hbm:s6], $0xF7A  }
0x23: {  	s9 =	sor.u32 $0xD0000000, s2;
	s6 =	simm.s32 $0x108;
	_ =	swait.ge @!p0 [sflag:s8], $0x0  }
0x24: {  	s3 =	sadd.s32 $0x88, s3;
	s6 =	simm.s32 @!p1 $0x1082;
	[sflag:s4] =	ssyncset.s32 $0xFFFFF086  }
0x25: {  	[simem:s6], [sflag:s4] =	dma.local [hbm:s3], $0xF7A  }
0x26: {  	[smem:$0x3F9D] =	sst s1;
	(tag) =	ssettag s2;
	_ =	strace s9  }
0x27: {  	s1 =	sld [smem:$0x3FAD]  }
0x28: {  	s2 =	sld [smem:$0x3FAE]  }
0x29: {  	s4 =	sld [smem:$0x3FB0]  }
0x2a: {  	p0 =	seq.s32 s5, $0x0;
	s5 =	sld [smem:$0x3FB1]  }
0x2b: {  	s6 =	sld [smem:$0x3FB2]  }
0x2c: {  	s7 =	sld [smem:$0x3FB3]  }
0x2d: {  	s3 =	simm.s32 $0x108;
	s8 =	sld [smem:$0x3FB4]  }
0x2e: {  	s3 =	simm.s32 @!p0 $0x1082;
	s9 =	sld [smem:$0x3FB5]  }
0x2f: {  	lr =	sadd.s32 s0, s3;
	s0 =	sld [smem:$0x3FAC]  }
0x30: {  	s3 =	sld [smem:$0x3FAF]  }
0x31: {  	[smem:$0x3FB8] =	sst s10  }
0x32: {  	s10 =	sld [smem:$0x3FB6];
	_ =	sdelay $0x3  }
0x33: {  	p0 =	seq.s32 s10, $0x1;
	s10 =	sld [smem:$0x3FB8];
	_ =	sdelay $0x3  }
0x34: {  	[smem:$0x3FB8] =	sst s10  }
0x35: {  	s10 =	sld [smem:$0x3FB7];
	_ =	sdelay $0x3  }
0x36: {  	p1 =	seq.s32 s10, $0x1;
	s10 =	sld [smem:$0x3FB8];
	_ =	sdelay $0x3  }
0x37: {  	[smem:$0x3FB8] =	sst s10  }
0x38: {  	s10 =	sld [smem:$0x3FB9]  }
0x39: {  	_ = 	snop;
	(pc) =	sbr.ind lr, $3  }
0x3a: {  	_ = 	snop  }
0x3b: {  	_ = 	snop  }
0x3c: {  	p2 =	seq.s32 s10, $0x1;
	s10 =	sld [smem:$0x3FB8]  }
0x3d: {  	_ =	shalt  }
0x3e: {  	_ =	shalt  }
0x3f: {  	_ =	shalt  }
0x40: {  	_ =	shalt  }
0x41: {  	_ =	shalt  }
0x42: {  	_ =	shalt  }
0x43: {  	_ =	shalt  }
0x44: {  	_ =	shalt  }
0x45: {  	_ =	shalt  }
0x46: {  	_ =	shalt  }
0x47: {  	_ =	shalt  }
0x48: {  	_ =	shalt  }
0x49: {  	_ =	shalt  }
0x4a: {  	_ =	shalt  }
0x4b: {  	_ =	shalt  }
0x4c: {  	_ =	shalt  }
0x4d: {  	_ =	shalt  }
0x4e: {  	_ =	shalt  }
0x4f: {  	_ =	shalt  }
0x50: {  	_ =	shalt  }
0x51: {  	_ =	shalt  }
0x52: {  	_ =	shalt  }
0x53: {  	_ =	shalt  }
0x54: {  	_ =	shalt  }
0x55: {  	_ =	shalt  }
0x56: {  	_ =	shalt  }
0x57: {  	_ =	shalt  }
0x58: {  	_ =	shalt  }
0x59: {  	_ =	shalt  }
0x5a: {  	_ =	shalt  }
0x5b: {  	_ =	shalt  }
0x5c: {  	_ =	shalt  }
0x5d: {  	_ =	shalt  }
0x5e: {  	_ =	shalt  }
0x5f: {  	_ =	shalt  }
0x60: {  	_ =	shalt  }
0x61: {  	_ =	shalt  }
0x62: {  	_ =	shalt  }
0x63: {  	_ =	shalt  }
0x64: {  	_ =	shalt  }
0x65: {  	_ =	shalt  }
0x66: {  	_ =	shalt  }
0x67: {  	_ =	shalt  }
0x68: {  	_ =	shalt  }
0x69: {  	_ =	shalt  }
0x6a: {  	_ =	shalt  }
0x6b: {  	_ =	shalt  }
0x6c: {  	_ =	shalt  }
0x6d: {  	_ =	shalt  }
0x6e: {  	_ =	shalt  }
0x6f: {  	_ =	shalt  }
0x70: {  	_ =	shalt  }
0x71: {  	_ =	shalt  }
0x72: {  	_ =	shalt  }
0x73: {  	_ =	shalt  }
0x74: {  	_ =	shalt  }
0x75: {  	_ =	shalt  }
0x76: {  	_ =	shalt  }
0x77: {  	_ =	shalt  }
0x78: {  	_ =	shalt  }
0x79: {  	_ =	shalt  }
0x7a: {  	_ =	shalt  }
0x7b: {  	_ =	shalt  }
0x7c: {  	_ =	shalt  }
0x7d: {  	_ =	shalt  }
0x7e: {  	_ =	shalt  }
0x7f: {  	_ =	shalt  }
0x80: {  	_ =	shalt  }
0x81: {  	_ =	shalt  }
0x82: {  	_ =	shalt  }
0x83: {  	_ =	shalt  }
0x84: {  	_ =	shalt  }
0x85: {  	_ =	shalt  }
0x86: {  	_ =	shalt  }
0x87: {  	_ =	shalt  }
.Lfunc_end0:
.L_simem_size_0:
called_computation_lowered:
.L_overlay_start_0:
0x88: {  	s2 =	sld [smem:$0x3FD9]  }
0x89: {  	s3 =	sld [smem:$0x3FFE];
	_ =	sdelay $0x1  }
0x8a: {  	s1 =	srdreg.scid  }
0x8b: {  	s0 =	sand.u32 $0x1, s1  }
0x8c: {  	s17 =	sshll.u32 s0, $0xA;
	s2 =	sadd.s32 s3, s2  }
0x8d: {  	s2 =	sadd.s32 s2, s17  }
0x8e: {  	[smem:$0x3FC4] =	sst s2  }
0x8f: {  	_ = 	snop  }
0x90: {  	s2 =	sld [smem:$0x3FC9]  }
0x91: {  	s18 =	sld [smem:$0x3FC8]  }
0x92: {  	s4 =	sld [smem:$0x3FD0];
	(tm) =	ssettm $0x1  }
0x93: {  	s5 =	sld [smem:$0x3FFB];
	_ =	sdelay $0x3  }
0x94: {  	_ =	strace s5  }
0x95: {  	s5 =	sld [smem:$0x3FFC];
	_ =	sdelay $0x3  }
0x96: {  	_ =	strace s5  }
0x97: {  	s5 =	sld [smem:$0x3FFD];
	_ =	sdelay $0x3  }
0x98: {  	_ =	strace s5  }
0x99: {  	_ =	strace $0x8FFFFFFF  }
0x9a: {  	s19 =	sld [smem:$0x3FDB];
	_ =	sdelay $0x1  }
0x9b: {  	s6 =	simm.s32 $_scs_section_size  }
0x9c: {  	s7 =	simm.s32 $_size__tile_overlayer_lowered;
	s8 =	simm.s32 $_tile_overlayer_lowered  }
0x9d: {  	s22 =	simm.s32 $0x1BFF;
	s21 =	sshll.u32 s8, $0x1;
	s5 =	sadd.s32 s6, s19  }
0x9e: {  	s9 =	simm.s32 $0x0;
	s20 =	sshll.u32 s7, $0x1;
	s7 =	sadd.s32 s21, s5  }
0x9f: {  	[timem:s9], [sflag:s22] =	dma.local [hbm:s7], s20  }
0xa0: {  	_ =	swait.ge [sflag:s22], s20  }
0xa1: {  	s6 =	ssub.s32 $0x0, s20;
	[sflag:s22] =	ssyncset.done $0x0  }
0xa2: {  	[sflag:s22] =	ssyncadd.s32 s6;
	_ =	sdelay $0x1  }
0xa3: {  	s23 =	simm.s32 $0x1B8B  }
0xa4: {  	_ =	swait.ge [sflag:s23], $0x1  }
0xa5: {  	[sflag:s23] =	ssyncset.done $0x0  }
0xa6: {  	s25 =	simm.s32 $0x1B8E;
	s24 =	sld [smem:$0x3FFE];
	[sflag:s23] =	ssyncadd.s32 $0xFFFFFFFF  }
0xa7: {  	s26 =	simm.s32 $execute0_lowered;
	[smem:$0x3FD2] =	sst s25  }
0xa8: {  	s7 =	sshll.u32 s26, $0x1;
	_ =	strace $0x80000046;
	[dreg:$0x1] =	wrdreg $0xFFFFFFFF  }
0xa9: {  	s28 =	simm.s32 $_size_execute0_lowered;
	s5 =	sadd.s32 s5, s7;
	[dreg:$0x0] =	wrdreg $0x0  }
0xaa: {  	s7 =	sshll.u32 s28, $0x1;
	[dreg:$0x2] =	wrdreg s5  }
0xab: {  	[dreg:$0x3] =	wrdreg s7  }
0xac: {  	[dreg:$0x4] =	wrdreg $0xC0  }
0xad: {  	_ =	task [dreg:s9], $0x5FFFF  }
0xae: {  	[dreg:$0x1] =	wrdreg $0xFFFFFFFF  }
0xaf: {  	[dreg:$0x0] =	wrdreg $0x60  }
0xb0: {  	[dreg:$0x2] =	wrdreg s2  }
0xb1: {  	[dreg:$0x3] =	wrdreg s18  }
0xb2: {  	[dreg:$0x4] =	wrdreg s24  }
0xb3: {  	[dreg:$0x5] =	wrdreg s4  }
0xb4: {  	[dreg:$0x6] =	wrdreg $0x9  }
0xb5: {  	_ =	task.clear_ibuf [dreg:s9], $0x7FFFF;
	_ =	strace $0x90000046  }
0xb6: {  	s29 =	simm.s32 $0x9;
	_ =	strace $0x80000048  }
0xb7: {  	_ =	swait.ge [sflag:s29], $0x1  }
0xb8: {  	[sflag:s29] =	ssyncadd.s32 $0xFFFFFFFF  }
0xb9: {  	_ =	strace $0x90000048  }
0xba: {  	_ =	sfence  }
0xbb: {  	s30 =	sld [smem:$0x0];
	_ =	sdelay $0x2  }
0xbc: {  	s31 =	sshll.u32 s1, $0xD;
	s1 =	sshrl.u32 s1, $0x2  }
0xbd: {  	s3 =	sand.u32 $0x4000, s31;
	s1 =	sadd.s32 s1, s30  }
0xbe: {  	s0 =	sor.u32 s3, s0;
	s1 =	sshll.u32 s1, $0x11  }
0xbf: {  	s0 =	sor.u32 s1, s0  }
0xc0: {  	s0 =	sadd.s32 $0x8F2B, s0  }
0xc1: {  	[sflag:s0] =	ssyncadd.remote.s32 $0x1  }
0xc2: {  	_ =	sfence.sel $0xFFFF  }
0xc3: {  	[dreg:$0x0] =	wrdreg $0xFFFFFFFF;
	(pc) =	sbr.abs _section_cstart, $3  }
0xc4: {  	[dreg:$0x1] =	wrdreg $0xFFFFFFFF  }
0xc5: {  	_ =	task.clear_ibuf [dreg:s9], $0x2FFFF;
	_ =	strace $0x9FFFFFFF  }
0xc6: {  	(tm) =	ssettm $0x7FFFFFFF  }
0xc7: {  	_ =	shalt  }
tec
execute0_lowered:
.L_overlay_start_1:
0x0: {  	(tag) =	ssettag $0x1  }
0x1: {  	s0 =	rddreg [dreg:$0x0]  }
0x2: {  	s2 =	rddreg [dreg:$0x1]  }
0x3: {  	s4 =	rddreg [dreg:$0x2]  }
0x4: {  	s5 =	rddreg [dreg:$0x3];
	s1 =	simm.s32 $0x0;
	s6 =	srdreg.scid  }
0x5: {  	s8 =	stileid.u32;
	s25 =	simm.s32 $0x5;
	s31 =	simm.s32 $0xE000  }
0x6: {  	s10 =	simm.s32 $0xA800;
	s11 =	simm.s32 $0xB400;
	s12 =	simm.s32 $0xF400  }
0x7: {  	s13 =	simm.s32 $0xB800;
	s14 =	simm.s32 $0xF800;
	s15 =	simm.s32 $0xBC00  }
0x8: {  	s16 =	simm.s32 $0xFC00;
	s17 =	simm.s32 $0xC000;
	s18 =	simm.s32 $0x10000  }
0x9: {  	s19 =	simm.s32 $0x1;
	s20 =	simm.s32 $0x2;
	s21 =	simm.s32 $0x10600  }
0xa: {  	s22 =	simm.s32 $0x3;
	s23 =	simm.s32 $0x4;
	s26 =	simm.s32 $0x0  }
0xb: {  	[smem:$0x7FF] =	sst s1;
	s3 =	sadd.s32 $0x400, s4;
	s6 =	sand.u32 $0x1, s6  }
0xc: {  	v0 =	vlaneseq.u32;
	s8 =	sshll.u32 s8, $0x7;
	s4 =	sadd.s32 $0xF42800, s4;
	s7 =	ssub.s32 $0x2, s6  }
0xd: {  	v0 =	vmul.u32 $0x10, v0;
	_ =	strace $0x80000047;
	s6 =	sshll.u32 s6, $0x6;
	s9 =	sshrl.u32 s7, $0x1  }
0xe: {  	s6 =	sor.u32 s6, s8;
	s8 =	simm.s32 $0xB000;
	s7 =	ssub.s32 s7, s9  }
.Ltmp0:
0xf: {  	v1 =	vor.u32 $0x1, v0;
	v2 =	vor.u32 $0x2, v0;
	v3 =	vor.u32 $0x3, v0;
	s0 =	sadd.s32 s0, s6;
	s28 =	sadd.s32 s2, s6;
	(pc) =	sbr.rel .LBB2_1-.Ltmp0, $4  }
0x10: {  	v4 =	vor.u32 $0x4, v0;
	v5 =	vor.u32 $0x5, v0;
	v6 =	vor.u32 $0x6, v0;
	s29 =	sadd.s32 s5, s6;
	s2 =	simm.s32 $0xE400;
	[dreg:$0x5] =	wrdreg s0  }
0x11: {  	v7 =	vor.u32 $0x7, v0;
	v8 =	vor.u32 $0x8, v0;
	v9 =	vor.u32 $0x9, v0;
	s5 =	simm.s32 $0xE800;
	s6 =	simm.s32 $0xAC00;
	[dreg:$0x6] =	wrdreg s28  }
0x12: {  	v10 =	vor.u32 $0xA, v0;
	v11 =	vor.u32 $0xB, v0;
	v12 =	vor.u32 $0xC, v0;
	s9 =	simm.s32 $0xF000;
	[dreg:$0x7] =	wrdreg s29;
	s30 =	smax.u32 s7, $0x1  }
0x13: {  	v13 =	vor.u32 $0xD, v0;
	v14 =	vor.u32 $0xE, v0;
	v15 =	vor.u32 $0xF, v0;
	s0 =	simm.s32 $0xA400;
	s7 =	simm.s32 $0xEC00;
	[dreg:$0x8] =	wrdreg s30  }
.LBB2_5:
0x14: {  	s24 =	rddreg [dreg:$0x7];
	s25 =	simm.s32 $0x10400  }
0x15: {  	[hbm4b:s24+s1] =	stream.linear.scatter [tilespmem:s25], [sflag:$0x5], $0x200, $0x38;
	[tilespmem:$0x10700] =	vst v63  }
0x16: {  	s25 =	simm.s32 $0x5  }
0x17: {  	_ =	swait.ge [sflag:s25], $0x200  }
0x18: {  	s26 =	rddreg [dreg:$0x9]  }
0x19: {  	s30 =	rddreg [dreg:$0x8];
	s26 =	sadd.s32 $0x1, s26  }
0x1a: {  	p0 =	sne.s32 s26, s30  }
.Ltmp1:
0x1b: {  	_ = 	snop;
	(pc) =	sbr.rel @!p0 .LBB2_6-.Ltmp1, $3  }
0x1c: {  	_ =	sdelay $0x1  }
0x1d: {  	[sflag:s25] =	ssyncset.done $0x0  }
0x1e: {  	[sflag:s25] =	ssyncadd.s32 $0xFFFFFE00  }
.LBB2_1:
0x1f: {  	[dreg:$0x9] =	wrdreg s26  }
0x20: {  	s24 =	rddreg [dreg:$0x5]  }
0x21: {  	[tilespmem:s1], [sflag:$0x5] =	stream.linear.gather [hbm4b:s24+s1], $0x200, $0x38;
	[tilespmem:$0x10700] =	vst v63  }
0x22: {  	_ =	swait.ge [sflag:s25], $0x200  }
0x23: {  	[sflag:s25] =	ssyncset.done $0x0  }
0x24: {  	s30 =	simm.s32 $0x200;
	s29 =	rddreg [dreg:$0x6];
	[sflag:s25] =	ssyncadd.s32 $0xFFFFFE00  }
0x25: {  	[tilespmem:s30], [sflag:$0x5] =	stream.linear.gather [hbm4b:s29+s1], $0x200, $0x38;
	[tilespmem:$0x10700] =	vst v63  }
0x26: {  	_ =	swait.ge [sflag:s25], $0x200  }
0x27: {  	[sflag:s25] =	ssyncset.done $0x0  }
0x28: {  	[sflag:s25] =	ssyncadd.s32 $0xFFFFFE00  }
0x29: {  	v16 =	vld [tilespmem:$0x0];
	_ =	sdelay $0x1  }
0x2a: {  	v18 =	vld [tilespmem:$0x200];
	_ =	sdelay $0x2  }
0x2b: {  	v16 =	vshrl.u32 v16, $0x3  }
0x2c: {  	v17 =	vshll.u32 v16, $0x7  }
0x2d: {  	v16 =	vshrl.u32 v18, $0x3;
	(v2sf) =	vpush v17, $0x0  }
0x2e: {  	v16 =	vshll.u32 v16, $0x7  }
0x2f: {  	(v2sf) =	vpush v16, $0x0;
	_ =	sdelay $0x1  }
0x30: {  	(v2sf) =	vpush v17, $0x1;
	_ =	sdelay $0x4  }
0x31: {  	(v2sf) =	vpush v16, $0x1;
	_ =	sdelay $0x5  }
0x32: {  	s26 =	spop (v2sf);
	(v2sf) =	vpush v17, $0x2;
	_ =	sdelay $0x1  }
0x33: {  	s29 =	spop (v2sf);
	(v2sf) =	vpush v16, $0x2;
	_ =	sdelay $0x1  }
0x34: {  	s24 =	sand.u32 $0x1FFFFF80, s26;
	s26 =	spop (v2sf);
	(v2sf) =	vpush v17, $0x3;
	_ =	sdelay $0x2  }
0x35: {  	s28 =	simm.s32 $0x400;
	s24 =	sadd.s32 s3, s24  }
0x36: {  	[tilespmem:s28], [sflag:$0x1] =	stream.linear.gather [hbm4b:s24+s1], $0x400, $0x38;
	[tilespmem:$0x10700] =	vst v63  }
0x37: {  	s24 =	sand.u32 $0x1FFFFF80, s29;
	s29 =	spop (v2sf);
	(v2sf) =	vpush v16, $0x3  }
0x38: {  	s30 =	simm.s32 $0x4400;
	s24 =	sadd.s32 s4, s24  }
0x39: {  	[tilespmem:s30], [sflag:$0x2] =	stream.linear.gather [hbm4b:s24+s1], $0x400, $0x38;
	[tilespmem:$0x10700] =	vst v63  }
0x3a: {  	s24 =	sand.u32 $0x1FFFFF80, s26  }
0x3b: {  	s28 =	simm.s32 $0x800;
	s24 =	sadd.s32 s3, s24  }
0x3c: {  	[tilespmem:s28], [sflag:$0x1] =	stream.linear.gather [hbm4b:s24+s1], $0x400, $0x38;
	[tilespmem:$0x10700] =	vst v63  }
0x3d: {  	s26 =	spop (v2sf);
	(v2sf) =	vpush v17, $0x4  }
0x3e: {  	s24 =	sand.u32 $0x1FFFFF80, s29  }
0x3f: {  	s30 =	simm.s32 $0x4800;
	s24 =	sadd.s32 s4, s24;
	s29 =	spop (v2sf);
	(v2sf) =	vpush v16, $0x4  }
0x40: {  	[tilespmem:s30], [sflag:$0x2] =	stream.linear.gather [hbm4b:s24+s1], $0x400, $0x38;
	[tilespmem:$0x10700] =	vst v63  }
0x41: {  	s24 =	sand.u32 $0x1FFFFF80, s26;
	s26 =	spop (v2sf);
	(v2sf) =	vpush v17, $0x5;
	_ =	sdelay $0x2  }
0x42: {  	s28 =	simm.s32 $0xC00;
	s24 =	sadd.s32 s3, s24  }
0x43: {  	[tilespmem:s28], [sflag:$0x1] =	stream.linear.gather [hbm4b:s24+s1], $0x400, $0x38;
	[tilespmem:$0x10700] =	vst v63  }
0x44: {  	s24 =	sand.u32 $0x1FFFFF80, s29;
	s29 =	spop (v2sf);
	(v2sf) =	vpush v16, $0x5  }
0x45: {  	s30 =	simm.s32 $0x4C00;
	s24 =	sadd.s32 s4, s24  }
0x46: {  	[tilespmem:s30], [sflag:$0x2] =	stream.linear.gather [hbm4b:s24+s1], $0x400, $0x38;
	[tilespmem:$0x10700] =	vst v63  }
0x47: {  	s24 =	sand.u32 $0x1FFFFF80, s26  }
0x48: {  	s28 =	simm.s32 $0x1000;
	s24 =	sadd.s32 s3, s24  }
0x49: {  	[tilespmem:s28], [sflag:$0x1] =	stream.linear.gather [hbm4b:s24+s1], $0x400, $0x38;
	[tilespmem:$0x10700] =	vst v63  }
0x4a: {  	s26 =	spop (v2sf);
	(v2sf) =	vpush v17, $0x6  }
0x4b: {  	s24 =	sand.u32 $0x1FFFFF80, s29  }
0x4c: {  	s30 =	simm.s32 $0x5000;
	s24 =	sadd.s32 s4, s24;
	s29 =	spop (v2sf);
	(v2sf) =	vpush v16, $0x6  }
0x4d: {  	[tilespmem:s30], [sflag:$0x2] =	stream.linear.gather [hbm4b:s24+s1], $0x400, $0x38;
	[tilespmem:$0x10700] =	vst v63  }
0x4e: {  	s24 =	sand.u32 $0x1FFFFF80, s26;
	s26 =	spop (v2sf);
	(v2sf) =	vpush v17, $0x7;
	_ =	sdelay $0x2  }
0x4f: {  	s28 =	simm.s32 $0x1400;
	s24 =	sadd.s32 s3, s24  }
0x50: {  	[tilespmem:s28], [sflag:$0x1] =	stream.linear.gather [hbm4b:s24+s1], $0x400, $0x38;
	[tilespmem:$0x10700] =	vst v63  }
0x51: {  	s24 =	sand.u32 $0x1FFFFF80, s29;
	s29 =	spop (v2sf);
	(v2sf) =	vpush v16, $0x7  }
0x52: {  	s30 =	simm.s32 $0x5400;
	s24 =	sadd.s32 s4, s24  }
0x53: {  	[tilespmem:s30], [sflag:$0x2] =	stream.linear.gather [hbm4b:s24+s1], $0x400, $0x38;
	[tilespmem:$0x10700] =	vst v63  }
0x54: {  	s24 =	sand.u32 $0x1FFFFF80, s26  }
0x55: {  	s28 =	simm.s32 $0x1800;
	s24 =	sadd.s32 s3, s24  }
0x56: {  	[tilespmem:s28], [sflag:$0x1] =	stream.linear.gather [hbm4b:s24+s1], $0x400, $0x38;
	[tilespmem:$0x10700] =	vst v63  }
0x57: {  	s26 =	spop (v2sf);
	(v2sf) =	vpush v17, $0x8  }
0x58: {  	s24 =	sand.u32 $0x1FFFFF80, s29  }
0x59: {  	s30 =	simm.s32 $0x5800;
	s24 =	sadd.s32 s4, s24;
	s29 =	spop (v2sf);
	(v2sf) =	vpush v16, $0x8  }
0x5a: {  	[tilespmem:s30], [sflag:$0x2] =	stream.linear.gather [hbm4b:s24+s1], $0x400, $0x38;
	[tilespmem:$0x10700] =	vst v63  }
0x5b: {  	s24 =	sand.u32 $0x1FFFFF80, s26;
	s26 =	spop (v2sf);
	(v2sf) =	vpush v17, $0x9;
	_ =	sdelay $0x2  }
0x5c: {  	s28 =	simm.s32 $0x1C00;
	s24 =	sadd.s32 s3, s24  }
0x5d: {  	[tilespmem:s28], [sflag:$0x1] =	stream.linear.gather [hbm4b:s24+s1], $0x400, $0x38;
	[tilespmem:$0x10700] =	vst v63  }
0x5e: {  	s24 =	sand.u32 $0x1FFFFF80, s29;
	s29 =	spop (v2sf);
	(v2sf) =	vpush v16, $0x9  }
0x5f: {  	s30 =	simm.s32 $0x5C00;
	s24 =	sadd.s32 s4, s24  }
0x60: {  	[tilespmem:s30], [sflag:$0x2] =	stream.linear.gather [hbm4b:s24+s1], $0x400, $0x38;
	[tilespmem:$0x10700] =	vst v63  }
0x61: {  	s24 =	sand.u32 $0x1FFFFF80, s26  }
0x62: {  	s28 =	simm.s32 $0x2000;
	s24 =	sadd.s32 s3, s24  }
0x63: {  	[tilespmem:s28], [sflag:$0x1] =	stream.linear.gather [hbm4b:s24+s1], $0x400, $0x38;
	[tilespmem:$0x10700] =	vst v63  }
0x64: {  	s26 =	spop (v2sf);
	(v2sf) =	vpush v17, $0xA  }
0x65: {  	s24 =	sand.u32 $0x1FFFFF80, s29  }
0x66: {  	s30 =	simm.s32 $0x6000;
	s24 =	sadd.s32 s4, s24;
	s29 =	spop (v2sf);
	(v2sf) =	vpush v16, $0xA  }
0x67: {  	[tilespmem:s30], [sflag:$0x2] =	stream.linear.gather [hbm4b:s24+s1], $0x400, $0x38;
	[tilespmem:$0x10700] =	vst v63  }
0x68: {  	s24 =	sand.u32 $0x1FFFFF80, s26;
	s26 =	spop (v2sf);
	(v2sf) =	vpush v17, $0xB;
	_ =	sdelay $0x2  }
0x69: {  	s28 =	simm.s32 $0x2400;
	s24 =	sadd.s32 s3, s24  }
0x6a: {  	[tilespmem:s28], [sflag:$0x1] =	stream.linear.gather [hbm4b:s24+s1], $0x400, $0x38;
	[tilespmem:$0x10700] =	vst v63  }
0x6b: {  	s24 =	sand.u32 $0x1FFFFF80, s29;
	s29 =	spop (v2sf);
	(v2sf) =	vpush v16, $0xB  }
0x6c: {  	s30 =	simm.s32 $0x6400;
	s24 =	sadd.s32 s4, s24  }
0x6d: {  	[tilespmem:s30], [sflag:$0x2] =	stream.linear.gather [hbm4b:s24+s1], $0x400, $0x38;
	[tilespmem:$0x10700] =	vst v63  }
0x6e: {  	s24 =	sand.u32 $0x1FFFFF80, s26  }
0x6f: {  	s28 =	simm.s32 $0x2800;
	s24 =	sadd.s32 s3, s24  }
0x70: {  	[tilespmem:s28], [sflag:$0x1] =	stream.linear.gather [hbm4b:s24+s1], $0x400, $0x38;
	[tilespmem:$0x10700] =	vst v63  }
0x71: {  	s26 =	spop (v2sf);
	(v2sf) =	vpush v17, $0xC  }
0x72: {  	s24 =	sand.u32 $0x1FFFFF80, s29  }
0x73: {  	s30 =	simm.s32 $0x6800;
	s24 =	sadd.s32 s4, s24;
	s29 =	spop (v2sf);
	(v2sf) =	vpush v16, $0xC  }
0x74: {  	[tilespmem:s30], [sflag:$0x2] =	stream.linear.gather [hbm4b:s24+s1], $0x400, $0x38;
	[tilespmem:$0x10700] =	vst v63  }
0x75: {  	s24 =	sand.u32 $0x1FFFFF80, s26;
	s26 =	spop (v2sf);
	(v2sf) =	vpush v17, $0xD;
	_ =	sdelay $0x1  }
0x76: {  	s28 =	simm.s32 $0x2C00;
	s24 =	sadd.s32 s3, s24  }
0x77: {  	[tilespmem:s28], [sflag:$0x1] =	stream.linear.gather [hbm4b:s24+s1], $0x400, $0x38;
	[tilespmem:$0x10700] =	vst v63  }
0x78: {  	s24 =	sand.u32 $0x1FFFFF80, s29  }
0x79: {  	s30 =	simm.s32 $0x6C00;
	s29 =	spop (v2sf);
	s24 =	sadd.s32 s4, s24  }
0x7a: {  	(v2sf) =	vpush v16, $0xD;
	[tilespmem:s30], [sflag:$0x2] =	stream.linear.gather [hbm4b:s24+s1], $0x400, $0x38;
	[tilespmem:$0x10700] =	vst v63  }
0x7b: {  	s24 =	sand.u32 $0x1FFFFF80, s26  }
0x7c: {  	s28 =	simm.s32 $0x3000;
	s24 =	sadd.s32 s3, s24  }
0x7d: {  	[tilespmem:s28], [sflag:$0x1] =	stream.linear.gather [hbm4b:s24+s1], $0x400, $0x38;
	[tilespmem:$0x10700] =	vst v63  }
0x7e: {  	s24 =	sand.u32 $0x1FFFFF80, s29  }
0x7f: {  	s30 =	simm.s32 $0x7000;
	s24 =	sadd.s32 s4, s24;
	s26 =	spop (v2sf);
	(v2sf) =	vpush v17, $0xE  }
0x80: {  	[tilespmem:s30], [sflag:$0x2] =	stream.linear.gather [hbm4b:s24+s1], $0x400, $0x38;
	[tilespmem:$0x10700] =	vst v63  }
0x81: {  	s29 =	spop (v2sf);
	(v2sf) =	vpush v16, $0xE  }
0x82: {  	s24 =	sand.u32 $0x1FFFFF80, s26  }
0x83: {  	s28 =	simm.s32 $0x3400;
	s24 =	sadd.s32 s3, s24;
	s26 =	spop (v2sf)  }
0x84: {  	(v2sf) =	vpush v17, $0xF;
	[tilespmem:s28], [sflag:$0x1] =	stream.linear.gather [hbm4b:s24+s1], $0x400, $0x38;
	[tilespmem:$0x10700] =	vst v63  }
0x85: {  	s24 =	sand.u32 $0x1FFFFF80, s29  }
0x86: {  	s30 =	simm.s32 $0x7400;
	s24 =	sadd.s32 s4, s24  }
0x87: {  	[tilespmem:s30], [sflag:$0x2] =	stream.linear.gather [hbm4b:s24+s1], $0x400, $0x38;
	[tilespmem:$0x10700] =	vst v63  }
0x88: {  	s24 =	sand.u32 $0x1FFFFF80, s26  }
0x89: {  	s28 =	simm.s32 $0x3800;
	s29 =	spop (v2sf);
	(v2sf) =	vpush v16, $0xF;
	s24 =	sadd.s32 s3, s24  }
0x8a: {  	[tilespmem:s28], [sflag:$0x1] =	stream.linear.gather [hbm4b:s24+s1], $0x400, $0x38;
	[tilespmem:$0x10700] =	vst v63  }
0x8b: {  	s24 =	sand.u32 $0x1FFFFF80, s29  }
0x8c: {  	s30 =	simm.s32 $0x7800;
	s24 =	sadd.s32 s4, s24  }
0x8d: {  	[tilespmem:s30], [sflag:$0x2] =	stream.linear.gather [hbm4b:s24+s1], $0x400, $0x38;
	[tilespmem:$0x10700] =	vst v63  }
0x8e: {  	s26 =	spop (v2sf)  }
0x8f: {  	s24 =	sand.u32 $0x1FFFFF80, s26  }
0x90: {  	s28 =	simm.s32 $0x3C00;
	s29 =	spop (v2sf);
	s24 =	sadd.s32 s3, s24  }
0x91: {  	[tilespmem:s28], [sflag:$0x1] =	stream.linear.gather [hbm4b:s24+s1], $0x400, $0x38;
	[tilespmem:$0x10700] =	vst v63  }
0x92: {  	s24 =	sand.u32 $0x1FFFFF80, s29  }
0x93: {  	s30 =	simm.s32 $0x7C00;
	s26 =	spop (v2sf);
	s24 =	sadd.s32 s4, s24  }
0x94: {  	[tilespmem:s30], [sflag:$0x2] =	stream.linear.gather [hbm4b:s24+s1], $0x400, $0x38;
	[tilespmem:$0x10700] =	vst v63  }
0x95: {  	s24 =	sand.u32 $0x1FFFFF80, s26  }
0x96: {  	s28 =	simm.s32 $0x4000;
	s24 =	sadd.s32 s3, s24  }
0x97: {  	[tilespmem:s28], [sflag:$0x1] =	stream.linear.gather [hbm4b:s24+s1], $0x400, $0x38;
	[tilespmem:$0x10700] =	vst v63  }
.Ltmp2:
0x98: {  	s29 =	spop (v2sf);
	(pc) =	sbr.rel .LBB2_2-.Ltmp2, $4  }
0x99: {  	s24 =	sand.u32 $0x1FFFFF80, s29  }
0x9a: {  	s30 =	simm.s32 $0x8000;
	s24 =	sadd.s32 s4, s24  }
0x9b: {  	[tilespmem:s30], [sflag:$0x2] =	stream.linear.gather [hbm4b:s24+s1], $0x400, $0x38;
	[tilespmem:$0x10700] =	vst v63  }
0x9c: {  	s24 =	simm.s32 $0x0  }
.LBB2_4:
0x9d: {  	_ =	swait.ge [sflag:s22], $0x4000  }
0x9e: {  	[sflag:s22] =	ssyncset.done $0x0  }
0x9f: {  	[sflag:s22] =	ssyncadd.s32 $0xFFFFC000  }
0xa0: {  	_ =	swait.ge [sflag:s23], $0x4000  }
0xa1: {  	[sflag:s23] =	ssyncset.done $0x0  }
0xa2: {  	[sflag:s23] =	ssyncadd.s32 $0xFFFFC000  }
0xa3: {  	v16 =	vld [tilespmem:s25+$0x10];
	_ =	sdelay $0x1  }
0xa4: {  	v17 =	vld [tilespmem:s25+$0x210];
	_ =	sdelay $0x2  }
0xa5: {  	v16 =	vand.u32 $0x7, v16  }
0xa6: {  	v16 =	vshll.u32 v16, $0x7  }
0xa7: {  	v17 =	vand.u32 $0x7, v17;
	(v2sf) =	vpush v16, $0x1  }
0xa8: {  	v17 =	vshll.u32 v17, $0x7;
	(v2sf) =	vpush v16, $0x0  }
0xa9: {  	(v2sf) =	vpush v17, $0x1  }
0xaa: {  	(v2sf) =	vpush v17, $0x0;
	_ =	sdelay $0xb  }
0xab: {  	s26 =	spop (v2sf)  }
0xac: {  	s28 =	spop (v2sf)  }
0xad: {  	s29 =	spop (v2sf);
	v18 =	vld [tilespmem:s28+$0x8400]  }
0xae: {  	v20 =	vld [tilespmem:s28+$0x8410];
	s30 =	spop (v2sf)  }
0xaf: {  	v19 =	vld [tilespmem:s30+$0xC400]  }
0xb0: {  	v21 =	vld [tilespmem:s30+$0xC410]  }
0xb1: {  	v22 =	vld [tilespmem:s28+$0x8420]  }
0xb2: {  	v23 =	vld [tilespmem:s30+$0xC420]  }
0xb3: {  	v24 =	vld [tilespmem:s28+$0x8430]  }
0xb4: {  	v25 =	vld [tilespmem:s30+$0xC430]  }
0xb5: {  	v18 =	vmul.f32 v19, v18;
	v60 =	vmul.f32 v21, v20;
	_ =	sdelay $0x1  }
0xb6: {  	v61 =	vmul.f32 v23, v22;
	v18 =	vadd.f32 v60, v18;
	_ =	sdelay $0x1  }
0xb7: {  	v62 =	vmul.f32 v25, v24;
	v18 =	vadd.f32 v61, v18;
	_ =	sdelay $0x1  }
0xb8: {  	v18 =	vadd.f32 v62, v18;
	_ =	sdelay $0x1  }
0xb9: {  	(v2sf) =	vpush v16, $0x3;
	[tilespmem:v0+s21+$0x0] =	vst.idx.msk $0xffff, v18  }
0xba: {  	(v2sf) =	vpush v16, $0x2;
	v18 =	vld [tilespmem:s26+$0x8800]  }
0xbb: {  	(v2sf) =	vpush v17, $0x3;
	v63 =	vld [tilespmem:s29+$0xC800]  }
0xbc: {  	(v2sf) =	vpush v17, $0x2;
	v28 =	vld [tilespmem:s26+$0x8810]  }
0xbd: {  	v29 =	vld [tilespmem:s29+$0xC810]  }
0xbe: {  	v30 =	vld [tilespmem:s26+$0x8820]  }
0xbf: {  	v31 =	vld [tilespmem:s29+$0xC820]  }
0xc0: {  	v32 =	vld [tilespmem:s26+$0x8830]  }
0xc1: {  	v33 =	vld [tilespmem:s29+$0xC830]  }
0xc2: {  	v18 =	vmul.f32 v63, v18;
	v34 =	vmul.f32 v29, v28;
	_ =	sdelay $0x1  }
0xc3: {  	v35 =	vmul.f32 v31, v30;
	v18 =	vadd.f32 v34, v18;
	_ =	sdelay $0x1  }
0xc4: {  	v36 =	vmul.f32 v33, v32;
	v18 =	vadd.f32 v35, v18;
	_ =	sdelay $0x1  }
0xc5: {  	s26 =	spop (v2sf);
	v18 =	vadd.f32 v36, v18  }
0xc6: {  	s28 =	spop (v2sf)  }
0xc7: {  	s29 =	spop (v2sf);
	[tilespmem:v1+s21+$0x0] =	vst.idx.msk $0xffff, v18  }
0xc8: {  	s30 =	spop (v2sf);
	v18 =	vld [tilespmem:s28+$0x8C00]  }
0xc9: {  	v37 =	vld [tilespmem:s30+$0xCC00]  }
0xca: {  	v38 =	vld [tilespmem:s28+$0x8C10]  }
0xcb: {  	v39 =	vld [tilespmem:s30+$0xCC10]  }
0xcc: {  	v40 =	vld [tilespmem:s28+$0x8C20]  }
0xcd: {  	v41 =	vld [tilespmem:s30+$0xCC20]  }
0xce: {  	v42 =	vld [tilespmem:s28+$0x8C30]  }
0xcf: {  	v43 =	vld [tilespmem:s30+$0xCC30]  }
0xd0: {  	v18 =	vmul.f32 v37, v18;
	v44 =	vmul.f32 v39, v38;
	_ =	sdelay $0x1  }
0xd1: {  	v45 =	vmul.f32 v41, v40;
	v18 =	vadd.f32 v44, v18;
	_ =	sdelay $0x1  }
0xd2: {  	v46 =	vmul.f32 v43, v42;
	v18 =	vadd.f32 v45, v18;
	_ =	sdelay $0x1  }
0xd3: {  	v18 =	vadd.f32 v46, v18;
	_ =	sdelay $0x1  }
0xd4: {  	(v2sf) =	vpush v16, $0x5;
	[tilespmem:v2+s21+$0x0] =	vst.idx.msk $0xffff, v18  }
0xd5: {  	(v2sf) =	vpush v16, $0x4;
	v18 =	vld [tilespmem:s26+$0x9000]  }
0xd6: {  	(v2sf) =	vpush v17, $0x5;
	v47 =	vld [tilespmem:s29+$0xD000]  }
0xd7: {  	(v2sf) =	vpush v17, $0x4;
	v48 =	vld [tilespmem:s26+$0x9010]  }
0xd8: {  	v49 =	vld [tilespmem:s29+$0xD010]  }
0xd9: {  	v50 =	vld [tilespmem:s26+$0x9020]  }
0xda: {  	v51 =	vld [tilespmem:s29+$0xD020]  }
0xdb: {  	v52 =	vld [tilespmem:s26+$0x9030]  }
0xdc: {  	v53 =	vld [tilespmem:s29+$0xD030]  }
0xdd: {  	v18 =	vmul.f32 v47, v18;
	v54 =	vmul.f32 v49, v48;
	_ =	sdelay $0x1  }
0xde: {  	v55 =	vmul.f32 v51, v50;
	v18 =	vadd.f32 v54, v18;
	_ =	sdelay $0x1  }
0xdf: {  	v56 =	vmul.f32 v53, v52;
	v18 =	vadd.f32 v55, v18;
	_ =	sdelay $0x1  }
0xe0: {  	s26 =	spop (v2sf);
	v18 =	vadd.f32 v56, v18  }
0xe1: {  	s28 =	spop (v2sf)  }
0xe2: {  	s29 =	spop (v2sf);
	[tilespmem:v3+s21+$0x0] =	vst.idx.msk $0xffff, v18  }
0xe3: {  	s30 =	spop (v2sf);
	v18 =	vld [tilespmem:s28+$0x9400]  }
0xe4: {  	v57 =	vld [tilespmem:s30+$0xD400]  }
0xe5: {  	v58 =	vld [tilespmem:s28+$0x9410]  }
0xe6: {  	v59 =	vld [tilespmem:s30+$0xD410]  }
0xe7: {  	v60 =	vld [tilespmem:s28+$0x9420]  }
0xe8: {  	v61 =	vld [tilespmem:s30+$0xD420]  }
0xe9: {  	v62 =	vld [tilespmem:s28+$0x9430]  }
0xea: {  	v63 =	vld [tilespmem:s30+$0xD430]  }
0xeb: {  	v18 =	vmul.f32 v57, v18;
	v26 =	vmul.f32 v59, v58;
	_ =	sdelay $0x1  }
0xec: {  	v27 =	vmul.f32 v61, v60;
	v18 =	vadd.f32 v26, v18;
	_ =	sdelay $0x1  }
0xed: {  	v28 =	vmul.f32 v63, v62;
	v18 =	vadd.f32 v27, v18;
	_ =	sdelay $0x1  }
0xee: {  	v18 =	vadd.f32 v28, v18;
	_ =	sdelay $0x1  }
0xef: {  	(v2sf) =	vpush v16, $0x7;
	[tilespmem:v4+s21+$0x0] =	vst.idx.msk $0xffff, v18  }
0xf0: {  	(v2sf) =	vpush v16, $0x6;
	v18 =	vld [tilespmem:s26+$0x9800]  }
0xf1: {  	(v2sf) =	vpush v17, $0x7;
	v29 =	vld [tilespmem:s29+$0xD800]  }
0xf2: {  	(v2sf) =	vpush v17, $0x6;
	v30 =	vld [tilespmem:s26+$0x9810]  }
0xf3: {  	v31 =	vld [tilespmem:s29+$0xD810]  }
0xf4: {  	v32 =	vld [tilespmem:s26+$0x9820]  }
0xf5: {  	v33 =	vld [tilespmem:s29+$0xD820]  }
0xf6: {  	v34 =	vld [tilespmem:s26+$0x9830]  }
0xf7: {  	v35 =	vld [tilespmem:s29+$0xD830]  }
0xf8: {  	v18 =	vmul.f32 v29, v18;
	v36 =	vmul.f32 v31, v30;
	_ =	sdelay $0x1  }
0xf9: {  	v37 =	vmul.f32 v33, v32;
	v18 =	vadd.f32 v36, v18;
	_ =	sdelay $0x1  }
0xfa: {  	v38 =	vmul.f32 v35, v34;
	v18 =	vadd.f32 v37, v18;
	_ =	sdelay $0x1  }
0xfb: {  	s26 =	spop (v2sf);
	v18 =	vadd.f32 v38, v18  }
0xfc: {  	s28 =	spop (v2sf)  }
0xfd: {  	s29 =	spop (v2sf);
	[tilespmem:v5+s21+$0x0] =	vst.idx.msk $0xffff, v18  }
0xfe: {  	s30 =	spop (v2sf);
	v18 =	vld [tilespmem:s28+$0x9C00]  }
0xff: {  	v39 =	vld [tilespmem:s30+$0xDC00]  }
0x100: {  	v40 =	vld [tilespmem:s28+$0x9C10]  }
0x101: {  	v41 =	vld [tilespmem:s30+$0xDC10]  }
0x102: {  	v42 =	vld [tilespmem:s28+$0x9C20]  }
0x103: {  	v43 =	vld [tilespmem:s30+$0xDC20]  }
0x104: {  	v44 =	vld [tilespmem:s28+$0x9C30]  }
0x105: {  	v45 =	vld [tilespmem:s30+$0xDC30]  }
0x106: {  	v18 =	vmul.f32 v39, v18;
	v46 =	vmul.f32 v41, v40;
	_ =	sdelay $0x1  }
0x107: {  	v47 =	vmul.f32 v43, v42;
	v18 =	vadd.f32 v46, v18;
	_ =	sdelay $0x1  }
0x108: {  	v48 =	vmul.f32 v45, v44;
	v18 =	vadd.f32 v47, v18;
	_ =	sdelay $0x1  }
0x109: {  	v18 =	vadd.f32 v48, v18;
	_ =	sdelay $0x1  }
0x10a: {  	(v2sf) =	vpush v16, $0x9;
	[tilespmem:v6+s21+$0x0] =	vst.idx.msk $0xffff, v18  }
0x10b: {  	(v2sf) =	vpush v16, $0x8;
	v18 =	vld [tilespmem:s26+$0xA000]  }
0x10c: {  	(v2sf) =	vpush v17, $0x9;
	v49 =	vld [tilespmem:s29+$0xE000]  }
0x10d: {  	(v2sf) =	vpush v17, $0x8;
	v50 =	vld [tilespmem:s26+$0xA010]  }
0x10e: {  	v51 =	vld [tilespmem:s29+$0xE010]  }
0x10f: {  	v52 =	vld [tilespmem:s26+$0xA020]  }
0x110: {  	v53 =	vld [tilespmem:s29+$0xE020]  }
0x111: {  	v54 =	vld [tilespmem:s26+$0xA030]  }
0x112: {  	v55 =	vld [tilespmem:s29+$0xE030]  }
0x113: {  	v18 =	vmul.f32 v49, v18;
	v56 =	vmul.f32 v51, v50;
	_ =	sdelay $0x1  }
0x114: {  	v57 =	vmul.f32 v53, v52;
	v18 =	vadd.f32 v56, v18;
	_ =	sdelay $0x1  }
0x115: {  	v58 =	vmul.f32 v55, v54;
	v18 =	vadd.f32 v57, v18;
	_ =	sdelay $0x1  }
0x116: {  	s26 =	spop (v2sf);
	v18 =	vadd.f32 v58, v18  }
0x117: {  	s28 =	spop (v2sf)  }
0x118: {  	s29 =	spop (v2sf);
	[tilespmem:v7+s21+$0x0] =	vst.idx.msk $0xffff, v18  }
0x119: {  	s30 =	spop (v2sf);
	v18 =	vld [tilespmem:s28+$0xA400]  }
0x11a: {  	v59 =	vld [tilespmem:s30+$0xE400]  }
0x11b: {  	v60 =	vld [tilespmem:s28+$0xA410]  }
0x11c: {  	v61 =	vld [tilespmem:s30+$0xE410]  }
0x11d: {  	v62 =	vld [tilespmem:s28+$0xA420]  }
0x11e: {  	v63 =	vld [tilespmem:s30+$0xE420]  }
0x11f: {  	v28 =	vld [tilespmem:s28+$0xA430]  }
0x120: {  	v29 =	vld [tilespmem:s30+$0xE430]  }
0x121: {  	v18 =	vmul.f32 v59, v18;
	v30 =	vmul.f32 v61, v60;
	_ =	sdelay $0x1  }
0x122: {  	v31 =	vmul.f32 v63, v62;
	v18 =	vadd.f32 v30, v18;
	_ =	sdelay $0x1  }
0x123: {  	v32 =	vmul.f32 v29, v28;
	v18 =	vadd.f32 v31, v18;
	_ =	sdelay $0x1  }
0x124: {  	v18 =	vadd.f32 v32, v18;
	_ =	sdelay $0x1  }
0x125: {  	(v2sf) =	vpush v16, $0xB;
	[tilespmem:v8+s21+$0x0] =	vst.idx.msk $0xffff, v18  }
0x126: {  	(v2sf) =	vpush v16, $0xA;
	v18 =	vld [tilespmem:s26+$0xA800]  }
0x127: {  	(v2sf) =	vpush v17, $0xB;
	v33 =	vld [tilespmem:s29+$0xE800]  }
0x128: {  	(v2sf) =	vpush v17, $0xA;
	v34 =	vld [tilespmem:s26+$0xA810]  }
0x129: {  	v35 =	vld [tilespmem:s29+$0xE810]  }
0x12a: {  	v36 =	vld [tilespmem:s26+$0xA820]  }
0x12b: {  	v37 =	vld [tilespmem:s29+$0xE820]  }
0x12c: {  	v38 =	vld [tilespmem:s26+$0xA830]  }
0x12d: {  	v39 =	vld [tilespmem:s29+$0xE830]  }
0x12e: {  	v18 =	vmul.f32 v33, v18;
	v40 =	vmul.f32 v35, v34;
	_ =	sdelay $0x1  }
0x12f: {  	v41 =	vmul.f32 v37, v36;
	v18 =	vadd.f32 v40, v18;
	_ =	sdelay $0x1  }
0x130: {  	v42 =	vmul.f32 v39, v38;
	v18 =	vadd.f32 v41, v18;
	_ =	sdelay $0x1  }
0x131: {  	s26 =	spop (v2sf);
	v18 =	vadd.f32 v42, v18  }
0x132: {  	s28 =	spop (v2sf)  }
0x133: {  	s29 =	spop (v2sf);
	[tilespmem:v9+s21+$0x0] =	vst.idx.msk $0xffff, v18  }
0x134: {  	s30 =	spop (v2sf);
	v18 =	vld [tilespmem:s28+$0xAC00]  }
0x135: {  	v43 =	vld [tilespmem:s30+$0xEC00]  }
0x136: {  	v44 =	vld [tilespmem:s28+$0xAC10]  }
0x137: {  	v45 =	vld [tilespmem:s30+$0xEC10]  }
0x138: {  	v46 =	vld [tilespmem:s28+$0xAC20]  }
0x139: {  	v47 =	vld [tilespmem:s30+$0xEC20]  }
0x13a: {  	v48 =	vld [tilespmem:s28+$0xAC30]  }
0x13b: {  	v49 =	vld [tilespmem:s30+$0xEC30]  }
0x13c: {  	v18 =	vmul.f32 v43, v18;
	v50 =	vmul.f32 v45, v44;
	_ =	sdelay $0x1  }
0x13d: {  	v51 =	vmul.f32 v47, v46;
	v18 =	vadd.f32 v50, v18;
	_ =	sdelay $0x1  }
0x13e: {  	v52 =	vmul.f32 v49, v48;
	v18 =	vadd.f32 v51, v18;
	_ =	sdelay $0x1  }
0x13f: {  	v18 =	vadd.f32 v52, v18;
	_ =	sdelay $0x1  }
0x140: {  	(v2sf) =	vpush v16, $0xD;
	[tilespmem:v10+s21+$0x0] =	vst.idx.msk $0xffff, v18  }
0x141: {  	(v2sf) =	vpush v16, $0xC;
	v18 =	vld [tilespmem:s26+$0xB000]  }
0x142: {  	(v2sf) =	vpush v17, $0xD;
	v53 =	vld [tilespmem:s29+$0xF000]  }
0x143: {  	(v2sf) =	vpush v17, $0xC;
	v54 =	vld [tilespmem:s26+$0xB010]  }
0x144: {  	v55 =	vld [tilespmem:s29+$0xF010]  }
0x145: {  	v56 =	vld [tilespmem:s26+$0xB020]  }
0x146: {  	v57 =	vld [tilespmem:s29+$0xF020]  }
0x147: {  	v58 =	vld [tilespmem:s26+$0xB030]  }
0x148: {  	v59 =	vld [tilespmem:s29+$0xF030]  }
0x149: {  	v18 =	vmul.f32 v53, v18;
	v60 =	vmul.f32 v55, v54;
	_ =	sdelay $0x1  }
0x14a: {  	v61 =	vmul.f32 v57, v56;
	v18 =	vadd.f32 v60, v18;
	_ =	sdelay $0x1  }
0x14b: {  	v62 =	vmul.f32 v59, v58;
	v18 =	vadd.f32 v61, v18;
	_ =	sdelay $0x1  }
0x14c: {  	s26 =	spop (v2sf);
	v18 =	vadd.f32 v62, v18  }
0x14d: {  	s28 =	spop (v2sf)  }
0x14e: {  	s29 =	spop (v2sf);
	[tilespmem:v11+s21+$0x0] =	vst.idx.msk $0xffff, v18  }
0x14f: {  	s30 =	spop (v2sf);
	v18 =	vld [tilespmem:s28+$0xB400]  }
0x150: {  	v63 =	vld [tilespmem:s30+$0xF400]  }
0x151: {  	v28 =	vld [tilespmem:s28+$0xB410]  }
0x152: {  	v29 =	vld [tilespmem:s30+$0xF410]  }
0x153: {  	v30 =	vld [tilespmem:s28+$0xB420]  }
0x154: {  	v31 =	vld [tilespmem:s30+$0xF420]  }
0x155: {  	v32 =	vld [tilespmem:s28+$0xB430]  }
0x156: {  	v33 =	vld [tilespmem:s30+$0xF430]  }
0x157: {  	v18 =	vmul.f32 v63, v18;
	v34 =	vmul.f32 v29, v28;
	_ =	sdelay $0x1  }
0x158: {  	v35 =	vmul.f32 v31, v30;
	v18 =	vadd.f32 v34, v18;
	_ =	sdelay $0x1  }
0x159: {  	v36 =	vmul.f32 v33, v32;
	v18 =	vadd.f32 v35, v18;
	_ =	sdelay $0x1  }
0x15a: {  	v18 =	vadd.f32 v36, v18;
	_ =	sdelay $0x1  }
0x15b: {  	(v2sf) =	vpush v16, $0xF;
	[tilespmem:v12+s21+$0x0] =	vst.idx.msk $0xffff, v18  }
0x15c: {  	(v2sf) =	vpush v16, $0xE;
	v18 =	vld [tilespmem:s26+$0xB800]  }
0x15d: {  	(v2sf) =	vpush v17, $0xF;
	v16 =	vld [tilespmem:s29+$0xF800]  }
0x15e: {  	(v2sf) =	vpush v17, $0xE;
	v37 =	vld [tilespmem:s26+$0xB810]  }
0x15f: {  	v17 =	vld [tilespmem:s29+$0xF810]  }
0x160: {  	v38 =	vld [tilespmem:s26+$0xB820]  }
0x161: {  	v39 =	vld [tilespmem:s29+$0xF820]  }
0x162: {  	v40 =	vld [tilespmem:s26+$0xB830]  }
0x163: {  	v41 =	vld [tilespmem:s29+$0xF830]  }
0x164: {  	v16 =	vmul.f32 v16, v18;
	v17 =	vmul.f32 v17, v37;
	_ =	sdelay $0x1  }
0x165: {  	v16 =	vadd.f32 v17, v16;
	v17 =	vmul.f32 v39, v38;
	_ =	sdelay $0x1  }
0x166: {  	v16 =	vadd.f32 v17, v16;
	v17 =	vmul.f32 v41, v40;
	_ =	sdelay $0x1  }
0x167: {  	s26 =	spop (v2sf);
	v16 =	vadd.f32 v17, v16  }
0x168: {  	s28 =	spop (v2sf)  }
0x169: {  	s29 =	spop (v2sf);
	[tilespmem:v13+s21+$0x0] =	vst.idx.msk $0xffff, v16  }
0x16a: {  	s30 =	spop (v2sf);
	v16 =	vld [tilespmem:s28+$0xBC00]  }
0x16b: {  	v17 =	vld [tilespmem:s30+$0xFC00]  }
0x16c: {  	v42 =	vld [tilespmem:s28+$0xBC10]  }
0x16d: {  	v43 =	vld [tilespmem:s30+$0xFC10]  }
0x16e: {  	v44 =	vld [tilespmem:s28+$0xBC20]  }
0x16f: {  	v45 =	vld [tilespmem:s30+$0xFC20]  }
0x170: {  	v46 =	vld [tilespmem:s28+$0xBC30]  }
0x171: {  	v47 =	vld [tilespmem:s30+$0xFC30]  }
0x172: {  	v16 =	vmul.f32 v17, v16;
	v17 =	vmul.f32 v43, v42;
	_ =	sdelay $0x1  }
0x173: {  	v16 =	vadd.f32 v17, v16;
	v17 =	vmul.f32 v45, v44;
	_ =	sdelay $0x1  }
0x174: {  	v16 =	vadd.f32 v17, v16;
	v17 =	vmul.f32 v47, v46;
	_ =	sdelay $0x1  }
0x175: {  	v16 =	vadd.f32 v17, v16;
	_ =	sdelay $0x1  }
0x176: {  	[tilespmem:v14+s21+$0x0] =	vst.idx.msk $0xffff, v16  }
0x177: {  	v16 =	vld [tilespmem:s26+$0xC000]  }
0x178: {  	v17 =	vld [tilespmem:s29+$0x10000]  }
0x179: {  	v48 =	vld [tilespmem:s26+$0xC010]  }
0x17a: {  	v49 =	vld [tilespmem:s29+$0x10010]  }
0x17b: {  	v50 =	vld [tilespmem:s26+$0xC020]  }
0x17c: {  	v51 =	vld [tilespmem:s29+$0x10020]  }
0x17d: {  	v52 =	vld [tilespmem:s26+$0xC030]  }
0x17e: {  	v53 =	vld [tilespmem:s29+$0x10030]  }
0x17f: {  	v16 =	vmul.f32 v17, v16;
	v17 =	vmul.f32 v49, v48;
	_ =	sdelay $0x1  }
0x180: {  	v16 =	vadd.f32 v17, v16;
	v17 =	vmul.f32 v51, v50;
	_ =	sdelay $0x1  }
0x181: {  	v16 =	vadd.f32 v17, v16;
	v17 =	vmul.f32 v53, v52;
	_ =	sdelay $0x1  }
0x182: {  	v16 =	vadd.f32 v17, v16;
	_ =	sdelay $0x1  }
0x183: {  	[tilespmem:v15+s21+$0x0] =	vst.idx.msk $0xffff, v16  }
0x184: {  	v16 =	vld [tilespmem:$0x10600]  }
0x185: {  	v17 =	vld [tilespmem:$0x10610];
	_ =	sdelay $0x1  }
0x186: {  	v54 =	vld [tilespmem:$0x10620];
	_ =	sdelay $0x1  }
0x187: {  	v55 =	vld [tilespmem:$0x10630]  }
0x188: {  	v16 =	vadd.f32 v17, v16  }
0x189: {  	v17 =	vld [tilespmem:$0x10640]  }
0x18a: {  	v16 =	vadd.f32 v54, v16  }
0x18b: {  	v56 =	vld [tilespmem:$0x10650]  }
0x18c: {  	v16 =	vadd.f32 v55, v16  }
0x18d: {  	v57 =	vld [tilespmem:$0x10660]  }
0x18e: {  	v16 =	vadd.f32 v17, v16  }
0x18f: {  	v17 =	vld [tilespmem:$0x10670]  }
0x190: {  	v16 =	vadd.f32 v56, v16  }
0x191: {  	v58 =	vld [tilespmem:$0x10680]  }
0x192: {  	v16 =	vadd.f32 v57, v16  }
0x193: {  	v59 =	vld [tilespmem:$0x10690]  }
0x194: {  	v16 =	vadd.f32 v17, v16  }
0x195: {  	v17 =	vld [tilespmem:$0x106A0]  }
0x196: {  	v16 =	vadd.f32 v58, v16  }
0x197: {  	v60 =	vld [tilespmem:$0x106B0]  }
0x198: {  	v16 =	vadd.f32 v59, v16  }
0x199: {  	v61 =	vld [tilespmem:$0x106C0]  }
0x19a: {  	v16 =	vadd.f32 v17, v16  }
0x19b: {  	v17 =	vld [tilespmem:$0x106D0]  }
0x19c: {  	v16 =	vadd.f32 v60, v16  }
0x19d: {  	v62 =	vld [tilespmem:$0x106E0]  }
0x19e: {  	v16 =	vadd.f32 v61, v16  }
0x19f: {  	v63 =	vld [tilespmem:$0x106F0]  }
0x1a0: {  	s24 =	sadd.s32 $0x80, s24;
	v16 =	vadd.f32 v17, v16  }
0x1a1: {  	p0 =	sne.s32 s24, $0x800  }
.Ltmp3:
0x1a2: {  	v16 =	vadd.f32 v62, v16;
	(pc) =	sbr.rel @!p0 .LBB2_5-.Ltmp3, $3  }
0x1a3: {  	_ = 	snop  }
0x1a4: {  	v16 =	vadd.f32 v63, v16;
	_ =	sdelay $0x1  }
0x1a5: {  	[tilespmem:s25+$0x10410] =	vst v16  }
.LBB2_2:
0x1a6: {  	s25 =	sshra.s32 s24, $0x2  }
0x1a7: {  	v16 =	vld [tilespmem:s25+$0x10];
	_ =	sdelay $0x1  }
0x1a8: {  	v18 =	vld [tilespmem:s25+$0x210];
	_ =	sdelay $0x2  }
0x1a9: {  	v16 =	vshrl.u32 v16, $0x3  }
0x1aa: {  	v17 =	vshll.u32 v16, $0x7  }
0x1ab: {  	v16 =	vshrl.u32 v18, $0x3;
	(v2sf) =	vpush v17, $0x0  }
0x1ac: {  	v16 =	vshll.u32 v16, $0x7  }
0x1ad: {  	(v2sf) =	vpush v16, $0x0;
	_ =	sdelay $0x2  }
0x1ae: {  	(v2sf) =	vpush v17, $0x1;
	_ =	sdelay $0x2  }
0x1af: {  	(v2sf) =	vpush v16, $0x1;
	_ =	sdelay $0x6  }
0x1b0: {  	s26 =	spop (v2sf);
	(v2sf) =	vpush v17, $0x2;
	_ =	sdelay $0x1  }
0x1b1: {  	s26 =	sand.u32 $0x1FFFFF80, s26;
	s29 =	spop (v2sf);
	(v2sf) =	vpush v16, $0x2  }
0x1b2: {  	s28 =	simm.s32 $0x8400;
	s26 =	sadd.s32 s3, s26  }
0x1b3: {  	[tilespmem:s28], [sflag:$0x3] =	stream.linear.gather [hbm4b:s26+s1], $0x400, $0x38;
	[tilespmem:$0x10700] =	vst v63  }
0x1b4: {  	s26 =	sand.u32 $0x1FFFFF80, s29;
	s29 =	spop (v2sf);
	(v2sf) =	vpush v17, $0x3  }
0x1b5: {  	s30 =	simm.s32 $0xC400;
	s26 =	sadd.s32 s4, s26  }
0x1b6: {  	[tilespmem:s30], [sflag:$0x4] =	stream.linear.gather [hbm4b:s26+s1], $0x400, $0x38;
	[tilespmem:$0x10700] =	vst v63  }
0x1b7: {  	s26 =	sand.u32 $0x1FFFFF80, s29;
	s29 =	spop (v2sf);
	(v2sf) =	vpush v16, $0x3;
	_ =	sdelay $0x3  }
0x1b8: {  	s30 =	simm.s32 $0x8800;
	s26 =	sadd.s32 s3, s26  }
0x1b9: {  	[tilespmem:s30], [sflag:$0x3] =	stream.linear.gather [hbm4b:s26+s1], $0x400, $0x38;
	[tilespmem:$0x10700] =	vst v63  }
0x1ba: {  	s26 =	sand.u32 $0x1FFFFF80, s29  }
0x1bb: {  	s30 =	simm.s32 $0xC800;
	s26 =	sadd.s32 s4, s26;
	s29 =	spop (v2sf);
	(v2sf) =	vpush v17, $0x4  }
0x1bc: {  	[tilespmem:s30], [sflag:$0x4] =	stream.linear.gather [hbm4b:s26+s1], $0x400, $0x38;
	[tilespmem:$0x10700] =	vst v63  }
0x1bd: {  	s26 =	sand.u32 $0x1FFFFF80, s29;
	s29 =	spop (v2sf);
	(v2sf) =	vpush v16, $0x4  }
0x1be: {  	s30 =	simm.s32 $0x8C00;
	s26 =	sadd.s32 s3, s26  }
0x1bf: {  	[tilespmem:s30], [sflag:$0x3] =	stream.linear.gather [hbm4b:s26+s1], $0x400, $0x38;
	[tilespmem:$0x10700] =	vst v63  }
0x1c0: {  	s26 =	sand.u32 $0x1FFFFF80, s29;
	s29 =	spop (v2sf);
	(v2sf) =	vpush v17, $0x5  }
0x1c1: {  	s30 =	simm.s32 $0xCC00;
	s26 =	sadd.s32 s4, s26  }
0x1c2: {  	[tilespmem:s30], [sflag:$0x4] =	stream.linear.gather [hbm4b:s26+s1], $0x400, $0x38;
	[tilespmem:$0x10700] =	vst v63  }
0x1c3: {  	s26 =	sand.u32 $0x1FFFFF80, s29;
	s29 =	spop (v2sf);
	(v2sf) =	vpush v16, $0x5;
	_ =	sdelay $0x3  }
0x1c4: {  	s30 =	simm.s32 $0x9000;
	s26 =	sadd.s32 s3, s26  }
0x1c5: {  	[tilespmem:s30], [sflag:$0x3] =	stream.linear.gather [hbm4b:s26+s1], $0x400, $0x38;
	[tilespmem:$0x10700] =	vst v63  }
0x1c6: {  	s26 =	sand.u32 $0x1FFFFF80, s29  }
0x1c7: {  	s30 =	simm.s32 $0xD000;
	s26 =	sadd.s32 s4, s26;
	s29 =	spop (v2sf);
	(v2sf) =	vpush v17, $0x6  }
0x1c8: {  	[tilespmem:s30], [sflag:$0x4] =	stream.linear.gather [hbm4b:s26+s1], $0x400, $0x38;
	[tilespmem:$0x10700] =	vst v63  }
0x1c9: {  	s26 =	sand.u32 $0x1FFFFF80, s29;
	s29 =	spop (v2sf);
	(v2sf) =	vpush v16, $0x6  }
0x1ca: {  	s30 =	simm.s32 $0x9400;
	s26 =	sadd.s32 s3, s26  }
0x1cb: {  	[tilespmem:s30], [sflag:$0x3] =	stream.linear.gather [hbm4b:s26+s1], $0x400, $0x38;
	[tilespmem:$0x10700] =	vst v63  }
0x1cc: {  	s26 =	sand.u32 $0x1FFFFF80, s29;
	s29 =	spop (v2sf);
	(v2sf) =	vpush v17, $0x7  }
0x1cd: {  	s30 =	simm.s32 $0xD400;
	s26 =	sadd.s32 s4, s26  }
0x1ce: {  	[tilespmem:s30], [sflag:$0x4] =	stream.linear.gather [hbm4b:s26+s1], $0x400, $0x38;
	[tilespmem:$0x10700] =	vst v63  }
0x1cf: {  	s26 =	sand.u32 $0x1FFFFF80, s29;
	s29 =	spop (v2sf);
	(v2sf) =	vpush v16, $0x7;
	_ =	sdelay $0x3  }
0x1d0: {  	s30 =	simm.s32 $0x9800;
	s26 =	sadd.s32 s3, s26  }
0x1d1: {  	[tilespmem:s30], [sflag:$0x3] =	stream.linear.gather [hbm4b:s26+s1], $0x400, $0x38;
	[tilespmem:$0x10700] =	vst v63  }
0x1d2: {  	s26 =	sand.u32 $0x1FFFFF80, s29  }
0x1d3: {  	s30 =	simm.s32 $0xD800;
	s26 =	sadd.s32 s4, s26;
	s29 =	spop (v2sf);
	(v2sf) =	vpush v17, $0x8  }
0x1d4: {  	[tilespmem:s30], [sflag:$0x4] =	stream.linear.gather [hbm4b:s26+s1], $0x400, $0x38;
	[tilespmem:$0x10700] =	vst v63  }
0x1d5: {  	s26 =	sand.u32 $0x1FFFFF80, s29;
	s29 =	spop (v2sf);
	(v2sf) =	vpush v16, $0x8  }
0x1d6: {  	s30 =	simm.s32 $0x9C00;
	s26 =	sadd.s32 s3, s26  }
0x1d7: {  	[tilespmem:s30], [sflag:$0x3] =	stream.linear.gather [hbm4b:s26+s1], $0x400, $0x38;
	[tilespmem:$0x10700] =	vst v63  }
0x1d8: {  	s26 =	sand.u32 $0x1FFFFF80, s29;
	s29 =	spop (v2sf);
	(v2sf) =	vpush v17, $0x9  }
0x1d9: {  	s30 =	simm.s32 $0xDC00;
	s26 =	sadd.s32 s4, s26  }
0x1da: {  	[tilespmem:s30], [sflag:$0x4] =	stream.linear.gather [hbm4b:s26+s1], $0x400, $0x38;
	[tilespmem:$0x10700] =	vst v63  }
0x1db: {  	s26 =	sand.u32 $0x1FFFFF80, s29;
	s29 =	spop (v2sf);
	(v2sf) =	vpush v16, $0x9;
	_ =	sdelay $0x4  }
0x1dc: {  	s30 =	simm.s32 $0xA000;
	s26 =	sadd.s32 s3, s26  }
0x1dd: {  	[tilespmem:s30], [sflag:$0x3] =	stream.linear.gather [hbm4b:s26+s1], $0x400, $0x38;
	[tilespmem:$0x10700] =	vst v63  }
0x1de: {  	s30 =	spop (v2sf);
	(v2sf) =	vpush v17, $0xA;
	_ =	sdelay $0x1  }
0x1df: {  	s28 =	spop (v2sf);
	(v2sf) =	vpush v16, $0xA;
	_ =	sdelay $0x2  }
0x1e0: {  	s26 =	sand.u32 $0x1FFFFF80, s29;
	s29 =	spop (v2sf);
	(v2sf) =	vpush v17, $0xB  }
0x1e1: {  	s26 =	sadd.s32 s4, s26  }
0x1e2: {  	[tilespmem:s31], [sflag:$0x4] =	stream.linear.gather [hbm4b:s26+s1], $0x400, $0x38;
	[tilespmem:$0x10700] =	vst v63  }
0x1e3: {  	s26 =	sand.u32 $0x1FFFFF80, s30;
	s30 =	spop (v2sf);
	(v2sf) =	vpush v16, $0xB  }
0x1e4: {  	s26 =	sadd.s32 s3, s26  }
0x1e5: {  	[tilespmem:s0], [sflag:$0x3] =	stream.linear.gather [hbm4b:s26+s1], $0x400, $0x38;
	[tilespmem:$0x10700] =	vst v63  }
0x1e6: {  	s26 =	sand.u32 $0x1FFFFF80, s28  }
0x1e7: {  	s26 =	sadd.s32 s4, s26  }
0x1e8: {  	[tilespmem:s2], [sflag:$0x4] =	stream.linear.gather [hbm4b:s26+s1], $0x400, $0x38;
	[tilespmem:$0x10700] =	vst v63  }
0x1e9: {  	s26 =	sand.u32 $0x1FFFFF80, s29  }
0x1ea: {  	s26 =	sadd.s32 s3, s26;
	s28 =	spop (v2sf);
	(v2sf) =	vpush v17, $0xC  }
0x1eb: {  	[tilespmem:s10], [sflag:$0x3] =	stream.linear.gather [hbm4b:s26+s1], $0x400, $0x38;
	[tilespmem:$0x10700] =	vst v63  }
0x1ec: {  	s26 =	sand.u32 $0x1FFFFF80, s30;
	s29 =	spop (v2sf);
	(v2sf) =	vpush v16, $0xC  }
0x1ed: {  	s26 =	sadd.s32 s4, s26  }
0x1ee: {  	[tilespmem:s5], [sflag:$0x4] =	stream.linear.gather [hbm4b:s26+s1], $0x400, $0x38;
	[tilespmem:$0x10700] =	vst v63  }
0x1ef: {  	s26 =	sand.u32 $0x1FFFFF80, s28;
	s30 =	spop (v2sf);
	(v2sf) =	vpush v17, $0xD  }
0x1f0: {  	s26 =	sadd.s32 s3, s26  }
0x1f1: {  	[tilespmem:s6], [sflag:$0x3] =	stream.linear.gather [hbm4b:s26+s1], $0x400, $0x38;
	[tilespmem:$0x10700] =	vst v63  }
0x1f2: {  	s26 =	sand.u32 $0x1FFFFF80, s29;
	s28 =	spop (v2sf);
	(v2sf) =	vpush v16, $0xD  }
0x1f3: {  	s26 =	sadd.s32 s4, s26  }
0x1f4: {  	[tilespmem:s7], [sflag:$0x4] =	stream.linear.gather [hbm4b:s26+s1], $0x400, $0x38;
	[tilespmem:$0x10700] =	vst v63  }
0x1f5: {  	s26 =	sand.u32 $0x1FFFFF80, s30  }
0x1f6: {  	s26 =	sadd.s32 s3, s26  }
0x1f7: {  	[tilespmem:s8], [sflag:$0x3] =	stream.linear.gather [hbm4b:s26+s1], $0x400, $0x38;
	[tilespmem:$0x10700] =	vst v63  }
0x1f8: {  	s26 =	sand.u32 $0x1FFFFF80, s28  }
0x1f9: {  	s26 =	sadd.s32 s4, s26;
	s29 =	spop (v2sf);
	(v2sf) =	vpush v17, $0xE  }
0x1fa: {  	[tilespmem:s9], [sflag:$0x4] =	stream.linear.gather [hbm4b:s26+s1], $0x400, $0x38;
	[tilespmem:$0x10700] =	vst v63  }
0x1fb: {  	s26 =	sand.u32 $0x1FFFFF80, s29;
	s30 =	spop (v2sf);
	(v2sf) =	vpush v16, $0xE  }
0x1fc: {  	s26 =	sadd.s32 s3, s26  }
0x1fd: {  	[tilespmem:s11], [sflag:$0x3] =	stream.linear.gather [hbm4b:s26+s1], $0x400, $0x38;
	[tilespmem:$0x10700] =	vst v63  }
0x1fe: {  	s26 =	sand.u32 $0x1FFFFF80, s30;
	s28 =	spop (v2sf);
	(v2sf) =	vpush v17, $0xF  }
0x1ff: {  	s26 =	sadd.s32 s4, s26  }
0x200: {  	[tilespmem:s12], [sflag:$0x4] =	stream.linear.gather [hbm4b:s26+s1], $0x400, $0x38;
	[tilespmem:$0x10700] =	vst v63  }
0x201: {  	s29 =	spop (v2sf);
	(v2sf) =	vpush v16, $0xF  }
0x202: {  	s26 =	sand.u32 $0x1FFFFF80, s28  }
0x203: {  	s26 =	sadd.s32 s3, s26  }
0x204: {  	[tilespmem:s13], [sflag:$0x3] =	stream.linear.gather [hbm4b:s26+s1], $0x400, $0x38;
	[tilespmem:$0x10700] =	vst v63  }
0x205: {  	s26 =	sand.u32 $0x1FFFFF80, s29  }
0x206: {  	s26 =	sadd.s32 s4, s26  }
0x207: {  	[tilespmem:s14], [sflag:$0x4] =	stream.linear.gather [hbm4b:s26+s1], $0x400, $0x38;
	[tilespmem:$0x10700] =	vst v63  }
0x208: {  	s30 =	spop (v2sf)  }
0x209: {  	s26 =	sand.u32 $0x1FFFFF80, s30  }
0x20a: {  	s28 =	spop (v2sf);
	s26 =	sadd.s32 s3, s26  }
0x20b: {  	[tilespmem:s15], [sflag:$0x3] =	stream.linear.gather [hbm4b:s26+s1], $0x400, $0x38;
	[tilespmem:$0x10700] =	vst v63  }
0x20c: {  	s26 =	sand.u32 $0x1FFFFF80, s28  }
0x20d: {  	s29 =	spop (v2sf);
	s26 =	sadd.s32 s4, s26  }
0x20e: {  	[tilespmem:s16], [sflag:$0x4] =	stream.linear.gather [hbm4b:s26+s1], $0x400, $0x38;
	[tilespmem:$0x10700] =	vst v63  }
0x20f: {  	s26 =	sand.u32 $0x1FFFFF80, s29  }
0x210: {  	s30 =	spop (v2sf);
	s26 =	sadd.s32 s3, s26  }
0x211: {  	[tilespmem:s17], [sflag:$0x3] =	stream.linear.gather [hbm4b:s26+s1], $0x400, $0x38;
	[tilespmem:$0x10700] =	vst v63  }
0x212: {  	s26 =	sand.u32 $0x1FFFFF80, s30  }
0x213: {  	s26 =	sadd.s32 s4, s26  }
0x214: {  	[tilespmem:s18], [sflag:$0x4] =	stream.linear.gather [hbm4b:s26+s1], $0x400, $0x38;
	[tilespmem:$0x10700] =	vst v63  }
0x215: {  	_ =	swait.ge [sflag:s19], $0x4000  }
0x216: {  	[sflag:s19] =	ssyncset.done $0x0  }
0x217: {  	[sflag:s19] =	ssyncadd.s32 $0xFFFFC000  }
0x218: {  	_ =	swait.ge [sflag:s20], $0x4000  }
0x219: {  	[sflag:s20] =	ssyncset.done $0x0  }
0x21a: {  	[sflag:s20] =	ssyncadd.s32 $0xFFFFC000  }
0x21b: {  	v16 =	vld [tilespmem:s25+$0x0];
	_ =	sdelay $0x1  }
0x21c: {  	v17 =	vld [tilespmem:s25+$0x200];
	_ =	sdelay $0x2  }
0x21d: {  	v16 =	vand.u32 $0x7, v16  }
0x21e: {  	v16 =	vshll.u32 v16, $0x7  }
0x21f: {  	v17 =	vand.u32 $0x7, v17;
	(v2sf) =	vpush v16, $0x1  }
0x220: {  	v17 =	vshll.u32 v17, $0x7;
	(v2sf) =	vpush v16, $0x0  }
0x221: {  	(v2sf) =	vpush v17, $0x1  }
0x222: {  	(v2sf) =	vpush v17, $0x0;
	_ =	sdelay $0xb  }
0x223: {  	s26 =	spop (v2sf)  }
0x224: {  	s28 =	spop (v2sf)  }
0x225: {  	s29 =	spop (v2sf);
	v59 =	vld [tilespmem:s28+$0x400]  }
0x226: {  	v20 =	vld [tilespmem:s28+$0x410];
	s30 =	spop (v2sf)  }
0x227: {  	v19 =	vld [tilespmem:s30+$0x4400]  }
0x228: {  	v21 =	vld [tilespmem:s30+$0x4410]  }
0x229: {  	v22 =	vld [tilespmem:s28+$0x420]  }
0x22a: {  	v23 =	vld [tilespmem:s30+$0x4420]  }
0x22b: {  	v24 =	vld [tilespmem:s28+$0x430]  }
0x22c: {  	v25 =	vld [tilespmem:s30+$0x4430]  }
0x22d: {  	v18 =	vmul.f32 v19, v59;
	v60 =	vmul.f32 v21, v20;
	_ =	sdelay $0x1  }
0x22e: {  	v61 =	vmul.f32 v23, v22;
	v18 =	vadd.f32 v60, v18;
	_ =	sdelay $0x1  }
0x22f: {  	v62 =	vmul.f32 v25, v24;
	v18 =	vadd.f32 v61, v18;
	_ =	sdelay $0x1  }
0x230: {  	v18 =	vadd.f32 v62, v18;
	_ =	sdelay $0x1  }
0x231: {  	(v2sf) =	vpush v16, $0x3;
	[tilespmem:v0+s21+$0x0] =	vst.idx.msk $0xffff, v18  }
0x232: {  	(v2sf) =	vpush v16, $0x2;
	v18 =	vld [tilespmem:s26+$0x800]  }
0x233: {  	(v2sf) =	vpush v17, $0x3;
	v63 =	vld [tilespmem:s29+$0x4800]  }
0x234: {  	(v2sf) =	vpush v17, $0x2;
	v28 =	vld [tilespmem:s26+$0x810]  }
0x235: {  	v29 =	vld [tilespmem:s29+$0x4810]  }
0x236: {  	v30 =	vld [tilespmem:s26+$0x820]  }
0x237: {  	v31 =	vld [tilespmem:s29+$0x4820]  }
0x238: {  	v32 =	vld [tilespmem:s26+$0x830]  }
0x239: {  	v33 =	vld [tilespmem:s29+$0x4830]  }
0x23a: {  	v18 =	vmul.f32 v63, v18;
	v34 =	vmul.f32 v29, v28;
	_ =	sdelay $0x1  }
0x23b: {  	v35 =	vmul.f32 v31, v30;
	v18 =	vadd.f32 v34, v18;
	_ =	sdelay $0x1  }
0x23c: {  	v36 =	vmul.f32 v33, v32;
	v18 =	vadd.f32 v35, v18;
	_ =	sdelay $0x1  }
0x23d: {  	s26 =	spop (v2sf);
	v18 =	vadd.f32 v36, v18  }
0x23e: {  	s28 =	spop (v2sf)  }
0x23f: {  	s29 =	spop (v2sf);
	[tilespmem:v1+s21+$0x0] =	vst.idx.msk $0xffff, v18  }
0x240: {  	s30 =	spop (v2sf);
	v18 =	vld [tilespmem:s28+$0xC00]  }
0x241: {  	v37 =	vld [tilespmem:s30+$0x4C00]  }
0x242: {  	v38 =	vld [tilespmem:s28+$0xC10]  }
0x243: {  	v39 =	vld [tilespmem:s30+$0x4C10]  }
0x244: {  	v40 =	vld [tilespmem:s28+$0xC20]  }
0x245: {  	v41 =	vld [tilespmem:s30+$0x4C20]  }
0x246: {  	v42 =	vld [tilespmem:s28+$0xC30]  }
0x247: {  	v43 =	vld [tilespmem:s30+$0x4C30]  }
0x248: {  	v18 =	vmul.f32 v37, v18;
	v44 =	vmul.f32 v39, v38;
	_ =	sdelay $0x1  }
0x249: {  	v45 =	vmul.f32 v41, v40;
	v18 =	vadd.f32 v44, v18;
	_ =	sdelay $0x1  }
0x24a: {  	v46 =	vmul.f32 v43, v42;
	v18 =	vadd.f32 v45, v18;
	_ =	sdelay $0x1  }
0x24b: {  	v18 =	vadd.f32 v46, v18;
	_ =	sdelay $0x1  }
0x24c: {  	(v2sf) =	vpush v16, $0x5;
	[tilespmem:v2+s21+$0x0] =	vst.idx.msk $0xffff, v18  }
0x24d: {  	(v2sf) =	vpush v16, $0x4;
	v18 =	vld [tilespmem:s26+$0x1000]  }
0x24e: {  	(v2sf) =	vpush v17, $0x5;
	v47 =	vld [tilespmem:s29+$0x5000]  }
0x24f: {  	(v2sf) =	vpush v17, $0x4;
	v48 =	vld [tilespmem:s26+$0x1010]  }
0x250: {  	v49 =	vld [tilespmem:s29+$0x5010]  }
0x251: {  	v50 =	vld [tilespmem:s26+$0x1020]  }
0x252: {  	v51 =	vld [tilespmem:s29+$0x5020]  }
0x253: {  	v52 =	vld [tilespmem:s26+$0x1030]  }
0x254: {  	v53 =	vld [tilespmem:s29+$0x5030]  }
0x255: {  	v18 =	vmul.f32 v47, v18;
	v54 =	vmul.f32 v49, v48;
	_ =	sdelay $0x1  }
0x256: {  	v55 =	vmul.f32 v51, v50;
	v18 =	vadd.f32 v54, v18;
	_ =	sdelay $0x1  }
0x257: {  	v56 =	vmul.f32 v53, v52;
	v18 =	vadd.f32 v55, v18;
	_ =	sdelay $0x1  }
0x258: {  	s26 =	spop (v2sf);
	v18 =	vadd.f32 v56, v18  }
0x259: {  	s28 =	spop (v2sf)  }
0x25a: {  	s29 =	spop (v2sf);
	[tilespmem:v3+s21+$0x0] =	vst.idx.msk $0xffff, v18  }
0x25b: {  	s30 =	spop (v2sf);
	v18 =	vld [tilespmem:s28+$0x1400]  }
0x25c: {  	v57 =	vld [tilespmem:s30+$0x5400]  }
0x25d: {  	v58 =	vld [tilespmem:s28+$0x1410]  }
0x25e: {  	v59 =	vld [tilespmem:s30+$0x5410]  }
0x25f: {  	v60 =	vld [tilespmem:s28+$0x1420]  }
0x260: {  	v61 =	vld [tilespmem:s30+$0x5420]  }
0x261: {  	v62 =	vld [tilespmem:s28+$0x1430]  }
0x262: {  	v63 =	vld [tilespmem:s30+$0x5430]  }
0x263: {  	v18 =	vmul.f32 v57, v18;
	v26 =	vmul.f32 v59, v58;
	_ =	sdelay $0x1  }
0x264: {  	v27 =	vmul.f32 v61, v60;
	v18 =	vadd.f32 v26, v18;
	_ =	sdelay $0x1  }
0x265: {  	v28 =	vmul.f32 v63, v62;
	v18 =	vadd.f32 v27, v18;
	_ =	sdelay $0x1  }
0x266: {  	v18 =	vadd.f32 v28, v18;
	_ =	sdelay $0x1  }
0x267: {  	(v2sf) =	vpush v16, $0x7;
	[tilespmem:v4+s21+$0x0] =	vst.idx.msk $0xffff, v18  }
0x268: {  	(v2sf) =	vpush v16, $0x6;
	v18 =	vld [tilespmem:s26+$0x1800]  }
0x269: {  	(v2sf) =	vpush v17, $0x7;
	v29 =	vld [tilespmem:s29+$0x5800]  }
0x26a: {  	(v2sf) =	vpush v17, $0x6;
	v30 =	vld [tilespmem:s26+$0x1810]  }
0x26b: {  	v31 =	vld [tilespmem:s29+$0x5810]  }
0x26c: {  	v32 =	vld [tilespmem:s26+$0x1820]  }
0x26d: {  	v33 =	vld [tilespmem:s29+$0x5820]  }
0x26e: {  	v34 =	vld [tilespmem:s26+$0x1830]  }
0x26f: {  	v35 =	vld [tilespmem:s29+$0x5830]  }
0x270: {  	v18 =	vmul.f32 v29, v18;
	v36 =	vmul.f32 v31, v30;
	_ =	sdelay $0x1  }
0x271: {  	v37 =	vmul.f32 v33, v32;
	v18 =	vadd.f32 v36, v18;
	_ =	sdelay $0x1  }
0x272: {  	v38 =	vmul.f32 v35, v34;
	v18 =	vadd.f32 v37, v18;
	_ =	sdelay $0x1  }
0x273: {  	s26 =	spop (v2sf);
	v18 =	vadd.f32 v38, v18  }
0x274: {  	s28 =	spop (v2sf)  }
0x275: {  	s29 =	spop (v2sf);
	[tilespmem:v5+s21+$0x0] =	vst.idx.msk $0xffff, v18  }
0x276: {  	s30 =	spop (v2sf);
	v18 =	vld [tilespmem:s28+$0x1C00]  }
0x277: {  	v39 =	vld [tilespmem:s30+$0x5C00]  }
0x278: {  	v40 =	vld [tilespmem:s28+$0x1C10]  }
0x279: {  	v41 =	vld [tilespmem:s30+$0x5C10]  }
0x27a: {  	v42 =	vld [tilespmem:s28+$0x1C20]  }
0x27b: {  	v43 =	vld [tilespmem:s30+$0x5C20]  }
0x27c: {  	v44 =	vld [tilespmem:s28+$0x1C30]  }
0x27d: {  	v45 =	vld [tilespmem:s30+$0x5C30]  }
0x27e: {  	v18 =	vmul.f32 v39, v18;
	v46 =	vmul.f32 v41, v40;
	_ =	sdelay $0x1  }
0x27f: {  	v47 =	vmul.f32 v43, v42;
	v18 =	vadd.f32 v46, v18;
	_ =	sdelay $0x1  }
0x280: {  	v48 =	vmul.f32 v45, v44;
	v18 =	vadd.f32 v47, v18;
	_ =	sdelay $0x1  }
0x281: {  	v18 =	vadd.f32 v48, v18;
	_ =	sdelay $0x1  }
0x282: {  	(v2sf) =	vpush v16, $0x9;
	[tilespmem:v6+s21+$0x0] =	vst.idx.msk $0xffff, v18  }
0x283: {  	(v2sf) =	vpush v16, $0x8;
	v18 =	vld [tilespmem:s26+$0x2000]  }
0x284: {  	(v2sf) =	vpush v17, $0x9;
	v49 =	vld [tilespmem:s29+$0x6000]  }
0x285: {  	(v2sf) =	vpush v17, $0x8;
	v50 =	vld [tilespmem:s26+$0x2010]  }
0x286: {  	v51 =	vld [tilespmem:s29+$0x6010]  }
0x287: {  	v52 =	vld [tilespmem:s26+$0x2020]  }
0x288: {  	v53 =	vld [tilespmem:s29+$0x6020]  }
0x289: {  	v54 =	vld [tilespmem:s26+$0x2030]  }
0x28a: {  	v55 =	vld [tilespmem:s29+$0x6030]  }
0x28b: {  	v18 =	vmul.f32 v49, v18;
	v56 =	vmul.f32 v51, v50;
	_ =	sdelay $0x1  }
0x28c: {  	v57 =	vmul.f32 v53, v52;
	v18 =	vadd.f32 v56, v18;
	_ =	sdelay $0x1  }
0x28d: {  	v58 =	vmul.f32 v55, v54;
	v18 =	vadd.f32 v57, v18;
	_ =	sdelay $0x1  }
0x28e: {  	s26 =	spop (v2sf);
	v18 =	vadd.f32 v58, v18  }
0x28f: {  	s28 =	spop (v2sf)  }
0x290: {  	s29 =	spop (v2sf);
	[tilespmem:v7+s21+$0x0] =	vst.idx.msk $0xffff, v18  }
0x291: {  	s30 =	spop (v2sf);
	v18 =	vld [tilespmem:s28+$0x2400]  }
0x292: {  	v59 =	vld [tilespmem:s30+$0x6400]  }
0x293: {  	v60 =	vld [tilespmem:s28+$0x2410]  }
0x294: {  	v61 =	vld [tilespmem:s30+$0x6410]  }
0x295: {  	v62 =	vld [tilespmem:s28+$0x2420]  }
0x296: {  	v63 =	vld [tilespmem:s30+$0x6420]  }
0x297: {  	v28 =	vld [tilespmem:s28+$0x2430]  }
0x298: {  	v29 =	vld [tilespmem:s30+$0x6430]  }
0x299: {  	v18 =	vmul.f32 v59, v18;
	v30 =	vmul.f32 v61, v60;
	_ =	sdelay $0x1  }
0x29a: {  	v31 =	vmul.f32 v63, v62;
	v18 =	vadd.f32 v30, v18;
	_ =	sdelay $0x1  }
0x29b: {  	v32 =	vmul.f32 v29, v28;
	v18 =	vadd.f32 v31, v18;
	_ =	sdelay $0x1  }
0x29c: {  	v18 =	vadd.f32 v32, v18;
	_ =	sdelay $0x1  }
0x29d: {  	(v2sf) =	vpush v16, $0xB;
	[tilespmem:v8+s21+$0x0] =	vst.idx.msk $0xffff, v18  }
0x29e: {  	(v2sf) =	vpush v16, $0xA;
	v18 =	vld [tilespmem:s26+$0x2800]  }
0x29f: {  	(v2sf) =	vpush v17, $0xB;
	v33 =	vld [tilespmem:s29+$0x6800]  }
0x2a0: {  	(v2sf) =	vpush v17, $0xA;
	v34 =	vld [tilespmem:s26+$0x2810]  }
0x2a1: {  	v35 =	vld [tilespmem:s29+$0x6810]  }
0x2a2: {  	v36 =	vld [tilespmem:s26+$0x2820]  }
0x2a3: {  	v37 =	vld [tilespmem:s29+$0x6820]  }
0x2a4: {  	v38 =	vld [tilespmem:s26+$0x2830]  }
0x2a5: {  	v39 =	vld [tilespmem:s29+$0x6830]  }
0x2a6: {  	v18 =	vmul.f32 v33, v18;
	v40 =	vmul.f32 v35, v34;
	_ =	sdelay $0x1  }
0x2a7: {  	v41 =	vmul.f32 v37, v36;
	v18 =	vadd.f32 v40, v18;
	_ =	sdelay $0x1  }
0x2a8: {  	v42 =	vmul.f32 v39, v38;
	v18 =	vadd.f32 v41, v18;
	_ =	sdelay $0x1  }
0x2a9: {  	s26 =	spop (v2sf);
	v18 =	vadd.f32 v42, v18  }
0x2aa: {  	s28 =	spop (v2sf)  }
0x2ab: {  	s29 =	spop (v2sf);
	[tilespmem:v9+s21+$0x0] =	vst.idx.msk $0xffff, v18  }
0x2ac: {  	s30 =	spop (v2sf);
	v18 =	vld [tilespmem:s28+$0x2C00]  }
0x2ad: {  	v43 =	vld [tilespmem:s30+$0x6C00]  }
0x2ae: {  	v44 =	vld [tilespmem:s28+$0x2C10]  }
0x2af: {  	v45 =	vld [tilespmem:s30+$0x6C10]  }
0x2b0: {  	v46 =	vld [tilespmem:s28+$0x2C20]  }
0x2b1: {  	v47 =	vld [tilespmem:s30+$0x6C20]  }
0x2b2: {  	v48 =	vld [tilespmem:s28+$0x2C30]  }
0x2b3: {  	v49 =	vld [tilespmem:s30+$0x6C30]  }
0x2b4: {  	v18 =	vmul.f32 v43, v18;
	v50 =	vmul.f32 v45, v44;
	_ =	sdelay $0x1  }
0x2b5: {  	v51 =	vmul.f32 v47, v46;
	v18 =	vadd.f32 v50, v18;
	_ =	sdelay $0x1  }
0x2b6: {  	v52 =	vmul.f32 v49, v48;
	v18 =	vadd.f32 v51, v18;
	_ =	sdelay $0x1  }
0x2b7: {  	v18 =	vadd.f32 v52, v18;
	_ =	sdelay $0x1  }
0x2b8: {  	(v2sf) =	vpush v16, $0xD;
	[tilespmem:v10+s21+$0x0] =	vst.idx.msk $0xffff, v18  }
0x2b9: {  	(v2sf) =	vpush v16, $0xC;
	v18 =	vld [tilespmem:s26+$0x3000]  }
0x2ba: {  	(v2sf) =	vpush v17, $0xD;
	v53 =	vld [tilespmem:s29+$0x7000]  }
0x2bb: {  	(v2sf) =	vpush v17, $0xC;
	v54 =	vld [tilespmem:s26+$0x3010]  }
0x2bc: {  	v55 =	vld [tilespmem:s29+$0x7010]  }
0x2bd: {  	v56 =	vld [tilespmem:s26+$0x3020]  }
0x2be: {  	v57 =	vld [tilespmem:s29+$0x7020]  }
0x2bf: {  	v58 =	vld [tilespmem:s26+$0x3030]  }
0x2c0: {  	v59 =	vld [tilespmem:s29+$0x7030]  }
0x2c1: {  	v18 =	vmul.f32 v53, v18;
	v60 =	vmul.f32 v55, v54;
	_ =	sdelay $0x1  }
0x2c2: {  	v61 =	vmul.f32 v57, v56;
	v18 =	vadd.f32 v60, v18;
	_ =	sdelay $0x1  }
0x2c3: {  	v62 =	vmul.f32 v59, v58;
	v18 =	vadd.f32 v61, v18;
	_ =	sdelay $0x1  }
0x2c4: {  	s26 =	spop (v2sf);
	v18 =	vadd.f32 v62, v18  }
0x2c5: {  	s28 =	spop (v2sf)  }
0x2c6: {  	s29 =	spop (v2sf);
	[tilespmem:v11+s21+$0x0] =	vst.idx.msk $0xffff, v18  }
0x2c7: {  	s30 =	spop (v2sf);
	v18 =	vld [tilespmem:s28+$0x3400]  }
0x2c8: {  	v63 =	vld [tilespmem:s30+$0x7400]  }
0x2c9: {  	v28 =	vld [tilespmem:s28+$0x3410]  }
0x2ca: {  	v29 =	vld [tilespmem:s30+$0x7410]  }
0x2cb: {  	v30 =	vld [tilespmem:s28+$0x3420]  }
0x2cc: {  	v31 =	vld [tilespmem:s30+$0x7420]  }
0x2cd: {  	v32 =	vld [tilespmem:s28+$0x3430]  }
0x2ce: {  	v33 =	vld [tilespmem:s30+$0x7430]  }
0x2cf: {  	v18 =	vmul.f32 v63, v18;
	v34 =	vmul.f32 v29, v28;
	_ =	sdelay $0x1  }
0x2d0: {  	v35 =	vmul.f32 v31, v30;
	v18 =	vadd.f32 v34, v18;
	_ =	sdelay $0x1  }
0x2d1: {  	v36 =	vmul.f32 v33, v32;
	v18 =	vadd.f32 v35, v18;
	_ =	sdelay $0x1  }
0x2d2: {  	v18 =	vadd.f32 v36, v18;
	_ =	sdelay $0x1  }
0x2d3: {  	(v2sf) =	vpush v16, $0xF;
	[tilespmem:v12+s21+$0x0] =	vst.idx.msk $0xffff, v18  }
0x2d4: {  	(v2sf) =	vpush v16, $0xE;
	v18 =	vld [tilespmem:s26+$0x3800]  }
0x2d5: {  	(v2sf) =	vpush v17, $0xF;
	v16 =	vld [tilespmem:s29+$0x7800]  }
0x2d6: {  	(v2sf) =	vpush v17, $0xE;
	v37 =	vld [tilespmem:s26+$0x3810]  }
0x2d7: {  	v17 =	vld [tilespmem:s29+$0x7810]  }
0x2d8: {  	v38 =	vld [tilespmem:s26+$0x3820]  }
0x2d9: {  	v39 =	vld [tilespmem:s29+$0x7820]  }
0x2da: {  	v40 =	vld [tilespmem:s26+$0x3830]  }
0x2db: {  	v41 =	vld [tilespmem:s29+$0x7830]  }
0x2dc: {  	v16 =	vmul.f32 v16, v18;
	v17 =	vmul.f32 v17, v37;
	_ =	sdelay $0x1  }
0x2dd: {  	v16 =	vadd.f32 v17, v16;
	v17 =	vmul.f32 v39, v38;
	_ =	sdelay $0x1  }
0x2de: {  	v16 =	vadd.f32 v17, v16;
	v17 =	vmul.f32 v41, v40;
	_ =	sdelay $0x1  }
0x2df: {  	s26 =	spop (v2sf);
	v16 =	vadd.f32 v17, v16  }
0x2e0: {  	s28 =	spop (v2sf)  }
0x2e1: {  	s29 =	spop (v2sf);
	[tilespmem:v13+s21+$0x0] =	vst.idx.msk $0xffff, v16  }
0x2e2: {  	s30 =	spop (v2sf);
	v16 =	vld [tilespmem:s28+$0x3C00]  }
0x2e3: {  	v17 =	vld [tilespmem:s30+$0x7C00]  }
0x2e4: {  	v42 =	vld [tilespmem:s28+$0x3C10]  }
0x2e5: {  	v43 =	vld [tilespmem:s30+$0x7C10]  }
0x2e6: {  	v44 =	vld [tilespmem:s28+$0x3C20]  }
0x2e7: {  	v45 =	vld [tilespmem:s30+$0x7C20]  }
0x2e8: {  	v46 =	vld [tilespmem:s28+$0x3C30]  }
0x2e9: {  	v47 =	vld [tilespmem:s30+$0x7C30]  }
0x2ea: {  	v16 =	vmul.f32 v17, v16;
	v17 =	vmul.f32 v43, v42;
	_ =	sdelay $0x1  }
0x2eb: {  	v16 =	vadd.f32 v17, v16;
	v17 =	vmul.f32 v45, v44;
	_ =	sdelay $0x1  }
0x2ec: {  	v16 =	vadd.f32 v17, v16;
	v17 =	vmul.f32 v47, v46;
	_ =	sdelay $0x1  }
0x2ed: {  	v16 =	vadd.f32 v17, v16;
	_ =	sdelay $0x1  }
0x2ee: {  	[tilespmem:v14+s21+$0x0] =	vst.idx.msk $0xffff, v16  }
0x2ef: {  	v16 =	vld [tilespmem:s26+$0x4000]  }
0x2f0: {  	v17 =	vld [tilespmem:s29+$0x8000]  }
0x2f1: {  	v48 =	vld [tilespmem:s26+$0x4010]  }
0x2f2: {  	v49 =	vld [tilespmem:s29+$0x8010]  }
0x2f3: {  	v50 =	vld [tilespmem:s26+$0x4020]  }
0x2f4: {  	v51 =	vld [tilespmem:s29+$0x8020]  }
0x2f5: {  	v52 =	vld [tilespmem:s26+$0x4030]  }
0x2f6: {  	v53 =	vld [tilespmem:s29+$0x8030]  }
0x2f7: {  	v16 =	vmul.f32 v17, v16;
	v17 =	vmul.f32 v49, v48;
	_ =	sdelay $0x1  }
0x2f8: {  	v16 =	vadd.f32 v17, v16;
	v17 =	vmul.f32 v51, v50;
	_ =	sdelay $0x1  }
0x2f9: {  	v16 =	vadd.f32 v17, v16;
	v17 =	vmul.f32 v53, v52;
	_ =	sdelay $0x1  }
0x2fa: {  	v16 =	vadd.f32 v17, v16;
	_ =	sdelay $0x1  }
0x2fb: {  	[tilespmem:v15+s21+$0x0] =	vst.idx.msk $0xffff, v16  }
0x2fc: {  	v16 =	vld [tilespmem:$0x10600]  }
0x2fd: {  	v17 =	vld [tilespmem:$0x10610];
	_ =	sdelay $0x1  }
0x2fe: {  	v54 =	vld [tilespmem:$0x10620];
	_ =	sdelay $0x1  }
0x2ff: {  	v55 =	vld [tilespmem:$0x10630]  }
0x300: {  	v16 =	vadd.f32 v17, v16  }
0x301: {  	v17 =	vld [tilespmem:$0x10640]  }
0x302: {  	v16 =	vadd.f32 v54, v16  }
0x303: {  	v56 =	vld [tilespmem:$0x10650]  }
0x304: {  	v16 =	vadd.f32 v55, v16  }
0x305: {  	v57 =	vld [tilespmem:$0x10660]  }
0x306: {  	v16 =	vadd.f32 v17, v16  }
0x307: {  	v17 =	vld [tilespmem:$0x10670]  }
0x308: {  	v16 =	vadd.f32 v56, v16  }
0x309: {  	v58 =	vld [tilespmem:$0x10680]  }
0x30a: {  	v16 =	vadd.f32 v57, v16  }
0x30b: {  	v59 =	vld [tilespmem:$0x10690]  }
0x30c: {  	v16 =	vadd.f32 v17, v16  }
0x30d: {  	v17 =	vld [tilespmem:$0x106A0]  }
0x30e: {  	v16 =	vadd.f32 v58, v16  }
0x30f: {  	v60 =	vld [tilespmem:$0x106B0]  }
0x310: {  	v16 =	vadd.f32 v59, v16  }
0x311: {  	v61 =	vld [tilespmem:$0x106C0]  }
0x312: {  	v16 =	vadd.f32 v17, v16  }
0x313: {  	v17 =	vld [tilespmem:$0x106D0]  }
0x314: {  	v16 =	vadd.f32 v60, v16  }
0x315: {  	v62 =	vld [tilespmem:$0x106E0]  }
0x316: {  	v16 =	vadd.f32 v61, v16  }
0x317: {  	v63 =	vld [tilespmem:$0x106F0]  }
0x318: {  	v16 =	vadd.f32 v17, v16  }
0x319: {  	p0 =	seq.s32 s24, $0x780  }
.Ltmp4:
0x31a: {  	v16 =	vadd.f32 v62, v16;
	(pc) =	sbr.rel @p0 .LBB2_4-.Ltmp4, $3  }
0x31b: {  	_ = 	snop  }
0x31c: {  	v16 =	vadd.f32 v63, v16;
	_ =	sdelay $0x1  }
0x31d: {  	[tilespmem:s25+$0x10400] =	vst v16  }
0x31e: {  	v16 =	vld [tilespmem:s25+$0x20];
	_ =	sdelay $0x1  }
0x31f: {  	v18 =	vld [tilespmem:s25+$0x220];
	_ =	sdelay $0x2  }
0x320: {  	v16 =	vshrl.u32 v16, $0x3  }
0x321: {  	v17 =	vshll.u32 v16, $0x7  }
0x322: {  	v16 =	vshrl.u32 v18, $0x3;
	(v2sf) =	vpush v17, $0x0  }
0x323: {  	v16 =	vshll.u32 v16, $0x7  }
0x324: {  	(v2sf) =	vpush v16, $0x0;
	_ =	sdelay $0x2  }
0x325: {  	(v2sf) =	vpush v17, $0x1;
	_ =	sdelay $0x2  }
0x326: {  	(v2sf) =	vpush v16, $0x1;
	_ =	sdelay $0x6  }
0x327: {  	s26 =	spop (v2sf);
	(v2sf) =	vpush v17, $0x2;
	_ =	sdelay $0x1  }
0x328: {  	s26 =	sand.u32 $0x1FFFFF80, s26;
	s29 =	spop (v2sf);
	(v2sf) =	vpush v16, $0x2  }
0x329: {  	s28 =	simm.s32 $0x400;
	s26 =	sadd.s32 s3, s26  }
0x32a: {  	[tilespmem:s28], [sflag:$0x1] =	stream.linear.gather [hbm4b:s26+s1], $0x400, $0x38;
	[tilespmem:$0x10700] =	vst v63  }
0x32b: {  	s26 =	sand.u32 $0x1FFFFF80, s29;
	s29 =	spop (v2sf);
	(v2sf) =	vpush v17, $0x3  }
0x32c: {  	s30 =	simm.s32 $0x4400;
	s26 =	sadd.s32 s4, s26  }
0x32d: {  	[tilespmem:s30], [sflag:$0x2] =	stream.linear.gather [hbm4b:s26+s1], $0x400, $0x38;
	[tilespmem:$0x10700] =	vst v63  }
0x32e: {  	s26 =	sand.u32 $0x1FFFFF80, s29;
	s29 =	spop (v2sf);
	(v2sf) =	vpush v16, $0x3;
	_ =	sdelay $0x3  }
0x32f: {  	s30 =	simm.s32 $0x800;
	s26 =	sadd.s32 s3, s26  }
0x330: {  	[tilespmem:s30], [sflag:$0x1] =	stream.linear.gather [hbm4b:s26+s1], $0x400, $0x38;
	[tilespmem:$0x10700] =	vst v63  }
0x331: {  	s26 =	sand.u32 $0x1FFFFF80, s29  }
0x332: {  	s30 =	simm.s32 $0x4800;
	s26 =	sadd.s32 s4, s26;
	s29 =	spop (v2sf);
	(v2sf) =	vpush v17, $0x4  }
0x333: {  	[tilespmem:s30], [sflag:$0x2] =	stream.linear.gather [hbm4b:s26+s1], $0x400, $0x38;
	[tilespmem:$0x10700] =	vst v63  }
0x334: {  	s26 =	sand.u32 $0x1FFFFF80, s29;
	s29 =	spop (v2sf);
	(v2sf) =	vpush v16, $0x4  }
0x335: {  	s30 =	simm.s32 $0xC00;
	s26 =	sadd.s32 s3, s26  }
0x336: {  	[tilespmem:s30], [sflag:$0x1] =	stream.linear.gather [hbm4b:s26+s1], $0x400, $0x38;
	[tilespmem:$0x10700] =	vst v63  }
0x337: {  	s26 =	sand.u32 $0x1FFFFF80, s29;
	s29 =	spop (v2sf);
	(v2sf) =	vpush v17, $0x5  }
0x338: {  	s30 =	simm.s32 $0x4C00;
	s26 =	sadd.s32 s4, s26  }
0x339: {  	[tilespmem:s30], [sflag:$0x2] =	stream.linear.gather [hbm4b:s26+s1], $0x400, $0x38;
	[tilespmem:$0x10700] =	vst v63  }
0x33a: {  	s26 =	sand.u32 $0x1FFFFF80, s29;
	s29 =	spop (v2sf);
	(v2sf) =	vpush v16, $0x5;
	_ =	sdelay $0x3  }
0x33b: {  	s30 =	simm.s32 $0x1000;
	s26 =	sadd.s32 s3, s26  }
0x33c: {  	[tilespmem:s30], [sflag:$0x1] =	stream.linear.gather [hbm4b:s26+s1], $0x400, $0x38;
	[tilespmem:$0x10700] =	vst v63  }
0x33d: {  	s26 =	sand.u32 $0x1FFFFF80, s29  }
0x33e: {  	s30 =	simm.s32 $0x5000;
	s26 =	sadd.s32 s4, s26;
	s29 =	spop (v2sf);
	(v2sf) =	vpush v17, $0x6  }
0x33f: {  	[tilespmem:s30], [sflag:$0x2] =	stream.linear.gather [hbm4b:s26+s1], $0x400, $0x38;
	[tilespmem:$0x10700] =	vst v63  }
0x340: {  	s26 =	sand.u32 $0x1FFFFF80, s29;
	s29 =	spop (v2sf);
	(v2sf) =	vpush v16, $0x6  }
0x341: {  	s30 =	simm.s32 $0x1400;
	s26 =	sadd.s32 s3, s26  }
0x342: {  	[tilespmem:s30], [sflag:$0x1] =	stream.linear.gather [hbm4b:s26+s1], $0x400, $0x38;
	[tilespmem:$0x10700] =	vst v63  }
0x343: {  	s26 =	sand.u32 $0x1FFFFF80, s29;
	s29 =	spop (v2sf);
	(v2sf) =	vpush v17, $0x7  }
0x344: {  	s30 =	simm.s32 $0x5400;
	s26 =	sadd.s32 s4, s26  }
0x345: {  	[tilespmem:s30], [sflag:$0x2] =	stream.linear.gather [hbm4b:s26+s1], $0x400, $0x38;
	[tilespmem:$0x10700] =	vst v63  }
0x346: {  	s26 =	sand.u32 $0x1FFFFF80, s29;
	s29 =	spop (v2sf);
	(v2sf) =	vpush v16, $0x7;
	_ =	sdelay $0x3  }
0x347: {  	s30 =	simm.s32 $0x1800;
	s26 =	sadd.s32 s3, s26  }
0x348: {  	[tilespmem:s30], [sflag:$0x1] =	stream.linear.gather [hbm4b:s26+s1], $0x400, $0x38;
	[tilespmem:$0x10700] =	vst v63  }
0x349: {  	s26 =	sand.u32 $0x1FFFFF80, s29  }
0x34a: {  	s30 =	simm.s32 $0x5800;
	s26 =	sadd.s32 s4, s26;
	s29 =	spop (v2sf);
	(v2sf) =	vpush v17, $0x8  }
0x34b: {  	[tilespmem:s30], [sflag:$0x2] =	stream.linear.gather [hbm4b:s26+s1], $0x400, $0x38;
	[tilespmem:$0x10700] =	vst v63  }
0x34c: {  	s26 =	sand.u32 $0x1FFFFF80, s29;
	s29 =	spop (v2sf);
	(v2sf) =	vpush v16, $0x8  }
0x34d: {  	s30 =	simm.s32 $0x1C00;
	s26 =	sadd.s32 s3, s26  }
0x34e: {  	[tilespmem:s30], [sflag:$0x1] =	stream.linear.gather [hbm4b:s26+s1], $0x400, $0x38;
	[tilespmem:$0x10700] =	vst v63  }
0x34f: {  	s26 =	sand.u32 $0x1FFFFF80, s29;
	s29 =	spop (v2sf);
	(v2sf) =	vpush v17, $0x9  }
0x350: {  	s30 =	simm.s32 $0x5C00;
	s26 =	sadd.s32 s4, s26  }
0x351: {  	[tilespmem:s30], [sflag:$0x2] =	stream.linear.gather [hbm4b:s26+s1], $0x400, $0x38;
	[tilespmem:$0x10700] =	vst v63  }
0x352: {  	s26 =	sand.u32 $0x1FFFFF80, s29;
	s29 =	spop (v2sf);
	(v2sf) =	vpush v16, $0x9;
	_ =	sdelay $0x3  }
0x353: {  	s30 =	simm.s32 $0x2000;
	s26 =	sadd.s32 s3, s26  }
0x354: {  	[tilespmem:s30], [sflag:$0x1] =	stream.linear.gather [hbm4b:s26+s1], $0x400, $0x38;
	[tilespmem:$0x10700] =	vst v63  }
0x355: {  	s26 =	sand.u32 $0x1FFFFF80, s29  }
0x356: {  	s30 =	simm.s32 $0x6000;
	s26 =	sadd.s32 s4, s26;
	s29 =	spop (v2sf);
	(v2sf) =	vpush v17, $0xA  }
0x357: {  	[tilespmem:s30], [sflag:$0x2] =	stream.linear.gather [hbm4b:s26+s1], $0x400, $0x38;
	[tilespmem:$0x10700] =	vst v63  }
0x358: {  	s26 =	sand.u32 $0x1FFFFF80, s29;
	s29 =	spop (v2sf);
	(v2sf) =	vpush v16, $0xA  }
0x359: {  	s30 =	simm.s32 $0x2400;
	s26 =	sadd.s32 s3, s26  }
0x35a: {  	[tilespmem:s30], [sflag:$0x1] =	stream.linear.gather [hbm4b:s26+s1], $0x400, $0x38;
	[tilespmem:$0x10700] =	vst v63  }
0x35b: {  	s26 =	sand.u32 $0x1FFFFF80, s29;
	s29 =	spop (v2sf);
	(v2sf) =	vpush v17, $0xB  }
0x35c: {  	s30 =	simm.s32 $0x6400;
	s26 =	sadd.s32 s4, s26  }
0x35d: {  	[tilespmem:s30], [sflag:$0x2] =	stream.linear.gather [hbm4b:s26+s1], $0x400, $0x38;
	[tilespmem:$0x10700] =	vst v63  }
0x35e: {  	s26 =	sand.u32 $0x1FFFFF80, s29;
	s29 =	spop (v2sf);
	(v2sf) =	vpush v16, $0xB;
	_ =	sdelay $0x3  }
0x35f: {  	s30 =	simm.s32 $0x2800;
	s26 =	sadd.s32 s3, s26  }
0x360: {  	[tilespmem:s30], [sflag:$0x1] =	stream.linear.gather [hbm4b:s26+s1], $0x400, $0x38;
	[tilespmem:$0x10700] =	vst v63  }
0x361: {  	s26 =	sand.u32 $0x1FFFFF80, s29  }
0x362: {  	s30 =	simm.s32 $0x6800;
	s26 =	sadd.s32 s4, s26;
	s29 =	spop (v2sf);
	(v2sf) =	vpush v17, $0xC  }
0x363: {  	[tilespmem:s30], [sflag:$0x2] =	stream.linear.gather [hbm4b:s26+s1], $0x400, $0x38;
	[tilespmem:$0x10700] =	vst v63  }
0x364: {  	s26 =	sand.u32 $0x1FFFFF80, s29;
	s29 =	spop (v2sf);
	(v2sf) =	vpush v16, $0xC  }
0x365: {  	s30 =	simm.s32 $0x2C00;
	s26 =	sadd.s32 s3, s26  }
0x366: {  	[tilespmem:s30], [sflag:$0x1] =	stream.linear.gather [hbm4b:s26+s1], $0x400, $0x38;
	[tilespmem:$0x10700] =	vst v63  }
0x367: {  	s26 =	sand.u32 $0x1FFFFF80, s29;
	s29 =	spop (v2sf);
	(v2sf) =	vpush v17, $0xD  }
0x368: {  	s30 =	simm.s32 $0x6C00;
	s26 =	sadd.s32 s4, s26  }
0x369: {  	[tilespmem:s30], [sflag:$0x2] =	stream.linear.gather [hbm4b:s26+s1], $0x400, $0x38;
	[tilespmem:$0x10700] =	vst v63  }
0x36a: {  	s26 =	sand.u32 $0x1FFFFF80, s29;
	s29 =	spop (v2sf);
	(v2sf) =	vpush v16, $0xD;
	_ =	sdelay $0x3  }
0x36b: {  	s30 =	simm.s32 $0x3000;
	s26 =	sadd.s32 s3, s26  }
0x36c: {  	[tilespmem:s30], [sflag:$0x1] =	stream.linear.gather [hbm4b:s26+s1], $0x400, $0x38;
	[tilespmem:$0x10700] =	vst v63  }
0x36d: {  	s26 =	sand.u32 $0x1FFFFF80, s29  }
0x36e: {  	s30 =	simm.s32 $0x7000;
	s26 =	sadd.s32 s4, s26;
	s29 =	spop (v2sf);
	(v2sf) =	vpush v17, $0xE  }
0x36f: {  	[tilespmem:s30], [sflag:$0x2] =	stream.linear.gather [hbm4b:s26+s1], $0x400, $0x38;
	[tilespmem:$0x10700] =	vst v63  }
0x370: {  	s26 =	sand.u32 $0x1FFFFF80, s29;
	s29 =	spop (v2sf);
	(v2sf) =	vpush v16, $0xE  }
0x371: {  	s30 =	simm.s32 $0x3400;
	s26 =	sadd.s32 s3, s26  }
0x372: {  	[tilespmem:s30], [sflag:$0x1] =	stream.linear.gather [hbm4b:s26+s1], $0x400, $0x38;
	[tilespmem:$0x10700] =	vst v63  }
0x373: {  	s26 =	sand.u32 $0x1FFFFF80, s29;
	s29 =	spop (v2sf);
	(v2sf) =	vpush v17, $0xF  }
0x374: {  	s30 =	simm.s32 $0x7400;
	s26 =	sadd.s32 s4, s26  }
0x375: {  	[tilespmem:s30], [sflag:$0x2] =	stream.linear.gather [hbm4b:s26+s1], $0x400, $0x38;
	[tilespmem:$0x10700] =	vst v63  }
0x376: {  	s26 =	sand.u32 $0x1FFFFF80, s29;
	s29 =	spop (v2sf);
	(v2sf) =	vpush v16, $0xF;
	_ =	sdelay $0x1  }
0x377: {  	s30 =	simm.s32 $0x3800;
	s26 =	sadd.s32 s3, s26  }
0x378: {  	[tilespmem:s30], [sflag:$0x1] =	stream.linear.gather [hbm4b:s26+s1], $0x400, $0x38;
	[tilespmem:$0x10700] =	vst v63  }
0x379: {  	s26 =	sand.u32 $0x1FFFFF80, s29  }
0x37a: {  	s30 =	simm.s32 $0x7800;
	s26 =	sadd.s32 s4, s26  }
0x37b: {  	[tilespmem:s30], [sflag:$0x2] =	stream.linear.gather [hbm4b:s26+s1], $0x400, $0x38;
	[tilespmem:$0x10700] =	vst v63  }
0x37c: {  	s29 =	spop (v2sf)  }
0x37d: {  	s26 =	sand.u32 $0x1FFFFF80, s29  }
0x37e: {  	s30 =	simm.s32 $0x3C00;
	s29 =	spop (v2sf);
	s26 =	sadd.s32 s3, s26  }
0x37f: {  	[tilespmem:s30], [sflag:$0x1] =	stream.linear.gather [hbm4b:s26+s1], $0x400, $0x38;
	[tilespmem:$0x10700] =	vst v63  }
0x380: {  	s26 =	sand.u32 $0x1FFFFF80, s29  }
0x381: {  	s30 =	simm.s32 $0x7C00;
	s29 =	spop (v2sf);
	s26 =	sadd.s32 s4, s26  }
0x382: {  	[tilespmem:s30], [sflag:$0x2] =	stream.linear.gather [hbm4b:s26+s1], $0x400, $0x38;
	[tilespmem:$0x10700] =	vst v63  }
0x383: {  	s26 =	sand.u32 $0x1FFFFF80, s29;
	s30 =	simm.s32 $0x4000  }
.Ltmp5:
0x384: {  	s29 =	spop (v2sf);
	s26 =	sadd.s32 s3, s26;
	(pc) =	sbr.rel .LBB2_4-.Ltmp5, $4  }
0x385: {  	[tilespmem:s30], [sflag:$0x1] =	stream.linear.gather [hbm4b:s26+s1], $0x400, $0x38;
	[tilespmem:$0x10700] =	vst v63  }
0x386: {  	s26 =	sand.u32 $0x1FFFFF80, s29  }
0x387: {  	s30 =	simm.s32 $0x8000;
	s26 =	sadd.s32 s4, s26  }
0x388: {  	[tilespmem:s30], [sflag:$0x2] =	stream.linear.gather [hbm4b:s26+s1], $0x400, $0x38;
	[tilespmem:$0x10700] =	vst v63  }
.LBB2_6:
0x389: {  	_ =	sfence.sel $0x180000  }
0x38a: {  	[bflag:$0x0] =	sbarrier.arrive $0xFFFF  }
0x38b: {  	_ =	strace $0x90000047  }
0x38c: {  	s0 =	stileid.u32;
	[bflag:$0x2] =	sbarrier.arrive $0xFFFF  }
0x38d: {  	p0 =	sne.s32 s0, $0x0;
	s0 =	rddreg [dreg:$0x4]  }
0x38e: {  	s0 =	sadd.s32 @!p0 $0x100000, s0  }
0x38f: {  	[sflag:s0] =	ssyncadd.tile.s32 @!p0 $0x1;
	_ =	shalt  }
.Lfunc_end2:
_tile_overlayer_lowered:
.L_overlay_start_2:
0x390: {  	(tag) =	ssettag $0x2  }
0x391: {  	s0 =	rddreg [dreg:$0x0];
	s2 =	stileid.u32  }
0x392: {  	s1 =	rddreg [dreg:$0x1];
	p0 =	sne.s32 s2, $0x0  }
0x393: {  	s3 =	rddreg [dreg:$0x2];
	[bflag:$0x3] =	sbarrier.arrive $0xFFFF;
	s2 =	simm.s32 @!p0 $0x1C05  }
0x394: {  	[timem:s3], [sflag:s2] =	dma.local @!p0 [hbm:s0], s1  }
0x395: {  	s0 =	simm.s32 @!p0 $0x5  }
0x396: {  	_ =	swait.ge @!p0 [sflag:s0], s1  }
0x397: {  	s1 =	ssub.s32 @!p0 $0x0, s1;
	[sflag:s0] =	ssyncset.done @!p0 $0x0  }
0x398: {  	[sflag:s0] =	ssyncadd.s32 @!p0 s1  }
0x399: {  	[bflag:$0x3] =	sbarrier.arrive $0xFFFF  }
0x39a: {  	_ =	shalt  }

</sc_bundles>
